<compile_context>
chip_gen: v7x
topology: tpu7x:2x2x1
jax: 0.10.2.dev20260603
libtpu: 0.0.44.dev20260713+nightly
codegen_flags: <defaults>
</compile_context>

<pallas_src>
import functools

import jax
import jax.numpy as jnp
from jax import lax
from jax.experimental import pallas as pl
from jax.experimental.pallas import tpu as pltpu
from jax.experimental.pallas import tpu_sc as plsc

N, E, H = 10000, 320000, 128
NC, NS = 2, 16
NW = NC * NS
EPW = E // NW
CH = 80
KCH = EPW // CH
NP_ = 10240
RPT = NP_ // NS
TILE = 2000
NT_E = E // TILE
NT_H = N // TILE
TN = 640
GN = 16
CB = 16000

_mesh = plsc.VectorSubcoreMesh(core_axis_name="c", subcore_axis_name="s")
_f32 = jnp.float32



def _prep1_body(x_ref, eah_ref, w1e_ref, a_ref, b_ref, ch_ref):
    x = x_ref[...]
    w = w1e_ref[...]
    a_ref[...] = jnp.dot(x, w[0:H], preferred_element_type=_f32)
    b_ref[...] = jnp.dot(x, w[H:2 * H], preferred_element_type=_f32)
    ch_ref[...] = jnp.dot(eah_ref[...], w[2 * H:3 * H],
                          preferred_element_type=_f32)


def _prep2_body(gh_ref, ch_ref, d0_ref, d1_ref, u_ref, dh_ref, vh_ref):
    h = gh_ref[...] + ch_ref[...]
    cnt = d0_ref[...][:, 0:1] + d1_ref[...][:, 0:1]
    dinv = lax.rsqrt(1.0 + cnt)
    dh = jnp.broadcast_to(dinv, h.shape)
    u_ref[...] = dh * h
    dh_ref[...] = dh
    vh_ref[...] = dh * dh * h


def _edge_tail_body(ea_ref, g_ref, w1e_ref, w2_ref, b1_ref, b2_ref,
                    eo_ref, ean_ref):
    ea = ea_ref[...]
    c = jnp.dot(ea, w1e_ref[...][2 * H:3 * H], preferred_element_type=_f32)
    he = jnp.maximum(c + g_ref[...] + b1_ref[...], 0.0)
    ean = jnp.dot(he, w2_ref[...], preferred_element_type=_f32) + b2_ref[...]
    ean_ref[...] = ean
    eo_ref[...] = ea + ean


def _edge_head_body(ea_ref, vh_ref, dh_ref, s0_ref, s1_ref,
                    w2_ref, b1_ref, b2_ref, eo_in_ref, ean_in_ref,
                    eo_ref, ean_ref):
    he = jnp.maximum(
        vh_ref[...] + dh_ref[...] * (s0_ref[...] + s1_ref[...]) + b1_ref[...],
        0.0)
    ean = jnp.dot(he, w2_ref[...], preferred_element_type=_f32) + b2_ref[...]
    ean_ref[...] = ean
    eo_ref[...] = ea_ref[...] + ean


def _combine_body(p_ref, q_ref, o_ref):
    o_ref[...] = p_ref[...] + q_ref[...]


def _prep_node_body(x_ref, a0_ref, a1_ref, dh_ref, w1n_ref, un_ref, vn_ref):
    w = w1n_ref[...]
    hx = (jnp.dot(x_ref[...], w[0:H], preferred_element_type=_f32)
          + jnp.dot(a0_ref[...] + a1_ref[...], w[H:2 * H],
                    preferred_element_type=_f32))
    dh = dh_ref[...]
    un_ref[...] = dh * hx
    vn_ref[...] = dh * dh * hx


def _final_body(x_ref, vn_ref, dh_ref, s0_ref, s1_ref, w2n_ref, b1_ref,
                b2_ref, xo_ref):
    hn = jnp.maximum(
        vn_ref[...] + dh_ref[...] * (s0_ref[...] + s1_ref[...]) + b1_ref[...],
        0.0)
    xo_ref[...] = (x_ref[...]
                   + jnp.dot(hn, w2n_ref[...], preferred_element_type=_f32)
                   + b2_ref[...])


def _row_spec(nt):
    return pl.BlockSpec((TILE, H), lambda i: (i, 0))


def _n_spec():
    return pl.BlockSpec((TN, H), lambda i: (i, 0))


def _n2_spec():
    return pl.BlockSpec((TN, H), lambda i: (GN + i, 0))


def _head_spec():
    return pl.BlockSpec((TILE, H), lambda i: (jnp.minimum(i, NT_H - 1), 0))


def _full_spec(shape):
    return pl.BlockSpec(shape, lambda i: tuple(0 for _ in shape))



CHG = 200
KCHG = EPW // CHG


def _sc_build_g_body(a_hbm, b_hbm, src1_hbm, dst1_hbm, g_out,
                     idxs_v, idxd_v, a0_v, b0_v, a1_v, b1_v,
                     sa0, sb0, sa1, sb1):
    cid = lax.axis_index("c")
    sid = lax.axis_index("s")
    wid = sid * NC + cid
    pltpu.sync_copy(src1_hbm.at[wid], idxs_v)
    pltpu.sync_copy(dst1_hbm.at[wid], idxd_v)

    def slc(k):
        return pl.ds(k * CHG, CHG)

    def add_and_flush(abuf, bbuf, k):
        def row_add(r, c2):
            for lane in range(H // 16):
                sl = pl.ds(lane * 16, 16)
                abuf[r, sl] = abuf[r, sl] + bbuf[r, sl]
            return c2

        lax.fori_loop(0, CHG, row_add, 0)
        pltpu.sync_copy(abuf, g_out.at[pl.ds(wid * EPW + k * CHG, CHG)])

    def wait(buf, sem):
        pltpu.make_async_copy(a_hbm.at[pl.ds(0, CHG)], buf, sem).wait()

    pltpu.async_copy(a_hbm.at[idxs_v.at[slc(0)]], a0_v, sa0)
    pltpu.async_copy(b_hbm.at[idxd_v.at[slc(0)]], b0_v, sb0)

    def pair(p, carry):
        k0 = 2 * p
        k1 = k0 + 1
        pltpu.async_copy(a_hbm.at[idxs_v.at[slc(k1)]], a1_v, sa1)
        pltpu.async_copy(b_hbm.at[idxd_v.at[slc(k1)]], b1_v, sb1)
        wait(a0_v, sa0)
        wait(b0_v, sb0)
        add_and_flush(a0_v, b0_v, k0)

        @pl.when(p < KCHG // 2 - 1)
        def _():
            pltpu.async_copy(a_hbm.at[idxs_v.at[slc(k0 + 2)]], a0_v, sa0)
            pltpu.async_copy(b_hbm.at[idxd_v.at[slc(k0 + 2)]], b0_v, sb0)

        wait(a1_v, sa1)
        wait(b1_v, sb1)
        add_and_flush(a1_v, b1_v, k1)
        return carry

    lax.fori_loop(0, KCHG // 2, pair, 0)


_sc_build_g = pl.kernel(
    _sc_build_g_body,
    out_type=jax.ShapeDtypeStruct((E, H), _f32),
    mesh=_mesh,
    scratch_types=[
        pltpu.VMEM((EPW,), jnp.int32),
        pltpu.VMEM((EPW,), jnp.int32),
        pltpu.VMEM((CHG, H), _f32),
        pltpu.VMEM((CHG, H), _f32),
        pltpu.VMEM((CHG, H), _f32),
        pltpu.VMEM((CHG, H), _f32),
        pltpu.SemaphoreType.DMA,
        pltpu.SemaphoreType.DMA,
        pltpu.SemaphoreType.DMA,
        pltpu.SemaphoreType.DMA,
    ],
)


def _sc_deg_body(dst2_hbm, deg_out, idxd_v, ones_v, dacc_sh):
    cid = lax.axis_index("c")
    sid = lax.axis_index("s")
    wid = sid * NC + cid
    pltpu.sync_copy(dst2_hbm.at[wid], idxd_v)

    def zrow(r, c2):
        for lane in range(H // 16):
            ones_v[r, pl.ds(lane * 16, 16)] = jnp.zeros((16,), _f32)
        return c2

    lax.fori_loop(0, CH, zrow, 0)

    def zcopy(j, c2):
        pltpu.sync_copy(ones_v, dacc_sh.at[pl.ds(sid * RPT + j * CH, CH)])
        return c2

    lax.fori_loop(0, RPT // CH, zcopy, 0)

    def fill_row(r, c2):
        for lane in range(H // 16):
            ones_v[r, pl.ds(lane * 16, 16)] = jnp.ones((16,), _f32)
        return c2

    lax.fori_loop(0, CH, fill_row, 0)
    plsc.subcore_barrier()

    def chunk(k, carry):
        pltpu.sync_copy(ones_v, dacc_sh.at[idxd_v.at[k]], add=True)
        return carry

    lax.fori_loop(0, KCH, chunk, 0)
    plsc.subcore_barrier()

    def dump(j, c2):
        pltpu.sync_copy(dacc_sh.at[pl.ds(sid * RPT + j * CH, CH)], ones_v)
        pltpu.sync_copy(ones_v,
                        deg_out.at[pl.ds(cid * NP_ + sid * RPT + j * CH, CH)])
        return c2

    lax.fori_loop(0, RPT // CH, dump, 0)


_sc_deg = pl.kernel(
    _sc_deg_body,
    out_type=jax.ShapeDtypeStruct((NC * NP_, H), _f32),
    mesh=_mesh,
    scratch_types=[
        pltpu.VMEM((KCH, CH), jnp.int32),
        pltpu.VMEM((CH, H), _f32),
        pltpu.VMEM_SHARED((NP_, H), _f32),
    ],
)


def _sc_gs_body(tbl_hbm, src1_hbm, dst2_hbm, out_part,
                idxs_v, idxd_v, buf0_v, buf1_v, acc_sh, sem0, sem1):
    cid = lax.axis_index("c")
    sid = lax.axis_index("s")
    wid = sid * NC + cid
    pltpu.sync_copy(src1_hbm.at[wid], idxs_v)
    pltpu.sync_copy(dst2_hbm.at[wid], idxd_v)

    def zrow(r, c2):
        for lane in range(H // 16):
            buf0_v[r, pl.ds(lane * 16, 16)] = jnp.zeros((16,), _f32)
        return c2

    lax.fori_loop(0, CH, zrow, 0)

    def zcopy(j, c2):
        pltpu.sync_copy(buf0_v, acc_sh.at[pl.ds(sid * RPT + j * CH, CH)])
        return c2

    lax.fori_loop(0, RPT // CH, zcopy, 0)
    plsc.subcore_barrier()

    def slc(k):
        return pl.ds(k * CH, CH)

    def wait(buf, sem):
        pltpu.make_async_copy(tbl_hbm.at[pl.ds(0, CH)], buf, sem).wait()

    pltpu.async_copy(tbl_hbm.at[idxs_v.at[slc(0)]], buf0_v, sem0)

    def pair(p, carry):
        k0 = 2 * p
        k1 = k0 + 1
        pltpu.async_copy(tbl_hbm.at[idxs_v.at[slc(k1)]], buf1_v, sem1)
        wait(buf0_v, sem0)
        pltpu.sync_copy(buf0_v, acc_sh.at[idxd_v.at[k0]], add=True)
        pltpu.async_copy(tbl_hbm.at[idxs_v.at[slc(k0 + 2)]], buf0_v, sem0)
        wait(buf1_v, sem1)
        pltpu.sync_copy(buf1_v, acc_sh.at[idxd_v.at[k1]], add=True)
        return carry

    lax.fori_loop(0, KCH // 2, pair, 0)
    wait(buf0_v, sem0)
    pltpu.sync_copy(buf0_v, acc_sh.at[idxd_v.at[KCH - 1]], add=True)
    plsc.subcore_barrier()

    def dump(j, c2):
        pltpu.sync_copy(acc_sh.at[pl.ds(sid * RPT + j * CH, CH)], buf0_v)
        pltpu.sync_copy(buf0_v,
                        out_part.at[pl.ds(cid * CB + sid * RPT + j * CH, CH)])
        return c2

    lax.fori_loop(0, RPT // CH, dump, 0)


_sc_gather_scatter = pl.kernel(
    _sc_gs_body,
    out_type=jax.ShapeDtypeStruct((CB + NP_, H), _f32),
    mesh=_mesh,
    scratch_types=[
        pltpu.VMEM((EPW,), jnp.int32),
        pltpu.VMEM((KCH, CH), jnp.int32),
        pltpu.VMEM((CH, H), _f32),
        pltpu.VMEM((CH, H), _f32),
        pltpu.VMEM_SHARED((NP_, H), _f32),
        pltpu.SemaphoreType.DMA,
        pltpu.SemaphoreType.DMA,
    ],
)


def _sc_agg_body(ean_hbm, dst2_hbm, out_part,
                 idxd_v, buf0_v, buf1_v, acc_sh, sem0, sem1):
    cid = lax.axis_index("c")
    sid = lax.axis_index("s")
    wid = sid * NC + cid
    pltpu.sync_copy(dst2_hbm.at[wid], idxd_v)

    def zrow(r, c2):
        for lane in range(H // 16):
            buf0_v[r, pl.ds(lane * 16, 16)] = jnp.zeros((16,), _f32)
        return c2

    lax.fori_loop(0, CH, zrow, 0)

    def zcopy(j, c2):
        pltpu.sync_copy(buf0_v, acc_sh.at[pl.ds(sid * RPT + j * CH, CH)])
        return c2

    lax.fori_loop(0, RPT // CH, zcopy, 0)
    plsc.subcore_barrier()

    def ld(k, buf, sem):
        pltpu.async_copy(ean_hbm.at[pl.ds(wid * EPW + k * CH, CH)], buf, sem)

    def wait(buf, sem):
        pltpu.make_async_copy(ean_hbm.at[pl.ds(0, CH)], buf, sem).wait()

    ld(0, buf0_v, sem0)

    def pair(p, carry):
        k0 = 2 * p
        k1 = k0 + 1
        ld(k1, buf1_v, sem1)
        wait(buf0_v, sem0)
        pltpu.sync_copy(buf0_v, acc_sh.at[idxd_v.at[k0]], add=True)
        ld(k0 + 2, buf0_v, sem0)
        wait(buf1_v, sem1)
        pltpu.sync_copy(buf1_v, acc_sh.at[idxd_v.at[k1]], add=True)
        return carry

    lax.fori_loop(0, KCH // 2, pair, 0)
    wait(buf0_v, sem0)
    pltpu.sync_copy(buf0_v, acc_sh.at[idxd_v.at[KCH - 1]], add=True)
    plsc.subcore_barrier()

    def dump(j, c2):
        pltpu.sync_copy(acc_sh.at[pl.ds(sid * RPT + j * CH, CH)], buf0_v)
        pltpu.sync_copy(buf0_v,
                        out_part.at[pl.ds(cid * NP_ + sid * RPT + j * CH, CH)])
        return c2

    lax.fori_loop(0, RPT // CH, dump, 0)


_sc_agg = pl.kernel(
    _sc_agg_body,
    out_type=jax.ShapeDtypeStruct((NC * NP_, H), _f32),
    mesh=_mesh,
    scratch_types=[
        pltpu.VMEM((KCH, CH), jnp.int32),
        pltpu.VMEM((CH, H), _f32),
        pltpu.VMEM((CH, H), _f32),
        pltpu.VMEM_SHARED((NP_, H), _f32),
        pltpu.SemaphoreType.DMA,
        pltpu.SemaphoreType.DMA,
    ],
)



def kernel(x, edge_attr, edge_index, W1e, b1e, W2e, b2e, W1n, b1n, W2n, b2n):
    src1 = edge_index[0].reshape(NW, EPW)
    dst1 = edge_index[1].reshape(NW, EPW)
    dst2 = edge_index[1].reshape(NW, KCH, CH)
    b1e2 = b1e.reshape(1, H)
    b2e2 = b2e.reshape(1, H)
    b1n2 = b1n.reshape(1, H)
    b2n2 = b2n.reshape(1, H)

    a_mat, b_mat, c_head = pl.pallas_call(
        _prep1_body,
        grid=(GN,),
        in_specs=[_n_spec(), _n_spec(), _full_spec((3 * H, H))],
        out_specs=[_n_spec()] * 3,
        out_shape=[jax.ShapeDtypeStruct((N, H), _f32)] * 3,
    )(x, edge_attr, W1e)

    degf = _sc_deg(dst2)
    g_mat = _sc_build_g(a_mat, b_mat, src1, dst1)

    u_mat, dinvh, v_head = pl.pallas_call(
        _prep2_body,
        grid=(GN,),
        in_specs=[_n_spec(), _n_spec(), _n_spec(), _n2_spec()],
        out_specs=[_n_spec()] * 3,
        out_shape=[jax.ShapeDtypeStruct((N, H), _f32)] * 3,
    )(g_mat, c_head, degf, degf)

    sepf = _sc_gather_scatter(u_mat, src1, dst2)

    _tail_spec = pl.BlockSpec((TILE, H), lambda i: (NT_H + i, 0))
    eo_t, ean_t = pl.pallas_call(
        _edge_tail_body,
        grid=(NT_E - NT_H,),
        in_specs=[_tail_spec, _tail_spec,
                  _full_spec((3 * H, H)), _full_spec((H, H)),
                  _full_spec((1, H)), _full_spec((1, H))],
        out_specs=[_tail_spec] * 2,
        out_shape=[jax.ShapeDtypeStruct((E, H), _f32)] * 2,
    )(edge_attr, g_mat, W1e, W2e, b1e2, b2e2)

    _hrow = pl.BlockSpec((TILE, H), lambda i: (i, 0))
    edge_out, ean = pl.pallas_call(
        _edge_head_body,
        grid=(NT_H,),
        in_specs=[_hrow, _hrow, _hrow, _hrow,
                  pl.BlockSpec((TILE, H), lambda i: (CB // TILE + i, 0)),
                  _full_spec((H, H)), _full_spec((1, H)), _full_spec((1, H)),
                  _hrow, _hrow],
        out_specs=[_hrow] * 2,
        out_shape=[jax.ShapeDtypeStruct((E, H), _f32)] * 2,
        input_output_aliases={8: 0, 9: 1},
    )(edge_attr, v_head, dinvh, sepf, sepf, W2e, b1e2, b2e2, eo_t, ean_t)

    aggf = _sc_agg(ean, dst2)

    u_n, v_n = pl.pallas_call(
        _prep_node_body,
        grid=(GN,),
        in_specs=[_n_spec(), _n_spec(), _n2_spec(), _n_spec(),
                  _full_spec((2 * H, H))],
        out_specs=[_n_spec()] * 2,
        out_shape=[jax.ShapeDtypeStruct((N, H), _f32)] * 2,
    )(x, aggf, aggf, dinvh, W1n)

    snf = _sc_gather_scatter(u_n, src1, dst2)

    x_out = pl.pallas_call(
        _final_body,
        grid=(GN,),
        in_specs=[_n_spec()] * 3
        + [_n_spec(), pl.BlockSpec((TN, H), lambda i: (CB // TN + i, 0))]
        + [_full_spec((H, H)), _full_spec((1, H)), _full_spec((1, H))],
        out_specs=_n_spec(),
        out_shape=jax.ShapeDtypeStruct((N, H), _f32),
    )(x, v_n, dinvh, snf, snf, W2n, b1n2, b2n2)

    return (x_out, edge_out)

# --- scband reference (transcript-rebuilt; emitter-appended) ---
"""Pipeline reference for scband-gn-block-72138270704061 (READ-ONLY COPY).

The authoritative reference and input builder live on the scoring server;
editing this copy changes nothing except your own understanding.
"""

import jax, jax.numpy as jnp
import numpy as np

N = 10000
E = 320000
H = 128


def gcn_conv(x, edge_index, W, b):
    # PyG-style GCNConv: add self-loops, symmetric normalization, scatter-add aggregation.
    n = x.shape[0]
    src = edge_index[0]
    dst = edge_index[1]
    loop = jnp.arange(n, dtype=src.dtype)
    src2 = jnp.concatenate([src, loop])
    dst2 = jnp.concatenate([dst, loop])
    deg = jnp.zeros((n,), jnp.float32).at[dst2].add(1.0)
    dinv = jnp.where(deg > 0, jax.lax.rsqrt(deg), 0.0)
    norm = dinv[src2] * dinv[dst2]
    h = x @ W
    out = jnp.zeros((n, W.shape[1]), jnp.float32).at[dst2].add(norm[:, None] * h[src2])
    return out + b


def setup_inputs(seed: int = 0):
    key = jax.random.key(seed)
    ks = jax.random.split(key, 10)
    x = jax.random.normal(ks[0], (N, H), dtype=jnp.float32)
    edge_attr = jax.random.normal(ks[1], (E, H), dtype=jnp.float32)
    edge_index = jax.random.randint(ks[2], (2, E), 0, N, dtype=jnp.int32)
    # EdgeBlock GCN: GCNConv(3H -> H) + Linear(H -> H)
    W1e = jax.random.normal(ks[3], (3 * H, H), dtype=jnp.float32) * 0.05
    b1e = jnp.zeros((H,), jnp.float32)
    W2e = jax.random.normal(ks[4], (H, H), dtype=jnp.float32) * 0.05
    b2e = jnp.zeros((H,), jnp.float32)
    # NodeBlock GCN: GCNConv(2H -> H) + Linear(H -> H)
    W1n = jax.random.normal(ks[5], (2 * H, H), dtype=jnp.float32) * 0.05
    b1n = jnp.zeros((H,), jnp.float32)
    W2n = jax.random.normal(ks[6], (H, H), dtype=jnp.float32) * 0.05
    b2n = jnp.zeros((H,), jnp.float32)
    return {"x": x, "edge_attr": edge_attr, "edge_index": edge_index,
            "W1e": W1e, "b1e": b1e, "W2e": W2e, "b2e": b2e,
            "W1n": W1n, "b1n": b1n, "W2n": W2n, "b2n": b2n}


def reference(x, edge_attr, edge_index, W1e, b1e, W2e, b2e, W1n, b1n, W2n, b2n):
    src = edge_index[0]
    dst = edge_index[1]
    # EdgeBlock: gather sender/receiver node features, concat with edge_attr,
    # run GCN over the collected edge rows (rows treated as the GCN's node set).
    collected = jnp.concatenate([x[src], x[dst], edge_attr], axis=1)  # [E, 3H]
    he = jax.nn.relu(gcn_conv(collected, edge_index, W1e, b1e))
    edge_attr_new = he @ W2e + b2e  # [E, H]
    # NodeBlock: scatter-add new edge features to receiver nodes, concat with x.
    agg = jnp.zeros((x.shape[0], edge_attr_new.shape[1]), jnp.float32).at[dst].add(edge_attr_new)
    xc = jnp.concatenate([x, agg], axis=1)  # [N, 2H]
    hn = jax.nn.relu(gcn_conv(xc, edge_index, W1n, b1n))
    x_new = hn @ W2n + b2n  # [N, H]
    # GnBlock residual connections
    x_out = x + x_new
    edge_out = edge_attr + edge_attr_new
    return (x_out, edge_out)

if __name__ == "__main__":
    import jax
    _d = setup_inputs()
    print(jax.jit(kernel)(*tuple(_d.values())))

</pallas_src>

<mosaic_0001>
#map = affine_map<(d0, d1) -> (0, 0)>
#map1 = affine_map<(d0, d1) -> (0, 0, 0)>
module attributes {stable_mosaic.version = 14 : i64} {
  func.func @_sc_gs_body(%arg0: i32, %arg1: i32, %arg2: memref<10000x128xf32, #tpu.memory_space<hbm>>, %arg3: memref<32x10000xi32, #tpu.memory_space<hbm>>, %arg4: memref<32x125x80xi32, #tpu.memory_space<hbm>>, %arg5: memref<26240x128xf32, #tpu.memory_space<hbm>>, %arg6: memref<10000xi32, #tpu.memory_space<vmem>>, %arg7: memref<125x80xi32, #tpu.memory_space<vmem>>, %arg8: memref<80x128xf32, #tpu.memory_space<vmem>>, %arg9: memref<80x128xf32, #tpu.memory_space<vmem>>, %arg10: memref<10240x128xf32, #tpu.memory_space<vmem_shared>>, %arg11: memref<!tpu.dma_semaphore, #tpu.memory_space<semaphore_mem>>, %arg12: memref<!tpu.dma_semaphore, #tpu.memory_space<semaphore_mem>>) attributes {dimension_semantics = [#tpu.dimension_semantics<core_parallel>, #tpu.dimension_semantics<subcore_parallel>], iteration_bounds = array<i64: 2, 16>, scalar_prefetch = 0 : i64, scratch_operands = 7 : i64, tpu.core_type = #tpu.core_type<sc_vector_subcore>, window_params = [{transform_indices = #map}, {transform_indices = #map}, {transform_indices = #map1}, {transform_indices = #map}]} {
    %mul3A = arith.constant 2 : i32
    %mul3A_0 = arith.muli %arg1, %mul3A : i32
    %add3A = arith.addi %mul3A_0, %arg0 : i32
    "tpu.region"() ({
      %run_scoped3A_34 = tpu.sem_alloc : memref<!tpu.dma_semaphore, #tpu.memory_space<semaphore_mem>>
      %dma_start3A_35 = arith.constant 0 : i32
      %dma_start3A_36 = tpu.memref_slice %arg3[%add3A, %dma_start3A_35] : memref<32x10000xi32, #tpu.memory_space<hbm>> -> memref<1x10000xi32, #tpu.memory_space<hbm>>
      %dma_start3A_37 = tpu.memref_squeeze %dma_start3A_36 : memref<1x10000xi32, #tpu.memory_space<hbm>> -> memref<10000xi32, #tpu.memory_space<hbm>>
      %dma_start3A_38 = arith.constant 0 : i32
      %dma_start3A_39 = tpu.memref_slice %arg3[%add3A, %dma_start3A_38] : memref<32x10000xi32, #tpu.memory_space<hbm>> -> memref<1x10000xi32, #tpu.memory_space<hbm>>
      %dma_start3A_40 = tpu.memref_squeeze %dma_start3A_39 : memref<1x10000xi32, #tpu.memory_space<hbm>> -> memref<10000xi32, #tpu.memory_space<hbm>>
      tpu.enqueue_dma source(%dma_start3A_40 : memref<10000xi32, #tpu.memory_space<hbm>>) target(%arg6 : memref<10000xi32, #tpu.memory_space<vmem>>) target_semaphore(%run_scoped3A_34 : memref<!tpu.dma_semaphore, #tpu.memory_space<semaphore_mem>>)
      %dma_wait3A_41 = arith.constant 0 : i32
      %dma_wait3A_42 = tpu.memref_slice %arg3[%add3A, %dma_wait3A_41] : memref<32x10000xi32, #tpu.memory_space<hbm>> -> memref<1x10000xi32, #tpu.memory_space<hbm>>
      %dma_wait3A_43 = tpu.memref_squeeze %dma_wait3A_42 : memref<1x10000xi32, #tpu.memory_space<hbm>> -> memref<10000xi32, #tpu.memory_space<hbm>>
      %dma_wait3A_44 = arith.constant 0 : i32
      %dma_wait3A_45 = tpu.memref_slice %arg3[%add3A, %dma_wait3A_44] : memref<32x10000xi32, #tpu.memory_space<hbm>> -> memref<1x10000xi32, #tpu.memory_space<hbm>>
      %dma_wait3A_46 = tpu.memref_squeeze %dma_wait3A_45 : memref<1x10000xi32, #tpu.memory_space<hbm>> -> memref<10000xi32, #tpu.memory_space<hbm>>
      tpu.wait_dma2 semaphore(%run_scoped3A_34 : memref<!tpu.dma_semaphore, #tpu.memory_space<semaphore_mem>>) src(%dma_wait3A_46 : memref<10000xi32, #tpu.memory_space<hbm>>) dst(%arg6 : memref<10000xi32, #tpu.memory_space<vmem>>)
      tpu.yield
    }) : () -> ()
    "tpu.region"() ({
      %run_scoped3A_34 = tpu.sem_alloc : memref<!tpu.dma_semaphore, #tpu.memory_space<semaphore_mem>>
      %dma_start3A_35 = arith.constant 0 : i32
      %dma_start3A_36 = arith.constant 0 : i32
      %dma_start3A_37 = tpu.memref_slice %arg4[%add3A, %dma_start3A_35, %dma_start3A_36] : memref<32x125x80xi32, #tpu.memory_space<hbm>> -> memref<1x125x80xi32, #tpu.memory_space<hbm>>
      %dma_start3A_38 = tpu.memref_squeeze %dma_start3A_37 : memref<1x125x80xi32, #tpu.memory_space<hbm>> -> memref<125x80xi32, #tpu.memory_space<hbm>>
      %dma_start3A_39 = arith.constant 0 : i32
      %dma_start3A_40 = arith.constant 0 : i32
      %dma_start3A_41 = tpu.memref_slice %arg4[%add3A, %dma_start3A_39, %dma_start3A_40] : memref<32x125x80xi32, #tpu.memory_space<hbm>> -> memref<1x125x80xi32, #tpu.memory_space<hbm>>
      %dma_start3A_42 = tpu.memref_squeeze %dma_start3A_41 : memref<1x125x80xi32, #tpu.memory_space<hbm>> -> memref<125x80xi32, #tpu.memory_space<hbm>>
      tpu.enqueue_dma source(%dma_start3A_42 : memref<125x80xi32, #tpu.memory_space<hbm>>) target(%arg7 : memref<125x80xi32, #tpu.memory_space<vmem>>) target_semaphore(%run_scoped3A_34 : memref<!tpu.dma_semaphore, #tpu.memory_space<semaphore_mem>>)
      %dma_wait3A_43 = arith.constant 0 : i32
      %dma_wait3A_44 = arith.constant 0 : i32
      %dma_wait3A_45 = tpu.memref_slice %arg4[%add3A, %dma_wait3A_43, %dma_wait3A_44] : memref<32x125x80xi32, #tpu.memory_space<hbm>> -> memref<1x125x80xi32, #tpu.memory_space<hbm>>
      %dma_wait3A_46 = tpu.memref_squeeze %dma_wait3A_45 : memref<1x125x80xi32, #tpu.memory_space<hbm>> -> memref<125x80xi32, #tpu.memory_space<hbm>>
      %dma_wait3A_47 = arith.constant 0 : i32
      %dma_wait3A_48 = arith.constant 0 : i32
      %dma_wait3A_49 = tpu.memref_slice %arg4[%add3A, %dma_wait3A_47, %dma_wait3A_48] : memref<32x125x80xi32, #tpu.memory_space<hbm>> -> memref<1x125x80xi32, #tpu.memory_space<hbm>>
      %dma_wait3A_50 = tpu.memref_squeeze %dma_wait3A_49 : memref<1x125x80xi32, #tpu.memory_space<hbm>> -> memref<125x80xi32, #tpu.memory_space<hbm>>
      tpu.wait_dma2 semaphore(%run_scoped3A_34 : memref<!tpu.dma_semaphore, #tpu.memory_space<semaphore_mem>>) src(%dma_wait3A_50 : memref<125x80xi32, #tpu.memory_space<hbm>>) dst(%arg7 : memref<125x80xi32, #tpu.memory_space<vmem>>)
      tpu.yield
    }) : () -> ()
    %scan3A = arith.constant 0 : i32
    %scan3A_1 = arith.constant 0 : i32
    %scan3A_2 = arith.constant 80 : i32
    %scan3A_3 = arith.addi %scan3A_1, %scan3A_2 : i32
    %scan3A_4 = arith.constant 1 : i32
    scf.for %scan3A_34 = %scan3A_1 to %scan3A_3 step %scan3A_4  : i32 {
      %broadcast_in_dim3A = arith.constant 0.000000e+00 : f32
      %broadcast_in_dim3A_35 = vector.broadcast %broadcast_in_dim3A : f32 to vector<16xf32>
      %swap3A = arith.index_cast %scan3A_34 : i32 to index
      %swap3A_36 = arith.constant 0 : index
      %swap3A_37 = tpu.vector_load %arg8[%swap3A, %swap3A_36] {strides = array<i32>} : memref<80x128xf32, #tpu.memory_space<vmem>>, vector<1x16xf32>,
      %swap3A_38 = vector.shape_cast %swap3A_37 : vector<1x16xf32> to vector<16xf32>
      %swap3A_39 = vector.shape_cast %broadcast_in_dim3A_35 : vector<16xf32> to vector<1x16xf32>
      tpu.vector_store %arg8[%swap3A, %swap3A_36], %swap3A_39 {strides = array<i32>} : memref<80x128xf32, #tpu.memory_space<vmem>>, vector<1x16xf32>,
      %broadcast_in_dim3A_40 = arith.constant 0.000000e+00 : f32
      %broadcast_in_dim3A_41 = vector.broadcast %broadcast_in_dim3A_40 : f32 to vector<16xf32>
      %swap3A_42 = arith.index_cast %scan3A_34 : i32 to index
      %swap3A_43 = arith.constant 16 : index
      %swap3A_44 = tpu.vector_load %arg8[%swap3A_42, %swap3A_43] {strides = array<i32>} : memref<80x128xf32, #tpu.memory_space<vmem>>, vector<1x16xf32>,
      %swap3A_45 = vector.shape_cast %swap3A_44 : vector<1x16xf32> to vector<16xf32>
      %swap3A_46 = vector.shape_cast %broadcast_in_dim3A_41 : vector<16xf32> to vector<1x16xf32>
      tpu.vector_store %arg8[%swap3A_42, %swap3A_43], %swap3A_46 {strides = array<i32>} : memref<80x128xf32, #tpu.memory_space<vmem>>, vector<1x16xf32>,
      %broadcast_in_dim3A_47 = arith.constant 0.000000e+00 : f32
      %broadcast_in_dim3A_48 = vector.broadcast %broadcast_in_dim3A_47 : f32 to vector<16xf32>
      %swap3A_49 = arith.index_cast %scan3A_34 : i32 to index
      %swap3A_50 = arith.constant 32 : index
      %swap3A_51 = tpu.vector_load %arg8[%swap3A_49, %swap3A_50] {strides = array<i32>} : memref<80x128xf32, #tpu.memory_space<vmem>>, vector<1x16xf32>,
      %swap3A_52 = vector.shape_cast %swap3A_51 : vector<1x16xf32> to vector<16xf32>
      %swap3A_53 = vector.shape_cast %broadcast_in_dim3A_48 : vector<16xf32> to vector<1x16xf32>
      tpu.vector_store %arg8[%swap3A_49, %swap3A_50], %swap3A_53 {strides = array<i32>} : memref<80x128xf32, #tpu.memory_space<vmem>>, vector<1x16xf32>,
      %broadcast_in_dim3A_54 = arith.constant 0.000000e+00 : f32
      %broadcast_in_dim3A_55 = vector.broadcast %broadcast_in_dim3A_54 : f32 to vector<16xf32>
      %swap3A_56 = arith.index_cast %scan3A_34 : i32 to index
      %swap3A_57 = arith.constant 48 : index
      %swap3A_58 = tpu.vector_load %arg8[%swap3A_56, %swap3A_57] {strides = array<i32>} : memref<80x128xf32, #tpu.memory_space<vmem>>, vector<1x16xf32>,
      %swap3A_59 = vector.shape_cast %swap3A_58 : vector<1x16xf32> to vector<16xf32>
      %swap3A_60 = vector.shape_cast %broadcast_in_dim3A_55 : vector<16xf32> to vector<1x16xf32>
      tpu.vector_store %arg8[%swap3A_56, %swap3A_57], %swap3A_60 {strides = array<i32>} : memref<80x128xf32, #tpu.memory_space<vmem>>, vector<1x16xf32>,
      %broadcast_in_dim3A_61 = arith.constant 0.000000e+00 : f32
      %broadcast_in_dim3A_62 = vector.broadcast %broadcast_in_dim3A_61 : f32 to vector<16xf32>
      %swap3A_63 = arith.index_cast %scan3A_34 : i32 to index
      %swap3A_64 = arith.constant 64 : index
      %swap3A_65 = tpu.vector_load %arg8[%swap3A_63, %swap3A_64] {strides = array<i32>} : memref<80x128xf32, #tpu.memory_space<vmem>>, vector<1x16xf32>,
      %swap3A_66 = vector.shape_cast %swap3A_65 : vector<1x16xf32> to vector<16xf32>
      %swap3A_67 = vector.shape_cast %broadcast_in_dim3A_62 : vector<16xf32> to vector<1x16xf32>
      tpu.vector_store %arg8[%swap3A_63, %swap3A_64], %swap3A_67 {strides = array<i32>} : memref<80x128xf32, #tpu.memory_space<vmem>>, vector<1x16xf32>,
      %broadcast_in_dim3A_68 = arith.constant 0.000000e+00 : f32
      %broadcast_in_dim3A_69 = vector.broadcast %broadcast_in_dim3A_68 : f32 to vector<16xf32>
      %swap3A_70 = arith.index_cast %scan3A_34 : i32 to index
      %swap3A_71 = arith.constant 80 : index
      %swap3A_72 = tpu.vector_load %arg8[%swap3A_70, %swap3A_71] {strides = array<i32>} : memref<80x128xf32, #tpu.memory_space<vmem>>, vector<1x16xf32>,
      %swap3A_73 = vector.shape_cast %swap3A_72 : vector<1x16xf32> to vector<16xf32>
      %swap3A_74 = vector.shape_cast %broadcast_in_dim3A_69 : vector<16xf32> to vector<1x16xf32>
      tpu.vector_store %arg8[%swap3A_70, %swap3A_71], %swap3A_74 {strides = array<i32>} : memref<80x128xf32, #tpu.memory_space<vmem>>, vector<1x16xf32>,
      %broadcast_in_dim3A_75 = arith.constant 0.000000e+00 : f32
      %broadcast_in_dim3A_76 = vector.broadcast %broadcast_in_dim3A_75 : f32 to vector<16xf32>
      %swap3A_77 = arith.index_cast %scan3A_34 : i32 to index
      %swap3A_78 = arith.constant 96 : index
      %swap3A_79 = tpu.vector_load %arg8[%swap3A_77, %swap3A_78] {strides = array<i32>} : memref<80x128xf32, #tpu.memory_space<vmem>>, vector<1x16xf32>,
      %swap3A_80 = vector.shape_cast %swap3A_79 : vector<1x16xf32> to vector<16xf32>
      %swap3A_81 = vector.shape_cast %broadcast_in_dim3A_76 : vector<16xf32> to vector<1x16xf32>
      tpu.vector_store %arg8[%swap3A_77, %swap3A_78], %swap3A_81 {strides = array<i32>} : memref<80x128xf32, #tpu.memory_space<vmem>>, vector<1x16xf32>,
      %broadcast_in_dim3A_82 = arith.constant 0.000000e+00 : f32
      %broadcast_in_dim3A_83 = vector.broadcast %broadcast_in_dim3A_82 : f32 to vector<16xf32>
      %swap3A_84 = arith.index_cast %scan3A_34 : i32 to index
      %swap3A_85 = arith.constant 112 : index
      %swap3A_86 = tpu.vector_load %arg8[%swap3A_84, %swap3A_85] {strides = array<i32>} : memref<80x128xf32, #tpu.memory_space<vmem>>, vector<1x16xf32>,
      %swap3A_87 = vector.shape_cast %swap3A_86 : vector<1x16xf32> to vector<16xf32>
      %swap3A_88 = vector.shape_cast %broadcast_in_dim3A_83 : vector<16xf32> to vector<1x16xf32>
      tpu.vector_store %arg8[%swap3A_84, %swap3A_85], %swap3A_88 {strides = array<i32>} : memref<80x128xf32, #tpu.memory_space<vmem>>, vector<1x16xf32>,
    }
    %scan3A_5 = arith.constant 80 : i32
    %scan3A_6 = arith.constant 0 : i32
    %scan3A_7 = arith.constant 0 : i32
    %scan3A_8 = arith.constant 8 : i32
    %scan3A_9 = arith.addi %scan3A_7, %scan3A_8 : i32
    %scan3A_10 = arith.constant 1 : i32
    scf.for %scan3A_34 = %scan3A_7 to %scan3A_9 step %scan3A_10  : i32 {
      %mul3A_35 = arith.constant 640 : i32
      %mul3A_36 = arith.muli %arg1, %mul3A_35 : i32
      %mul3A_37 = arith.constant 80 : i32
      %mul3A_38 = arith.muli %scan3A_34, %mul3A_37 : i32
      %add3A_39 = arith.addi %mul3A_36, %mul3A_38 : i32
      "tpu.region"() ({
        %run_scoped3A_40 = tpu.sem_alloc : memref<!tpu.dma_semaphore, #tpu.memory_space<semaphore_mem>>
        %dma_start3A_41 = arith.constant 0 : i32
        %dma_start3A_42 = tpu.memref_slice %arg10[%add3A_39, %dma_start3A_41] : memref<10240x128xf32, #tpu.memory_space<vmem_shared>> -> memref<80x128xf32, #tpu.memory_space<vmem_shared>>
        %dma_start3A_43 = arith.constant 0 : i32
        %dma_start3A_44 = tpu.memref_slice %arg10[%add3A_39, %dma_start3A_43] : memref<10240x128xf32, #tpu.memory_space<vmem_shared>> -> memref<80x128xf32, #tpu.memory_space<vmem_shared>>
        tpu.enqueue_dma source(%arg8 : memref<80x128xf32, #tpu.memory_space<vmem>>) target(%dma_start3A_44 : memref<80x128xf32, #tpu.memory_space<vmem_shared>>) target_semaphore(%run_scoped3A_40 : memref<!tpu.dma_semaphore, #tpu.memory_space<semaphore_mem>>)
        %dma_wait3A_45 = arith.constant 0 : i32
        %dma_wait3A_46 = tpu.memref_slice %arg10[%add3A_39, %dma_wait3A_45] : memref<10240x128xf32, #tpu.memory_space<vmem_shared>> -> memref<80x128xf32, #tpu.memory_space<vmem_shared>>
        %dma_wait3A_47 = arith.constant 0 : i32
        %dma_wait3A_48 = tpu.memref_slice %arg10[%add3A_39, %dma_wait3A_47] : memref<10240x128xf32, #tpu.memory_space<vmem_shared>> -> memref<80x128xf32, #tpu.memory_space<vmem_shared>>
        tpu.wait_dma2 semaphore(%run_scoped3A_40 : memref<!tpu.dma_semaphore, #tpu.memory_space<semaphore_mem>>) src(%arg8 : memref<80x128xf32, #tpu.memory_space<vmem>>) dst(%dma_wait3A_48 : memref<80x128xf32, #tpu.memory_space<vmem_shared>>)
        tpu.yield
      }) : () -> ()
    }
    %scan3A_11 = arith.constant 8 : i32
    %barrier3A = arith.constant 0 : index
    tpu.barrier barrier_id(%barrier3A)
    %dma_start3A = arith.constant 0 : i32
    %dma_start3A_12 = tpu.memref_slice %arg6[%dma_start3A] : memref<10000xi32, #tpu.memory_space<vmem>> -> memref<80xi32, #tpu.memory_space<vmem>>
    %dma_start3A_13 = arith.constant 0 : i32
    %dma_start3A_14 = arith.constant 0 : i32
    %dma_start3A_15 = tpu.memref_slice %arg2[%dma_start3A_13, %dma_start3A_14] : memref<10000x128xf32, #tpu.memory_space<hbm>> -> memref<10000x128xf32, #tpu.memory_space<hbm>>
    tpu.enqueue_indirect_dma source(%dma_start3A_15 : memref<10000x128xf32, #tpu.memory_space<hbm>>) target(%arg8 : memref<80x128xf32, #tpu.memory_space<vmem>>) offsets(%dma_start3A_12 : memref<80xi32, #tpu.memory_space<vmem>>) semaphore(%arg11 : memref<!tpu.dma_semaphore, #tpu.memory_space<semaphore_mem>>)
    %scan3A_16 = arith.constant 0 : i32
    %scan3A_17 = arith.constant 0 : i32
    %scan3A_18 = arith.constant 62 : i32
    %scan3A_19 = arith.addi %scan3A_17, %scan3A_18 : i32
    %scan3A_20 = arith.constant 1 : i32
    scf.for %scan3A_34 = %scan3A_17 to %scan3A_19 step %scan3A_20  : i32 {
      %mul3A_35 = arith.constant 2 : i32
      %mul3A_36 = arith.muli %mul3A_35, %scan3A_34 : i32
      %add3A_37 = arith.constant 1 : i32
      %add3A_38 = arith.addi %mul3A_36, %add3A_37 : i32
      %mul3A_39 = arith.constant 80 : i32
      %mul3A_40 = arith.muli %add3A_38, %mul3A_39 : i32
      %dma_start3A_41 = tpu.memref_slice %arg6[%mul3A_40] : memref<10000xi32, #tpu.memory_space<vmem>> -> memref<80xi32, #tpu.memory_space<vmem>>
      %dma_start3A_42 = arith.constant 0 : i32
      %dma_start3A_43 = arith.constant 0 : i32
      %dma_start3A_44 = tpu.memref_slice %arg2[%dma_start3A_42, %dma_start3A_43] : memref<10000x128xf32, #tpu.memory_space<hbm>> -> memref<10000x128xf32, #tpu.memory_space<hbm>>
      tpu.enqueue_indirect_dma source(%dma_start3A_44 : memref<10000x128xf32, #tpu.memory_space<hbm>>) target(%arg9 : memref<80x128xf32, #tpu.memory_space<vmem>>) offsets(%dma_start3A_41 : memref<80xi32, #tpu.memory_space<vmem>>) semaphore(%arg12 : memref<!tpu.dma_semaphore, #tpu.memory_space<semaphore_mem>>)
      %dma_wait3A_45 = arith.constant 0 : i32
      %dma_wait3A_46 = arith.constant 0 : i32
      %dma_wait3A_47 = tpu.memref_slice %arg2[%dma_wait3A_45, %dma_wait3A_46] : memref<10000x128xf32, #tpu.memory_space<hbm>> -> memref<80x128xf32, #tpu.memory_space<hbm>>
      %dma_wait3A_48 = arith.constant 0 : i32
      %dma_wait3A_49 = arith.constant 0 : i32
      %dma_wait3A_50 = tpu.memref_slice %arg2[%dma_wait3A_48, %dma_wait3A_49] : memref<10000x128xf32, #tpu.memory_space<hbm>> -> memref<80x128xf32, #tpu.memory_space<hbm>>
      tpu.wait_dma2 semaphore(%arg11 : memref<!tpu.dma_semaphore, #tpu.memory_space<semaphore_mem>>) src(%dma_wait3A_50 : memref<80x128xf32, #tpu.memory_space<hbm>>) dst(%arg8 : memref<80x128xf32, #tpu.memory_space<vmem>>)
      "tpu.region"() ({
        %run_scoped3A_65 = tpu.sem_alloc : memref<!tpu.dma_semaphore, #tpu.memory_space<semaphore_mem>>
        %dma_start3A_66 = arith.constant 0 : i32
        %dma_start3A_67 = tpu.memref_slice %arg7[%mul3A_36, %dma_start3A_66] : memref<125x80xi32, #tpu.memory_space<vmem>> -> memref<1x80xi32, #tpu.memory_space<vmem>>
        %dma_start3A_68 = tpu.memref_squeeze %dma_start3A_67 : memref<1x80xi32, #tpu.memory_space<vmem>> -> memref<80xi32, #tpu.memory_space<vmem>>
        %dma_start3A_69 = arith.constant 0 : i32
        %dma_start3A_70 = arith.constant 0 : i32
        %dma_start3A_71 = tpu.memref_slice %arg10[%dma_start3A_69, %dma_start3A_70] : memref<10240x128xf32, #tpu.memory_space<vmem_shared>> -> memref<10240x128xf32, #tpu.memory_space<vmem_shared>>
        tpu.enqueue_indirect_dma source(%arg8 : memref<80x128xf32, #tpu.memory_space<vmem>>) target(%dma_start3A_71 : memref<10240x128xf32, #tpu.memory_space<vmem_shared>>) offsets(%dma_start3A_68 : memref<80xi32, #tpu.memory_space<vmem>>) semaphore(%run_scoped3A_65 : memref<!tpu.dma_semaphore, #tpu.memory_space<semaphore_mem>>) {add = true}
        %dma_wait3A_72 = arith.constant 0 : i32
        %dma_wait3A_73 = tpu.memref_slice %arg7[%mul3A_36, %dma_wait3A_72] : memref<125x80xi32, #tpu.memory_space<vmem>> -> memref<1x80xi32, #tpu.memory_space<vmem>>
        %dma_wait3A_74 = tpu.memref_squeeze %dma_wait3A_73 : memref<1x80xi32, #tpu.memory_space<vmem>> -> memref<80xi32, #tpu.memory_space<vmem>>
        %dma_wait3A_75 = arith.constant 0 : i32
        %dma_wait3A_76 = arith.constant 0 : i32
        %dma_wait3A_77 = tpu.memref_slice %arg10[%dma_wait3A_75, %dma_wait3A_76] : memref<10240x128xf32, #tpu.memory_space<vmem_shared>> -> memref<10240x128xf32, #tpu.memory_space<vmem_shared>>
        tpu.wait_indirect_dma semaphore(%run_scoped3A_65 : memref<!tpu.dma_semaphore, #tpu.memory_space<semaphore_mem>>) src(%arg8 : memref<80x128xf32, #tpu.memory_space<vmem>>) dst(%dma_wait3A_77 : memref<10240x128xf32, #tpu.memory_space<vmem_shared>>)
        tpu.yield
      }) : () -> ()
      %add3A_51 = arith.constant 2 : i32
      %add3A_52 = arith.addi %mul3A_36, %add3A_51 : i32
      %mul3A_53 = arith.constant 80 : i32
      %mul3A_54 = arith.muli %add3A_52, %mul3A_53 : i32
      %dma_start3A_55 = tpu.memref_slice %arg6[%mul3A_54] : memref<10000xi32, #tpu.memory_space<vmem>> -> memref<80xi32, #tpu.memory_space<vmem>>
      %dma_start3A_56 = arith.constant 0 : i32
      %dma_start3A_57 = arith.constant 0 : i32
      %dma_start3A_58 = tpu.memref_slice %arg2[%dma_start3A_56, %dma_start3A_57] : memref<10000x128xf32, #tpu.memory_space<hbm>> -> memref<10000x128xf32, #tpu.memory_space<hbm>>
      tpu.enqueue_indirect_dma source(%dma_start3A_58 : memref<10000x128xf32, #tpu.memory_space<hbm>>) target(%arg8 : memref<80x128xf32, #tpu.memory_space<vmem>>) offsets(%dma_start3A_55 : memref<80xi32, #tpu.memory_space<vmem>>) semaphore(%arg11 : memref<!tpu.dma_semaphore, #tpu.memory_space<semaphore_mem>>)
      %dma_wait3A_59 = arith.constant 0 : i32
      %dma_wait3A_60 = arith.constant 0 : i32
      %dma_wait3A_61 = tpu.memref_slice %arg2[%dma_wait3A_59, %dma_wait3A_60] : memref<10000x128xf32, #tpu.memory_space<hbm>> -> memref<80x128xf32, #tpu.memory_space<hbm>>
      %dma_wait3A_62 = arith.constant 0 : i32
      %dma_wait3A_63 = arith.constant 0 : i32
      %dma_wait3A_64 = tpu.memref_slice %arg2[%dma_wait3A_62, %dma_wait3A_63] : memref<10000x128xf32, #tpu.memory_space<hbm>> -> memref<80x128xf32, #tpu.memory_space<hbm>>
      tpu.wait_dma2 semaphore(%arg12 : memref<!tpu.dma_semaphore, #tpu.memory_space<semaphore_mem>>) src(%dma_wait3A_64 : memref<80x128xf32, #tpu.memory_space<hbm>>) dst(%arg9 : memref<80x128xf32, #tpu.memory_space<vmem>>)
      "tpu.region"() ({
        %run_scoped3A_65 = tpu.sem_alloc : memref<!tpu.dma_semaphore, #tpu.memory_space<semaphore_mem>>
        %dma_start3A_66 = arith.constant 0 : i32
        %dma_start3A_67 = tpu.memref_slice %arg7[%add3A_38, %dma_start3A_66] : memref<125x80xi32, #tpu.memory_space<vmem>> -> memref<1x80xi32, #tpu.memory_space<vmem>>
        %dma_start3A_68 = tpu.memref_squeeze %dma_start3A_67 : memref<1x80xi32, #tpu.memory_space<vmem>> -> memref<80xi32, #tpu.memory_space<vmem>>
        %dma_start3A_69 = arith.constant 0 : i32
        %dma_start3A_70 = arith.constant 0 : i32
        %dma_start3A_71 = tpu.memref_slice %arg10[%dma_start3A_69, %dma_start3A_70] : memref<10240x128xf32, #tpu.memory_space<vmem_shared>> -> memref<10240x128xf32, #tpu.memory_space<vmem_shared>>
        tpu.enqueue_indirect_dma source(%arg9 : memref<80x128xf32, #tpu.memory_space<vmem>>) target(%dma_start3A_71 : memref<10240x128xf32, #tpu.memory_space<vmem_shared>>) offsets(%dma_start3A_68 : memref<80xi32, #tpu.memory_space<vmem>>) semaphore(%run_scoped3A_65 : memref<!tpu.dma_semaphore, #tpu.memory_space<semaphore_mem>>) {add = true}
        %dma_wait3A_72 = arith.constant 0 : i32
        %dma_wait3A_73 = tpu.memref_slice %arg7[%add3A_38, %dma_wait3A_72] : memref<125x80xi32, #tpu.memory_space<vmem>> -> memref<1x80xi32, #tpu.memory_space<vmem>>
        %dma_wait3A_74 = tpu.memref_squeeze %dma_wait3A_73 : memref<1x80xi32, #tpu.memory_space<vmem>> -> memref<80xi32, #tpu.memory_space<vmem>>
        %dma_wait3A_75 = arith.constant 0 : i32
        %dma_wait3A_76 = arith.constant 0 : i32
        %dma_wait3A_77 = tpu.memref_slice %arg10[%dma_wait3A_75, %dma_wait3A_76] : memref<10240x128xf32, #tpu.memory_space<vmem_shared>> -> memref<10240x128xf32, #tpu.memory_space<vmem_shared>>
        tpu.wait_indirect_dma semaphore(%run_scoped3A_65 : memref<!tpu.dma_semaphore, #tpu.memory_space<semaphore_mem>>) src(%arg9 : memref<80x128xf32, #tpu.memory_space<vmem>>) dst(%dma_wait3A_77 : memref<10240x128xf32, #tpu.memory_space<vmem_shared>>)
        tpu.yield
      }) : () -> ()
    }
    %scan3A_21 = arith.constant 62 : i32
    %dma_wait3A = arith.constant 0 : i32
    %dma_wait3A_22 = arith.constant 0 : i32
    %dma_wait3A_23 = tpu.memref_slice %arg2[%dma_wait3A, %dma_wait3A_22] : memref<10000x128xf32, #tpu.memory_space<hbm>> -> memref<80x128xf32, #tpu.memory_space<hbm>>
    %dma_wait3A_24 = arith.constant 0 : i32
    %dma_wait3A_25 = arith.constant 0 : i32
    %dma_wait3A_26 = tpu.memref_slice %arg2[%dma_wait3A_24, %dma_wait3A_25] : memref<10000x128xf32, #tpu.memory_space<hbm>> -> memref<80x128xf32, #tpu.memory_space<hbm>>
    tpu.wait_dma2 semaphore(%arg11 : memref<!tpu.dma_semaphore, #tpu.memory_space<semaphore_mem>>) src(%dma_wait3A_26 : memref<80x128xf32, #tpu.memory_space<hbm>>) dst(%arg8 : memref<80x128xf32, #tpu.memory_space<vmem>>)
    %run_scoped3A = arith.constant 124 : i32
    "tpu.region"() ({
      %run_scoped3A_34 = tpu.sem_alloc : memref<!tpu.dma_semaphore, #tpu.memory_space<semaphore_mem>>
      %dma_start3A_35 = arith.constant 0 : i32
      %dma_start3A_36 = tpu.memref_slice %arg7[%run_scoped3A, %dma_start3A_35] : memref<125x80xi32, #tpu.memory_space<vmem>> -> memref<1x80xi32, #tpu.memory_space<vmem>>
      %dma_start3A_37 = tpu.memref_squeeze %dma_start3A_36 : memref<1x80xi32, #tpu.memory_space<vmem>> -> memref<80xi32, #tpu.memory_space<vmem>>
      %dma_start3A_38 = arith.constant 0 : i32
      %dma_start3A_39 = arith.constant 0 : i32
      %dma_start3A_40 = tpu.memref_slice %arg10[%dma_start3A_38, %dma_start3A_39] : memref<10240x128xf32, #tpu.memory_space<vmem_shared>> -> memref<10240x128xf32, #tpu.memory_space<vmem_shared>>
      tpu.enqueue_indirect_dma source(%arg8 : memref<80x128xf32, #tpu.memory_space<vmem>>) target(%dma_start3A_40 : memref<10240x128xf32, #tpu.memory_space<vmem_shared>>) offsets(%dma_start3A_37 : memref<80xi32, #tpu.memory_space<vmem>>) semaphore(%run_scoped3A_34 : memref<!tpu.dma_semaphore, #tpu.memory_space<semaphore_mem>>) {add = true}
      %dma_wait3A_41 = arith.constant 0 : i32
      %dma_wait3A_42 = tpu.memref_slice %arg7[%run_scoped3A, %dma_wait3A_41] : memref<125x80xi32, #tpu.memory_space<vmem>> -> memref<1x80xi32, #tpu.memory_space<vmem>>
      %dma_wait3A_43 = tpu.memref_squeeze %dma_wait3A_42 : memref<1x80xi32, #tpu.memory_space<vmem>> -> memref<80xi32, #tpu.memory_space<vmem>>
      %dma_wait3A_44 = arith.constant 0 : i32
      %dma_wait3A_45 = arith.constant 0 : i32
      %dma_wait3A_46 = tpu.memref_slice %arg10[%dma_wait3A_44, %dma_wait3A_45] : memref<10240x128xf32, #tpu.memory_space<vmem_shared>> -> memref<10240x128xf32, #tpu.memory_space<vmem_shared>>
      tpu.wait_indirect_dma semaphore(%run_scoped3A_34 : memref<!tpu.dma_semaphore, #tpu.memory_space<semaphore_mem>>) src(%arg8 : memref<80x128xf32, #tpu.memory_space<vmem>>) dst(%dma_wait3A_46 : memref<10240x128xf32, #tpu.memory_space<vmem_shared>>)
      tpu.yield
    }) : () -> ()
    %barrier3A_27 = arith.constant 0 : index
    tpu.barrier barrier_id(%barrier3A_27)
    %scan3A_28 = arith.constant 0 : i32
    %scan3A_29 = arith.constant 0 : i32
    %scan3A_30 = arith.constant 8 : i32
    %scan3A_31 = arith.addi %scan3A_29, %scan3A_30 : i32
    %scan3A_32 = arith.constant 1 : i32
    scf.for %scan3A_34 = %scan3A_29 to %scan3A_31 step %scan3A_32  : i32 {
      %mul3A_35 = arith.constant 640 : i32
      %mul3A_36 = arith.muli %arg1, %mul3A_35 : i32
      %mul3A_37 = arith.constant 80 : i32
      %mul3A_38 = arith.muli %scan3A_34, %mul3A_37 : i32
      %add3A_39 = arith.addi %mul3A_36, %mul3A_38 : i32
      "tpu.region"() ({
        %run_scoped3A_48 = tpu.sem_alloc : memref<!tpu.dma_semaphore, #tpu.memory_space<semaphore_mem>>
        %dma_start3A_49 = arith.constant 0 : i32
        %dma_start3A_50 = tpu.memref_slice %arg10[%add3A_39, %dma_start3A_49] : memref<10240x128xf32, #tpu.memory_space<vmem_shared>> -> memref<80x128xf32, #tpu.memory_space<vmem_shared>>
        %dma_start3A_51 = arith.constant 0 : i32
        %dma_start3A_52 = tpu.memref_slice %arg10[%add3A_39, %dma_start3A_51] : memref<10240x128xf32, #tpu.memory_space<vmem_shared>> -> memref<80x128xf32, #tpu.memory_space<vmem_shared>>
        tpu.enqueue_dma source(%dma_start3A_52 : memref<80x128xf32, #tpu.memory_space<vmem_shared>>) target(%arg8 : memref<80x128xf32, #tpu.memory_space<vmem>>) target_semaphore(%run_scoped3A_48 : memref<!tpu.dma_semaphore, #tpu.memory_space<semaphore_mem>>)
        %dma_wait3A_53 = arith.constant 0 : i32
        %dma_wait3A_54 = tpu.memref_slice %arg10[%add3A_39, %dma_wait3A_53] : memref<10240x128xf32, #tpu.memory_space<vmem_shared>> -> memref<80x128xf32, #tpu.memory_space<vmem_shared>>
        %dma_wait3A_55 = arith.constant 0 : i32
        %dma_wait3A_56 = tpu.memref_slice %arg10[%add3A_39, %dma_wait3A_55] : memref<10240x128xf32, #tpu.memory_space<vmem_shared>> -> memref<80x128xf32, #tpu.memory_space<vmem_shared>>
        tpu.wait_dma2 semaphore(%run_scoped3A_48 : memref<!tpu.dma_semaphore, #tpu.memory_space<semaphore_mem>>) src(%dma_wait3A_56 : memref<80x128xf32, #tpu.memory_space<vmem_shared>>) dst(%arg8 : memref<80x128xf32, #tpu.memory_space<vmem>>)
        tpu.yield
      }) : () -> ()
      %mul3A_40 = arith.constant 16000 : i32
      %mul3A_41 = arith.muli %arg0, %mul3A_40 : i32
      %mul3A_42 = arith.constant 640 : i32
      %mul3A_43 = arith.muli %arg1, %mul3A_42 : i32
      %add3A_44 = arith.addi %mul3A_41, %mul3A_43 : i32
      %mul3A_45 = arith.constant 80 : i32
      %mul3A_46 = arith.muli %scan3A_34, %mul3A_45 : i32
      %add3A_47 = arith.addi %add3A_44, %mul3A_46 : i32
      "tpu.region"() ({
        %run_scoped3A_48 = tpu.sem_alloc : memref<!tpu.dma_semaphore, #tpu.memory_space<semaphore_mem>>
        %dma_start3A_49 = arith.constant 0 : i32
        %dma_start3A_50 = tpu.memref_slice %arg5[%add3A_47, %dma_start3A_49] : memref<26240x128xf32, #tpu.memory_space<hbm>> -> memref<80x128xf32, #tpu.memory_space<hbm>>
        %dma_start3A_51 = arith.constant 0 : i32
        %dma_start3A_52 = tpu.memref_slice %arg5[%add3A_47, %dma_start3A_51] : memref<26240x128xf32, #tpu.memory_space<hbm>> -> memref<80x128xf32, #tpu.memory_space<hbm>>
        tpu.enqueue_dma source(%arg8 : memref<80x128xf32, #tpu.memory_space<vmem>>) target(%dma_start3A_52 : memref<80x128xf32, #tpu.memory_space<hbm>>) target_semaphore(%run_scoped3A_48 : memref<!tpu.dma_semaphore, #tpu.memory_space<semaphore_mem>>)
        %dma_wait3A_53 = arith.constant 0 : i32
        %dma_wait3A_54 = tpu.memref_slice %arg5[%add3A_47, %dma_wait3A_53] : memref<26240x128xf32, #tpu.memory_space<hbm>> -> memref<80x128xf32, #tpu.memory_space<hbm>>
        %dma_wait3A_55 = arith.constant 0 : i32
        %dma_wait3A_56 = tpu.memref_slice %arg5[%add3A_47, %dma_wait3A_55] : memref<26240x128xf32, #tpu.memory_space<hbm>> -> memref<80x128xf32, #tpu.memory_space<hbm>>
        tpu.wait_dma2 semaphore(%run_scoped3A_48 : memref<!tpu.dma_semaphore, #tpu.memory_space<semaphore_mem>>) src(%arg8 : memref<80x128xf32, #tpu.memory_space<vmem>>) dst(%dma_wait3A_56 : memref<80x128xf32, #tpu.memory_space<hbm>>)
        tpu.yield
      }) : () -> ()
    }
    %scan3A_33 = arith.constant 8 : i32
    return
  }
}

#map = affine_map<(d0, d1) -> (0, 0, 0)>
#map1 = affine_map<(d0, d1) -> (0, 0)>
module attributes {stable_mosaic.version = 14 : i64} {
  func.func @_sc_deg_body(%arg0: i32, %arg1: i32, %arg2: memref<32x125x80xi32, #tpu.memory_space<hbm>>, %arg3: memref<20480x128xf32, #tpu.memory_space<hbm>>, %arg4: memref<125x80xi32, #tpu.memory_space<vmem>>, %arg5: memref<80x128xf32, #tpu.memory_space<vmem>>, %arg6: memref<10240x128xf32, #tpu.memory_space<vmem_shared>>) attributes {dimension_semantics = [#tpu.dimension_semantics<core_parallel>, #tpu.dimension_semantics<subcore_parallel>], iteration_bounds = array<i64: 2, 16>, scalar_prefetch = 0 : i64, scratch_operands = 3 : i64, tpu.core_type = #tpu.core_type<sc_vector_subcore>, window_params = [{transform_indices = #map}, {transform_indices = #map1}]} {
    %mul3A = arith.constant 2 : i32
    %mul3A_0 = arith.muli %arg1, %mul3A : i32
    %add3A = arith.addi %mul3A_0, %arg0 : i32
    "tpu.region"() ({
      %run_scoped3A = tpu.sem_alloc : memref<!tpu.dma_semaphore, #tpu.memory_space<semaphore_mem>>
      %dma_start3A = arith.constant 0 : i32
      %dma_start3A_31 = arith.constant 0 : i32
      %dma_start3A_32 = tpu.memref_slice %arg2[%add3A, %dma_start3A, %dma_start3A_31] : memref<32x125x80xi32, #tpu.memory_space<hbm>> -> memref<1x125x80xi32, #tpu.memory_space<hbm>>
      %dma_start3A_33 = tpu.memref_squeeze %dma_start3A_32 : memref<1x125x80xi32, #tpu.memory_space<hbm>> -> memref<125x80xi32, #tpu.memory_space<hbm>>
      %dma_start3A_34 = arith.constant 0 : i32
      %dma_start3A_35 = arith.constant 0 : i32
      %dma_start3A_36 = tpu.memref_slice %arg2[%add3A, %dma_start3A_34, %dma_start3A_35] : memref<32x125x80xi32, #tpu.memory_space<hbm>> -> memref<1x125x80xi32, #tpu.memory_space<hbm>>
      %dma_start3A_37 = tpu.memref_squeeze %dma_start3A_36 : memref<1x125x80xi32, #tpu.memory_space<hbm>> -> memref<125x80xi32, #tpu.memory_space<hbm>>
      tpu.enqueue_dma source(%dma_start3A_37 : memref<125x80xi32, #tpu.memory_space<hbm>>) target(%arg4 : memref<125x80xi32, #tpu.memory_space<vmem>>) target_semaphore(%run_scoped3A : memref<!tpu.dma_semaphore, #tpu.memory_space<semaphore_mem>>)
      %dma_wait3A = arith.constant 0 : i32
      %dma_wait3A_38 = arith.constant 0 : i32
      %dma_wait3A_39 = tpu.memref_slice %arg2[%add3A, %dma_wait3A, %dma_wait3A_38] : memref<32x125x80xi32, #tpu.memory_space<hbm>> -> memref<1x125x80xi32, #tpu.memory_space<hbm>>
      %dma_wait3A_40 = tpu.memref_squeeze %dma_wait3A_39 : memref<1x125x80xi32, #tpu.memory_space<hbm>> -> memref<125x80xi32, #tpu.memory_space<hbm>>
      %dma_wait3A_41 = arith.constant 0 : i32
      %dma_wait3A_42 = arith.constant 0 : i32
      %dma_wait3A_43 = tpu.memref_slice %arg2[%add3A, %dma_wait3A_41, %dma_wait3A_42] : memref<32x125x80xi32, #tpu.memory_space<hbm>> -> memref<1x125x80xi32, #tpu.memory_space<hbm>>
      %dma_wait3A_44 = tpu.memref_squeeze %dma_wait3A_43 : memref<1x125x80xi32, #tpu.memory_space<hbm>> -> memref<125x80xi32, #tpu.memory_space<hbm>>
      tpu.wait_dma2 semaphore(%run_scoped3A : memref<!tpu.dma_semaphore, #tpu.memory_space<semaphore_mem>>) src(%dma_wait3A_44 : memref<125x80xi32, #tpu.memory_space<hbm>>) dst(%arg4 : memref<125x80xi32, #tpu.memory_space<vmem>>)
      tpu.yield
    }) : () -> ()
    %scan3A = arith.constant 0 : i32
    %scan3A_1 = arith.constant 0 : i32
    %scan3A_2 = arith.constant 80 : i32
    %scan3A_3 = arith.addi %scan3A_1, %scan3A_2 : i32
    %scan3A_4 = arith.constant 1 : i32
    scf.for %scan3A_31 = %scan3A_1 to %scan3A_3 step %scan3A_4  : i32 {
      %broadcast_in_dim3A = arith.constant 0.000000e+00 : f32
      %broadcast_in_dim3A_32 = vector.broadcast %broadcast_in_dim3A : f32 to vector<16xf32>
      %swap3A = arith.index_cast %scan3A_31 : i32 to index
      %swap3A_33 = arith.constant 0 : index
      %swap3A_34 = tpu.vector_load %arg5[%swap3A, %swap3A_33] {strides = array<i32>} : memref<80x128xf32, #tpu.memory_space<vmem>>, vector<1x16xf32>,
      %swap3A_35 = vector.shape_cast %swap3A_34 : vector<1x16xf32> to vector<16xf32>
      %swap3A_36 = vector.shape_cast %broadcast_in_dim3A_32 : vector<16xf32> to vector<1x16xf32>
      tpu.vector_store %arg5[%swap3A, %swap3A_33], %swap3A_36 {strides = array<i32>} : memref<80x128xf32, #tpu.memory_space<vmem>>, vector<1x16xf32>,
      %broadcast_in_dim3A_37 = arith.constant 0.000000e+00 : f32
      %broadcast_in_dim3A_38 = vector.broadcast %broadcast_in_dim3A_37 : f32 to vector<16xf32>
      %swap3A_39 = arith.index_cast %scan3A_31 : i32 to index
      %swap3A_40 = arith.constant 16 : index
      %swap3A_41 = tpu.vector_load %arg5[%swap3A_39, %swap3A_40] {strides = array<i32>} : memref<80x128xf32, #tpu.memory_space<vmem>>, vector<1x16xf32>,
      %swap3A_42 = vector.shape_cast %swap3A_41 : vector<1x16xf32> to vector<16xf32>
      %swap3A_43 = vector.shape_cast %broadcast_in_dim3A_38 : vector<16xf32> to vector<1x16xf32>
      tpu.vector_store %arg5[%swap3A_39, %swap3A_40], %swap3A_43 {strides = array<i32>} : memref<80x128xf32, #tpu.memory_space<vmem>>, vector<1x16xf32>,
      %broadcast_in_dim3A_44 = arith.constant 0.000000e+00 : f32
      %broadcast_in_dim3A_45 = vector.broadcast %broadcast_in_dim3A_44 : f32 to vector<16xf32>
      %swap3A_46 = arith.index_cast %scan3A_31 : i32 to index
      %swap3A_47 = arith.constant 32 : index
      %swap3A_48 = tpu.vector_load %arg5[%swap3A_46, %swap3A_47] {strides = array<i32>} : memref<80x128xf32, #tpu.memory_space<vmem>>, vector<1x16xf32>,
      %swap3A_49 = vector.shape_cast %swap3A_48 : vector<1x16xf32> to vector<16xf32>
      %swap3A_50 = vector.shape_cast %broadcast_in_dim3A_45 : vector<16xf32> to vector<1x16xf32>
      tpu.vector_store %arg5[%swap3A_46, %swap3A_47], %swap3A_50 {strides = array<i32>} : memref<80x128xf32, #tpu.memory_space<vmem>>, vector<1x16xf32>,
      %broadcast_in_dim3A_51 = arith.constant 0.000000e+00 : f32
      %broadcast_in_dim3A_52 = vector.broadcast %broadcast_in_dim3A_51 : f32 to vector<16xf32>
      %swap3A_53 = arith.index_cast %scan3A_31 : i32 to index
      %swap3A_54 = arith.constant 48 : index
      %swap3A_55 = tpu.vector_load %arg5[%swap3A_53, %swap3A_54] {strides = array<i32>} : memref<80x128xf32, #tpu.memory_space<vmem>>, vector<1x16xf32>,
      %swap3A_56 = vector.shape_cast %swap3A_55 : vector<1x16xf32> to vector<16xf32>
      %swap3A_57 = vector.shape_cast %broadcast_in_dim3A_52 : vector<16xf32> to vector<1x16xf32>
      tpu.vector_store %arg5[%swap3A_53, %swap3A_54], %swap3A_57 {strides = array<i32>} : memref<80x128xf32, #tpu.memory_space<vmem>>, vector<1x16xf32>,
      %broadcast_in_dim3A_58 = arith.constant 0.000000e+00 : f32
      %broadcast_in_dim3A_59 = vector.broadcast %broadcast_in_dim3A_58 : f32 to vector<16xf32>
      %swap3A_60 = arith.index_cast %scan3A_31 : i32 to index
      %swap3A_61 = arith.constant 64 : index
      %swap3A_62 = tpu.vector_load %arg5[%swap3A_60, %swap3A_61] {strides = array<i32>} : memref<80x128xf32, #tpu.memory_space<vmem>>, vector<1x16xf32>,
      %swap3A_63 = vector.shape_cast %swap3A_62 : vector<1x16xf32> to vector<16xf32>
      %swap3A_64 = vector.shape_cast %broadcast_in_dim3A_59 : vector<16xf32> to vector<1x16xf32>
      tpu.vector_store %arg5[%swap3A_60, %swap3A_61], %swap3A_64 {strides = array<i32>} : memref<80x128xf32, #tpu.memory_space<vmem>>, vector<1x16xf32>,
      %broadcast_in_dim3A_65 = arith.constant 0.000000e+00 : f32
      %broadcast_in_dim3A_66 = vector.broadcast %broadcast_in_dim3A_65 : f32 to vector<16xf32>
      %swap3A_67 = arith.index_cast %scan3A_31 : i32 to index
      %swap3A_68 = arith.constant 80 : index
      %swap3A_69 = tpu.vector_load %arg5[%swap3A_67, %swap3A_68] {strides = array<i32>} : memref<80x128xf32, #tpu.memory_space<vmem>>, vector<1x16xf32>,
      %swap3A_70 = vector.shape_cast %swap3A_69 : vector<1x16xf32> to vector<16xf32>
      %swap3A_71 = vector.shape_cast %broadcast_in_dim3A_66 : vector<16xf32> to vector<1x16xf32>
      tpu.vector_store %arg5[%swap3A_67, %swap3A_68], %swap3A_71 {strides = array<i32>} : memref<80x128xf32, #tpu.memory_space<vmem>>, vector<1x16xf32>,
      %broadcast_in_dim3A_72 = arith.constant 0.000000e+00 : f32
      %broadcast_in_dim3A_73 = vector.broadcast %broadcast_in_dim3A_72 : f32 to vector<16xf32>
      %swap3A_74 = arith.index_cast %scan3A_31 : i32 to index
      %swap3A_75 = arith.constant 96 : index
      %swap3A_76 = tpu.vector_load %arg5[%swap3A_74, %swap3A_75] {strides = array<i32>} : memref<80x128xf32, #tpu.memory_space<vmem>>, vector<1x16xf32>,
      %swap3A_77 = vector.shape_cast %swap3A_76 : vector<1x16xf32> to vector<16xf32>
      %swap3A_78 = vector.shape_cast %broadcast_in_dim3A_73 : vector<16xf32> to vector<1x16xf32>
      tpu.vector_store %arg5[%swap3A_74, %swap3A_75], %swap3A_78 {strides = array<i32>} : memref<80x128xf32, #tpu.memory_space<vmem>>, vector<1x16xf32>,
      %broadcast_in_dim3A_79 = arith.constant 0.000000e+00 : f32
      %broadcast_in_dim3A_80 = vector.broadcast %broadcast_in_dim3A_79 : f32 to vector<16xf32>
      %swap3A_81 = arith.index_cast %scan3A_31 : i32 to index
      %swap3A_82 = arith.constant 112 : index
      %swap3A_83 = tpu.vector_load %arg5[%swap3A_81, %swap3A_82] {strides = array<i32>} : memref<80x128xf32, #tpu.memory_space<vmem>>, vector<1x16xf32>,
      %swap3A_84 = vector.shape_cast %swap3A_83 : vector<1x16xf32> to vector<16xf32>
      %swap3A_85 = vector.shape_cast %broadcast_in_dim3A_80 : vector<16xf32> to vector<1x16xf32>
      tpu.vector_store %arg5[%swap3A_81, %swap3A_82], %swap3A_85 {strides = array<i32>} : memref<80x128xf32, #tpu.memory_space<vmem>>, vector<1x16xf32>,
    }
    %scan3A_5 = arith.constant 80 : i32
    %scan3A_6 = arith.constant 0 : i32
    %scan3A_7 = arith.constant 0 : i32
    %scan3A_8 = arith.constant 8 : i32
    %scan3A_9 = arith.addi %scan3A_7, %scan3A_8 : i32
    %scan3A_10 = arith.constant 1 : i32
    scf.for %scan3A_31 = %scan3A_7 to %scan3A_9 step %scan3A_10  : i32 {
      %mul3A_32 = arith.constant 640 : i32
      %mul3A_33 = arith.muli %arg1, %mul3A_32 : i32
      %mul3A_34 = arith.constant 80 : i32
      %mul3A_35 = arith.muli %scan3A_31, %mul3A_34 : i32
      %add3A_36 = arith.addi %mul3A_33, %mul3A_35 : i32
      "tpu.region"() ({
        %run_scoped3A = tpu.sem_alloc : memref<!tpu.dma_semaphore, #tpu.memory_space<semaphore_mem>>
        %dma_start3A = arith.constant 0 : i32
        %dma_start3A_37 = tpu.memref_slice %arg6[%add3A_36, %dma_start3A] : memref<10240x128xf32, #tpu.memory_space<vmem_shared>> -> memref<80x128xf32, #tpu.memory_space<vmem_shared>>
        %dma_start3A_38 = arith.constant 0 : i32
        %dma_start3A_39 = tpu.memref_slice %arg6[%add3A_36, %dma_start3A_38] : memref<10240x128xf32, #tpu.memory_space<vmem_shared>> -> memref<80x128xf32, #tpu.memory_space<vmem_shared>>
        tpu.enqueue_dma source(%arg5 : memref<80x128xf32, #tpu.memory_space<vmem>>) target(%dma_start3A_39 : memref<80x128xf32, #tpu.memory_space<vmem_shared>>) target_semaphore(%run_scoped3A : memref<!tpu.dma_semaphore, #tpu.memory_space<semaphore_mem>>)
        %dma_wait3A = arith.constant 0 : i32
        %dma_wait3A_40 = tpu.memref_slice %arg6[%add3A_36, %dma_wait3A] : memref<10240x128xf32, #tpu.memory_space<vmem_shared>> -> memref<80x128xf32, #tpu.memory_space<vmem_shared>>
        %dma_wait3A_41 = arith.constant 0 : i32
        %dma_wait3A_42 = tpu.memref_slice %arg6[%add3A_36, %dma_wait3A_41] : memref<10240x128xf32, #tpu.memory_space<vmem_shared>> -> memref<80x128xf32, #tpu.memory_space<vmem_shared>>
        tpu.wait_dma2 semaphore(%run_scoped3A : memref<!tpu.dma_semaphore, #tpu.memory_space<semaphore_mem>>) src(%arg5 : memref<80x128xf32, #tpu.memory_space<vmem>>) dst(%dma_wait3A_42 : memref<80x128xf32, #tpu.memory_space<vmem_shared>>)
        tpu.yield
      }) : () -> ()
    }
    %scan3A_11 = arith.constant 8 : i32
    %scan3A_12 = arith.constant 0 : i32
    %scan3A_13 = arith.constant 0 : i32
    %scan3A_14 = arith.constant 80 : i32
    %scan3A_15 = arith.addi %scan3A_13, %scan3A_14 : i32
    %scan3A_16 = arith.constant 1 : i32
    scf.for %scan3A_31 = %scan3A_13 to %scan3A_15 step %scan3A_16  : i32 {
      %broadcast_in_dim3A = arith.constant 1.000000e+00 : f32
      %broadcast_in_dim3A_32 = vector.broadcast %broadcast_in_dim3A : f32 to vector<16xf32>
      %swap3A = arith.index_cast %scan3A_31 : i32 to index
      %swap3A_33 = arith.constant 0 : index
      %swap3A_34 = tpu.vector_load %arg5[%swap3A, %swap3A_33] {strides = array<i32>} : memref<80x128xf32, #tpu.memory_space<vmem>>, vector<1x16xf32>,
      %swap3A_35 = vector.shape_cast %swap3A_34 : vector<1x16xf32> to vector<16xf32>
      %swap3A_36 = vector.shape_cast %broadcast_in_dim3A_32 : vector<16xf32> to vector<1x16xf32>
      tpu.vector_store %arg5[%swap3A, %swap3A_33], %swap3A_36 {strides = array<i32>} : memref<80x128xf32, #tpu.memory_space<vmem>>, vector<1x16xf32>,
      %broadcast_in_dim3A_37 = arith.constant 1.000000e+00 : f32
      %broadcast_in_dim3A_38 = vector.broadcast %broadcast_in_dim3A_37 : f32 to vector<16xf32>
      %swap3A_39 = arith.index_cast %scan3A_31 : i32 to index
      %swap3A_40 = arith.constant 16 : index
      %swap3A_41 = tpu.vector_load %arg5[%swap3A_39, %swap3A_40] {strides = array<i32>} : memref<80x128xf32, #tpu.memory_space<vmem>>, vector<1x16xf32>,
      %swap3A_42 = vector.shape_cast %swap3A_41 : vector<1x16xf32> to vector<16xf32>
      %swap3A_43 = vector.shape_cast %broadcast_in_dim3A_38 : vector<16xf32> to vector<1x16xf32>
      tpu.vector_store %arg5[%swap3A_39, %swap3A_40], %swap3A_43 {strides = array<i32>} : memref<80x128xf32, #tpu.memory_space<vmem>>, vector<1x16xf32>,
      %broadcast_in_dim3A_44 = arith.constant 1.000000e+00 : f32
      %broadcast_in_dim3A_45 = vector.broadcast %broadcast_in_dim3A_44 : f32 to vector<16xf32>
      %swap3A_46 = arith.index_cast %scan3A_31 : i32 to index
      %swap3A_47 = arith.constant 32 : index
      %swap3A_48 = tpu.vector_load %arg5[%swap3A_46, %swap3A_47] {strides = array<i32>} : memref<80x128xf32, #tpu.memory_space<vmem>>, vector<1x16xf32>,
      %swap3A_49 = vector.shape_cast %swap3A_48 : vector<1x16xf32> to vector<16xf32>
      %swap3A_50 = vector.shape_cast %broadcast_in_dim3A_45 : vector<16xf32> to vector<1x16xf32>
      tpu.vector_store %arg5[%swap3A_46, %swap3A_47], %swap3A_50 {strides = array<i32>} : memref<80x128xf32, #tpu.memory_space<vmem>>, vector<1x16xf32>,
      %broadcast_in_dim3A_51 = arith.constant 1.000000e+00 : f32
      %broadcast_in_dim3A_52 = vector.broadcast %broadcast_in_dim3A_51 : f32 to vector<16xf32>
      %swap3A_53 = arith.index_cast %scan3A_31 : i32 to index
      %swap3A_54 = arith.constant 48 : index
      %swap3A_55 = tpu.vector_load %arg5[%swap3A_53, %swap3A_54] {strides = array<i32>} : memref<80x128xf32, #tpu.memory_space<vmem>>, vector<1x16xf32>,
      %swap3A_56 = vector.shape_cast %swap3A_55 : vector<1x16xf32> to vector<16xf32>
      %swap3A_57 = vector.shape_cast %broadcast_in_dim3A_52 : vector<16xf32> to vector<1x16xf32>
      tpu.vector_store %arg5[%swap3A_53, %swap3A_54], %swap3A_57 {strides = array<i32>} : memref<80x128xf32, #tpu.memory_space<vmem>>, vector<1x16xf32>,
      %broadcast_in_dim3A_58 = arith.constant 1.000000e+00 : f32
      %broadcast_in_dim3A_59 = vector.broadcast %broadcast_in_dim3A_58 : f32 to vector<16xf32>
      %swap3A_60 = arith.index_cast %scan3A_31 : i32 to index
      %swap3A_61 = arith.constant 64 : index
      %swap3A_62 = tpu.vector_load %arg5[%swap3A_60, %swap3A_61] {strides = array<i32>} : memref<80x128xf32, #tpu.memory_space<vmem>>, vector<1x16xf32>,
      %swap3A_63 = vector.shape_cast %swap3A_62 : vector<1x16xf32> to vector<16xf32>
      %swap3A_64 = vector.shape_cast %broadcast_in_dim3A_59 : vector<16xf32> to vector<1x16xf32>
      tpu.vector_store %arg5[%swap3A_60, %swap3A_61], %swap3A_64 {strides = array<i32>} : memref<80x128xf32, #tpu.memory_space<vmem>>, vector<1x16xf32>,
      %broadcast_in_dim3A_65 = arith.constant 1.000000e+00 : f32
      %broadcast_in_dim3A_66 = vector.broadcast %broadcast_in_dim3A_65 : f32 to vector<16xf32>
      %swap3A_67 = arith.index_cast %scan3A_31 : i32 to index
      %swap3A_68 = arith.constant 80 : index
      %swap3A_69 = tpu.vector_load %arg5[%swap3A_67, %swap3A_68] {strides = array<i32>} : memref<80x128xf32, #tpu.memory_space<vmem>>, vector<1x16xf32>,
      %swap3A_70 = vector.shape_cast %swap3A_69 : vector<1x16xf32> to vector<16xf32>
      %swap3A_71 = vector.shape_cast %broadcast_in_dim3A_66 : vector<16xf32> to vector<1x16xf32>
      tpu.vector_store %arg5[%swap3A_67, %swap3A_68], %swap3A_71 {strides = array<i32>} : memref<80x128xf32, #tpu.memory_space<vmem>>, vector<1x16xf32>,
      %broadcast_in_dim3A_72 = arith.constant 1.000000e+00 : f32
      %broadcast_in_dim3A_73 = vector.broadcast %broadcast_in_dim3A_72 : f32 to vector<16xf32>
      %swap3A_74 = arith.index_cast %scan3A_31 : i32 to index
      %swap3A_75 = arith.constant 96 : index
      %swap3A_76 = tpu.vector_load %arg5[%swap3A_74, %swap3A_75] {strides = array<i32>} : memref<80x128xf32, #tpu.memory_space<vmem>>, vector<1x16xf32>,
      %swap3A_77 = vector.shape_cast %swap3A_76 : vector<1x16xf32> to vector<16xf32>
      %swap3A_78 = vector.shape_cast %broadcast_in_dim3A_73 : vector<16xf32> to vector<1x16xf32>
      tpu.vector_store %arg5[%swap3A_74, %swap3A_75], %swap3A_78 {strides = array<i32>} : memref<80x128xf32, #tpu.memory_space<vmem>>, vector<1x16xf32>,
      %broadcast_in_dim3A_79 = arith.constant 1.000000e+00 : f32
      %broadcast_in_dim3A_80 = vector.broadcast %broadcast_in_dim3A_79 : f32 to vector<16xf32>
      %swap3A_81 = arith.index_cast %scan3A_31 : i32 to index
      %swap3A_82 = arith.constant 112 : index
      %swap3A_83 = tpu.vector_load %arg5[%swap3A_81, %swap3A_82] {strides = array<i32>} : memref<80x128xf32, #tpu.memory_space<vmem>>, vector<1x16xf32>,
      %swap3A_84 = vector.shape_cast %swap3A_83 : vector<1x16xf32> to vector<16xf32>
      %swap3A_85 = vector.shape_cast %broadcast_in_dim3A_80 : vector<16xf32> to vector<1x16xf32>
      tpu.vector_store %arg5[%swap3A_81, %swap3A_82], %swap3A_85 {strides = array<i32>} : memref<80x128xf32, #tpu.memory_space<vmem>>, vector<1x16xf32>,
    }
    %scan3A_17 = arith.constant 80 : i32
    %barrier3A = arith.constant 0 : index
    tpu.barrier barrier_id(%barrier3A)
    %scan3A_18 = arith.constant 0 : i32
    %scan3A_19 = arith.constant 0 : i32
    %scan3A_20 = arith.constant 125 : i32
    %scan3A_21 = arith.addi %scan3A_19, %scan3A_20 : i32
    %scan3A_22 = arith.constant 1 : i32
    scf.for %scan3A_31 = %scan3A_19 to %scan3A_21 step %scan3A_22  : i32 {
      "tpu.region"() ({
        %run_scoped3A = tpu.sem_alloc : memref<!tpu.dma_semaphore, #tpu.memory_space<semaphore_mem>>
        %dma_start3A = arith.constant 0 : i32
        %dma_start3A_32 = tpu.memref_slice %arg4[%scan3A_31, %dma_start3A] : memref<125x80xi32, #tpu.memory_space<vmem>> -> memref<1x80xi32, #tpu.memory_space<vmem>>
        %dma_start3A_33 = tpu.memref_squeeze %dma_start3A_32 : memref<1x80xi32, #tpu.memory_space<vmem>> -> memref<80xi32, #tpu.memory_space<vmem>>
        %dma_start3A_34 = arith.constant 0 : i32
        %dma_start3A_35 = arith.constant 0 : i32
        %dma_start3A_36 = tpu.memref_slice %arg6[%dma_start3A_34, %dma_start3A_35] : memref<10240x128xf32, #tpu.memory_space<vmem_shared>> -> memref<10240x128xf32, #tpu.memory_space<vmem_shared>>
        tpu.enqueue_indirect_dma source(%arg5 : memref<80x128xf32, #tpu.memory_space<vmem>>) target(%dma_start3A_36 : memref<10240x128xf32, #tpu.memory_space<vmem_shared>>) offsets(%dma_start3A_33 : memref<80xi32, #tpu.memory_space<vmem>>) semaphore(%run_scoped3A : memref<!tpu.dma_semaphore, #tpu.memory_space<semaphore_mem>>) {add = true}
        %dma_wait3A = arith.constant 0 : i32
        %dma_wait3A_37 = tpu.memref_slice %arg4[%scan3A_31, %dma_wait3A] : memref<125x80xi32, #tpu.memory_space<vmem>> -> memref<1x80xi32, #tpu.memory_space<vmem>>
        %dma_wait3A_38 = tpu.memref_squeeze %dma_wait3A_37 : memref<1x80xi32, #tpu.memory_space<vmem>> -> memref<80xi32, #tpu.memory_space<vmem>>
        %dma_wait3A_39 = arith.constant 0 : i32
        %dma_wait3A_40 = arith.constant 0 : i32
        %dma_wait3A_41 = tpu.memref_slice %arg6[%dma_wait3A_39, %dma_wait3A_40] : memref<10240x128xf32, #tpu.memory_space<vmem_shared>> -> memref<10240x128xf32, #tpu.memory_space<vmem_shared>>
        tpu.wait_indirect_dma semaphore(%run_scoped3A : memref<!tpu.dma_semaphore, #tpu.memory_space<semaphore_mem>>) src(%arg5 : memref<80x128xf32, #tpu.memory_space<vmem>>) dst(%dma_wait3A_41 : memref<10240x128xf32, #tpu.memory_space<vmem_shared>>)
        tpu.yield
      }) : () -> ()
    }
    %scan3A_23 = arith.constant 125 : i32
    %barrier3A_24 = arith.constant 0 : index
    tpu.barrier barrier_id(%barrier3A_24)
    %scan3A_25 = arith.constant 0 : i32
    %scan3A_26 = arith.constant 0 : i32
    %scan3A_27 = arith.constant 8 : i32
    %scan3A_28 = arith.addi %scan3A_26, %scan3A_27 : i32
    %scan3A_29 = arith.constant 1 : i32
    scf.for %scan3A_31 = %scan3A_26 to %scan3A_28 step %scan3A_29  : i32 {
      %mul3A_32 = arith.constant 640 : i32
      %mul3A_33 = arith.muli %arg1, %mul3A_32 : i32
      %mul3A_34 = arith.constant 80 : i32
      %mul3A_35 = arith.muli %scan3A_31, %mul3A_34 : i32
      %add3A_36 = arith.addi %mul3A_33, %mul3A_35 : i32
      "tpu.region"() ({
        %run_scoped3A = tpu.sem_alloc : memref<!tpu.dma_semaphore, #tpu.memory_space<semaphore_mem>>
        %dma_start3A = arith.constant 0 : i32
        %dma_start3A_45 = tpu.memref_slice %arg6[%add3A_36, %dma_start3A] : memref<10240x128xf32, #tpu.memory_space<vmem_shared>> -> memref<80x128xf32, #tpu.memory_space<vmem_shared>>
        %dma_start3A_46 = arith.constant 0 : i32
        %dma_start3A_47 = tpu.memref_slice %arg6[%add3A_36, %dma_start3A_46] : memref<10240x128xf32, #tpu.memory_space<vmem_shared>> -> memref<80x128xf32, #tpu.memory_space<vmem_shared>>
        tpu.enqueue_dma source(%dma_start3A_47 : memref<80x128xf32, #tpu.memory_space<vmem_shared>>) target(%arg5 : memref<80x128xf32, #tpu.memory_space<vmem>>) target_semaphore(%run_scoped3A : memref<!tpu.dma_semaphore, #tpu.memory_space<semaphore_mem>>)
        %dma_wait3A = arith.constant 0 : i32
        %dma_wait3A_48 = tpu.memref_slice %arg6[%add3A_36, %dma_wait3A] : memref<10240x128xf32, #tpu.memory_space<vmem_shared>> -> memref<80x128xf32, #tpu.memory_space<vmem_shared>>
        %dma_wait3A_49 = arith.constant 0 : i32
        %dma_wait3A_50 = tpu.memref_slice %arg6[%add3A_36, %dma_wait3A_49] : memref<10240x128xf32, #tpu.memory_space<vmem_shared>> -> memref<80x128xf32, #tpu.memory_space<vmem_shared>>
        tpu.wait_dma2 semaphore(%run_scoped3A : memref<!tpu.dma_semaphore, #tpu.memory_space<semaphore_mem>>) src(%dma_wait3A_50 : memref<80x128xf32, #tpu.memory_space<vmem_shared>>) dst(%arg5 : memref<80x128xf32, #tpu.memory_space<vmem>>)
        tpu.yield
      }) : () -> ()
      %mul3A_37 = arith.constant 10240 : i32
      %mul3A_38 = arith.muli %arg0, %mul3A_37 : i32
      %mul3A_39 = arith.constant 640 : i32
      %mul3A_40 = arith.muli %arg1, %mul3A_39 : i32
      %add3A_41 = arith.addi %mul3A_38, %mul3A_40 : i32
      %mul3A_42 = arith.constant 80 : i32
      %mul3A_43 = arith.muli %scan3A_31, %mul3A_42 : i32
      %add3A_44 = arith.addi %add3A_41, %mul3A_43 : i32
      "tpu.region"() ({
        %run_scoped3A = tpu.sem_alloc : memref<!tpu.dma_semaphore, #tpu.memory_space<semaphore_mem>>
        %dma_start3A = arith.constant 0 : i32
        %dma_start3A_45 = tpu.memref_slice %arg3[%add3A_44, %dma_start3A] : memref<20480x128xf32, #tpu.memory_space<hbm>> -> memref<80x128xf32, #tpu.memory_space<hbm>>
        %dma_start3A_46 = arith.constant 0 : i32
        %dma_start3A_47 = tpu.memref_slice %arg3[%add3A_44, %dma_start3A_46] : memref<20480x128xf32, #tpu.memory_space<hbm>> -> memref<80x128xf32, #tpu.memory_space<hbm>>
        tpu.enqueue_dma source(%arg5 : memref<80x128xf32, #tpu.memory_space<vmem>>) target(%dma_start3A_47 : memref<80x128xf32, #tpu.memory_space<hbm>>) target_semaphore(%run_scoped3A : memref<!tpu.dma_semaphore, #tpu.memory_space<semaphore_mem>>)
        %dma_wait3A = arith.constant 0 : i32
        %dma_wait3A_48 = tpu.memref_slice %arg3[%add3A_44, %dma_wait3A] : memref<20480x128xf32, #tpu.memory_space<hbm>> -> memref<80x128xf32, #tpu.memory_space<hbm>>
        %dma_wait3A_49 = arith.constant 0 : i32
        %dma_wait3A_50 = tpu.memref_slice %arg3[%add3A_44, %dma_wait3A_49] : memref<20480x128xf32, #tpu.memory_space<hbm>> -> memref<80x128xf32, #tpu.memory_space<hbm>>
        tpu.wait_dma2 semaphore(%run_scoped3A : memref<!tpu.dma_semaphore, #tpu.memory_space<semaphore_mem>>) src(%arg5 : memref<80x128xf32, #tpu.memory_space<vmem>>) dst(%dma_wait3A_50 : memref<80x128xf32, #tpu.memory_space<hbm>>)
        tpu.yield
      }) : () -> ()
    }
    %scan3A_30 = arith.constant 8 : i32
    return
  }
}

#map = affine_map<(d0, d1) -> (0, 0)>
module attributes {stable_mosaic.version = 14 : i64} {
  func.func @_sc_build_g_body(%arg0: i32, %arg1: i32, %arg2: memref<10000x128xf32, #tpu.memory_space<hbm>>, %arg3: memref<10000x128xf32, #tpu.memory_space<hbm>>, %arg4: memref<32x10000xi32, #tpu.memory_space<hbm>>, %arg5: memref<32x10000xi32, #tpu.memory_space<hbm>>, %arg6: memref<320000x128xf32, #tpu.memory_space<hbm>>, %arg7: memref<10000xi32, #tpu.memory_space<vmem>>, %arg8: memref<10000xi32, #tpu.memory_space<vmem>>, %arg9: memref<200x128xf32, #tpu.memory_space<vmem>>, %arg10: memref<200x128xf32, #tpu.memory_space<vmem>>, %arg11: memref<200x128xf32, #tpu.memory_space<vmem>>, %arg12: memref<200x128xf32, #tpu.memory_space<vmem>>, %arg13: memref<!tpu.dma_semaphore, #tpu.memory_space<semaphore_mem>>, %arg14: memref<!tpu.dma_semaphore, #tpu.memory_space<semaphore_mem>>, %arg15: memref<!tpu.dma_semaphore, #tpu.memory_space<semaphore_mem>>, %arg16: memref<!tpu.dma_semaphore, #tpu.memory_space<semaphore_mem>>) attributes {dimension_semantics = [#tpu.dimension_semantics<core_parallel>, #tpu.dimension_semantics<subcore_parallel>], iteration_bounds = array<i64: 2, 16>, scalar_prefetch = 0 : i64, scratch_operands = 10 : i64, tpu.core_type = #tpu.core_type<sc_vector_subcore>, window_params = [{transform_indices = #map}, {transform_indices = #map}, {transform_indices = #map}, {transform_indices = #map}, {transform_indices = #map}]} {
    %mul3A = arith.constant 2 : i32
    %mul3A_0 = arith.muli %arg1, %mul3A : i32
    %add3A = arith.addi %mul3A_0, %arg0 : i32
    "tpu.region"() ({
      %run_scoped3A = tpu.sem_alloc : memref<!tpu.dma_semaphore, #tpu.memory_space<semaphore_mem>>
      %dma_start3A_15 = arith.constant 0 : i32
      %dma_start3A_16 = tpu.memref_slice %arg4[%add3A, %dma_start3A_15] : memref<32x10000xi32, #tpu.memory_space<hbm>> -> memref<1x10000xi32, #tpu.memory_space<hbm>>
      %dma_start3A_17 = tpu.memref_squeeze %dma_start3A_16 : memref<1x10000xi32, #tpu.memory_space<hbm>> -> memref<10000xi32, #tpu.memory_space<hbm>>
      %dma_start3A_18 = arith.constant 0 : i32
      %dma_start3A_19 = tpu.memref_slice %arg4[%add3A, %dma_start3A_18] : memref<32x10000xi32, #tpu.memory_space<hbm>> -> memref<1x10000xi32, #tpu.memory_space<hbm>>
      %dma_start3A_20 = tpu.memref_squeeze %dma_start3A_19 : memref<1x10000xi32, #tpu.memory_space<hbm>> -> memref<10000xi32, #tpu.memory_space<hbm>>
      tpu.enqueue_dma source(%dma_start3A_20 : memref<10000xi32, #tpu.memory_space<hbm>>) target(%arg7 : memref<10000xi32, #tpu.memory_space<vmem>>) target_semaphore(%run_scoped3A : memref<!tpu.dma_semaphore, #tpu.memory_space<semaphore_mem>>)
      %dma_wait3A = arith.constant 0 : i32
      %dma_wait3A_21 = tpu.memref_slice %arg4[%add3A, %dma_wait3A] : memref<32x10000xi32, #tpu.memory_space<hbm>> -> memref<1x10000xi32, #tpu.memory_space<hbm>>
      %dma_wait3A_22 = tpu.memref_squeeze %dma_wait3A_21 : memref<1x10000xi32, #tpu.memory_space<hbm>> -> memref<10000xi32, #tpu.memory_space<hbm>>
      %dma_wait3A_23 = arith.constant 0 : i32
      %dma_wait3A_24 = tpu.memref_slice %arg4[%add3A, %dma_wait3A_23] : memref<32x10000xi32, #tpu.memory_space<hbm>> -> memref<1x10000xi32, #tpu.memory_space<hbm>>
      %dma_wait3A_25 = tpu.memref_squeeze %dma_wait3A_24 : memref<1x10000xi32, #tpu.memory_space<hbm>> -> memref<10000xi32, #tpu.memory_space<hbm>>
      tpu.wait_dma2 semaphore(%run_scoped3A : memref<!tpu.dma_semaphore, #tpu.memory_space<semaphore_mem>>) src(%dma_wait3A_25 : memref<10000xi32, #tpu.memory_space<hbm>>) dst(%arg7 : memref<10000xi32, #tpu.memory_space<vmem>>)
      tpu.yield
    }) : () -> ()
    "tpu.region"() ({
      %run_scoped3A = tpu.sem_alloc : memref<!tpu.dma_semaphore, #tpu.memory_space<semaphore_mem>>
      %dma_start3A_15 = arith.constant 0 : i32
      %dma_start3A_16 = tpu.memref_slice %arg5[%add3A, %dma_start3A_15] : memref<32x10000xi32, #tpu.memory_space<hbm>> -> memref<1x10000xi32, #tpu.memory_space<hbm>>
      %dma_start3A_17 = tpu.memref_squeeze %dma_start3A_16 : memref<1x10000xi32, #tpu.memory_space<hbm>> -> memref<10000xi32, #tpu.memory_space<hbm>>
      %dma_start3A_18 = arith.constant 0 : i32
      %dma_start3A_19 = tpu.memref_slice %arg5[%add3A, %dma_start3A_18] : memref<32x10000xi32, #tpu.memory_space<hbm>> -> memref<1x10000xi32, #tpu.memory_space<hbm>>
      %dma_start3A_20 = tpu.memref_squeeze %dma_start3A_19 : memref<1x10000xi32, #tpu.memory_space<hbm>> -> memref<10000xi32, #tpu.memory_space<hbm>>
      tpu.enqueue_dma source(%dma_start3A_20 : memref<10000xi32, #tpu.memory_space<hbm>>) target(%arg8 : memref<10000xi32, #tpu.memory_space<vmem>>) target_semaphore(%run_scoped3A : memref<!tpu.dma_semaphore, #tpu.memory_space<semaphore_mem>>)
      %dma_wait3A = arith.constant 0 : i32
      %dma_wait3A_21 = tpu.memref_slice %arg5[%add3A, %dma_wait3A] : memref<32x10000xi32, #tpu.memory_space<hbm>> -> memref<1x10000xi32, #tpu.memory_space<hbm>>
      %dma_wait3A_22 = tpu.memref_squeeze %dma_wait3A_21 : memref<1x10000xi32, #tpu.memory_space<hbm>> -> memref<10000xi32, #tpu.memory_space<hbm>>
      %dma_wait3A_23 = arith.constant 0 : i32
      %dma_wait3A_24 = tpu.memref_slice %arg5[%add3A, %dma_wait3A_23] : memref<32x10000xi32, #tpu.memory_space<hbm>> -> memref<1x10000xi32, #tpu.memory_space<hbm>>
      %dma_wait3A_25 = tpu.memref_squeeze %dma_wait3A_24 : memref<1x10000xi32, #tpu.memory_space<hbm>> -> memref<10000xi32, #tpu.memory_space<hbm>>
      tpu.wait_dma2 semaphore(%run_scoped3A : memref<!tpu.dma_semaphore, #tpu.memory_space<semaphore_mem>>) src(%dma_wait3A_25 : memref<10000xi32, #tpu.memory_space<hbm>>) dst(%arg8 : memref<10000xi32, #tpu.memory_space<vmem>>)
      tpu.yield
    }) : () -> ()
    %dma_start3A = arith.constant 0 : i32
    %dma_start3A_1 = tpu.memref_slice %arg7[%dma_start3A] : memref<10000xi32, #tpu.memory_space<vmem>> -> memref<200xi32, #tpu.memory_space<vmem>>
    %dma_start3A_2 = arith.constant 0 : i32
    %dma_start3A_3 = arith.constant 0 : i32
    %dma_start3A_4 = tpu.memref_slice %arg2[%dma_start3A_2, %dma_start3A_3] : memref<10000x128xf32, #tpu.memory_space<hbm>> -> memref<10000x128xf32, #tpu.memory_space<hbm>>
    tpu.enqueue_indirect_dma source(%dma_start3A_4 : memref<10000x128xf32, #tpu.memory_space<hbm>>) target(%arg9 : memref<200x128xf32, #tpu.memory_space<vmem>>) offsets(%dma_start3A_1 : memref<200xi32, #tpu.memory_space<vmem>>) semaphore(%arg13 : memref<!tpu.dma_semaphore, #tpu.memory_space<semaphore_mem>>)
    %dma_start3A_5 = arith.constant 0 : i32
    %dma_start3A_6 = tpu.memref_slice %arg8[%dma_start3A_5] : memref<10000xi32, #tpu.memory_space<vmem>> -> memref<200xi32, #tpu.memory_space<vmem>>
    %dma_start3A_7 = arith.constant 0 : i32
    %dma_start3A_8 = arith.constant 0 : i32
    %dma_start3A_9 = tpu.memref_slice %arg3[%dma_start3A_7, %dma_start3A_8] : memref<10000x128xf32, #tpu.memory_space<hbm>> -> memref<10000x128xf32, #tpu.memory_space<hbm>>
    tpu.enqueue_indirect_dma source(%dma_start3A_9 : memref<10000x128xf32, #tpu.memory_space<hbm>>) target(%arg10 : memref<200x128xf32, #tpu.memory_space<vmem>>) offsets(%dma_start3A_6 : memref<200xi32, #tpu.memory_space<vmem>>) semaphore(%arg14 : memref<!tpu.dma_semaphore, #tpu.memory_space<semaphore_mem>>)
    %scan3A = arith.constant 0 : i32
    %scan3A_10 = arith.constant 0 : i32
    %scan3A_11 = arith.constant 25 : i32
    %scan3A_12 = arith.addi %scan3A_10, %scan3A_11 : i32
    %scan3A_13 = arith.constant 1 : i32
    scf.for %scan3A_15 = %scan3A_10 to %scan3A_12 step %scan3A_13  : i32 {
      %mul3A_16 = arith.constant 2 : i32
      %mul3A_17 = arith.muli %mul3A_16, %scan3A_15 : i32
      %add3A_18 = arith.constant 1 : i32
      %add3A_19 = arith.addi %mul3A_17, %add3A_18 : i32
      %mul3A_20 = arith.constant 200 : i32
      %mul3A_21 = arith.muli %add3A_19, %mul3A_20 : i32
      %dma_start3A_22 = tpu.memref_slice %arg7[%mul3A_21] : memref<10000xi32, #tpu.memory_space<vmem>> -> memref<200xi32, #tpu.memory_space<vmem>>
      %dma_start3A_23 = arith.constant 0 : i32
      %dma_start3A_24 = arith.constant 0 : i32
      %dma_start3A_25 = tpu.memref_slice %arg2[%dma_start3A_23, %dma_start3A_24] : memref<10000x128xf32, #tpu.memory_space<hbm>> -> memref<10000x128xf32, #tpu.memory_space<hbm>>
      tpu.enqueue_indirect_dma source(%dma_start3A_25 : memref<10000x128xf32, #tpu.memory_space<hbm>>) target(%arg11 : memref<200x128xf32, #tpu.memory_space<vmem>>) offsets(%dma_start3A_22 : memref<200xi32, #tpu.memory_space<vmem>>) semaphore(%arg15 : memref<!tpu.dma_semaphore, #tpu.memory_space<semaphore_mem>>)
      %mul3A_26 = arith.constant 200 : i32
      %mul3A_27 = arith.muli %add3A_19, %mul3A_26 : i32
      %dma_start3A_28 = tpu.memref_slice %arg8[%mul3A_27] : memref<10000xi32, #tpu.memory_space<vmem>> -> memref<200xi32, #tpu.memory_space<vmem>>
      %dma_start3A_29 = arith.constant 0 : i32
      %dma_start3A_30 = arith.constant 0 : i32
      %dma_start3A_31 = tpu.memref_slice %arg3[%dma_start3A_29, %dma_start3A_30] : memref<10000x128xf32, #tpu.memory_space<hbm>> -> memref<10000x128xf32, #tpu.memory_space<hbm>>
      tpu.enqueue_indirect_dma source(%dma_start3A_31 : memref<10000x128xf32, #tpu.memory_space<hbm>>) target(%arg12 : memref<200x128xf32, #tpu.memory_space<vmem>>) offsets(%dma_start3A_28 : memref<200xi32, #tpu.memory_space<vmem>>) semaphore(%arg16 : memref<!tpu.dma_semaphore, #tpu.memory_space<semaphore_mem>>)
      %dma_wait3A = arith.constant 0 : i32
      %dma_wait3A_32 = arith.constant 0 : i32
      %dma_wait3A_33 = tpu.memref_slice %arg2[%dma_wait3A, %dma_wait3A_32] : memref<10000x128xf32, #tpu.memory_space<hbm>> -> memref<200x128xf32, #tpu.memory_space<hbm>>
      %dma_wait3A_34 = arith.constant 0 : i32
      %dma_wait3A_35 = arith.constant 0 : i32
      %dma_wait3A_36 = tpu.memref_slice %arg2[%dma_wait3A_34, %dma_wait3A_35] : memref<10000x128xf32, #tpu.memory_space<hbm>> -> memref<200x128xf32, #tpu.memory_space<hbm>>
      tpu.wait_dma2 semaphore(%arg13 : memref<!tpu.dma_semaphore, #tpu.memory_space<semaphore_mem>>) src(%dma_wait3A_36 : memref<200x128xf32, #tpu.memory_space<hbm>>) dst(%arg9 : memref<200x128xf32, #tpu.memory_space<vmem>>)
      %dma_wait3A_37 = arith.constant 0 : i32
      %dma_wait3A_38 = arith.constant 0 : i32
      %dma_wait3A_39 = tpu.memref_slice %arg2[%dma_wait3A_37, %dma_wait3A_38] : memref<10000x128xf32, #tpu.memory_space<hbm>> -> memref<200x128xf32, #tpu.memory_space<hbm>>
      %dma_wait3A_40 = arith.constant 0 : i32
      %dma_wait3A_41 = arith.constant 0 : i32
      %dma_wait3A_42 = tpu.memref_slice %arg2[%dma_wait3A_40, %dma_wait3A_41] : memref<10000x128xf32, #tpu.memory_space<hbm>> -> memref<200x128xf32, #tpu.memory_space<hbm>>
      tpu.wait_dma2 semaphore(%arg14 : memref<!tpu.dma_semaphore, #tpu.memory_space<semaphore_mem>>) src(%dma_wait3A_42 : memref<200x128xf32, #tpu.memory_space<hbm>>) dst(%arg10 : memref<200x128xf32, #tpu.memory_space<vmem>>)
      %scan3A_43 = arith.constant 0 : i32
      %scan3A_44 = arith.constant 0 : i32
      %scan3A_45 = arith.constant 200 : i32
      %scan3A_46 = arith.addi %scan3A_44, %scan3A_45 : i32
      %scan3A_47 = arith.constant 1 : i32
      scf.for %scan3A_79 = %scan3A_44 to %scan3A_46 step %scan3A_47  : i32 {
        %get3A = arith.index_cast %scan3A_79 : i32 to index
        %get3A_80 = arith.constant 0 : index
        %get3A_81 = tpu.vector_load %arg9[%get3A, %get3A_80] {strides = array<i32>} : memref<200x128xf32, #tpu.memory_space<vmem>>, vector<1x16xf32>,
        %get3A_82 = vector.shape_cast %get3A_81 : vector<1x16xf32> to vector<16xf32>
        %get3A_83 = arith.index_cast %scan3A_79 : i32 to index
        %get3A_84 = arith.constant 0 : index
        %get3A_85 = tpu.vector_load %arg10[%get3A_83, %get3A_84] {strides = array<i32>} : memref<200x128xf32, #tpu.memory_space<vmem>>, vector<1x16xf32>,
        %get3A_86 = vector.shape_cast %get3A_85 : vector<1x16xf32> to vector<16xf32>
        %add3A_87 = arith.addf %get3A_82, %get3A_86 : vector<16xf32>
        %swap3A = arith.index_cast %scan3A_79 : i32 to index
        %swap3A_88 = arith.constant 0 : index
        %swap3A_89 = tpu.vector_load %arg9[%swap3A, %swap3A_88] {strides = array<i32>} : memref<200x128xf32, #tpu.memory_space<vmem>>, vector<1x16xf32>,
        %swap3A_90 = vector.shape_cast %swap3A_89 : vector<1x16xf32> to vector<16xf32>
        %swap3A_91 = vector.shape_cast %add3A_87 : vector<16xf32> to vector<1x16xf32>
        tpu.vector_store %arg9[%swap3A, %swap3A_88], %swap3A_91 {strides = array<i32>} : memref<200x128xf32, #tpu.memory_space<vmem>>, vector<1x16xf32>,
        %get3A_92 = arith.index_cast %scan3A_79 : i32 to index
        %get3A_93 = arith.constant 16 : index
        %get3A_94 = tpu.vector_load %arg9[%get3A_92, %get3A_93] {strides = array<i32>} : memref<200x128xf32, #tpu.memory_space<vmem>>, vector<1x16xf32>,
        %get3A_95 = vector.shape_cast %get3A_94 : vector<1x16xf32> to vector<16xf32>
        %get3A_96 = arith.index_cast %scan3A_79 : i32 to index
        %get3A_97 = arith.constant 16 : index
        %get3A_98 = tpu.vector_load %arg10[%get3A_96, %get3A_97] {strides = array<i32>} : memref<200x128xf32, #tpu.memory_space<vmem>>, vector<1x16xf32>,
        %get3A_99 = vector.shape_cast %get3A_98 : vector<1x16xf32> to vector<16xf32>
        %add3A_100 = arith.addf %get3A_95, %get3A_99 : vector<16xf32>
        %swap3A_101 = arith.index_cast %scan3A_79 : i32 to index
        %swap3A_102 = arith.constant 16 : index
        %swap3A_103 = tpu.vector_load %arg9[%swap3A_101, %swap3A_102] {strides = array<i32>} : memref<200x128xf32, #tpu.memory_space<vmem>>, vector<1x16xf32>,
        %swap3A_104 = vector.shape_cast %swap3A_103 : vector<1x16xf32> to vector<16xf32>
        %swap3A_105 = vector.shape_cast %add3A_100 : vector<16xf32> to vector<1x16xf32>
        tpu.vector_store %arg9[%swap3A_101, %swap3A_102], %swap3A_105 {strides = array<i32>} : memref<200x128xf32, #tpu.memory_space<vmem>>, vector<1x16xf32>,
        %get3A_106 = arith.index_cast %scan3A_79 : i32 to index
        %get3A_107 = arith.constant 32 : index
        %get3A_108 = tpu.vector_load %arg9[%get3A_106, %get3A_107] {strides = array<i32>} : memref<200x128xf32, #tpu.memory_space<vmem>>, vector<1x16xf32>,
        %get3A_109 = vector.shape_cast %get3A_108 : vector<1x16xf32> to vector<16xf32>
        %get3A_110 = arith.index_cast %scan3A_79 : i32 to index
        %get3A_111 = arith.constant 32 : index
        %get3A_112 = tpu.vector_load %arg10[%get3A_110, %get3A_111] {strides = array<i32>} : memref<200x128xf32, #tpu.memory_space<vmem>>, vector<1x16xf32>,
        %get3A_113 = vector.shape_cast %get3A_112 : vector<1x16xf32> to vector<16xf32>
        %add3A_114 = arith.addf %get3A_109, %get3A_113 : vector<16xf32>
        %swap3A_115 = arith.index_cast %scan3A_79 : i32 to index
        %swap3A_116 = arith.constant 32 : index
        %swap3A_117 = tpu.vector_load %arg9[%swap3A_115, %swap3A_116] {strides = array<i32>} : memref<200x128xf32, #tpu.memory_space<vmem>>, vector<1x16xf32>,
        %swap3A_118 = vector.shape_cast %swap3A_117 : vector<1x16xf32> to vector<16xf32>
        %swap3A_119 = vector.shape_cast %add3A_114 : vector<16xf32> to vector<1x16xf32>
        tpu.vector_store %arg9[%swap3A_115, %swap3A_116], %swap3A_119 {strides = array<i32>} : memref<200x128xf32, #tpu.memory_space<vmem>>, vector<1x16xf32>,
        %get3A_120 = arith.index_cast %scan3A_79 : i32 to index
        %get3A_121 = arith.constant 48 : index
        %get3A_122 = tpu.vector_load %arg9[%get3A_120, %get3A_121] {strides = array<i32>} : memref<200x128xf32, #tpu.memory_space<vmem>>, vector<1x16xf32>,
        %get3A_123 = vector.shape_cast %get3A_122 : vector<1x16xf32> to vector<16xf32>
        %get3A_124 = arith.index_cast %scan3A_79 : i32 to index
        %get3A_125 = arith.constant 48 : index
        %get3A_126 = tpu.vector_load %arg10[%get3A_124, %get3A_125] {strides = array<i32>} : memref<200x128xf32, #tpu.memory_space<vmem>>, vector<1x16xf32>,
        %get3A_127 = vector.shape_cast %get3A_126 : vector<1x16xf32> to vector<16xf32>
        %add3A_128 = arith.addf %get3A_123, %get3A_127 : vector<16xf32>
        %swap3A_129 = arith.index_cast %scan3A_79 : i32 to index
        %swap3A_130 = arith.constant 48 : index
        %swap3A_131 = tpu.vector_load %arg9[%swap3A_129, %swap3A_130] {strides = array<i32>} : memref<200x128xf32, #tpu.memory_space<vmem>>, vector<1x16xf32>,
        %swap3A_132 = vector.shape_cast %swap3A_131 : vector<1x16xf32> to vector<16xf32>
        %swap3A_133 = vector.shape_cast %add3A_128 : vector<16xf32> to vector<1x16xf32>
        tpu.vector_store %arg9[%swap3A_129, %swap3A_130], %swap3A_133 {strides = array<i32>} : memref<200x128xf32, #tpu.memory_space<vmem>>, vector<1x16xf32>,
        %get3A_134 = arith.index_cast %scan3A_79 : i32 to index
        %get3A_135 = arith.constant 64 : index
        %get3A_136 = tpu.vector_load %arg9[%get3A_134, %get3A_135] {strides = array<i32>} : memref<200x128xf32, #tpu.memory_space<vmem>>, vector<1x16xf32>,
        %get3A_137 = vector.shape_cast %get3A_136 : vector<1x16xf32> to vector<16xf32>
        %get3A_138 = arith.index_cast %scan3A_79 : i32 to index
        %get3A_139 = arith.constant 64 : index
        %get3A_140 = tpu.vector_load %arg10[%get3A_138, %get3A_139] {strides = array<i32>} : memref<200x128xf32, #tpu.memory_space<vmem>>, vector<1x16xf32>,
        %get3A_141 = vector.shape_cast %get3A_140 : vector<1x16xf32> to vector<16xf32>
        %add3A_142 = arith.addf %get3A_137, %get3A_141 : vector<16xf32>
        %swap3A_143 = arith.index_cast %scan3A_79 : i32 to index
        %swap3A_144 = arith.constant 64 : index
        %swap3A_145 = tpu.vector_load %arg9[%swap3A_143, %swap3A_144] {strides = array<i32>} : memref<200x128xf32, #tpu.memory_space<vmem>>, vector<1x16xf32>,
        %swap3A_146 = vector.shape_cast %swap3A_145 : vector<1x16xf32> to vector<16xf32>
        %swap3A_147 = vector.shape_cast %add3A_142 : vector<16xf32> to vector<1x16xf32>
        tpu.vector_store %arg9[%swap3A_143, %swap3A_144], %swap3A_147 {strides = array<i32>} : memref<200x128xf32, #tpu.memory_space<vmem>>, vector<1x16xf32>,
        %get3A_148 = arith.index_cast %scan3A_79 : i32 to index
        %get3A_149 = arith.constant 80 : index
        %get3A_150 = tpu.vector_load %arg9[%get3A_148, %get3A_149] {strides = array<i32>} : memref<200x128xf32, #tpu.memory_space<vmem>>, vector<1x16xf32>,
        %get3A_151 = vector.shape_cast %get3A_150 : vector<1x16xf32> to vector<16xf32>
        %get3A_152 = arith.index_cast %scan3A_79 : i32 to index
        %get3A_153 = arith.constant 80 : index
        %get3A_154 = tpu.vector_load %arg10[%get3A_152, %get3A_153] {strides = array<i32>} : memref<200x128xf32, #tpu.memory_space<vmem>>, vector<1x16xf32>,
        %get3A_155 = vector.shape_cast %get3A_154 : vector<1x16xf32> to vector<16xf32>
        %add3A_156 = arith.addf %get3A_151, %get3A_155 : vector<16xf32>
        %swap3A_157 = arith.index_cast %scan3A_79 : i32 to index
        %swap3A_158 = arith.constant 80 : index
        %swap3A_159 = tpu.vector_load %arg9[%swap3A_157, %swap3A_158] {strides = array<i32>} : memref<200x128xf32, #tpu.memory_space<vmem>>, vector<1x16xf32>,
        %swap3A_160 = vector.shape_cast %swap3A_159 : vector<1x16xf32> to vector<16xf32>
        %swap3A_161 = vector.shape_cast %add3A_156 : vector<16xf32> to vector<1x16xf32>
        tpu.vector_store %arg9[%swap3A_157, %swap3A_158], %swap3A_161 {strides = array<i32>} : memref<200x128xf32, #tpu.memory_space<vmem>>, vector<1x16xf32>,
        %get3A_162 = arith.index_cast %scan3A_79 : i32 to index
        %get3A_163 = arith.constant 96 : index
        %get3A_164 = tpu.vector_load %arg9[%get3A_162, %get3A_163] {strides = array<i32>} : memref<200x128xf32, #tpu.memory_space<vmem>>, vector<1x16xf32>,
        %get3A_165 = vector.shape_cast %get3A_164 : vector<1x16xf32> to vector<16xf32>
        %get3A_166 = arith.index_cast %scan3A_79 : i32 to index
        %get3A_167 = arith.constant 96 : index
        %get3A_168 = tpu.vector_load %arg10[%get3A_166, %get3A_167] {strides = array<i32>} : memref<200x128xf32, #tpu.memory_space<vmem>>, vector<1x16xf32>,
        %get3A_169 = vector.shape_cast %get3A_168 : vector<1x16xf32> to vector<16xf32>
        %add3A_170 = arith.addf %get3A_165, %get3A_169 : vector<16xf32>
        %swap3A_171 = arith.index_cast %scan3A_79 : i32 to index
        %swap3A_172 = arith.constant 96 : index
        %swap3A_173 = tpu.vector_load %arg9[%swap3A_171, %swap3A_172] {strides = array<i32>} : memref<200x128xf32, #tpu.memory_space<vmem>>, vector<1x16xf32>,
        %swap3A_174 = vector.shape_cast %swap3A_173 : vector<1x16xf32> to vector<16xf32>
        %swap3A_175 = vector.shape_cast %add3A_170 : vector<16xf32> to vector<1x16xf32>
        tpu.vector_store %arg9[%swap3A_171, %swap3A_172], %swap3A_175 {strides = array<i32>} : memref<200x128xf32, #tpu.memory_space<vmem>>, vector<1x16xf32>,
        %get3A_176 = arith.index_cast %scan3A_79 : i32 to index
        %get3A_177 = arith.constant 112 : index
        %get3A_178 = tpu.vector_load %arg9[%get3A_176, %get3A_177] {strides = array<i32>} : memref<200x128xf32, #tpu.memory_space<vmem>>, vector<1x16xf32>,
        %get3A_179 = vector.shape_cast %get3A_178 : vector<1x16xf32> to vector<16xf32>
        %get3A_180 = arith.index_cast %scan3A_79 : i32 to index
        %get3A_181 = arith.constant 112 : index
        %get3A_182 = tpu.vector_load %arg10[%get3A_180, %get3A_181] {strides = array<i32>} : memref<200x128xf32, #tpu.memory_space<vmem>>, vector<1x16xf32>,
        %get3A_183 = vector.shape_cast %get3A_182 : vector<1x16xf32> to vector<16xf32>
        %add3A_184 = arith.addf %get3A_179, %get3A_183 : vector<16xf32>
        %swap3A_185 = arith.index_cast %scan3A_79 : i32 to index
        %swap3A_186 = arith.constant 112 : index
        %swap3A_187 = tpu.vector_load %arg9[%swap3A_185, %swap3A_186] {strides = array<i32>} : memref<200x128xf32, #tpu.memory_space<vmem>>, vector<1x16xf32>,
        %swap3A_188 = vector.shape_cast %swap3A_187 : vector<1x16xf32> to vector<16xf32>
        %swap3A_189 = vector.shape_cast %add3A_184 : vector<16xf32> to vector<1x16xf32>
        tpu.vector_store %arg9[%swap3A_185, %swap3A_186], %swap3A_189 {strides = array<i32>} : memref<200x128xf32, #tpu.memory_space<vmem>>, vector<1x16xf32>,
      }
      %scan3A_48 = arith.constant 200 : i32
      %mul3A_49 = arith.constant 10000 : i32
      %mul3A_50 = arith.muli %add3A, %mul3A_49 : i32
      %mul3A_51 = arith.constant 200 : i32
      %mul3A_52 = arith.muli %mul3A_17, %mul3A_51 : i32
      %add3A_53 = arith.addi %mul3A_50, %mul3A_52 : i32
      "tpu.region"() ({
        %run_scoped3A = tpu.sem_alloc : memref<!tpu.dma_semaphore, #tpu.memory_space<semaphore_mem>>
        %dma_start3A_79 = arith.constant 0 : i32
        %dma_start3A_80 = tpu.memref_slice %arg6[%add3A_53, %dma_start3A_79] : memref<320000x128xf32, #tpu.memory_space<hbm>> -> memref<200x128xf32, #tpu.memory_space<hbm>>
        %dma_start3A_81 = arith.constant 0 : i32
        %dma_start3A_82 = tpu.memref_slice %arg6[%add3A_53, %dma_start3A_81] : memref<320000x128xf32, #tpu.memory_space<hbm>> -> memref<200x128xf32, #tpu.memory_space<hbm>>
        tpu.enqueue_dma source(%arg9 : memref<200x128xf32, #tpu.memory_space<vmem>>) target(%dma_start3A_82 : memref<200x128xf32, #tpu.memory_space<hbm>>) target_semaphore(%run_scoped3A : memref<!tpu.dma_semaphore, #tpu.memory_space<semaphore_mem>>)
        %dma_wait3A_83 = arith.constant 0 : i32
        %dma_wait3A_84 = tpu.memref_slice %arg6[%add3A_53, %dma_wait3A_83] : memref<320000x128xf32, #tpu.memory_space<hbm>> -> memref<200x128xf32, #tpu.memory_space<hbm>>
        %dma_wait3A_85 = arith.constant 0 : i32
        %dma_wait3A_86 = tpu.memref_slice %arg6[%add3A_53, %dma_wait3A_85] : memref<320000x128xf32, #tpu.memory_space<hbm>> -> memref<200x128xf32, #tpu.memory_space<hbm>>
        tpu.wait_dma2 semaphore(%run_scoped3A : memref<!tpu.dma_semaphore, #tpu.memory_space<semaphore_mem>>) src(%arg9 : memref<200x128xf32, #tpu.memory_space<vmem>>) dst(%dma_wait3A_86 : memref<200x128xf32, #tpu.memory_space<hbm>>)
        tpu.yield
      }) : () -> ()
      %lt3A = arith.constant 24 : i32
      %lt3A_54 = arith.cmpi slt, %scan3A_15, %lt3A : i32
      %convert_element_type3A = arith.extui %lt3A_54 : i1 to i32
      %cond3A = arith.constant 0 : i32
      %cond3A_55 = arith.cmpi ne, %convert_element_type3A, %cond3A : i32
      scf.if %cond3A_55 {
        %add3A_79 = arith.constant 2 : i32
        %add3A_80 = arith.addi %mul3A_17, %add3A_79 : i32
        %mul3A_81 = arith.constant 200 : i32
        %mul3A_82 = arith.muli %add3A_80, %mul3A_81 : i32
        %dma_start3A_83 = tpu.memref_slice %arg7[%mul3A_82] : memref<10000xi32, #tpu.memory_space<vmem>> -> memref<200xi32, #tpu.memory_space<vmem>>
        %dma_start3A_84 = arith.constant 0 : i32
        %dma_start3A_85 = arith.constant 0 : i32
        %dma_start3A_86 = tpu.memref_slice %arg2[%dma_start3A_84, %dma_start3A_85] : memref<10000x128xf32, #tpu.memory_space<hbm>> -> memref<10000x128xf32, #tpu.memory_space<hbm>>
        tpu.enqueue_indirect_dma source(%dma_start3A_86 : memref<10000x128xf32, #tpu.memory_space<hbm>>) target(%arg9 : memref<200x128xf32, #tpu.memory_space<vmem>>) offsets(%dma_start3A_83 : memref<200xi32, #tpu.memory_space<vmem>>) semaphore(%arg13 : memref<!tpu.dma_semaphore, #tpu.memory_space<semaphore_mem>>)
        %add3A_87 = arith.constant 2 : i32
        %add3A_88 = arith.addi %mul3A_17, %add3A_87 : i32
        %mul3A_89 = arith.constant 200 : i32
        %mul3A_90 = arith.muli %add3A_88, %mul3A_89 : i32
        %dma_start3A_91 = tpu.memref_slice %arg8[%mul3A_90] : memref<10000xi32, #tpu.memory_space<vmem>> -> memref<200xi32, #tpu.memory_space<vmem>>
        %dma_start3A_92 = arith.constant 0 : i32
        %dma_start3A_93 = arith.constant 0 : i32
        %dma_start3A_94 = tpu.memref_slice %arg3[%dma_start3A_92, %dma_start3A_93] : memref<10000x128xf32, #tpu.memory_space<hbm>> -> memref<10000x128xf32, #tpu.memory_space<hbm>>
        tpu.enqueue_indirect_dma source(%dma_start3A_94 : memref<10000x128xf32, #tpu.memory_space<hbm>>) target(%arg10 : memref<200x128xf32, #tpu.memory_space<vmem>>) offsets(%dma_start3A_91 : memref<200xi32, #tpu.memory_space<vmem>>) semaphore(%arg14 : memref<!tpu.dma_semaphore, #tpu.memory_space<semaphore_mem>>)
      } else {
      }
      %dma_wait3A_56 = arith.constant 0 : i32
      %dma_wait3A_57 = arith.constant 0 : i32
      %dma_wait3A_58 = tpu.memref_slice %arg2[%dma_wait3A_56, %dma_wait3A_57] : memref<10000x128xf32, #tpu.memory_space<hbm>> -> memref<200x128xf32, #tpu.memory_space<hbm>>
      %dma_wait3A_59 = arith.constant 0 : i32
      %dma_wait3A_60 = arith.constant 0 : i32
      %dma_wait3A_61 = tpu.memref_slice %arg2[%dma_wait3A_59, %dma_wait3A_60] : memref<10000x128xf32, #tpu.memory_space<hbm>> -> memref<200x128xf32, #tpu.memory_space<hbm>>
      tpu.wait_dma2 semaphore(%arg15 : memref<!tpu.dma_semaphore, #tpu.memory_space<semaphore_mem>>) src(%dma_wait3A_61 : memref<200x128xf32, #tpu.memory_space<hbm>>) dst(%arg11 : memref<200x128xf32, #tpu.memory_space<vmem>>)
      %dma_wait3A_62 = arith.constant 0 : i32
      %dma_wait3A_63 = arith.constant 0 : i32
      %dma_wait3A_64 = tpu.memref_slice %arg2[%dma_wait3A_62, %dma_wait3A_63] : memref<10000x128xf32, #tpu.memory_space<hbm>> -> memref<200x128xf32, #tpu.memory_space<hbm>>
      %dma_wait3A_65 = arith.constant 0 : i32
      %dma_wait3A_66 = arith.constant 0 : i32
      %dma_wait3A_67 = tpu.memref_slice %arg2[%dma_wait3A_65, %dma_wait3A_66] : memref<10000x128xf32, #tpu.memory_space<hbm>> -> memref<200x128xf32, #tpu.memory_space<hbm>>
      tpu.wait_dma2 semaphore(%arg16 : memref<!tpu.dma_semaphore, #tpu.memory_space<semaphore_mem>>) src(%dma_wait3A_67 : memref<200x128xf32, #tpu.memory_space<hbm>>) dst(%arg12 : memref<200x128xf32, #tpu.memory_space<vmem>>)
      %scan3A_68 = arith.constant 0 : i32
      %scan3A_69 = arith.constant 0 : i32
      %scan3A_70 = arith.constant 200 : i32
      %scan3A_71 = arith.addi %scan3A_69, %scan3A_70 : i32
      %scan3A_72 = arith.constant 1 : i32
      scf.for %scan3A_79 = %scan3A_69 to %scan3A_71 step %scan3A_72  : i32 {
        %get3A = arith.index_cast %scan3A_79 : i32 to index
        %get3A_80 = arith.constant 0 : index
        %get3A_81 = tpu.vector_load %arg11[%get3A, %get3A_80] {strides = array<i32>} : memref<200x128xf32, #tpu.memory_space<vmem>>, vector<1x16xf32>,
        %get3A_82 = vector.shape_cast %get3A_81 : vector<1x16xf32> to vector<16xf32>
        %get3A_83 = arith.index_cast %scan3A_79 : i32 to index
        %get3A_84 = arith.constant 0 : index
        %get3A_85 = tpu.vector_load %arg12[%get3A_83, %get3A_84] {strides = array<i32>} : memref<200x128xf32, #tpu.memory_space<vmem>>, vector<1x16xf32>,
        %get3A_86 = vector.shape_cast %get3A_85 : vector<1x16xf32> to vector<16xf32>
        %add3A_87 = arith.addf %get3A_82, %get3A_86 : vector<16xf32>
        %swap3A = arith.index_cast %scan3A_79 : i32 to index
        %swap3A_88 = arith.constant 0 : index
        %swap3A_89 = tpu.vector_load %arg11[%swap3A, %swap3A_88] {strides = array<i32>} : memref<200x128xf32, #tpu.memory_space<vmem>>, vector<1x16xf32>,
        %swap3A_90 = vector.shape_cast %swap3A_89 : vector<1x16xf32> to vector<16xf32>
        %swap3A_91 = vector.shape_cast %add3A_87 : vector<16xf32> to vector<1x16xf32>
        tpu.vector_store %arg11[%swap3A, %swap3A_88], %swap3A_91 {strides = array<i32>} : memref<200x128xf32, #tpu.memory_space<vmem>>, vector<1x16xf32>,
        %get3A_92 = arith.index_cast %scan3A_79 : i32 to index
        %get3A_93 = arith.constant 16 : index
        %get3A_94 = tpu.vector_load %arg11[%get3A_92, %get3A_93] {strides = array<i32>} : memref<200x128xf32, #tpu.memory_space<vmem>>, vector<1x16xf32>,
        %get3A_95 = vector.shape_cast %get3A_94 : vector<1x16xf32> to vector<16xf32>
        %get3A_96 = arith.index_cast %scan3A_79 : i32 to index
        %get3A_97 = arith.constant 16 : index
        %get3A_98 = tpu.vector_load %arg12[%get3A_96, %get3A_97] {strides = array<i32>} : memref<200x128xf32, #tpu.memory_space<vmem>>, vector<1x16xf32>,
        %get3A_99 = vector.shape_cast %get3A_98 : vector<1x16xf32> to vector<16xf32>
        %add3A_100 = arith.addf %get3A_95, %get3A_99 : vector<16xf32>
        %swap3A_101 = arith.index_cast %scan3A_79 : i32 to index
        %swap3A_102 = arith.constant 16 : index
        %swap3A_103 = tpu.vector_load %arg11[%swap3A_101, %swap3A_102] {strides = array<i32>} : memref<200x128xf32, #tpu.memory_space<vmem>>, vector<1x16xf32>,
        %swap3A_104 = vector.shape_cast %swap3A_103 : vector<1x16xf32> to vector<16xf32>
        %swap3A_105 = vector.shape_cast %add3A_100 : vector<16xf32> to vector<1x16xf32>
        tpu.vector_store %arg11[%swap3A_101, %swap3A_102], %swap3A_105 {strides = array<i32>} : memref<200x128xf32, #tpu.memory_space<vmem>>, vector<1x16xf32>,
        %get3A_106 = arith.index_cast %scan3A_79 : i32 to index
        %get3A_107 = arith.constant 32 : index
        %get3A_108 = tpu.vector_load %arg11[%get3A_106, %get3A_107] {strides = array<i32>} : memref<200x128xf32, #tpu.memory_space<vmem>>, vector<1x16xf32>,
        %get3A_109 = vector.shape_cast %get3A_108 : vector<1x16xf32> to vector<16xf32>
        %get3A_110 = arith.index_cast %scan3A_79 : i32 to index
        %get3A_111 = arith.constant 32 : index
        %get3A_112 = tpu.vector_load %arg12[%get3A_110, %get3A_111] {strides = array<i32>} : memref<200x128xf32, #tpu.memory_space<vmem>>, vector<1x16xf32>,
        %get3A_113 = vector.shape_cast %get3A_112 : vector<1x16xf32> to vector<16xf32>
        %add3A_114 = arith.addf %get3A_109, %get3A_113 : vector<16xf32>
        %swap3A_115 = arith.index_cast %scan3A_79 : i32 to index
        %swap3A_116 = arith.constant 32 : index
        %swap3A_117 = tpu.vector_load %arg11[%swap3A_115, %swap3A_116] {strides = array<i32>} : memref<200x128xf32, #tpu.memory_space<vmem>>, vector<1x16xf32>,
        %swap3A_118 = vector.shape_cast %swap3A_117 : vector<1x16xf32> to vector<16xf32>
        %swap3A_119 = vector.shape_cast %add3A_114 : vector<16xf32> to vector<1x16xf32>
        tpu.vector_store %arg11[%swap3A_115, %swap3A_116], %swap3A_119 {strides = array<i32>} : memref<200x128xf32, #tpu.memory_space<vmem>>, vector<1x16xf32>,
        %get3A_120 = arith.index_cast %scan3A_79 : i32 to index
        %get3A_121 = arith.constant 48 : index
        %get3A_122 = tpu.vector_load %arg11[%get3A_120, %get3A_121] {strides = array<i32>} : memref<200x128xf32, #tpu.memory_space<vmem>>, vector<1x16xf32>,
        %get3A_123 = vector.shape_cast %get3A_122 : vector<1x16xf32> to vector<16xf32>
        %get3A_124 = arith.index_cast %scan3A_79 : i32 to index
        %get3A_125 = arith.constant 48 : index
        %get3A_126 = tpu.vector_load %arg12[%get3A_124, %get3A_125] {strides = array<i32>} : memref<200x128xf32, #tpu.memory_space<vmem>>, vector<1x16xf32>,
        %get3A_127 = vector.shape_cast %get3A_126 : vector<1x16xf32> to vector<16xf32>
        %add3A_128 = arith.addf %get3A_123, %get3A_127 : vector<16xf32>
        %swap3A_129 = arith.index_cast %scan3A_79 : i32 to index
        %swap3A_130 = arith.constant 48 : index
        %swap3A_131 = tpu.vector_load %arg11[%swap3A_129, %swap3A_130] {strides = array<i32>} : memref<200x128xf32, #tpu.memory_space<vmem>>, vector<1x16xf32>,
        %swap3A_132 = vector.shape_cast %swap3A_131 : vector<1x16xf32> to vector<16xf32>
        %swap3A_133 = vector.shape_cast %add3A_128 : vector<16xf32> to vector<1x16xf32>
        tpu.vector_store %arg11[%swap3A_129, %swap3A_130], %swap3A_133 {strides = array<i32>} : memref<200x128xf32, #tpu.memory_space<vmem>>, vector<1x16xf32>,
        %get3A_134 = arith.index_cast %scan3A_79 : i32 to index
        %get3A_135 = arith.constant 64 : index
        %get3A_136 = tpu.vector_load %arg11[%get3A_134, %get3A_135] {strides = array<i32>} : memref<200x128xf32, #tpu.memory_space<vmem>>, vector<1x16xf32>,
        %get3A_137 = vector.shape_cast %get3A_136 : vector<1x16xf32> to vector<16xf32>
        %get3A_138 = arith.index_cast %scan3A_79 : i32 to index
        %get3A_139 = arith.constant 64 : index
        %get3A_140 = tpu.vector_load %arg12[%get3A_138, %get3A_139] {strides = array<i32>} : memref<200x128xf32, #tpu.memory_space<vmem>>, vector<1x16xf32>,
        %get3A_141 = vector.shape_cast %get3A_140 : vector<1x16xf32> to vector<16xf32>
        %add3A_142 = arith.addf %get3A_137, %get3A_141 : vector<16xf32>
        %swap3A_143 = arith.index_cast %scan3A_79 : i32 to index
        %swap3A_144 = arith.constant 64 : index
        %swap3A_145 = tpu.vector_load %arg11[%swap3A_143, %swap3A_144] {strides = array<i32>} : memref<200x128xf32, #tpu.memory_space<vmem>>, vector<1x16xf32>,
        %swap3A_146 = vector.shape_cast %swap3A_145 : vector<1x16xf32> to vector<16xf32>
        %swap3A_147 = vector.shape_cast %add3A_142 : vector<16xf32> to vector<1x16xf32>
        tpu.vector_store %arg11[%swap3A_143, %swap3A_144], %swap3A_147 {strides = array<i32>} : memref<200x128xf32, #tpu.memory_space<vmem>>, vector<1x16xf32>,
        %get3A_148 = arith.index_cast %scan3A_79 : i32 to index
        %get3A_149 = arith.constant 80 : index
        %get3A_150 = tpu.vector_load %arg11[%get3A_148, %get3A_149] {strides = array<i32>} : memref<200x128xf32, #tpu.memory_space<vmem>>, vector<1x16xf32>,
        %get3A_151 = vector.shape_cast %get3A_150 : vector<1x16xf32> to vector<16xf32>
        %get3A_152 = arith.index_cast %scan3A_79 : i32 to index
        %get3A_153 = arith.constant 80 : index
        %get3A_154 = tpu.vector_load %arg12[%get3A_152, %get3A_153] {strides = array<i32>} : memref<200x128xf32, #tpu.memory_space<vmem>>, vector<1x16xf32>,
        %get3A_155 = vector.shape_cast %get3A_154 : vector<1x16xf32> to vector<16xf32>
        %add3A_156 = arith.addf %get3A_151, %get3A_155 : vector<16xf32>
        %swap3A_157 = arith.index_cast %scan3A_79 : i32 to index
        %swap3A_158 = arith.constant 80 : index
        %swap3A_159 = tpu.vector_load %arg11[%swap3A_157, %swap3A_158] {strides = array<i32>} : memref<200x128xf32, #tpu.memory_space<vmem>>, vector<1x16xf32>,
        %swap3A_160 = vector.shape_cast %swap3A_159 : vector<1x16xf32> to vector<16xf32>
        %swap3A_161 = vector.shape_cast %add3A_156 : vector<16xf32> to vector<1x16xf32>
        tpu.vector_store %arg11[%swap3A_157, %swap3A_158], %swap3A_161 {strides = array<i32>} : memref<200x128xf32, #tpu.memory_space<vmem>>, vector<1x16xf32>,
        %get3A_162 = arith.index_cast %scan3A_79 : i32 to index
        %get3A_163 = arith.constant 96 : index
        %get3A_164 = tpu.vector_load %arg11[%get3A_162, %get3A_163] {strides = array<i32>} : memref<200x128xf32, #tpu.memory_space<vmem>>, vector<1x16xf32>,
        %get3A_165 = vector.shape_cast %get3A_164 : vector<1x16xf32> to vector<16xf32>
        %get3A_166 = arith.index_cast %scan3A_79 : i32 to index
        %get3A_167 = arith.constant 96 : index
        %get3A_168 = tpu.vector_load %arg12[%get3A_166, %get3A_167] {strides = array<i32>} : memref<200x128xf32, #tpu.memory_space<vmem>>, vector<1x16xf32>,
        %get3A_169 = vector.shape_cast %get3A_168 : vector<1x16xf32> to vector<16xf32>
        %add3A_170 = arith.addf %get3A_165, %get3A_169 : vector<16xf32>
        %swap3A_171 = arith.index_cast %scan3A_79 : i32 to index
        %swap3A_172 = arith.constant 96 : index
        %swap3A_173 = tpu.vector_load %arg11[%swap3A_171, %swap3A_172] {strides = array<i32>} : memref<200x128xf32, #tpu.memory_space<vmem>>, vector<1x16xf32>,
        %swap3A_174 = vector.shape_cast %swap3A_173 : vector<1x16xf32> to vector<16xf32>
        %swap3A_175 = vector.shape_cast %add3A_170 : vector<16xf32> to vector<1x16xf32>
        tpu.vector_store %arg11[%swap3A_171, %swap3A_172], %swap3A_175 {strides = array<i32>} : memref<200x128xf32, #tpu.memory_space<vmem>>, vector<1x16xf32>,
        %get3A_176 = arith.index_cast %scan3A_79 : i32 to index
        %get3A_177 = arith.constant 112 : index
        %get3A_178 = tpu.vector_load %arg11[%get3A_176, %get3A_177] {strides = array<i32>} : memref<200x128xf32, #tpu.memory_space<vmem>>, vector<1x16xf32>,
        %get3A_179 = vector.shape_cast %get3A_178 : vector<1x16xf32> to vector<16xf32>
        %get3A_180 = arith.index_cast %scan3A_79 : i32 to index
        %get3A_181 = arith.constant 112 : index
        %get3A_182 = tpu.vector_load %arg12[%get3A_180, %get3A_181] {strides = array<i32>} : memref<200x128xf32, #tpu.memory_space<vmem>>, vector<1x16xf32>,
        %get3A_183 = vector.shape_cast %get3A_182 : vector<1x16xf32> to vector<16xf32>
        %add3A_184 = arith.addf %get3A_179, %get3A_183 : vector<16xf32>
        %swap3A_185 = arith.index_cast %scan3A_79 : i32 to index
        %swap3A_186 = arith.constant 112 : index
        %swap3A_187 = tpu.vector_load %arg11[%swap3A_185, %swap3A_186] {strides = array<i32>} : memref<200x128xf32, #tpu.memory_space<vmem>>, vector<1x16xf32>,
        %swap3A_188 = vector.shape_cast %swap3A_187 : vector<1x16xf32> to vector<16xf32>
        %swap3A_189 = vector.shape_cast %add3A_184 : vector<16xf32> to vector<1x16xf32>
        tpu.vector_store %arg11[%swap3A_185, %swap3A_186], %swap3A_189 {strides = array<i32>} : memref<200x128xf32, #tpu.memory_space<vmem>>, vector<1x16xf32>,
      }
      %scan3A_73 = arith.constant 200 : i32
      %mul3A_74 = arith.constant 10000 : i32
      %mul3A_75 = arith.muli %add3A, %mul3A_74 : i32
      %mul3A_76 = arith.constant 200 : i32
      %mul3A_77 = arith.muli %add3A_19, %mul3A_76 : i32
      %add3A_78 = arith.addi %mul3A_75, %mul3A_77 : i32
      "tpu.region"() ({
        %run_scoped3A = tpu.sem_alloc : memref<!tpu.dma_semaphore, #tpu.memory_space<semaphore_mem>>
        %dma_start3A_79 = arith.constant 0 : i32
        %dma_start3A_80 = tpu.memref_slice %arg6[%add3A_78, %dma_start3A_79] : memref<320000x128xf32, #tpu.memory_space<hbm>> -> memref<200x128xf32, #tpu.memory_space<hbm>>
        %dma_start3A_81 = arith.constant 0 : i32
        %dma_start3A_82 = tpu.memref_slice %arg6[%add3A_78, %dma_start3A_81] : memref<320000x128xf32, #tpu.memory_space<hbm>> -> memref<200x128xf32, #tpu.memory_space<hbm>>
        tpu.enqueue_dma source(%arg11 : memref<200x128xf32, #tpu.memory_space<vmem>>) target(%dma_start3A_82 : memref<200x128xf32, #tpu.memory_space<hbm>>) target_semaphore(%run_scoped3A : memref<!tpu.dma_semaphore, #tpu.memory_space<semaphore_mem>>)
        %dma_wait3A_83 = arith.constant 0 : i32
        %dma_wait3A_84 = tpu.memref_slice %arg6[%add3A_78, %dma_wait3A_83] : memref<320000x128xf32, #tpu.memory_space<hbm>> -> memref<200x128xf32, #tpu.memory_space<hbm>>
        %dma_wait3A_85 = arith.constant 0 : i32
        %dma_wait3A_86 = tpu.memref_slice %arg6[%add3A_78, %dma_wait3A_85] : memref<320000x128xf32, #tpu.memory_space<hbm>> -> memref<200x128xf32, #tpu.memory_space<hbm>>
        tpu.wait_dma2 semaphore(%run_scoped3A : memref<!tpu.dma_semaphore, #tpu.memory_space<semaphore_mem>>) src(%arg11 : memref<200x128xf32, #tpu.memory_space<vmem>>) dst(%dma_wait3A_86 : memref<200x128xf32, #tpu.memory_space<hbm>>)
        tpu.yield
      }) : () -> ()
    }
    %scan3A_14 = arith.constant 25 : i32
    return
  }
}

#map = affine_map<(d0, d1) -> (0, 0)>
#map1 = affine_map<(d0, d1) -> (0, 0, 0)>
module attributes {stable_mosaic.version = 14 : i64} {
  func.func @_sc_agg_body(%arg0: i32, %arg1: i32, %arg2: memref<320000x128xf32, #tpu.memory_space<hbm>>, %arg3: memref<32x125x80xi32, #tpu.memory_space<hbm>>, %arg4: memref<20480x128xf32, #tpu.memory_space<hbm>>, %arg5: memref<125x80xi32, #tpu.memory_space<vmem>>, %arg6: memref<80x128xf32, #tpu.memory_space<vmem>>, %arg7: memref<80x128xf32, #tpu.memory_space<vmem>>, %arg8: memref<10240x128xf32, #tpu.memory_space<vmem_shared>>, %arg9: memref<!tpu.dma_semaphore, #tpu.memory_space<semaphore_mem>>, %arg10: memref<!tpu.dma_semaphore, #tpu.memory_space<semaphore_mem>>) attributes {dimension_semantics = [#tpu.dimension_semantics<core_parallel>, #tpu.dimension_semantics<subcore_parallel>], iteration_bounds = array<i64: 2, 16>, scalar_prefetch = 0 : i64, scratch_operands = 6 : i64, tpu.core_type = #tpu.core_type<sc_vector_subcore>, window_params = [{transform_indices = #map}, {transform_indices = #map1}, {transform_indices = #map}]} {
    %mul3A = arith.constant 2 : i32
    %mul3A_0 = arith.muli %arg1, %mul3A : i32
    %add3A = arith.addi %mul3A_0, %arg0 : i32
    "tpu.region"() ({
      %run_scoped3A_37 = tpu.sem_alloc : memref<!tpu.dma_semaphore, #tpu.memory_space<semaphore_mem>>
      %dma_start3A_38 = arith.constant 0 : i32
      %dma_start3A_39 = arith.constant 0 : i32
      %dma_start3A_40 = tpu.memref_slice %arg3[%add3A, %dma_start3A_38, %dma_start3A_39] : memref<32x125x80xi32, #tpu.memory_space<hbm>> -> memref<1x125x80xi32, #tpu.memory_space<hbm>>
      %dma_start3A_41 = tpu.memref_squeeze %dma_start3A_40 : memref<1x125x80xi32, #tpu.memory_space<hbm>> -> memref<125x80xi32, #tpu.memory_space<hbm>>
      %dma_start3A_42 = arith.constant 0 : i32
      %dma_start3A_43 = arith.constant 0 : i32
      %dma_start3A_44 = tpu.memref_slice %arg3[%add3A, %dma_start3A_42, %dma_start3A_43] : memref<32x125x80xi32, #tpu.memory_space<hbm>> -> memref<1x125x80xi32, #tpu.memory_space<hbm>>
      %dma_start3A_45 = tpu.memref_squeeze %dma_start3A_44 : memref<1x125x80xi32, #tpu.memory_space<hbm>> -> memref<125x80xi32, #tpu.memory_space<hbm>>
      tpu.enqueue_dma source(%dma_start3A_45 : memref<125x80xi32, #tpu.memory_space<hbm>>) target(%arg5 : memref<125x80xi32, #tpu.memory_space<vmem>>) target_semaphore(%run_scoped3A_37 : memref<!tpu.dma_semaphore, #tpu.memory_space<semaphore_mem>>)
      %dma_wait3A_46 = arith.constant 0 : i32
      %dma_wait3A_47 = arith.constant 0 : i32
      %dma_wait3A_48 = tpu.memref_slice %arg3[%add3A, %dma_wait3A_46, %dma_wait3A_47] : memref<32x125x80xi32, #tpu.memory_space<hbm>> -> memref<1x125x80xi32, #tpu.memory_space<hbm>>
      %dma_wait3A_49 = tpu.memref_squeeze %dma_wait3A_48 : memref<1x125x80xi32, #tpu.memory_space<hbm>> -> memref<125x80xi32, #tpu.memory_space<hbm>>
      %dma_wait3A_50 = arith.constant 0 : i32
      %dma_wait3A_51 = arith.constant 0 : i32
      %dma_wait3A_52 = tpu.memref_slice %arg3[%add3A, %dma_wait3A_50, %dma_wait3A_51] : memref<32x125x80xi32, #tpu.memory_space<hbm>> -> memref<1x125x80xi32, #tpu.memory_space<hbm>>
      %dma_wait3A_53 = tpu.memref_squeeze %dma_wait3A_52 : memref<1x125x80xi32, #tpu.memory_space<hbm>> -> memref<125x80xi32, #tpu.memory_space<hbm>>
      tpu.wait_dma2 semaphore(%run_scoped3A_37 : memref<!tpu.dma_semaphore, #tpu.memory_space<semaphore_mem>>) src(%dma_wait3A_53 : memref<125x80xi32, #tpu.memory_space<hbm>>) dst(%arg5 : memref<125x80xi32, #tpu.memory_space<vmem>>)
      tpu.yield
    }) : () -> ()
    %scan3A = arith.constant 0 : i32
    %scan3A_1 = arith.constant 0 : i32
    %scan3A_2 = arith.constant 80 : i32
    %scan3A_3 = arith.addi %scan3A_1, %scan3A_2 : i32
    %scan3A_4 = arith.constant 1 : i32
    scf.for %scan3A_37 = %scan3A_1 to %scan3A_3 step %scan3A_4  : i32 {
      %broadcast_in_dim3A = arith.constant 0.000000e+00 : f32
      %broadcast_in_dim3A_38 = vector.broadcast %broadcast_in_dim3A : f32 to vector<16xf32>
      %swap3A = arith.index_cast %scan3A_37 : i32 to index
      %swap3A_39 = arith.constant 0 : index
      %swap3A_40 = tpu.vector_load %arg6[%swap3A, %swap3A_39] {strides = array<i32>} : memref<80x128xf32, #tpu.memory_space<vmem>>, vector<1x16xf32>,
      %swap3A_41 = vector.shape_cast %swap3A_40 : vector<1x16xf32> to vector<16xf32>
      %swap3A_42 = vector.shape_cast %broadcast_in_dim3A_38 : vector<16xf32> to vector<1x16xf32>
      tpu.vector_store %arg6[%swap3A, %swap3A_39], %swap3A_42 {strides = array<i32>} : memref<80x128xf32, #tpu.memory_space<vmem>>, vector<1x16xf32>,
      %broadcast_in_dim3A_43 = arith.constant 0.000000e+00 : f32
      %broadcast_in_dim3A_44 = vector.broadcast %broadcast_in_dim3A_43 : f32 to vector<16xf32>
      %swap3A_45 = arith.index_cast %scan3A_37 : i32 to index
      %swap3A_46 = arith.constant 16 : index
      %swap3A_47 = tpu.vector_load %arg6[%swap3A_45, %swap3A_46] {strides = array<i32>} : memref<80x128xf32, #tpu.memory_space<vmem>>, vector<1x16xf32>,
      %swap3A_48 = vector.shape_cast %swap3A_47 : vector<1x16xf32> to vector<16xf32>
      %swap3A_49 = vector.shape_cast %broadcast_in_dim3A_44 : vector<16xf32> to vector<1x16xf32>
      tpu.vector_store %arg6[%swap3A_45, %swap3A_46], %swap3A_49 {strides = array<i32>} : memref<80x128xf32, #tpu.memory_space<vmem>>, vector<1x16xf32>,
      %broadcast_in_dim3A_50 = arith.constant 0.000000e+00 : f32
      %broadcast_in_dim3A_51 = vector.broadcast %broadcast_in_dim3A_50 : f32 to vector<16xf32>
      %swap3A_52 = arith.index_cast %scan3A_37 : i32 to index
      %swap3A_53 = arith.constant 32 : index
      %swap3A_54 = tpu.vector_load %arg6[%swap3A_52, %swap3A_53] {strides = array<i32>} : memref<80x128xf32, #tpu.memory_space<vmem>>, vector<1x16xf32>,
      %swap3A_55 = vector.shape_cast %swap3A_54 : vector<1x16xf32> to vector<16xf32>
      %swap3A_56 = vector.shape_cast %broadcast_in_dim3A_51 : vector<16xf32> to vector<1x16xf32>
      tpu.vector_store %arg6[%swap3A_52, %swap3A_53], %swap3A_56 {strides = array<i32>} : memref<80x128xf32, #tpu.memory_space<vmem>>, vector<1x16xf32>,
      %broadcast_in_dim3A_57 = arith.constant 0.000000e+00 : f32
      %broadcast_in_dim3A_58 = vector.broadcast %broadcast_in_dim3A_57 : f32 to vector<16xf32>
      %swap3A_59 = arith.index_cast %scan3A_37 : i32 to index
      %swap3A_60 = arith.constant 48 : index
      %swap3A_61 = tpu.vector_load %arg6[%swap3A_59, %swap3A_60] {strides = array<i32>} : memref<80x128xf32, #tpu.memory_space<vmem>>, vector<1x16xf32>,
      %swap3A_62 = vector.shape_cast %swap3A_61 : vector<1x16xf32> to vector<16xf32>
      %swap3A_63 = vector.shape_cast %broadcast_in_dim3A_58 : vector<16xf32> to vector<1x16xf32>
      tpu.vector_store %arg6[%swap3A_59, %swap3A_60], %swap3A_63 {strides = array<i32>} : memref<80x128xf32, #tpu.memory_space<vmem>>, vector<1x16xf32>,
      %broadcast_in_dim3A_64 = arith.constant 0.000000e+00 : f32
      %broadcast_in_dim3A_65 = vector.broadcast %broadcast_in_dim3A_64 : f32 to vector<16xf32>
      %swap3A_66 = arith.index_cast %scan3A_37 : i32 to index
      %swap3A_67 = arith.constant 64 : index
      %swap3A_68 = tpu.vector_load %arg6[%swap3A_66, %swap3A_67] {strides = array<i32>} : memref<80x128xf32, #tpu.memory_space<vmem>>, vector<1x16xf32>,
      %swap3A_69 = vector.shape_cast %swap3A_68 : vector<1x16xf32> to vector<16xf32>
      %swap3A_70 = vector.shape_cast %broadcast_in_dim3A_65 : vector<16xf32> to vector<1x16xf32>
      tpu.vector_store %arg6[%swap3A_66, %swap3A_67], %swap3A_70 {strides = array<i32>} : memref<80x128xf32, #tpu.memory_space<vmem>>, vector<1x16xf32>,
      %broadcast_in_dim3A_71 = arith.constant 0.000000e+00 : f32
      %broadcast_in_dim3A_72 = vector.broadcast %broadcast_in_dim3A_71 : f32 to vector<16xf32>
      %swap3A_73 = arith.index_cast %scan3A_37 : i32 to index
      %swap3A_74 = arith.constant 80 : index
      %swap3A_75 = tpu.vector_load %arg6[%swap3A_73, %swap3A_74] {strides = array<i32>} : memref<80x128xf32, #tpu.memory_space<vmem>>, vector<1x16xf32>,
      %swap3A_76 = vector.shape_cast %swap3A_75 : vector<1x16xf32> to vector<16xf32>
      %swap3A_77 = vector.shape_cast %broadcast_in_dim3A_72 : vector<16xf32> to vector<1x16xf32>
      tpu.vector_store %arg6[%swap3A_73, %swap3A_74], %swap3A_77 {strides = array<i32>} : memref<80x128xf32, #tpu.memory_space<vmem>>, vector<1x16xf32>,
      %broadcast_in_dim3A_78 = arith.constant 0.000000e+00 : f32
      %broadcast_in_dim3A_79 = vector.broadcast %broadcast_in_dim3A_78 : f32 to vector<16xf32>
      %swap3A_80 = arith.index_cast %scan3A_37 : i32 to index
      %swap3A_81 = arith.constant 96 : index
      %swap3A_82 = tpu.vector_load %arg6[%swap3A_80, %swap3A_81] {strides = array<i32>} : memref<80x128xf32, #tpu.memory_space<vmem>>, vector<1x16xf32>,
      %swap3A_83 = vector.shape_cast %swap3A_82 : vector<1x16xf32> to vector<16xf32>
      %swap3A_84 = vector.shape_cast %broadcast_in_dim3A_79 : vector<16xf32> to vector<1x16xf32>
      tpu.vector_store %arg6[%swap3A_80, %swap3A_81], %swap3A_84 {strides = array<i32>} : memref<80x128xf32, #tpu.memory_space<vmem>>, vector<1x16xf32>,
      %broadcast_in_dim3A_85 = arith.constant 0.000000e+00 : f32
      %broadcast_in_dim3A_86 = vector.broadcast %broadcast_in_dim3A_85 : f32 to vector<16xf32>
      %swap3A_87 = arith.index_cast %scan3A_37 : i32 to index
      %swap3A_88 = arith.constant 112 : index
      %swap3A_89 = tpu.vector_load %arg6[%swap3A_87, %swap3A_88] {strides = array<i32>} : memref<80x128xf32, #tpu.memory_space<vmem>>, vector<1x16xf32>,
      %swap3A_90 = vector.shape_cast %swap3A_89 : vector<1x16xf32> to vector<16xf32>
      %swap3A_91 = vector.shape_cast %broadcast_in_dim3A_86 : vector<16xf32> to vector<1x16xf32>
      tpu.vector_store %arg6[%swap3A_87, %swap3A_88], %swap3A_91 {strides = array<i32>} : memref<80x128xf32, #tpu.memory_space<vmem>>, vector<1x16xf32>,
    }
    %scan3A_5 = arith.constant 80 : i32
    %scan3A_6 = arith.constant 0 : i32
    %scan3A_7 = arith.constant 0 : i32
    %scan3A_8 = arith.constant 8 : i32
    %scan3A_9 = arith.addi %scan3A_7, %scan3A_8 : i32
    %scan3A_10 = arith.constant 1 : i32
    scf.for %scan3A_37 = %scan3A_7 to %scan3A_9 step %scan3A_10  : i32 {
      %mul3A_38 = arith.constant 640 : i32
      %mul3A_39 = arith.muli %arg1, %mul3A_38 : i32
      %mul3A_40 = arith.constant 80 : i32
      %mul3A_41 = arith.muli %scan3A_37, %mul3A_40 : i32
      %add3A_42 = arith.addi %mul3A_39, %mul3A_41 : i32
      "tpu.region"() ({
        %run_scoped3A_43 = tpu.sem_alloc : memref<!tpu.dma_semaphore, #tpu.memory_space<semaphore_mem>>
        %dma_start3A_44 = arith.constant 0 : i32
        %dma_start3A_45 = tpu.memref_slice %arg8[%add3A_42, %dma_start3A_44] : memref<10240x128xf32, #tpu.memory_space<vmem_shared>> -> memref<80x128xf32, #tpu.memory_space<vmem_shared>>
        %dma_start3A_46 = arith.constant 0 : i32
        %dma_start3A_47 = tpu.memref_slice %arg8[%add3A_42, %dma_start3A_46] : memref<10240x128xf32, #tpu.memory_space<vmem_shared>> -> memref<80x128xf32, #tpu.memory_space<vmem_shared>>
        tpu.enqueue_dma source(%arg6 : memref<80x128xf32, #tpu.memory_space<vmem>>) target(%dma_start3A_47 : memref<80x128xf32, #tpu.memory_space<vmem_shared>>) target_semaphore(%run_scoped3A_43 : memref<!tpu.dma_semaphore, #tpu.memory_space<semaphore_mem>>)
        %dma_wait3A_48 = arith.constant 0 : i32
        %dma_wait3A_49 = tpu.memref_slice %arg8[%add3A_42, %dma_wait3A_48] : memref<10240x128xf32, #tpu.memory_space<vmem_shared>> -> memref<80x128xf32, #tpu.memory_space<vmem_shared>>
        %dma_wait3A_50 = arith.constant 0 : i32
        %dma_wait3A_51 = tpu.memref_slice %arg8[%add3A_42, %dma_wait3A_50] : memref<10240x128xf32, #tpu.memory_space<vmem_shared>> -> memref<80x128xf32, #tpu.memory_space<vmem_shared>>
        tpu.wait_dma2 semaphore(%run_scoped3A_43 : memref<!tpu.dma_semaphore, #tpu.memory_space<semaphore_mem>>) src(%arg6 : memref<80x128xf32, #tpu.memory_space<vmem>>) dst(%dma_wait3A_51 : memref<80x128xf32, #tpu.memory_space<vmem_shared>>)
        tpu.yield
      }) : () -> ()
    }
    %scan3A_11 = arith.constant 8 : i32
    %barrier3A = arith.constant 0 : index
    tpu.barrier barrier_id(%barrier3A)
    %mul3A_12 = arith.constant 10000 : i32
    %mul3A_13 = arith.muli %add3A, %mul3A_12 : i32
    %add3A_14 = arith.constant 0 : i32
    %add3A_15 = arith.addi %mul3A_13, %add3A_14 : i32
    %dma_start3A = arith.constant 0 : i32
    %dma_start3A_16 = tpu.memref_slice %arg2[%add3A_15, %dma_start3A] : memref<320000x128xf32, #tpu.memory_space<hbm>> -> memref<80x128xf32, #tpu.memory_space<hbm>>
    %dma_start3A_17 = arith.constant 0 : i32
    %dma_start3A_18 = tpu.memref_slice %arg2[%add3A_15, %dma_start3A_17] : memref<320000x128xf32, #tpu.memory_space<hbm>> -> memref<80x128xf32, #tpu.memory_space<hbm>>
    tpu.enqueue_dma source(%dma_start3A_18 : memref<80x128xf32, #tpu.memory_space<hbm>>) target(%arg6 : memref<80x128xf32, #tpu.memory_space<vmem>>) target_semaphore(%arg9 : memref<!tpu.dma_semaphore, #tpu.memory_space<semaphore_mem>>)
    %scan3A_19 = arith.constant 0 : i32
    %scan3A_20 = arith.constant 0 : i32
    %scan3A_21 = arith.constant 62 : i32
    %scan3A_22 = arith.addi %scan3A_20, %scan3A_21 : i32
    %scan3A_23 = arith.constant 1 : i32
    scf.for %scan3A_37 = %scan3A_20 to %scan3A_22 step %scan3A_23  : i32 {
      %mul3A_38 = arith.constant 2 : i32
      %mul3A_39 = arith.muli %mul3A_38, %scan3A_37 : i32
      %add3A_40 = arith.constant 1 : i32
      %add3A_41 = arith.addi %mul3A_39, %add3A_40 : i32
      %mul3A_42 = arith.constant 10000 : i32
      %mul3A_43 = arith.muli %add3A, %mul3A_42 : i32
      %mul3A_44 = arith.constant 80 : i32
      %mul3A_45 = arith.muli %add3A_41, %mul3A_44 : i32
      %add3A_46 = arith.addi %mul3A_43, %mul3A_45 : i32
      %dma_start3A_47 = arith.constant 0 : i32
      %dma_start3A_48 = tpu.memref_slice %arg2[%add3A_46, %dma_start3A_47] : memref<320000x128xf32, #tpu.memory_space<hbm>> -> memref<80x128xf32, #tpu.memory_space<hbm>>
      %dma_start3A_49 = arith.constant 0 : i32
      %dma_start3A_50 = tpu.memref_slice %arg2[%add3A_46, %dma_start3A_49] : memref<320000x128xf32, #tpu.memory_space<hbm>> -> memref<80x128xf32, #tpu.memory_space<hbm>>
      tpu.enqueue_dma source(%dma_start3A_50 : memref<80x128xf32, #tpu.memory_space<hbm>>) target(%arg7 : memref<80x128xf32, #tpu.memory_space<vmem>>) target_semaphore(%arg10 : memref<!tpu.dma_semaphore, #tpu.memory_space<semaphore_mem>>)
      %dma_wait3A_51 = arith.constant 0 : i32
      %dma_wait3A_52 = arith.constant 0 : i32
      %dma_wait3A_53 = tpu.memref_slice %arg2[%dma_wait3A_51, %dma_wait3A_52] : memref<320000x128xf32, #tpu.memory_space<hbm>> -> memref<80x128xf32, #tpu.memory_space<hbm>>
      %dma_wait3A_54 = arith.constant 0 : i32
      %dma_wait3A_55 = arith.constant 0 : i32
      %dma_wait3A_56 = tpu.memref_slice %arg2[%dma_wait3A_54, %dma_wait3A_55] : memref<320000x128xf32, #tpu.memory_space<hbm>> -> memref<80x128xf32, #tpu.memory_space<hbm>>
      tpu.wait_dma2 semaphore(%arg9 : memref<!tpu.dma_semaphore, #tpu.memory_space<semaphore_mem>>) src(%dma_wait3A_56 : memref<80x128xf32, #tpu.memory_space<hbm>>) dst(%arg6 : memref<80x128xf32, #tpu.memory_space<vmem>>)
      "tpu.region"() ({
        %run_scoped3A_74 = tpu.sem_alloc : memref<!tpu.dma_semaphore, #tpu.memory_space<semaphore_mem>>
        %dma_start3A_75 = arith.constant 0 : i32
        %dma_start3A_76 = tpu.memref_slice %arg5[%mul3A_39, %dma_start3A_75] : memref<125x80xi32, #tpu.memory_space<vmem>> -> memref<1x80xi32, #tpu.memory_space<vmem>>
        %dma_start3A_77 = tpu.memref_squeeze %dma_start3A_76 : memref<1x80xi32, #tpu.memory_space<vmem>> -> memref<80xi32, #tpu.memory_space<vmem>>
        %dma_start3A_78 = arith.constant 0 : i32
        %dma_start3A_79 = arith.constant 0 : i32
        %dma_start3A_80 = tpu.memref_slice %arg8[%dma_start3A_78, %dma_start3A_79] : memref<10240x128xf32, #tpu.memory_space<vmem_shared>> -> memref<10240x128xf32, #tpu.memory_space<vmem_shared>>
        tpu.enqueue_indirect_dma source(%arg6 : memref<80x128xf32, #tpu.memory_space<vmem>>) target(%dma_start3A_80 : memref<10240x128xf32, #tpu.memory_space<vmem_shared>>) offsets(%dma_start3A_77 : memref<80xi32, #tpu.memory_space<vmem>>) semaphore(%run_scoped3A_74 : memref<!tpu.dma_semaphore, #tpu.memory_space<semaphore_mem>>) {add = true}
        %dma_wait3A_81 = arith.constant 0 : i32
        %dma_wait3A_82 = tpu.memref_slice %arg5[%mul3A_39, %dma_wait3A_81] : memref<125x80xi32, #tpu.memory_space<vmem>> -> memref<1x80xi32, #tpu.memory_space<vmem>>
        %dma_wait3A_83 = tpu.memref_squeeze %dma_wait3A_82 : memref<1x80xi32, #tpu.memory_space<vmem>> -> memref<80xi32, #tpu.memory_space<vmem>>
        %dma_wait3A_84 = arith.constant 0 : i32
        %dma_wait3A_85 = arith.constant 0 : i32
        %dma_wait3A_86 = tpu.memref_slice %arg8[%dma_wait3A_84, %dma_wait3A_85] : memref<10240x128xf32, #tpu.memory_space<vmem_shared>> -> memref<10240x128xf32, #tpu.memory_space<vmem_shared>>
        tpu.wait_indirect_dma semaphore(%run_scoped3A_74 : memref<!tpu.dma_semaphore, #tpu.memory_space<semaphore_mem>>) src(%arg6 : memref<80x128xf32, #tpu.memory_space<vmem>>) dst(%dma_wait3A_86 : memref<10240x128xf32, #tpu.memory_space<vmem_shared>>)
        tpu.yield
      }) : () -> ()
      %add3A_57 = arith.constant 2 : i32
      %add3A_58 = arith.addi %mul3A_39, %add3A_57 : i32
      %mul3A_59 = arith.constant 10000 : i32
      %mul3A_60 = arith.muli %add3A, %mul3A_59 : i32
      %mul3A_61 = arith.constant 80 : i32
      %mul3A_62 = arith.muli %add3A_58, %mul3A_61 : i32
      %add3A_63 = arith.addi %mul3A_60, %mul3A_62 : i32
      %dma_start3A_64 = arith.constant 0 : i32
      %dma_start3A_65 = tpu.memref_slice %arg2[%add3A_63, %dma_start3A_64] : memref<320000x128xf32, #tpu.memory_space<hbm>> -> memref<80x128xf32, #tpu.memory_space<hbm>>
      %dma_start3A_66 = arith.constant 0 : i32
      %dma_start3A_67 = tpu.memref_slice %arg2[%add3A_63, %dma_start3A_66] : memref<320000x128xf32, #tpu.memory_space<hbm>> -> memref<80x128xf32, #tpu.memory_space<hbm>>
      tpu.enqueue_dma source(%dma_start3A_67 : memref<80x128xf32, #tpu.memory_space<hbm>>) target(%arg6 : memref<80x128xf32, #tpu.memory_space<vmem>>) target_semaphore(%arg9 : memref<!tpu.dma_semaphore, #tpu.memory_space<semaphore_mem>>)
      %dma_wait3A_68 = arith.constant 0 : i32
      %dma_wait3A_69 = arith.constant 0 : i32
      %dma_wait3A_70 = tpu.memref_slice %arg2[%dma_wait3A_68, %dma_wait3A_69] : memref<320000x128xf32, #tpu.memory_space<hbm>> -> memref<80x128xf32, #tpu.memory_space<hbm>>
      %dma_wait3A_71 = arith.constant 0 : i32
      %dma_wait3A_72 = arith.constant 0 : i32
      %dma_wait3A_73 = tpu.memref_slice %arg2[%dma_wait3A_71, %dma_wait3A_72] : memref<320000x128xf32, #tpu.memory_space<hbm>> -> memref<80x128xf32, #tpu.memory_space<hbm>>
      tpu.wait_dma2 semaphore(%arg10 : memref<!tpu.dma_semaphore, #tpu.memory_space<semaphore_mem>>) src(%dma_wait3A_73 : memref<80x128xf32, #tpu.memory_space<hbm>>) dst(%arg7 : memref<80x128xf32, #tpu.memory_space<vmem>>)
      "tpu.region"() ({
        %run_scoped3A_74 = tpu.sem_alloc : memref<!tpu.dma_semaphore, #tpu.memory_space<semaphore_mem>>
        %dma_start3A_75 = arith.constant 0 : i32
        %dma_start3A_76 = tpu.memref_slice %arg5[%add3A_41, %dma_start3A_75] : memref<125x80xi32, #tpu.memory_space<vmem>> -> memref<1x80xi32, #tpu.memory_space<vmem>>
        %dma_start3A_77 = tpu.memref_squeeze %dma_start3A_76 : memref<1x80xi32, #tpu.memory_space<vmem>> -> memref<80xi32, #tpu.memory_space<vmem>>
        %dma_start3A_78 = arith.constant 0 : i32
        %dma_start3A_79 = arith.constant 0 : i32
        %dma_start3A_80 = tpu.memref_slice %arg8[%dma_start3A_78, %dma_start3A_79] : memref<10240x128xf32, #tpu.memory_space<vmem_shared>> -> memref<10240x128xf32, #tpu.memory_space<vmem_shared>>
        tpu.enqueue_indirect_dma source(%arg7 : memref<80x128xf32, #tpu.memory_space<vmem>>) target(%dma_start3A_80 : memref<10240x128xf32, #tpu.memory_space<vmem_shared>>) offsets(%dma_start3A_77 : memref<80xi32, #tpu.memory_space<vmem>>) semaphore(%run_scoped3A_74 : memref<!tpu.dma_semaphore, #tpu.memory_space<semaphore_mem>>) {add = true}
        %dma_wait3A_81 = arith.constant 0 : i32
        %dma_wait3A_82 = tpu.memref_slice %arg5[%add3A_41, %dma_wait3A_81] : memref<125x80xi32, #tpu.memory_space<vmem>> -> memref<1x80xi32, #tpu.memory_space<vmem>>
        %dma_wait3A_83 = tpu.memref_squeeze %dma_wait3A_82 : memref<1x80xi32, #tpu.memory_space<vmem>> -> memref<80xi32, #tpu.memory_space<vmem>>
        %dma_wait3A_84 = arith.constant 0 : i32
        %dma_wait3A_85 = arith.constant 0 : i32
        %dma_wait3A_86 = tpu.memref_slice %arg8[%dma_wait3A_84, %dma_wait3A_85] : memref<10240x128xf32, #tpu.memory_space<vmem_shared>> -> memref<10240x128xf32, #tpu.memory_space<vmem_shared>>
        tpu.wait_indirect_dma semaphore(%run_scoped3A_74 : memref<!tpu.dma_semaphore, #tpu.memory_space<semaphore_mem>>) src(%arg7 : memref<80x128xf32, #tpu.memory_space<vmem>>) dst(%dma_wait3A_86 : memref<10240x128xf32, #tpu.memory_space<vmem_shared>>)
        tpu.yield
      }) : () -> ()
    }
    %scan3A_24 = arith.constant 62 : i32
    %dma_wait3A = arith.constant 0 : i32
    %dma_wait3A_25 = arith.constant 0 : i32
    %dma_wait3A_26 = tpu.memref_slice %arg2[%dma_wait3A, %dma_wait3A_25] : memref<320000x128xf32, #tpu.memory_space<hbm>> -> memref<80x128xf32, #tpu.memory_space<hbm>>
    %dma_wait3A_27 = arith.constant 0 : i32
    %dma_wait3A_28 = arith.constant 0 : i32
    %dma_wait3A_29 = tpu.memref_slice %arg2[%dma_wait3A_27, %dma_wait3A_28] : memref<320000x128xf32, #tpu.memory_space<hbm>> -> memref<80x128xf32, #tpu.memory_space<hbm>>
    tpu.wait_dma2 semaphore(%arg9 : memref<!tpu.dma_semaphore, #tpu.memory_space<semaphore_mem>>) src(%dma_wait3A_29 : memref<80x128xf32, #tpu.memory_space<hbm>>) dst(%arg6 : memref<80x128xf32, #tpu.memory_space<vmem>>)
    %run_scoped3A = arith.constant 124 : i32
    "tpu.region"() ({
      %run_scoped3A_37 = tpu.sem_alloc : memref<!tpu.dma_semaphore, #tpu.memory_space<semaphore_mem>>
      %dma_start3A_38 = arith.constant 0 : i32
      %dma_start3A_39 = tpu.memref_slice %arg5[%run_scoped3A, %dma_start3A_38] : memref<125x80xi32, #tpu.memory_space<vmem>> -> memref<1x80xi32, #tpu.memory_space<vmem>>
      %dma_start3A_40 = tpu.memref_squeeze %dma_start3A_39 : memref<1x80xi32, #tpu.memory_space<vmem>> -> memref<80xi32, #tpu.memory_space<vmem>>
      %dma_start3A_41 = arith.constant 0 : i32
      %dma_start3A_42 = arith.constant 0 : i32
      %dma_start3A_43 = tpu.memref_slice %arg8[%dma_start3A_41, %dma_start3A_42] : memref<10240x128xf32, #tpu.memory_space<vmem_shared>> -> memref<10240x128xf32, #tpu.memory_space<vmem_shared>>
      tpu.enqueue_indirect_dma source(%arg6 : memref<80x128xf32, #tpu.memory_space<vmem>>) target(%dma_start3A_43 : memref<10240x128xf32, #tpu.memory_space<vmem_shared>>) offsets(%dma_start3A_40 : memref<80xi32, #tpu.memory_space<vmem>>) semaphore(%run_scoped3A_37 : memref<!tpu.dma_semaphore, #tpu.memory_space<semaphore_mem>>) {add = true}
      %dma_wait3A_44 = arith.constant 0 : i32
      %dma_wait3A_45 = tpu.memref_slice %arg5[%run_scoped3A, %dma_wait3A_44] : memref<125x80xi32, #tpu.memory_space<vmem>> -> memref<1x80xi32, #tpu.memory_space<vmem>>
      %dma_wait3A_46 = tpu.memref_squeeze %dma_wait3A_45 : memref<1x80xi32, #tpu.memory_space<vmem>> -> memref<80xi32, #tpu.memory_space<vmem>>
      %dma_wait3A_47 = arith.constant 0 : i32
      %dma_wait3A_48 = arith.constant 0 : i32
      %dma_wait3A_49 = tpu.memref_slice %arg8[%dma_wait3A_47, %dma_wait3A_48] : memref<10240x128xf32, #tpu.memory_space<vmem_shared>> -> memref<10240x128xf32, #tpu.memory_space<vmem_shared>>
      tpu.wait_indirect_dma semaphore(%run_scoped3A_37 : memref<!tpu.dma_semaphore, #tpu.memory_space<semaphore_mem>>) src(%arg6 : memref<80x128xf32, #tpu.memory_space<vmem>>) dst(%dma_wait3A_49 : memref<10240x128xf32, #tpu.memory_space<vmem_shared>>)
      tpu.yield
    }) : () -> ()
    %barrier3A_30 = arith.constant 0 : index
    tpu.barrier barrier_id(%barrier3A_30)
    %scan3A_31 = arith.constant 0 : i32
    %scan3A_32 = arith.constant 0 : i32
    %scan3A_33 = arith.constant 8 : i32
    %scan3A_34 = arith.addi %scan3A_32, %scan3A_33 : i32
    %scan3A_35 = arith.constant 1 : i32
    scf.for %scan3A_37 = %scan3A_32 to %scan3A_34 step %scan3A_35  : i32 {
      %mul3A_38 = arith.constant 640 : i32
      %mul3A_39 = arith.muli %arg1, %mul3A_38 : i32
      %mul3A_40 = arith.constant 80 : i32
      %mul3A_41 = arith.muli %scan3A_37, %mul3A_40 : i32
      %add3A_42 = arith.addi %mul3A_39, %mul3A_41 : i32
      "tpu.region"() ({
        %run_scoped3A_51 = tpu.sem_alloc : memref<!tpu.dma_semaphore, #tpu.memory_space<semaphore_mem>>
        %dma_start3A_52 = arith.constant 0 : i32
        %dma_start3A_53 = tpu.memref_slice %arg8[%add3A_42, %dma_start3A_52] : memref<10240x128xf32, #tpu.memory_space<vmem_shared>> -> memref<80x128xf32, #tpu.memory_space<vmem_shared>>
        %dma_start3A_54 = arith.constant 0 : i32
        %dma_start3A_55 = tpu.memref_slice %arg8[%add3A_42, %dma_start3A_54] : memref<10240x128xf32, #tpu.memory_space<vmem_shared>> -> memref<80x128xf32, #tpu.memory_space<vmem_shared>>
        tpu.enqueue_dma source(%dma_start3A_55 : memref<80x128xf32, #tpu.memory_space<vmem_shared>>) target(%arg6 : memref<80x128xf32, #tpu.memory_space<vmem>>) target_semaphore(%run_scoped3A_51 : memref<!tpu.dma_semaphore, #tpu.memory_space<semaphore_mem>>)
        %dma_wait3A_56 = arith.constant 0 : i32
        %dma_wait3A_57 = tpu.memref_slice %arg8[%add3A_42, %dma_wait3A_56] : memref<10240x128xf32, #tpu.memory_space<vmem_shared>> -> memref<80x128xf32, #tpu.memory_space<vmem_shared>>
        %dma_wait3A_58 = arith.constant 0 : i32
        %dma_wait3A_59 = tpu.memref_slice %arg8[%add3A_42, %dma_wait3A_58] : memref<10240x128xf32, #tpu.memory_space<vmem_shared>> -> memref<80x128xf32, #tpu.memory_space<vmem_shared>>
        tpu.wait_dma2 semaphore(%run_scoped3A_51 : memref<!tpu.dma_semaphore, #tpu.memory_space<semaphore_mem>>) src(%dma_wait3A_59 : memref<80x128xf32, #tpu.memory_space<vmem_shared>>) dst(%arg6 : memref<80x128xf32, #tpu.memory_space<vmem>>)
        tpu.yield
      }) : () -> ()
      %mul3A_43 = arith.constant 10240 : i32
      %mul3A_44 = arith.muli %arg0, %mul3A_43 : i32
      %mul3A_45 = arith.constant 640 : i32
      %mul3A_46 = arith.muli %arg1, %mul3A_45 : i32
      %add3A_47 = arith.addi %mul3A_44, %mul3A_46 : i32
      %mul3A_48 = arith.constant 80 : i32
      %mul3A_49 = arith.muli %scan3A_37, %mul3A_48 : i32
      %add3A_50 = arith.addi %add3A_47, %mul3A_49 : i32
      "tpu.region"() ({
        %run_scoped3A_51 = tpu.sem_alloc : memref<!tpu.dma_semaphore, #tpu.memory_space<semaphore_mem>>
        %dma_start3A_52 = arith.constant 0 : i32
        %dma_start3A_53 = tpu.memref_slice %arg4[%add3A_50, %dma_start3A_52] : memref<20480x128xf32, #tpu.memory_space<hbm>> -> memref<80x128xf32, #tpu.memory_space<hbm>>
        %dma_start3A_54 = arith.constant 0 : i32
        %dma_start3A_55 = tpu.memref_slice %arg4[%add3A_50, %dma_start3A_54] : memref<20480x128xf32, #tpu.memory_space<hbm>> -> memref<80x128xf32, #tpu.memory_space<hbm>>
        tpu.enqueue_dma source(%arg6 : memref<80x128xf32, #tpu.memory_space<vmem>>) target(%dma_start3A_55 : memref<80x128xf32, #tpu.memory_space<hbm>>) target_semaphore(%run_scoped3A_51 : memref<!tpu.dma_semaphore, #tpu.memory_space<semaphore_mem>>)
        %dma_wait3A_56 = arith.constant 0 : i32
        %dma_wait3A_57 = tpu.memref_slice %arg4[%add3A_50, %dma_wait3A_56] : memref<20480x128xf32, #tpu.memory_space<hbm>> -> memref<80x128xf32, #tpu.memory_space<hbm>>
        %dma_wait3A_58 = arith.constant 0 : i32
        %dma_wait3A_59 = tpu.memref_slice %arg4[%add3A_50, %dma_wait3A_58] : memref<20480x128xf32, #tpu.memory_space<hbm>> -> memref<80x128xf32, #tpu.memory_space<hbm>>
        tpu.wait_dma2 semaphore(%run_scoped3A_51 : memref<!tpu.dma_semaphore, #tpu.memory_space<semaphore_mem>>) src(%arg6 : memref<80x128xf32, #tpu.memory_space<vmem>>) dst(%dma_wait3A_59 : memref<80x128xf32, #tpu.memory_space<hbm>>)
        tpu.yield
      }) : () -> ()
    }
    %scan3A_36 = arith.constant 8 : i32
    return
  }
}

#map = affine_map<(d0, d1) -> (0, 0)>
#map1 = affine_map<(d0, d1) -> (0, 0, 0)>
module attributes {stable_mosaic.version = 14 : i64} {
  func.func @_sc_gs_body(%arg0: i32, %arg1: i32, %arg2: memref<10000x128xf32, #tpu.memory_space<hbm>>, %arg3: memref<32x10000xi32, #tpu.memory_space<hbm>>, %arg4: memref<32x125x80xi32, #tpu.memory_space<hbm>>, %arg5: memref<26240x128xf32, #tpu.memory_space<hbm>>, %arg6: memref<10000xi32, #tpu.memory_space<vmem>>, %arg7: memref<125x80xi32, #tpu.memory_space<vmem>>, %arg8: memref<80x128xf32, #tpu.memory_space<vmem>>, %arg9: memref<80x128xf32, #tpu.memory_space<vmem>>, %arg10: memref<10240x128xf32, #tpu.memory_space<vmem_shared>>, %arg11: memref<!tpu.dma_semaphore, #tpu.memory_space<semaphore_mem>>, %arg12: memref<!tpu.dma_semaphore, #tpu.memory_space<semaphore_mem>>) attributes {dimension_semantics = [#tpu.dimension_semantics<core_parallel>, #tpu.dimension_semantics<subcore_parallel>], iteration_bounds = array<i64: 2, 16>, scalar_prefetch = 0 : i64, scratch_operands = 7 : i64, tpu.core_type = #tpu.core_type<sc_vector_subcore>, window_params = [{transform_indices = #map}, {transform_indices = #map}, {transform_indices = #map1}, {transform_indices = #map}]} {
    %mul3A = arith.constant 2 : i32
    %mul3A_0 = arith.muli %arg1, %mul3A : i32
    %add3A = arith.addi %mul3A_0, %arg0 : i32
    "tpu.region"() ({
      %run_scoped3A_34 = tpu.sem_alloc : memref<!tpu.dma_semaphore, #tpu.memory_space<semaphore_mem>>
      %dma_start3A_35 = arith.constant 0 : i32
      %dma_start3A_36 = tpu.memref_slice %arg3[%add3A, %dma_start3A_35] : memref<32x10000xi32, #tpu.memory_space<hbm>> -> memref<1x10000xi32, #tpu.memory_space<hbm>>
      %dma_start3A_37 = tpu.memref_squeeze %dma_start3A_36 : memref<1x10000xi32, #tpu.memory_space<hbm>> -> memref<10000xi32, #tpu.memory_space<hbm>>
      %dma_start3A_38 = arith.constant 0 : i32
      %dma_start3A_39 = tpu.memref_slice %arg3[%add3A, %dma_start3A_38] : memref<32x10000xi32, #tpu.memory_space<hbm>> -> memref<1x10000xi32, #tpu.memory_space<hbm>>
      %dma_start3A_40 = tpu.memref_squeeze %dma_start3A_39 : memref<1x10000xi32, #tpu.memory_space<hbm>> -> memref<10000xi32, #tpu.memory_space<hbm>>
      tpu.enqueue_dma source(%dma_start3A_40 : memref<10000xi32, #tpu.memory_space<hbm>>) target(%arg6 : memref<10000xi32, #tpu.memory_space<vmem>>) target_semaphore(%run_scoped3A_34 : memref<!tpu.dma_semaphore, #tpu.memory_space<semaphore_mem>>)
      %dma_wait3A_41 = arith.constant 0 : i32
      %dma_wait3A_42 = tpu.memref_slice %arg3[%add3A, %dma_wait3A_41] : memref<32x10000xi32, #tpu.memory_space<hbm>> -> memref<1x10000xi32, #tpu.memory_space<hbm>>
      %dma_wait3A_43 = tpu.memref_squeeze %dma_wait3A_42 : memref<1x10000xi32, #tpu.memory_space<hbm>> -> memref<10000xi32, #tpu.memory_space<hbm>>
      %dma_wait3A_44 = arith.constant 0 : i32
      %dma_wait3A_45 = tpu.memref_slice %arg3[%add3A, %dma_wait3A_44] : memref<32x10000xi32, #tpu.memory_space<hbm>> -> memref<1x10000xi32, #tpu.memory_space<hbm>>
      %dma_wait3A_46 = tpu.memref_squeeze %dma_wait3A_45 : memref<1x10000xi32, #tpu.memory_space<hbm>> -> memref<10000xi32, #tpu.memory_space<hbm>>
      tpu.wait_dma2 semaphore(%run_scoped3A_34 : memref<!tpu.dma_semaphore, #tpu.memory_space<semaphore_mem>>) src(%dma_wait3A_46 : memref<10000xi32, #tpu.memory_space<hbm>>) dst(%arg6 : memref<10000xi32, #tpu.memory_space<vmem>>)
      tpu.yield
    }) : () -> ()
    "tpu.region"() ({
      %run_scoped3A_34 = tpu.sem_alloc : memref<!tpu.dma_semaphore, #tpu.memory_space<semaphore_mem>>
      %dma_start3A_35 = arith.constant 0 : i32
      %dma_start3A_36 = arith.constant 0 : i32
      %dma_start3A_37 = tpu.memref_slice %arg4[%add3A, %dma_start3A_35, %dma_start3A_36] : memref<32x125x80xi32, #tpu.memory_space<hbm>> -> memref<1x125x80xi32, #tpu.memory_space<hbm>>
      %dma_start3A_38 = tpu.memref_squeeze %dma_start3A_37 : memref<1x125x80xi32, #tpu.memory_space<hbm>> -> memref<125x80xi32, #tpu.memory_space<hbm>>
      %dma_start3A_39 = arith.constant 0 : i32
      %dma_start3A_40 = arith.constant 0 : i32
      %dma_start3A_41 = tpu.memref_slice %arg4[%add3A, %dma_start3A_39, %dma_start3A_40] : memref<32x125x80xi32, #tpu.memory_space<hbm>> -> memref<1x125x80xi32, #tpu.memory_space<hbm>>
      %dma_start3A_42 = tpu.memref_squeeze %dma_start3A_41 : memref<1x125x80xi32, #tpu.memory_space<hbm>> -> memref<125x80xi32, #tpu.memory_space<hbm>>
      tpu.enqueue_dma source(%dma_start3A_42 : memref<125x80xi32, #tpu.memory_space<hbm>>) target(%arg7 : memref<125x80xi32, #tpu.memory_space<vmem>>) target_semaphore(%run_scoped3A_34 : memref<!tpu.dma_semaphore, #tpu.memory_space<semaphore_mem>>)
      %dma_wait3A_43 = arith.constant 0 : i32
      %dma_wait3A_44 = arith.constant 0 : i32
      %dma_wait3A_45 = tpu.memref_slice %arg4[%add3A, %dma_wait3A_43, %dma_wait3A_44] : memref<32x125x80xi32, #tpu.memory_space<hbm>> -> memref<1x125x80xi32, #tpu.memory_space<hbm>>
      %dma_wait3A_46 = tpu.memref_squeeze %dma_wait3A_45 : memref<1x125x80xi32, #tpu.memory_space<hbm>> -> memref<125x80xi32, #tpu.memory_space<hbm>>
      %dma_wait3A_47 = arith.constant 0 : i32
      %dma_wait3A_48 = arith.constant 0 : i32
      %dma_wait3A_49 = tpu.memref_slice %arg4[%add3A, %dma_wait3A_47, %dma_wait3A_48] : memref<32x125x80xi32, #tpu.memory_space<hbm>> -> memref<1x125x80xi32, #tpu.memory_space<hbm>>
      %dma_wait3A_50 = tpu.memref_squeeze %dma_wait3A_49 : memref<1x125x80xi32, #tpu.memory_space<hbm>> -> memref<125x80xi32, #tpu.memory_space<hbm>>
      tpu.wait_dma2 semaphore(%run_scoped3A_34 : memref<!tpu.dma_semaphore, #tpu.memory_space<semaphore_mem>>) src(%dma_wait3A_50 : memref<125x80xi32, #tpu.memory_space<hbm>>) dst(%arg7 : memref<125x80xi32, #tpu.memory_space<vmem>>)
      tpu.yield
    }) : () -> ()
    %scan3A = arith.constant 0 : i32
    %scan3A_1 = arith.constant 0 : i32
    %scan3A_2 = arith.constant 80 : i32
    %scan3A_3 = arith.addi %scan3A_1, %scan3A_2 : i32
    %scan3A_4 = arith.constant 1 : i32
    scf.for %scan3A_34 = %scan3A_1 to %scan3A_3 step %scan3A_4  : i32 {
      %broadcast_in_dim3A = arith.constant 0.000000e+00 : f32
      %broadcast_in_dim3A_35 = vector.broadcast %broadcast_in_dim3A : f32 to vector<16xf32>
      %swap3A = arith.index_cast %scan3A_34 : i32 to index
      %swap3A_36 = arith.constant 0 : index
      %swap3A_37 = tpu.vector_load %arg8[%swap3A, %swap3A_36] {strides = array<i32>} : memref<80x128xf32, #tpu.memory_space<vmem>>, vector<1x16xf32>,
      %swap3A_38 = vector.shape_cast %swap3A_37 : vector<1x16xf32> to vector<16xf32>
      %swap3A_39 = vector.shape_cast %broadcast_in_dim3A_35 : vector<16xf32> to vector<1x16xf32>
      tpu.vector_store %arg8[%swap3A, %swap3A_36], %swap3A_39 {strides = array<i32>} : memref<80x128xf32, #tpu.memory_space<vmem>>, vector<1x16xf32>,
      %broadcast_in_dim3A_40 = arith.constant 0.000000e+00 : f32
      %broadcast_in_dim3A_41 = vector.broadcast %broadcast_in_dim3A_40 : f32 to vector<16xf32>
      %swap3A_42 = arith.index_cast %scan3A_34 : i32 to index
      %swap3A_43 = arith.constant 16 : index
      %swap3A_44 = tpu.vector_load %arg8[%swap3A_42, %swap3A_43] {strides = array<i32>} : memref<80x128xf32, #tpu.memory_space<vmem>>, vector<1x16xf32>,
      %swap3A_45 = vector.shape_cast %swap3A_44 : vector<1x16xf32> to vector<16xf32>
      %swap3A_46 = vector.shape_cast %broadcast_in_dim3A_41 : vector<16xf32> to vector<1x16xf32>
      tpu.vector_store %arg8[%swap3A_42, %swap3A_43], %swap3A_46 {strides = array<i32>} : memref<80x128xf32, #tpu.memory_space<vmem>>, vector<1x16xf32>,
      %broadcast_in_dim3A_47 = arith.constant 0.000000e+00 : f32
      %broadcast_in_dim3A_48 = vector.broadcast %broadcast_in_dim3A_47 : f32 to vector<16xf32>
      %swap3A_49 = arith.index_cast %scan3A_34 : i32 to index
      %swap3A_50 = arith.constant 32 : index
      %swap3A_51 = tpu.vector_load %arg8[%swap3A_49, %swap3A_50] {strides = array<i32>} : memref<80x128xf32, #tpu.memory_space<vmem>>, vector<1x16xf32>,
      %swap3A_52 = vector.shape_cast %swap3A_51 : vector<1x16xf32> to vector<16xf32>
      %swap3A_53 = vector.shape_cast %broadcast_in_dim3A_48 : vector<16xf32> to vector<1x16xf32>
      tpu.vector_store %arg8[%swap3A_49, %swap3A_50], %swap3A_53 {strides = array<i32>} : memref<80x128xf32, #tpu.memory_space<vmem>>, vector<1x16xf32>,
      %broadcast_in_dim3A_54 = arith.constant 0.000000e+00 : f32
      %broadcast_in_dim3A_55 = vector.broadcast %broadcast_in_dim3A_54 : f32 to vector<16xf32>
      %swap3A_56 = arith.index_cast %scan3A_34 : i32 to index
      %swap3A_57 = arith.constant 48 : index
      %swap3A_58 = tpu.vector_load %arg8[%swap3A_56, %swap3A_57] {strides = array<i32>} : memref<80x128xf32, #tpu.memory_space<vmem>>, vector<1x16xf32>,
      %swap3A_59 = vector.shape_cast %swap3A_58 : vector<1x16xf32> to vector<16xf32>
      %swap3A_60 = vector.shape_cast %broadcast_in_dim3A_55 : vector<16xf32> to vector<1x16xf32>
      tpu.vector_store %arg8[%swap3A_56, %swap3A_57], %swap3A_60 {strides = array<i32>} : memref<80x128xf32, #tpu.memory_space<vmem>>, vector<1x16xf32>,
      %broadcast_in_dim3A_61 = arith.constant 0.000000e+00 : f32
      %broadcast_in_dim3A_62 = vector.broadcast %broadcast_in_dim3A_61 : f32 to vector<16xf32>
      %swap3A_63 = arith.index_cast %scan3A_34 : i32 to index
      %swap3A_64 = arith.constant 64 : index
      %swap3A_65 = tpu.vector_load %arg8[%swap3A_63, %swap3A_64] {strides = array<i32>} : memref<80x128xf32, #tpu.memory_space<vmem>>, vector<1x16xf32>,
      %swap3A_66 = vector.shape_cast %swap3A_65 : vector<1x16xf32> to vector<16xf32>
      %swap3A_67 = vector.shape_cast %broadcast_in_dim3A_62 : vector<16xf32> to vector<1x16xf32>
      tpu.vector_store %arg8[%swap3A_63, %swap3A_64], %swap3A_67 {strides = array<i32>} : memref<80x128xf32, #tpu.memory_space<vmem>>, vector<1x16xf32>,
      %broadcast_in_dim3A_68 = arith.constant 0.000000e+00 : f32
      %broadcast_in_dim3A_69 = vector.broadcast %broadcast_in_dim3A_68 : f32 to vector<16xf32>
      %swap3A_70 = arith.index_cast %scan3A_34 : i32 to index
      %swap3A_71 = arith.constant 80 : index
      %swap3A_72 = tpu.vector_load %arg8[%swap3A_70, %swap3A_71] {strides = array<i32>} : memref<80x128xf32, #tpu.memory_space<vmem>>, vector<1x16xf32>,
      %swap3A_73 = vector.shape_cast %swap3A_72 : vector<1x16xf32> to vector<16xf32>
      %swap3A_74 = vector.shape_cast %broadcast_in_dim3A_69 : vector<16xf32> to vector<1x16xf32>
      tpu.vector_store %arg8[%swap3A_70, %swap3A_71], %swap3A_74 {strides = array<i32>} : memref<80x128xf32, #tpu.memory_space<vmem>>, vector<1x16xf32>,
      %broadcast_in_dim3A_75 = arith.constant 0.000000e+00 : f32
      %broadcast_in_dim3A_76 = vector.broadcast %broadcast_in_dim3A_75 : f32 to vector<16xf32>
      %swap3A_77 = arith.index_cast %scan3A_34 : i32 to index
      %swap3A_78 = arith.constant 96 : index
      %swap3A_79 = tpu.vector_load %arg8[%swap3A_77, %swap3A_78] {strides = array<i32>} : memref<80x128xf32, #tpu.memory_space<vmem>>, vector<1x16xf32>,
      %swap3A_80 = vector.shape_cast %swap3A_79 : vector<1x16xf32> to vector<16xf32>
      %swap3A_81 = vector.shape_cast %broadcast_in_dim3A_76 : vector<16xf32> to vector<1x16xf32>
      tpu.vector_store %arg8[%swap3A_77, %swap3A_78], %swap3A_81 {strides = array<i32>} : memref<80x128xf32, #tpu.memory_space<vmem>>, vector<1x16xf32>,
      %broadcast_in_dim3A_82 = arith.constant 0.000000e+00 : f32
      %broadcast_in_dim3A_83 = vector.broadcast %broadcast_in_dim3A_82 : f32 to vector<16xf32>
      %swap3A_84 = arith.index_cast %scan3A_34 : i32 to index
      %swap3A_85 = arith.constant 112 : index
      %swap3A_86 = tpu.vector_load %arg8[%swap3A_84, %swap3A_85] {strides = array<i32>} : memref<80x128xf32, #tpu.memory_space<vmem>>, vector<1x16xf32>,
      %swap3A_87 = vector.shape_cast %swap3A_86 : vector<1x16xf32> to vector<16xf32>
      %swap3A_88 = vector.shape_cast %broadcast_in_dim3A_83 : vector<16xf32> to vector<1x16xf32>
      tpu.vector_store %arg8[%swap3A_84, %swap3A_85], %swap3A_88 {strides = array<i32>} : memref<80x128xf32, #tpu.memory_space<vmem>>, vector<1x16xf32>,
    }
    %scan3A_5 = arith.constant 80 : i32
    %scan3A_6 = arith.constant 0 : i32
    %scan3A_7 = arith.constant 0 : i32
    %scan3A_8 = arith.constant 8 : i32
    %scan3A_9 = arith.addi %scan3A_7, %scan3A_8 : i32
    %scan3A_10 = arith.constant 1 : i32
    scf.for %scan3A_34 = %scan3A_7 to %scan3A_9 step %scan3A_10  : i32 {
      %mul3A_35 = arith.constant 640 : i32
      %mul3A_36 = arith.muli %arg1, %mul3A_35 : i32
      %mul3A_37 = arith.constant 80 : i32
      %mul3A_38 = arith.muli %scan3A_34, %mul3A_37 : i32
      %add3A_39 = arith.addi %mul3A_36, %mul3A_38 : i32
      "tpu.region"() ({
        %run_scoped3A_40 = tpu.sem_alloc : memref<!tpu.dma_semaphore, #tpu.memory_space<semaphore_mem>>
        %dma_start3A_41 = arith.constant 0 : i32
        %dma_start3A_42 = tpu.memref_slice %arg10[%add3A_39, %dma_start3A_41] : memref<10240x128xf32, #tpu.memory_space<vmem_shared>> -> memref<80x128xf32, #tpu.memory_space<vmem_shared>>
        %dma_start3A_43 = arith.constant 0 : i32
        %dma_start3A_44 = tpu.memref_slice %arg10[%add3A_39, %dma_start3A_43] : memref<10240x128xf32, #tpu.memory_space<vmem_shared>> -> memref<80x128xf32, #tpu.memory_space<vmem_shared>>
        tpu.enqueue_dma source(%arg8 : memref<80x128xf32, #tpu.memory_space<vmem>>) target(%dma_start3A_44 : memref<80x128xf32, #tpu.memory_space<vmem_shared>>) target_semaphore(%run_scoped3A_40 : memref<!tpu.dma_semaphore, #tpu.memory_space<semaphore_mem>>)
        %dma_wait3A_45 = arith.constant 0 : i32
        %dma_wait3A_46 = tpu.memref_slice %arg10[%add3A_39, %dma_wait3A_45] : memref<10240x128xf32, #tpu.memory_space<vmem_shared>> -> memref<80x128xf32, #tpu.memory_space<vmem_shared>>
        %dma_wait3A_47 = arith.constant 0 : i32
        %dma_wait3A_48 = tpu.memref_slice %arg10[%add3A_39, %dma_wait3A_47] : memref<10240x128xf32, #tpu.memory_space<vmem_shared>> -> memref<80x128xf32, #tpu.memory_space<vmem_shared>>
        tpu.wait_dma2 semaphore(%run_scoped3A_40 : memref<!tpu.dma_semaphore, #tpu.memory_space<semaphore_mem>>) src(%arg8 : memref<80x128xf32, #tpu.memory_space<vmem>>) dst(%dma_wait3A_48 : memref<80x128xf32, #tpu.memory_space<vmem_shared>>)
        tpu.yield
      }) : () -> ()
    }
    %scan3A_11 = arith.constant 8 : i32
    %barrier3A = arith.constant 0 : index
    tpu.barrier barrier_id(%barrier3A)
    %dma_start3A = arith.constant 0 : i32
    %dma_start3A_12 = tpu.memref_slice %arg6[%dma_start3A] : memref<10000xi32, #tpu.memory_space<vmem>> -> memref<80xi32, #tpu.memory_space<vmem>>
    %dma_start3A_13 = arith.constant 0 : i32
    %dma_start3A_14 = arith.constant 0 : i32
    %dma_start3A_15 = tpu.memref_slice %arg2[%dma_start3A_13, %dma_start3A_14] : memref<10000x128xf32, #tpu.memory_space<hbm>> -> memref<10000x128xf32, #tpu.memory_space<hbm>>
    tpu.enqueue_indirect_dma source(%dma_start3A_15 : memref<10000x128xf32, #tpu.memory_space<hbm>>) target(%arg8 : memref<80x128xf32, #tpu.memory_space<vmem>>) offsets(%dma_start3A_12 : memref<80xi32, #tpu.memory_space<vmem>>) semaphore(%arg11 : memref<!tpu.dma_semaphore, #tpu.memory_space<semaphore_mem>>)
    %scan3A_16 = arith.constant 0 : i32
    %scan3A_17 = arith.constant 0 : i32
    %scan3A_18 = arith.constant 62 : i32
    %scan3A_19 = arith.addi %scan3A_17, %scan3A_18 : i32
    %scan3A_20 = arith.constant 1 : i32
    scf.for %scan3A_34 = %scan3A_17 to %scan3A_19 step %scan3A_20  : i32 {
      %mul3A_35 = arith.constant 2 : i32
      %mul3A_36 = arith.muli %mul3A_35, %scan3A_34 : i32
      %add3A_37 = arith.constant 1 : i32
      %add3A_38 = arith.addi %mul3A_36, %add3A_37 : i32
      %mul3A_39 = arith.constant 80 : i32
      %mul3A_40 = arith.muli %add3A_38, %mul3A_39 : i32
      %dma_start3A_41 = tpu.memref_slice %arg6[%mul3A_40] : memref<10000xi32, #tpu.memory_space<vmem>> -> memref<80xi32, #tpu.memory_space<vmem>>
      %dma_start3A_42 = arith.constant 0 : i32
      %dma_start3A_43 = arith.constant 0 : i32
      %dma_start3A_44 = tpu.memref_slice %arg2[%dma_start3A_42, %dma_start3A_43] : memref<10000x128xf32, #tpu.memory_space<hbm>> -> memref<10000x128xf32, #tpu.memory_space<hbm>>
      tpu.enqueue_indirect_dma source(%dma_start3A_44 : memref<10000x128xf32, #tpu.memory_space<hbm>>) target(%arg9 : memref<80x128xf32, #tpu.memory_space<vmem>>) offsets(%dma_start3A_41 : memref<80xi32, #tpu.memory_space<vmem>>) semaphore(%arg12 : memref<!tpu.dma_semaphore, #tpu.memory_space<semaphore_mem>>)
      %dma_wait3A_45 = arith.constant 0 : i32
      %dma_wait3A_46 = arith.constant 0 : i32
      %dma_wait3A_47 = tpu.memref_slice %arg2[%dma_wait3A_45, %dma_wait3A_46] : memref<10000x128xf32, #tpu.memory_space<hbm>> -> memref<80x128xf32, #tpu.memory_space<hbm>>
      %dma_wait3A_48 = arith.constant 0 : i32
      %dma_wait3A_49 = arith.constant 0 : i32
      %dma_wait3A_50 = tpu.memref_slice %arg2[%dma_wait3A_48, %dma_wait3A_49] : memref<10000x128xf32, #tpu.memory_space<hbm>> -> memref<80x128xf32, #tpu.memory_space<hbm>>
      tpu.wait_dma2 semaphore(%arg11 : memref<!tpu.dma_semaphore, #tpu.memory_space<semaphore_mem>>) src(%dma_wait3A_50 : memref<80x128xf32, #tpu.memory_space<hbm>>) dst(%arg8 : memref<80x128xf32, #tpu.memory_space<vmem>>)
      "tpu.region"() ({
        %run_scoped3A_65 = tpu.sem_alloc : memref<!tpu.dma_semaphore, #tpu.memory_space<semaphore_mem>>
        %dma_start3A_66 = arith.constant 0 : i32
        %dma_start3A_67 = tpu.memref_slice %arg7[%mul3A_36, %dma_start3A_66] : memref<125x80xi32, #tpu.memory_space<vmem>> -> memref<1x80xi32, #tpu.memory_space<vmem>>
        %dma_start3A_68 = tpu.memref_squeeze %dma_start3A_67 : memref<1x80xi32, #tpu.memory_space<vmem>> -> memref<80xi32, #tpu.memory_space<vmem>>
        %dma_start3A_69 = arith.constant 0 : i32
        %dma_start3A_70 = arith.constant 0 : i32
        %dma_start3A_71 = tpu.memref_slice %arg10[%dma_start3A_69, %dma_start3A_70] : memref<10240x128xf32, #tpu.memory_space<vmem_shared>> -> memref<10240x128xf32, #tpu.memory_space<vmem_shared>>
        tpu.enqueue_indirect_dma source(%arg8 : memref<80x128xf32, #tpu.memory_space<vmem>>) target(%dma_start3A_71 : memref<10240x128xf32, #tpu.memory_space<vmem_shared>>) offsets(%dma_start3A_68 : memref<80xi32, #tpu.memory_space<vmem>>) semaphore(%run_scoped3A_65 : memref<!tpu.dma_semaphore, #tpu.memory_space<semaphore_mem>>) {add = true}
        %dma_wait3A_72 = arith.constant 0 : i32
        %dma_wait3A_73 = tpu.memref_slice %arg7[%mul3A_36, %dma_wait3A_72] : memref<125x80xi32, #tpu.memory_space<vmem>> -> memref<1x80xi32, #tpu.memory_space<vmem>>
        %dma_wait3A_74 = tpu.memref_squeeze %dma_wait3A_73 : memref<1x80xi32, #tpu.memory_space<vmem>> -> memref<80xi32, #tpu.memory_space<vmem>>
        %dma_wait3A_75 = arith.constant 0 : i32
        %dma_wait3A_76 = arith.constant 0 : i32
        %dma_wait3A_77 = tpu.memref_slice %arg10[%dma_wait3A_75, %dma_wait3A_76] : memref<10240x128xf32, #tpu.memory_space<vmem_shared>> -> memref<10240x128xf32, #tpu.memory_space<vmem_shared>>
        tpu.wait_indirect_dma semaphore(%run_scoped3A_65 : memref<!tpu.dma_semaphore, #tpu.memory_space<semaphore_mem>>) src(%arg8 : memref<80x128xf32, #tpu.memory_space<vmem>>) dst(%dma_wait3A_77 : memref<10240x128xf32, #tpu.memory_space<vmem_shared>>)
        tpu.yield
      }) : () -> ()
      %add3A_51 = arith.constant 2 : i32
      %add3A_52 = arith.addi %mul3A_36, %add3A_51 : i32
      %mul3A_53 = arith.constant 80 : i32
      %mul3A_54 = arith.muli %add3A_52, %mul3A_53 : i32
      %dma_start3A_55 = tpu.memref_slice %arg6[%mul3A_54] : memref<10000xi32, #tpu.memory_space<vmem>> -> memref<80xi32, #tpu.memory_space<vmem>>
      %dma_start3A_56 = arith.constant 0 : i32
      %dma_start3A_57 = arith.constant 0 : i32
      %dma_start3A_58 = tpu.memref_slice %arg2[%dma_start3A_56, %dma_start3A_57] : memref<10000x128xf32, #tpu.memory_space<hbm>> -> memref<10000x128xf32, #tpu.memory_space<hbm>>
      tpu.enqueue_indirect_dma source(%dma_start3A_58 : memref<10000x128xf32, #tpu.memory_space<hbm>>) target(%arg8 : memref<80x128xf32, #tpu.memory_space<vmem>>) offsets(%dma_start3A_55 : memref<80xi32, #tpu.memory_space<vmem>>) semaphore(%arg11 : memref<!tpu.dma_semaphore, #tpu.memory_space<semaphore_mem>>)
      %dma_wait3A_59 = arith.constant 0 : i32
      %dma_wait3A_60 = arith.constant 0 : i32
      %dma_wait3A_61 = tpu.memref_slice %arg2[%dma_wait3A_59, %dma_wait3A_60] : memref<10000x128xf32, #tpu.memory_space<hbm>> -> memref<80x128xf32, #tpu.memory_space<hbm>>
      %dma_wait3A_62 = arith.constant 0 : i32
      %dma_wait3A_63 = arith.constant 0 : i32
      %dma_wait3A_64 = tpu.memref_slice %arg2[%dma_wait3A_62, %dma_wait3A_63] : memref<10000x128xf32, #tpu.memory_space<hbm>> -> memref<80x128xf32, #tpu.memory_space<hbm>>
      tpu.wait_dma2 semaphore(%arg12 : memref<!tpu.dma_semaphore, #tpu.memory_space<semaphore_mem>>) src(%dma_wait3A_64 : memref<80x128xf32, #tpu.memory_space<hbm>>) dst(%arg9 : memref<80x128xf32, #tpu.memory_space<vmem>>)
      "tpu.region"() ({
        %run_scoped3A_65 = tpu.sem_alloc : memref<!tpu.dma_semaphore, #tpu.memory_space<semaphore_mem>>
        %dma_start3A_66 = arith.constant 0 : i32
        %dma_start3A_67 = tpu.memref_slice %arg7[%add3A_38, %dma_start3A_66] : memref<125x80xi32, #tpu.memory_space<vmem>> -> memref<1x80xi32, #tpu.memory_space<vmem>>
        %dma_start3A_68 = tpu.memref_squeeze %dma_start3A_67 : memref<1x80xi32, #tpu.memory_space<vmem>> -> memref<80xi32, #tpu.memory_space<vmem>>
        %dma_start3A_69 = arith.constant 0 : i32
        %dma_start3A_70 = arith.constant 0 : i32
        %dma_start3A_71 = tpu.memref_slice %arg10[%dma_start3A_69, %dma_start3A_70] : memref<10240x128xf32, #tpu.memory_space<vmem_shared>> -> memref<10240x128xf32, #tpu.memory_space<vmem_shared>>
        tpu.enqueue_indirect_dma source(%arg9 : memref<80x128xf32, #tpu.memory_space<vmem>>) target(%dma_start3A_71 : memref<10240x128xf32, #tpu.memory_space<vmem_shared>>) offsets(%dma_start3A_68 : memref<80xi32, #tpu.memory_space<vmem>>) semaphore(%run_scoped3A_65 : memref<!tpu.dma_semaphore, #tpu.memory_space<semaphore_mem>>) {add = true}
        %dma_wait3A_72 = arith.constant 0 : i32
        %dma_wait3A_73 = tpu.memref_slice %arg7[%add3A_38, %dma_wait3A_72] : memref<125x80xi32, #tpu.memory_space<vmem>> -> memref<1x80xi32, #tpu.memory_space<vmem>>
        %dma_wait3A_74 = tpu.memref_squeeze %dma_wait3A_73 : memref<1x80xi32, #tpu.memory_space<vmem>> -> memref<80xi32, #tpu.memory_space<vmem>>
        %dma_wait3A_75 = arith.constant 0 : i32
        %dma_wait3A_76 = arith.constant 0 : i32
        %dma_wait3A_77 = tpu.memref_slice %arg10[%dma_wait3A_75, %dma_wait3A_76] : memref<10240x128xf32, #tpu.memory_space<vmem_shared>> -> memref<10240x128xf32, #tpu.memory_space<vmem_shared>>
        tpu.wait_indirect_dma semaphore(%run_scoped3A_65 : memref<!tpu.dma_semaphore, #tpu.memory_space<semaphore_mem>>) src(%arg9 : memref<80x128xf32, #tpu.memory_space<vmem>>) dst(%dma_wait3A_77 : memref<10240x128xf32, #tpu.memory_space<vmem_shared>>)
        tpu.yield
      }) : () -> ()
    }
    %scan3A_21 = arith.constant 62 : i32
    %dma_wait3A = arith.constant 0 : i32
    %dma_wait3A_22 = arith.constant 0 : i32
    %dma_wait3A_23 = tpu.memref_slice %arg2[%dma_wait3A, %dma_wait3A_22] : memref<10000x128xf32, #tpu.memory_space<hbm>> -> memref<80x128xf32, #tpu.memory_space<hbm>>
    %dma_wait3A_24 = arith.constant 0 : i32
    %dma_wait3A_25 = arith.constant 0 : i32
    %dma_wait3A_26 = tpu.memref_slice %arg2[%dma_wait3A_24, %dma_wait3A_25] : memref<10000x128xf32, #tpu.memory_space<hbm>> -> memref<80x128xf32, #tpu.memory_space<hbm>>
    tpu.wait_dma2 semaphore(%arg11 : memref<!tpu.dma_semaphore, #tpu.memory_space<semaphore_mem>>) src(%dma_wait3A_26 : memref<80x128xf32, #tpu.memory_space<hbm>>) dst(%arg8 : memref<80x128xf32, #tpu.memory_space<vmem>>)
    %run_scoped3A = arith.constant 124 : i32
    "tpu.region"() ({
      %run_scoped3A_34 = tpu.sem_alloc : memref<!tpu.dma_semaphore, #tpu.memory_space<semaphore_mem>>
      %dma_start3A_35 = arith.constant 0 : i32
      %dma_start3A_36 = tpu.memref_slice %arg7[%run_scoped3A, %dma_start3A_35] : memref<125x80xi32, #tpu.memory_space<vmem>> -> memref<1x80xi32, #tpu.memory_space<vmem>>
      %dma_start3A_37 = tpu.memref_squeeze %dma_start3A_36 : memref<1x80xi32, #tpu.memory_space<vmem>> -> memref<80xi32, #tpu.memory_space<vmem>>
      %dma_start3A_38 = arith.constant 0 : i32
      %dma_start3A_39 = arith.constant 0 : i32
      %dma_start3A_40 = tpu.memref_slice %arg10[%dma_start3A_38, %dma_start3A_39] : memref<10240x128xf32, #tpu.memory_space<vmem_shared>> -> memref<10240x128xf32, #tpu.memory_space<vmem_shared>>
      tpu.enqueue_indirect_dma source(%arg8 : memref<80x128xf32, #tpu.memory_space<vmem>>) target(%dma_start3A_40 : memref<10240x128xf32, #tpu.memory_space<vmem_shared>>) offsets(%dma_start3A_37 : memref<80xi32, #tpu.memory_space<vmem>>) semaphore(%run_scoped3A_34 : memref<!tpu.dma_semaphore, #tpu.memory_space<semaphore_mem>>) {add = true}
      %dma_wait3A_41 = arith.constant 0 : i32
      %dma_wait3A_42 = tpu.memref_slice %arg7[%run_scoped3A, %dma_wait3A_41] : memref<125x80xi32, #tpu.memory_space<vmem>> -> memref<1x80xi32, #tpu.memory_space<vmem>>
      %dma_wait3A_43 = tpu.memref_squeeze %dma_wait3A_42 : memref<1x80xi32, #tpu.memory_space<vmem>> -> memref<80xi32, #tpu.memory_space<vmem>>
      %dma_wait3A_44 = arith.constant 0 : i32
      %dma_wait3A_45 = arith.constant 0 : i32
      %dma_wait3A_46 = tpu.memref_slice %arg10[%dma_wait3A_44, %dma_wait3A_45] : memref<10240x128xf32, #tpu.memory_space<vmem_shared>> -> memref<10240x128xf32, #tpu.memory_space<vmem_shared>>
      tpu.wait_indirect_dma semaphore(%run_scoped3A_34 : memref<!tpu.dma_semaphore, #tpu.memory_space<semaphore_mem>>) src(%arg8 : memref<80x128xf32, #tpu.memory_space<vmem>>) dst(%dma_wait3A_46 : memref<10240x128xf32, #tpu.memory_space<vmem_shared>>)
      tpu.yield
    }) : () -> ()
    %barrier3A_27 = arith.constant 0 : index
    tpu.barrier barrier_id(%barrier3A_27)
    %scan3A_28 = arith.constant 0 : i32
    %scan3A_29 = arith.constant 0 : i32
    %scan3A_30 = arith.constant 8 : i32
    %scan3A_31 = arith.addi %scan3A_29, %scan3A_30 : i32
    %scan3A_32 = arith.constant 1 : i32
    scf.for %scan3A_34 = %scan3A_29 to %scan3A_31 step %scan3A_32  : i32 {
      %mul3A_35 = arith.constant 640 : i32
      %mul3A_36 = arith.muli %arg1, %mul3A_35 : i32
      %mul3A_37 = arith.constant 80 : i32
      %mul3A_38 = arith.muli %scan3A_34, %mul3A_37 : i32
      %add3A_39 = arith.addi %mul3A_36, %mul3A_38 : i32
      "tpu.region"() ({
        %run_scoped3A_48 = tpu.sem_alloc : memref<!tpu.dma_semaphore, #tpu.memory_space<semaphore_mem>>
        %dma_start3A_49 = arith.constant 0 : i32
        %dma_start3A_50 = tpu.memref_slice %arg10[%add3A_39, %dma_start3A_49] : memref<10240x128xf32, #tpu.memory_space<vmem_shared>> -> memref<80x128xf32, #tpu.memory_space<vmem_shared>>
        %dma_start3A_51 = arith.constant 0 : i32
        %dma_start3A_52 = tpu.memref_slice %arg10[%add3A_39, %dma_start3A_51] : memref<10240x128xf32, #tpu.memory_space<vmem_shared>> -> memref<80x128xf32, #tpu.memory_space<vmem_shared>>
        tpu.enqueue_dma source(%dma_start3A_52 : memref<80x128xf32, #tpu.memory_space<vmem_shared>>) target(%arg8 : memref<80x128xf32, #tpu.memory_space<vmem>>) target_semaphore(%run_scoped3A_48 : memref<!tpu.dma_semaphore, #tpu.memory_space<semaphore_mem>>)
        %dma_wait3A_53 = arith.constant 0 : i32
        %dma_wait3A_54 = tpu.memref_slice %arg10[%add3A_39, %dma_wait3A_53] : memref<10240x128xf32, #tpu.memory_space<vmem_shared>> -> memref<80x128xf32, #tpu.memory_space<vmem_shared>>
        %dma_wait3A_55 = arith.constant 0 : i32
        %dma_wait3A_56 = tpu.memref_slice %arg10[%add3A_39, %dma_wait3A_55] : memref<10240x128xf32, #tpu.memory_space<vmem_shared>> -> memref<80x128xf32, #tpu.memory_space<vmem_shared>>
        tpu.wait_dma2 semaphore(%run_scoped3A_48 : memref<!tpu.dma_semaphore, #tpu.memory_space<semaphore_mem>>) src(%dma_wait3A_56 : memref<80x128xf32, #tpu.memory_space<vmem_shared>>) dst(%arg8 : memref<80x128xf32, #tpu.memory_space<vmem>>)
        tpu.yield
      }) : () -> ()
      %mul3A_40 = arith.constant 16000 : i32
      %mul3A_41 = arith.muli %arg0, %mul3A_40 : i32
      %mul3A_42 = arith.constant 640 : i32
      %mul3A_43 = arith.muli %arg1, %mul3A_42 : i32
      %add3A_44 = arith.addi %mul3A_41, %mul3A_43 : i32
      %mul3A_45 = arith.constant 80 : i32
      %mul3A_46 = arith.muli %scan3A_34, %mul3A_45 : i32
      %add3A_47 = arith.addi %add3A_44, %mul3A_46 : i32
      "tpu.region"() ({
        %run_scoped3A_48 = tpu.sem_alloc : memref<!tpu.dma_semaphore, #tpu.memory_space<semaphore_mem>>
        %dma_start3A_49 = arith.constant 0 : i32
        %dma_start3A_50 = tpu.memref_slice %arg5[%add3A_47, %dma_start3A_49] : memref<26240x128xf32, #tpu.memory_space<hbm>> -> memref<80x128xf32, #tpu.memory_space<hbm>>
        %dma_start3A_51 = arith.constant 0 : i32
        %dma_start3A_52 = tpu.memref_slice %arg5[%add3A_47, %dma_start3A_51] : memref<26240x128xf32, #tpu.memory_space<hbm>> -> memref<80x128xf32, #tpu.memory_space<hbm>>
        tpu.enqueue_dma source(%arg8 : memref<80x128xf32, #tpu.memory_space<vmem>>) target(%dma_start3A_52 : memref<80x128xf32, #tpu.memory_space<hbm>>) target_semaphore(%run_scoped3A_48 : memref<!tpu.dma_semaphore, #tpu.memory_space<semaphore_mem>>)
        %dma_wait3A_53 = arith.constant 0 : i32
        %dma_wait3A_54 = tpu.memref_slice %arg5[%add3A_47, %dma_wait3A_53] : memref<26240x128xf32, #tpu.memory_space<hbm>> -> memref<80x128xf32, #tpu.memory_space<hbm>>
        %dma_wait3A_55 = arith.constant 0 : i32
        %dma_wait3A_56 = tpu.memref_slice %arg5[%add3A_47, %dma_wait3A_55] : memref<26240x128xf32, #tpu.memory_space<hbm>> -> memref<80x128xf32, #tpu.memory_space<hbm>>
        tpu.wait_dma2 semaphore(%run_scoped3A_48 : memref<!tpu.dma_semaphore, #tpu.memory_space<semaphore_mem>>) src(%arg8 : memref<80x128xf32, #tpu.memory_space<vmem>>) dst(%dma_wait3A_56 : memref<80x128xf32, #tpu.memory_space<hbm>>)
        tpu.yield
      }) : () -> ()
    }
    %scan3A_33 = arith.constant 8 : i32
    return
  }
}

module attributes {stable_mosaic.version = 14 : i64} {
  func.func @_prep1_body(%arg0: i32, %arg1: memref<640x128xf32, #tpu.memory_space<vmem>>, %arg2: memref<640x128xf32, #tpu.memory_space<vmem>>, %arg3: memref<384x128xf32, #tpu.memory_space<vmem>>, %arg4: memref<640x128xf32, #tpu.memory_space<vmem>>, %arg5: memref<640x128xf32, #tpu.memory_space<vmem>>, %arg6: memref<640x128xf32, #tpu.memory_space<vmem>>) attributes {dimension_semantics = [#tpu.dimension_semantics<arbitrary>], iteration_bounds = array<i64: 16>, scalar_prefetch = 0 : i64, scratch_operands = 0 : i64, tpu.core_type = #tpu.core_type<tc>, window_params = [{transform_indices = @transform_0, window_bounds = array<i64: 640, 128>}, {transform_indices = @transform_1, window_bounds = array<i64: 640, 128>}, {pipeline_mode = #tpu.pipeline_mode<synchronous>, transform_indices = @transform_2, window_bounds = array<i64: 384, 128>}, {transform_indices = @transform_3, window_bounds = array<i64: 640, 128>}, {transform_indices = @transform_4, window_bounds = array<i64: 640, 128>}, {transform_indices = @transform_5, window_bounds = array<i64: 640, 128>}]} {
    %get3A = arith.constant 0 : index
    %get3A_0 = arith.constant 0 : index
    %get3A_1 = vector.load %arg1[%get3A, %get3A_0] : memref<640x128xf32, #tpu.memory_space<vmem>>, vector<640x128xf32>
    %get3A_2 = arith.constant 0 : index
    %get3A_3 = arith.constant 0 : index
    %get3A_4 = vector.load %arg3[%get3A_2, %get3A_3] : memref<384x128xf32, #tpu.memory_space<vmem>>, vector<384x128xf32>
    %slice3A = vector.extract_strided_slice %get3A_4 {offsets = [0, 0], sizes = [128, 128], strides = [1, 1]} : vector<384x128xf32> to vector<128x128xf32>
    %dot_general3A = arith.constant dense<0.000000e+00> : vector<640x128xf32>
    %dot_general3A_5 = tpu.matmul %get3A_1, %slice3A, %dot_general3A {dimension_numbers = #tpu.dot_dimension_numbers<[1], [0], [0], [1], [0, 0, 1, 1], [], []>, transpose_lhs_hint = false} : vector<640x128xf32>, vector<128x128xf32>, vector<640x128xf32> -> vector<640x128xf32>
    %swap3A = arith.constant 0 : index
    %swap3A_6 = arith.constant 0 : index
    %swap3A_7 = vector.load %arg4[%swap3A, %swap3A_6] : memref<640x128xf32, #tpu.memory_space<vmem>>, vector<640x128xf32>
    tpu.vector_store %arg4[%swap3A, %swap3A_6], %dot_general3A_5 {strides = array<i32>} : memref<640x128xf32, #tpu.memory_space<vmem>>, vector<640x128xf32>,
    %slice3A_8 = vector.extract_strided_slice %get3A_4 {offsets = [128, 0], sizes = [128, 128], strides = [1, 1]} : vector<384x128xf32> to vector<128x128xf32>
    %dot_general3A_9 = arith.constant dense<0.000000e+00> : vector<640x128xf32>
    %dot_general3A_10 = tpu.matmul %get3A_1, %slice3A_8, %dot_general3A_9 {dimension_numbers = #tpu.dot_dimension_numbers<[1], [0], [0], [1], [0, 0, 1, 1], [], []>, transpose_lhs_hint = false} : vector<640x128xf32>, vector<128x128xf32>, vector<640x128xf32> -> vector<640x128xf32>
    %swap3A_11 = arith.constant 0 : index
    %swap3A_12 = arith.constant 0 : index
    %swap3A_13 = vector.load %arg5[%swap3A_11, %swap3A_12] : memref<640x128xf32, #tpu.memory_space<vmem>>, vector<640x128xf32>
    tpu.vector_store %arg5[%swap3A_11, %swap3A_12], %dot_general3A_10 {strides = array<i32>} : memref<640x128xf32, #tpu.memory_space<vmem>>, vector<640x128xf32>,
    %get3A_14 = arith.constant 0 : index
    %get3A_15 = arith.constant 0 : index
    %get3A_16 = vector.load %arg2[%get3A_14, %get3A_15] : memref<640x128xf32, #tpu.memory_space<vmem>>, vector<640x128xf32>
    %slice3A_17 = vector.extract_strided_slice %get3A_4 {offsets = [256, 0], sizes = [128, 128], strides = [1, 1]} : vector<384x128xf32> to vector<128x128xf32>
    %dot_general3A_18 = arith.constant dense<0.000000e+00> : vector<640x128xf32>
    %dot_general3A_19 = tpu.matmul %get3A_16, %slice3A_17, %dot_general3A_18 {dimension_numbers = #tpu.dot_dimension_numbers<[1], [0], [0], [1], [0, 0, 1, 1], [], []>, transpose_lhs_hint = false} : vector<640x128xf32>, vector<128x128xf32>, vector<640x128xf32> -> vector<640x128xf32>
    %swap3A_20 = arith.constant 0 : index
    %swap3A_21 = arith.constant 0 : index
    %swap3A_22 = vector.load %arg6[%swap3A_20, %swap3A_21] : memref<640x128xf32, #tpu.memory_space<vmem>>, vector<640x128xf32>
    tpu.vector_store %arg6[%swap3A_20, %swap3A_21], %dot_general3A_19 {strides = array<i32>} : memref<640x128xf32, #tpu.memory_space<vmem>>, vector<640x128xf32>,
    return
  }
  func.func @transform_0(%arg0: i32) -> (i32, i32) {
    %c0_i32 = arith.constant 0 : i32
    %c0_i32_0 = arith.constant 0 : i32
    return %arg0, %c0_i32 : i32, i32
  }
  func.func @transform_1(%arg0: i32) -> (i32, i32) {
    %c0_i32 = arith.constant 0 : i32
    %c0_i32_0 = arith.constant 0 : i32
    return %arg0, %c0_i32 : i32, i32
  }
  func.func @transform_2(%arg0: i32) -> (i32, i32) {
    %c0_i32 = arith.constant 0 : i32
    %c0_i32_0 = arith.constant 0 : i32
    %c0_i32_1 = arith.constant 0 : i32
    return %c0_i32, %c0_i32_0 : i32, i32
  }
  func.func @transform_3(%arg0: i32) -> (i32, i32) {
    %c0_i32 = arith.constant 0 : i32
    %c0_i32_0 = arith.constant 0 : i32
    return %arg0, %c0_i32 : i32, i32
  }
  func.func @transform_4(%arg0: i32) -> (i32, i32) {
    %c0_i32 = arith.constant 0 : i32
    %c0_i32_0 = arith.constant 0 : i32
    return %arg0, %c0_i32 : i32, i32
  }
  func.func @transform_5(%arg0: i32) -> (i32, i32) {
    %c0_i32 = arith.constant 0 : i32
    %c0_i32_0 = arith.constant 0 : i32
    return %arg0, %c0_i32 : i32, i32
  }
}

module attributes {stable_mosaic.version = 14 : i64} {
  func.func @_prep2_body(%arg0: i32, %arg1: memref<640x128xf32, #tpu.memory_space<vmem>>, %arg2: memref<640x128xf32, #tpu.memory_space<vmem>>, %arg3: memref<640x128xf32, #tpu.memory_space<vmem>>, %arg4: memref<640x128xf32, #tpu.memory_space<vmem>>, %arg5: memref<640x128xf32, #tpu.memory_space<vmem>>, %arg6: memref<640x128xf32, #tpu.memory_space<vmem>>, %arg7: memref<640x128xf32, #tpu.memory_space<vmem>>) attributes {dimension_semantics = [#tpu.dimension_semantics<arbitrary>], iteration_bounds = array<i64: 16>, scalar_prefetch = 0 : i64, scratch_operands = 0 : i64, tpu.core_type = #tpu.core_type<tc>, window_params = [{transform_indices = @transform_0, window_bounds = array<i64: 640, 128>}, {transform_indices = @transform_1, window_bounds = array<i64: 640, 128>}, {transform_indices = @transform_2, window_bounds = array<i64: 640, 128>}, {transform_indices = @transform_3, window_bounds = array<i64: 640, 128>}, {transform_indices = @transform_4, window_bounds = array<i64: 640, 128>}, {transform_indices = @transform_5, window_bounds = array<i64: 640, 128>}, {transform_indices = @transform_6, window_bounds = array<i64: 640, 128>}]} {
    %get3A = arith.constant 0 : index
    %get3A_0 = arith.constant 0 : index
    %get3A_1 = vector.load %arg1[%get3A, %get3A_0] : memref<640x128xf32, #tpu.memory_space<vmem>>, vector<640x128xf32>
    %get3A_2 = arith.constant 0 : index
    %get3A_3 = arith.constant 0 : index
    %get3A_4 = vector.load %arg2[%get3A_2, %get3A_3] : memref<640x128xf32, #tpu.memory_space<vmem>>, vector<640x128xf32>
    %add3A = arith.addf %get3A_1, %get3A_4 : vector<640x128xf32>
    %get3A_5 = arith.constant 0 : index
    %get3A_6 = arith.constant 0 : index
    %get3A_7 = vector.load %arg3[%get3A_5, %get3A_6] : memref<640x128xf32, #tpu.memory_space<vmem>>, vector<640x128xf32>
    %slice3A = vector.extract_strided_slice %get3A_7 {offsets = [0, 0], sizes = [640, 1], strides = [1, 1]} : vector<640x128xf32> to vector<640x1xf32>
    %get3A_8 = arith.constant 0 : index
    %get3A_9 = arith.constant 0 : index
    %get3A_10 = vector.load %arg4[%get3A_8, %get3A_9] : memref<640x128xf32, #tpu.memory_space<vmem>>, vector<640x128xf32>
    %slice3A_11 = vector.extract_strided_slice %get3A_10 {offsets = [0, 0], sizes = [640, 1], strides = [1, 1]} : vector<640x128xf32> to vector<640x1xf32>
    %add3A_12 = arith.addf %slice3A, %slice3A_11 : vector<640x1xf32>
    %add3A_13 = arith.constant 1.000000e+00 : f32
    %add3A_14 = vector.broadcast %add3A_13 : f32 to vector<640x1xf32>
    %add3A_15 = arith.addf %add3A_14, %add3A_12 : vector<640x1xf32>
    %rsqrt3A = math.rsqrt %add3A_15 : vector<640x1xf32>
    %broadcast_in_dim3A = vector.shape_cast %rsqrt3A : vector<640x1xf32> to vector<640x1xf32>
    %broadcast_in_dim3A_16 = vector.broadcast %broadcast_in_dim3A : vector<640x1xf32> to vector<640x128xf32>
    %mul3A = arith.mulf %broadcast_in_dim3A_16, %add3A : vector<640x128xf32>
    %swap3A = arith.constant 0 : index
    %swap3A_17 = arith.constant 0 : index
    %swap3A_18 = vector.load %arg5[%swap3A, %swap3A_17] : memref<640x128xf32, #tpu.memory_space<vmem>>, vector<640x128xf32>
    tpu.vector_store %arg5[%swap3A, %swap3A_17], %mul3A {strides = array<i32>} : memref<640x128xf32, #tpu.memory_space<vmem>>, vector<640x128xf32>,
    %swap3A_19 = arith.constant 0 : index
    %swap3A_20 = arith.constant 0 : index
    %swap3A_21 = vector.load %arg6[%swap3A_19, %swap3A_20] : memref<640x128xf32, #tpu.memory_space<vmem>>, vector<640x128xf32>
    tpu.vector_store %arg6[%swap3A_19, %swap3A_20], %broadcast_in_dim3A_16 {strides = array<i32>} : memref<640x128xf32, #tpu.memory_space<vmem>>, vector<640x128xf32>,
    %mul3A_22 = arith.mulf %broadcast_in_dim3A_16, %broadcast_in_dim3A_16 : vector<640x128xf32>
    %mul3A_23 = arith.mulf %mul3A_22, %add3A : vector<640x128xf32>
    %swap3A_24 = arith.constant 0 : index
    %swap3A_25 = arith.constant 0 : index
    %swap3A_26 = vector.load %arg7[%swap3A_24, %swap3A_25] : memref<640x128xf32, #tpu.memory_space<vmem>>, vector<640x128xf32>
    tpu.vector_store %arg7[%swap3A_24, %swap3A_25], %mul3A_23 {strides = array<i32>} : memref<640x128xf32, #tpu.memory_space<vmem>>, vector<640x128xf32>,
    return
  }
  func.func @transform_0(%arg0: i32) -> (i32, i32) {
    %c0_i32 = arith.constant 0 : i32
    %c0_i32_0 = arith.constant 0 : i32
    return %arg0, %c0_i32 : i32, i32
  }
  func.func @transform_1(%arg0: i32) -> (i32, i32) {
    %c0_i32 = arith.constant 0 : i32
    %c0_i32_0 = arith.constant 0 : i32
    return %arg0, %c0_i32 : i32, i32
  }
  func.func @transform_2(%arg0: i32) -> (i32, i32) {
    %c0_i32 = arith.constant 0 : i32
    %c0_i32_0 = arith.constant 0 : i32
    return %arg0, %c0_i32 : i32, i32
  }
  func.func @transform_3(%arg0: i32) -> (i32, i32) {
    %add3A = arith.constant 16 : i32
    %add3A_0 = arith.addi %add3A, %arg0 : i32
    %c0_i32 = arith.constant 0 : i32
    %c0_i32_1 = arith.constant 0 : i32
    return %add3A_0, %c0_i32 : i32, i32
  }
  func.func @transform_4(%arg0: i32) -> (i32, i32) {
    %c0_i32 = arith.constant 0 : i32
    %c0_i32_0 = arith.constant 0 : i32
    return %arg0, %c0_i32 : i32, i32
  }
  func.func @transform_5(%arg0: i32) -> (i32, i32) {
    %c0_i32 = arith.constant 0 : i32
    %c0_i32_0 = arith.constant 0 : i32
    return %arg0, %c0_i32 : i32, i32
  }
  func.func @transform_6(%arg0: i32) -> (i32, i32) {
    %c0_i32 = arith.constant 0 : i32
    %c0_i32_0 = arith.constant 0 : i32
    return %arg0, %c0_i32 : i32, i32
  }
}

module attributes {stable_mosaic.version = 14 : i64} {
  func.func @_edge_tail_body(%arg0: i32, %arg1: memref<2000x128xf32, #tpu.memory_space<vmem>>, %arg2: memref<2000x128xf32, #tpu.memory_space<vmem>>, %arg3: memref<384x128xf32, #tpu.memory_space<vmem>>, %arg4: memref<128x128xf32, #tpu.memory_space<vmem>>, %arg5: memref<1x128xf32, #tpu.memory_space<vmem>>, %arg6: memref<1x128xf32, #tpu.memory_space<vmem>>, %arg7: memref<2000x128xf32, #tpu.memory_space<vmem>>, %arg8: memref<2000x128xf32, #tpu.memory_space<vmem>>) attributes {dimension_semantics = [#tpu.dimension_semantics<arbitrary>], iteration_bounds = array<i64: 155>, scalar_prefetch = 0 : i64, scratch_operands = 0 : i64, tpu.core_type = #tpu.core_type<tc>, window_params = [{transform_indices = @transform_0, window_bounds = array<i64: 2000, 128>}, {transform_indices = @transform_1, window_bounds = array<i64: 2000, 128>}, {pipeline_mode = #tpu.pipeline_mode<synchronous>, transform_indices = @transform_2, window_bounds = array<i64: 384, 128>}, {pipeline_mode = #tpu.pipeline_mode<synchronous>, transform_indices = @transform_3, window_bounds = array<i64: 128, 128>}, {pipeline_mode = #tpu.pipeline_mode<synchronous>, transform_indices = @transform_4, window_bounds = array<i64: 1, 128>}, {pipeline_mode = #tpu.pipeline_mode<synchronous>, transform_indices = @transform_5, window_bounds = array<i64: 1, 128>}, {transform_indices = @transform_6, window_bounds = array<i64: 2000, 128>}, {transform_indices = @transform_7, window_bounds = array<i64: 2000, 128>}]} {
    %get3A = arith.constant 0 : index
    %get3A_0 = arith.constant 0 : index
    %get3A_1 = vector.load %arg1[%get3A, %get3A_0] : memref<2000x128xf32, #tpu.memory_space<vmem>>, vector<2000x128xf32>
    %get3A_2 = arith.constant 0 : index
    %get3A_3 = arith.constant 0 : index
    %get3A_4 = vector.load %arg3[%get3A_2, %get3A_3] : memref<384x128xf32, #tpu.memory_space<vmem>>, vector<384x128xf32>
    %slice3A = vector.extract_strided_slice %get3A_4 {offsets = [256, 0], sizes = [128, 128], strides = [1, 1]} : vector<384x128xf32> to vector<128x128xf32>
    %dot_general3A = arith.constant dense<0.000000e+00> : vector<2000x128xf32>
    %dot_general3A_5 = tpu.matmul %get3A_1, %slice3A, %dot_general3A {dimension_numbers = #tpu.dot_dimension_numbers<[1], [0], [0], [1], [0, 0, 1, 1], [], []>, transpose_lhs_hint = false} : vector<2000x128xf32>, vector<128x128xf32>, vector<2000x128xf32> -> vector<2000x128xf32>
    %get3A_6 = arith.constant 0 : index
    %get3A_7 = arith.constant 0 : index
    %get3A_8 = vector.load %arg2[%get3A_6, %get3A_7] : memref<2000x128xf32, #tpu.memory_space<vmem>>, vector<2000x128xf32>
    %add3A = arith.addf %dot_general3A_5, %get3A_8 : vector<2000x128xf32>
    %get3A_9 = arith.constant 0 : index
    %get3A_10 = arith.constant 0 : index
    %get3A_11 = vector.load %arg5[%get3A_9, %get3A_10] : memref<1x128xf32, #tpu.memory_space<vmem>>, vector<1x128xf32>
    %add3A_12 = vector.broadcast %get3A_11 : vector<1x128xf32> to vector<2000x128xf32>
    %add3A_13 = arith.addf %add3A, %add3A_12 : vector<2000x128xf32>
    %max3A = arith.constant 0.000000e+00 : f32
    %max3A_14 = vector.broadcast %max3A : f32 to vector<2000x128xf32>
    %max3A_15 = arith.maximumf %add3A_13, %max3A_14 : vector<2000x128xf32>
    %get3A_16 = arith.constant 0 : index
    %get3A_17 = arith.constant 0 : index
    %get3A_18 = vector.load %arg4[%get3A_16, %get3A_17] : memref<128x128xf32, #tpu.memory_space<vmem>>, vector<128x128xf32>
    %dot_general3A_19 = arith.constant dense<0.000000e+00> : vector<2000x128xf32>
    %dot_general3A_20 = tpu.matmul %max3A_15, %get3A_18, %dot_general3A_19 {dimension_numbers = #tpu.dot_dimension_numbers<[1], [0], [0], [1], [0, 0, 1, 1], [], []>, transpose_lhs_hint = false} : vector<2000x128xf32>, vector<128x128xf32>, vector<2000x128xf32> -> vector<2000x128xf32>
    %get3A_21 = arith.constant 0 : index
    %get3A_22 = arith.constant 0 : index
    %get3A_23 = vector.load %arg6[%get3A_21, %get3A_22] : memref<1x128xf32, #tpu.memory_space<vmem>>, vector<1x128xf32>
    %add3A_24 = vector.broadcast %get3A_23 : vector<1x128xf32> to vector<2000x128xf32>
    %add3A_25 = arith.addf %dot_general3A_20, %add3A_24 : vector<2000x128xf32>
    %swap3A = arith.constant 0 : index
    %swap3A_26 = arith.constant 0 : index
    %swap3A_27 = vector.load %arg8[%swap3A, %swap3A_26] : memref<2000x128xf32, #tpu.memory_space<vmem>>, vector<2000x128xf32>
    tpu.vector_store %arg8[%swap3A, %swap3A_26], %add3A_25 {strides = array<i32>} : memref<2000x128xf32, #tpu.memory_space<vmem>>, vector<2000x128xf32>,
    %add3A_28 = arith.addf %get3A_1, %add3A_25 : vector<2000x128xf32>
    %swap3A_29 = arith.constant 0 : index
    %swap3A_30 = arith.constant 0 : index
    %swap3A_31 = vector.load %arg7[%swap3A_29, %swap3A_30] : memref<2000x128xf32, #tpu.memory_space<vmem>>, vector<2000x128xf32>
    tpu.vector_store %arg7[%swap3A_29, %swap3A_30], %add3A_28 {strides = array<i32>} : memref<2000x128xf32, #tpu.memory_space<vmem>>, vector<2000x128xf32>,
    return
  }
  func.func @transform_0(%arg0: i32) -> (i32, i32) {
    %add3A = arith.constant 5 : i32
    %add3A_0 = arith.addi %add3A, %arg0 : i32
    %c0_i32 = arith.constant 0 : i32
    %c0_i32_1 = arith.constant 0 : i32
    return %add3A_0, %c0_i32 : i32, i32
  }
  func.func @transform_1(%arg0: i32) -> (i32, i32) {
    %add3A = arith.constant 5 : i32
    %add3A_0 = arith.addi %add3A, %arg0 : i32
    %c0_i32 = arith.constant 0 : i32
    %c0_i32_1 = arith.constant 0 : i32
    return %add3A_0, %c0_i32 : i32, i32
  }
  func.func @transform_2(%arg0: i32) -> (i32, i32) {
    %c0_i32 = arith.constant 0 : i32
    %c0_i32_0 = arith.constant 0 : i32
    %c0_i32_1 = arith.constant 0 : i32
    return %c0_i32, %c0_i32_0 : i32, i32
  }
  func.func @transform_3(%arg0: i32) -> (i32, i32) {
    %c0_i32 = arith.constant 0 : i32
    %c0_i32_0 = arith.constant 0 : i32
    %c0_i32_1 = arith.constant 0 : i32
    return %c0_i32, %c0_i32_0 : i32, i32
  }
  func.func @transform_4(%arg0: i32) -> (i32, i32) {
    %c0_i32 = arith.constant 0 : i32
    %c0_i32_0 = arith.constant 0 : i32
    %c0_i32_1 = arith.constant 0 : i32
    return %c0_i32, %c0_i32_0 : i32, i32
  }
  func.func @transform_5(%arg0: i32) -> (i32, i32) {
    %c0_i32 = arith.constant 0 : i32
    %c0_i32_0 = arith.constant 0 : i32
    %c0_i32_1 = arith.constant 0 : i32
    return %c0_i32, %c0_i32_0 : i32, i32
  }
  func.func @transform_6(%arg0: i32) -> (i32, i32) {
    %add3A = arith.constant 5 : i32
    %add3A_0 = arith.addi %add3A, %arg0 : i32
    %c0_i32 = arith.constant 0 : i32
    %c0_i32_1 = arith.constant 0 : i32
    return %add3A_0, %c0_i32 : i32, i32
  }
  func.func @transform_7(%arg0: i32) -> (i32, i32) {
    %add3A = arith.constant 5 : i32
    %add3A_0 = arith.addi %add3A, %arg0 : i32
    %c0_i32 = arith.constant 0 : i32
    %c0_i32_1 = arith.constant 0 : i32
    return %add3A_0, %c0_i32 : i32, i32
  }
}

module attributes {stable_mosaic.version = 14 : i64} {
  func.func @_edge_head_body(%arg0: i32, %arg1: memref<2000x128xf32, #tpu.memory_space<vmem>>, %arg2: memref<2000x128xf32, #tpu.memory_space<vmem>>, %arg3: memref<2000x128xf32, #tpu.memory_space<vmem>>, %arg4: memref<2000x128xf32, #tpu.memory_space<vmem>>, %arg5: memref<2000x128xf32, #tpu.memory_space<vmem>>, %arg6: memref<128x128xf32, #tpu.memory_space<vmem>>, %arg7: memref<1x128xf32, #tpu.memory_space<vmem>>, %arg8: memref<1x128xf32, #tpu.memory_space<vmem>>, %arg9: memref<2000x128xf32, #tpu.memory_space<vmem>>, %arg10: memref<2000x128xf32, #tpu.memory_space<vmem>>, %arg11: memref<2000x128xf32, #tpu.memory_space<vmem>>, %arg12: memref<2000x128xf32, #tpu.memory_space<vmem>>) attributes {dimension_semantics = [#tpu.dimension_semantics<arbitrary>], iteration_bounds = array<i64: 5>, scalar_prefetch = 0 : i64, scratch_operands = 0 : i64, tpu.core_type = #tpu.core_type<tc>, window_params = [{transform_indices = @transform_0, window_bounds = array<i64: 2000, 128>}, {transform_indices = @transform_1, window_bounds = array<i64: 2000, 128>}, {transform_indices = @transform_2, window_bounds = array<i64: 2000, 128>}, {transform_indices = @transform_3, window_bounds = array<i64: 2000, 128>}, {transform_indices = @transform_4, window_bounds = array<i64: 2000, 128>}, {pipeline_mode = #tpu.pipeline_mode<synchronous>, transform_indices = @transform_5, window_bounds = array<i64: 128, 128>}, {pipeline_mode = #tpu.pipeline_mode<synchronous>, transform_indices = @transform_6, window_bounds = array<i64: 1, 128>}, {pipeline_mode = #tpu.pipeline_mode<synchronous>, transform_indices = @transform_7, window_bounds = array<i64: 1, 128>}, {transform_indices = @transform_8, window_bounds = array<i64: 2000, 128>}, {transform_indices = @transform_9, window_bounds = array<i64: 2000, 128>}, {transform_indices = @transform_10, window_bounds = array<i64: 2000, 128>}, {transform_indices = @transform_11, window_bounds = array<i64: 2000, 128>}]} {
    %get3A = arith.constant 0 : index
    %get3A_0 = arith.constant 0 : index
    %get3A_1 = vector.load %arg2[%get3A, %get3A_0] : memref<2000x128xf32, #tpu.memory_space<vmem>>, vector<2000x128xf32>
    %get3A_2 = arith.constant 0 : index
    %get3A_3 = arith.constant 0 : index
    %get3A_4 = vector.load %arg3[%get3A_2, %get3A_3] : memref<2000x128xf32, #tpu.memory_space<vmem>>, vector<2000x128xf32>
    %get3A_5 = arith.constant 0 : index
    %get3A_6 = arith.constant 0 : index
    %get3A_7 = vector.load %arg4[%get3A_5, %get3A_6] : memref<2000x128xf32, #tpu.memory_space<vmem>>, vector<2000x128xf32>
    %get3A_8 = arith.constant 0 : index
    %get3A_9 = arith.constant 0 : index
    %get3A_10 = vector.load %arg5[%get3A_8, %get3A_9] : memref<2000x128xf32, #tpu.memory_space<vmem>>, vector<2000x128xf32>
    %add3A = arith.addf %get3A_7, %get3A_10 : vector<2000x128xf32>
    %mul3A = arith.mulf %get3A_4, %add3A : vector<2000x128xf32>
    %add3A_11 = arith.addf %get3A_1, %mul3A : vector<2000x128xf32>
    %get3A_12 = arith.constant 0 : index
    %get3A_13 = arith.constant 0 : index
    %get3A_14 = vector.load %arg7[%get3A_12, %get3A_13] : memref<1x128xf32, #tpu.memory_space<vmem>>, vector<1x128xf32>
    %add3A_15 = vector.broadcast %get3A_14 : vector<1x128xf32> to vector<2000x128xf32>
    %add3A_16 = arith.addf %add3A_11, %add3A_15 : vector<2000x128xf32>
    %max3A = arith.constant 0.000000e+00 : f32
    %max3A_17 = vector.broadcast %max3A : f32 to vector<2000x128xf32>
    %max3A_18 = arith.maximumf %add3A_16, %max3A_17 : vector<2000x128xf32>
    %get3A_19 = arith.constant 0 : index
    %get3A_20 = arith.constant 0 : index
    %get3A_21 = vector.load %arg6[%get3A_19, %get3A_20] : memref<128x128xf32, #tpu.memory_space<vmem>>, vector<128x128xf32>
    %dot_general3A = arith.constant dense<0.000000e+00> : vector<2000x128xf32>
    %dot_general3A_22 = tpu.matmul %max3A_18, %get3A_21, %dot_general3A {dimension_numbers = #tpu.dot_dimension_numbers<[1], [0], [0], [1], [0, 0, 1, 1], [], []>, transpose_lhs_hint = false} : vector<2000x128xf32>, vector<128x128xf32>, vector<2000x128xf32> -> vector<2000x128xf32>
    %get3A_23 = arith.constant 0 : index
    %get3A_24 = arith.constant 0 : index
    %get3A_25 = vector.load %arg8[%get3A_23, %get3A_24] : memref<1x128xf32, #tpu.memory_space<vmem>>, vector<1x128xf32>
    %add3A_26 = vector.broadcast %get3A_25 : vector<1x128xf32> to vector<2000x128xf32>
    %add3A_27 = arith.addf %dot_general3A_22, %add3A_26 : vector<2000x128xf32>
    %swap3A = arith.constant 0 : index
    %swap3A_28 = arith.constant 0 : index
    %swap3A_29 = vector.load %arg12[%swap3A, %swap3A_28] : memref<2000x128xf32, #tpu.memory_space<vmem>>, vector<2000x128xf32>
    tpu.vector_store %arg12[%swap3A, %swap3A_28], %add3A_27 {strides = array<i32>} : memref<2000x128xf32, #tpu.memory_space<vmem>>, vector<2000x128xf32>,
    %get3A_30 = arith.constant 0 : index
    %get3A_31 = arith.constant 0 : index
    %get3A_32 = vector.load %arg1[%get3A_30, %get3A_31] : memref<2000x128xf32, #tpu.memory_space<vmem>>, vector<2000x128xf32>
    %add3A_33 = arith.addf %get3A_32, %add3A_27 : vector<2000x128xf32>
    %swap3A_34 = arith.constant 0 : index
    %swap3A_35 = arith.constant 0 : index
    %swap3A_36 = vector.load %arg11[%swap3A_34, %swap3A_35] : memref<2000x128xf32, #tpu.memory_space<vmem>>, vector<2000x128xf32>
    tpu.vector_store %arg11[%swap3A_34, %swap3A_35], %add3A_33 {strides = array<i32>} : memref<2000x128xf32, #tpu.memory_space<vmem>>, vector<2000x128xf32>,
    return
  }
  func.func @transform_0(%arg0: i32) -> (i32, i32) {
    %c0_i32 = arith.constant 0 : i32
    %c0_i32_0 = arith.constant 0 : i32
    return %arg0, %c0_i32 : i32, i32
  }
  func.func @transform_1(%arg0: i32) -> (i32, i32) {
    %c0_i32 = arith.constant 0 : i32
    %c0_i32_0 = arith.constant 0 : i32
    return %arg0, %c0_i32 : i32, i32
  }
  func.func @transform_2(%arg0: i32) -> (i32, i32) {
    %c0_i32 = arith.constant 0 : i32
    %c0_i32_0 = arith.constant 0 : i32
    return %arg0, %c0_i32 : i32, i32
  }
  func.func @transform_3(%arg0: i32) -> (i32, i32) {
    %c0_i32 = arith.constant 0 : i32
    %c0_i32_0 = arith.constant 0 : i32
    return %arg0, %c0_i32 : i32, i32
  }
  func.func @transform_4(%arg0: i32) -> (i32, i32) {
    %add3A = arith.constant 8 : i32
    %add3A_0 = arith.addi %add3A, %arg0 : i32
    %c0_i32 = arith.constant 0 : i32
    %c0_i32_1 = arith.constant 0 : i32
    return %add3A_0, %c0_i32 : i32, i32
  }
  func.func @transform_5(%arg0: i32) -> (i32, i32) {
    %c0_i32 = arith.constant 0 : i32
    %c0_i32_0 = arith.constant 0 : i32
    %c0_i32_1 = arith.constant 0 : i32
    return %c0_i32, %c0_i32_0 : i32, i32
  }
  func.func @transform_6(%arg0: i32) -> (i32, i32) {
    %c0_i32 = arith.constant 0 : i32
    %c0_i32_0 = arith.constant 0 : i32
    %c0_i32_1 = arith.constant 0 : i32
    return %c0_i32, %c0_i32_0 : i32, i32
  }
  func.func @transform_7(%arg0: i32) -> (i32, i32) {
    %c0_i32 = arith.constant 0 : i32
    %c0_i32_0 = arith.constant 0 : i32
    %c0_i32_1 = arith.constant 0 : i32
    return %c0_i32, %c0_i32_0 : i32, i32
  }
  func.func @transform_8(%arg0: i32) -> (i32, i32) {
    %c0_i32 = arith.constant 0 : i32
    %c0_i32_0 = arith.constant 0 : i32
    return %arg0, %c0_i32 : i32, i32
  }
  func.func @transform_9(%arg0: i32) -> (i32, i32) {
    %c0_i32 = arith.constant 0 : i32
    %c0_i32_0 = arith.constant 0 : i32
    return %arg0, %c0_i32 : i32, i32
  }
  func.func @transform_10(%arg0: i32) -> (i32, i32) {
    %c0_i32 = arith.constant 0 : i32
    %c0_i32_0 = arith.constant 0 : i32
    return %arg0, %c0_i32 : i32, i32
  }
  func.func @transform_11(%arg0: i32) -> (i32, i32) {
    %c0_i32 = arith.constant 0 : i32
    %c0_i32_0 = arith.constant 0 : i32
    return %arg0, %c0_i32 : i32, i32
  }
}

module attributes {stable_mosaic.version = 14 : i64} {
  func.func @_prep_node_body(%arg0: i32, %arg1: memref<640x128xf32, #tpu.memory_space<vmem>>, %arg2: memref<640x128xf32, #tpu.memory_space<vmem>>, %arg3: memref<640x128xf32, #tpu.memory_space<vmem>>, %arg4: memref<640x128xf32, #tpu.memory_space<vmem>>, %arg5: memref<256x128xf32, #tpu.memory_space<vmem>>, %arg6: memref<640x128xf32, #tpu.memory_space<vmem>>, %arg7: memref<640x128xf32, #tpu.memory_space<vmem>>) attributes {dimension_semantics = [#tpu.dimension_semantics<arbitrary>], iteration_bounds = array<i64: 16>, scalar_prefetch = 0 : i64, scratch_operands = 0 : i64, tpu.core_type = #tpu.core_type<tc>, window_params = [{transform_indices = @transform_0, window_bounds = array<i64: 640, 128>}, {transform_indices = @transform_1, window_bounds = array<i64: 640, 128>}, {transform_indices = @transform_2, window_bounds = array<i64: 640, 128>}, {transform_indices = @transform_3, window_bounds = array<i64: 640, 128>}, {pipeline_mode = #tpu.pipeline_mode<synchronous>, transform_indices = @transform_4, window_bounds = array<i64: 256, 128>}, {transform_indices = @transform_5, window_bounds = array<i64: 640, 128>}, {transform_indices = @transform_6, window_bounds = array<i64: 640, 128>}]} {
    %get3A = arith.constant 0 : index
    %get3A_0 = arith.constant 0 : index
    %get3A_1 = vector.load %arg5[%get3A, %get3A_0] : memref<256x128xf32, #tpu.memory_space<vmem>>, vector<256x128xf32>
    %get3A_2 = arith.constant 0 : index
    %get3A_3 = arith.constant 0 : index
    %get3A_4 = vector.load %arg1[%get3A_2, %get3A_3] : memref<640x128xf32, #tpu.memory_space<vmem>>, vector<640x128xf32>
    %slice3A = vector.extract_strided_slice %get3A_1 {offsets = [0, 0], sizes = [128, 128], strides = [1, 1]} : vector<256x128xf32> to vector<128x128xf32>
    %dot_general3A = arith.constant dense<0.000000e+00> : vector<640x128xf32>
    %dot_general3A_5 = tpu.matmul %get3A_4, %slice3A, %dot_general3A {dimension_numbers = #tpu.dot_dimension_numbers<[1], [0], [0], [1], [0, 0, 1, 1], [], []>, transpose_lhs_hint = false} : vector<640x128xf32>, vector<128x128xf32>, vector<640x128xf32> -> vector<640x128xf32>
    %get3A_6 = arith.constant 0 : index
    %get3A_7 = arith.constant 0 : index
    %get3A_8 = vector.load %arg2[%get3A_6, %get3A_7] : memref<640x128xf32, #tpu.memory_space<vmem>>, vector<640x128xf32>
    %get3A_9 = arith.constant 0 : index
    %get3A_10 = arith.constant 0 : index
    %get3A_11 = vector.load %arg3[%get3A_9, %get3A_10] : memref<640x128xf32, #tpu.memory_space<vmem>>, vector<640x128xf32>
    %add3A = arith.addf %get3A_8, %get3A_11 : vector<640x128xf32>
    %slice3A_12 = vector.extract_strided_slice %get3A_1 {offsets = [128, 0], sizes = [128, 128], strides = [1, 1]} : vector<256x128xf32> to vector<128x128xf32>
    %dot_general3A_13 = arith.constant dense<0.000000e+00> : vector<640x128xf32>
    %dot_general3A_14 = tpu.matmul %add3A, %slice3A_12, %dot_general3A_13 {dimension_numbers = #tpu.dot_dimension_numbers<[1], [0], [0], [1], [0, 0, 1, 1], [], []>, transpose_lhs_hint = false} : vector<640x128xf32>, vector<128x128xf32>, vector<640x128xf32> -> vector<640x128xf32>
    %add3A_15 = arith.addf %dot_general3A_5, %dot_general3A_14 : vector<640x128xf32>
    %get3A_16 = arith.constant 0 : index
    %get3A_17 = arith.constant 0 : index
    %get3A_18 = vector.load %arg4[%get3A_16, %get3A_17] : memref<640x128xf32, #tpu.memory_space<vmem>>, vector<640x128xf32>
    %mul3A = arith.mulf %get3A_18, %add3A_15 : vector<640x128xf32>
    %swap3A = arith.constant 0 : index
    %swap3A_19 = arith.constant 0 : index
    %swap3A_20 = vector.load %arg6[%swap3A, %swap3A_19] : memref<640x128xf32, #tpu.memory_space<vmem>>, vector<640x128xf32>
    tpu.vector_store %arg6[%swap3A, %swap3A_19], %mul3A {strides = array<i32>} : memref<640x128xf32, #tpu.memory_space<vmem>>, vector<640x128xf32>,
    %mul3A_21 = arith.mulf %get3A_18, %get3A_18 : vector<640x128xf32>
    %mul3A_22 = arith.mulf %mul3A_21, %add3A_15 : vector<640x128xf32>
    %swap3A_23 = arith.constant 0 : index
    %swap3A_24 = arith.constant 0 : index
    %swap3A_25 = vector.load %arg7[%swap3A_23, %swap3A_24] : memref<640x128xf32, #tpu.memory_space<vmem>>, vector<640x128xf32>
    tpu.vector_store %arg7[%swap3A_23, %swap3A_24], %mul3A_22 {strides = array<i32>} : memref<640x128xf32, #tpu.memory_space<vmem>>, vector<640x128xf32>,
    return
  }
  func.func @transform_0(%arg0: i32) -> (i32, i32) {
    %c0_i32 = arith.constant 0 : i32
    %c0_i32_0 = arith.constant 0 : i32
    return %arg0, %c0_i32 : i32, i32
  }
  func.func @transform_1(%arg0: i32) -> (i32, i32) {
    %c0_i32 = arith.constant 0 : i32
    %c0_i32_0 = arith.constant 0 : i32
    return %arg0, %c0_i32 : i32, i32
  }
  func.func @transform_2(%arg0: i32) -> (i32, i32) {
    %add3A = arith.constant 16 : i32
    %add3A_0 = arith.addi %add3A, %arg0 : i32
    %c0_i32 = arith.constant 0 : i32
    %c0_i32_1 = arith.constant 0 : i32
    return %add3A_0, %c0_i32 : i32, i32
  }
  func.func @transform_3(%arg0: i32) -> (i32, i32) {
    %c0_i32 = arith.constant 0 : i32
    %c0_i32_0 = arith.constant 0 : i32
    return %arg0, %c0_i32 : i32, i32
  }
  func.func @transform_4(%arg0: i32) -> (i32, i32) {
    %c0_i32 = arith.constant 0 : i32
    %c0_i32_0 = arith.constant 0 : i32
    %c0_i32_1 = arith.constant 0 : i32
    return %c0_i32, %c0_i32_0 : i32, i32
  }
  func.func @transform_5(%arg0: i32) -> (i32, i32) {
    %c0_i32 = arith.constant 0 : i32
    %c0_i32_0 = arith.constant 0 : i32
    return %arg0, %c0_i32 : i32, i32
  }
  func.func @transform_6(%arg0: i32) -> (i32, i32) {
    %c0_i32 = arith.constant 0 : i32
    %c0_i32_0 = arith.constant 0 : i32
    return %arg0, %c0_i32 : i32, i32
  }
}

module attributes {stable_mosaic.version = 14 : i64} {
  func.func @_final_body(%arg0: i32, %arg1: memref<640x128xf32, #tpu.memory_space<vmem>>, %arg2: memref<640x128xf32, #tpu.memory_space<vmem>>, %arg3: memref<640x128xf32, #tpu.memory_space<vmem>>, %arg4: memref<640x128xf32, #tpu.memory_space<vmem>>, %arg5: memref<640x128xf32, #tpu.memory_space<vmem>>, %arg6: memref<128x128xf32, #tpu.memory_space<vmem>>, %arg7: memref<1x128xf32, #tpu.memory_space<vmem>>, %arg8: memref<1x128xf32, #tpu.memory_space<vmem>>, %arg9: memref<640x128xf32, #tpu.memory_space<vmem>>) attributes {dimension_semantics = [#tpu.dimension_semantics<arbitrary>], iteration_bounds = array<i64: 16>, scalar_prefetch = 0 : i64, scratch_operands = 0 : i64, tpu.core_type = #tpu.core_type<tc>, window_params = [{transform_indices = @transform_0, window_bounds = array<i64: 640, 128>}, {transform_indices = @transform_1, window_bounds = array<i64: 640, 128>}, {transform_indices = @transform_2, window_bounds = array<i64: 640, 128>}, {transform_indices = @transform_3, window_bounds = array<i64: 640, 128>}, {transform_indices = @transform_4, window_bounds = array<i64: 640, 128>}, {pipeline_mode = #tpu.pipeline_mode<synchronous>, transform_indices = @transform_5, window_bounds = array<i64: 128, 128>}, {pipeline_mode = #tpu.pipeline_mode<synchronous>, transform_indices = @transform_6, window_bounds = array<i64: 1, 128>}, {pipeline_mode = #tpu.pipeline_mode<synchronous>, transform_indices = @transform_7, window_bounds = array<i64: 1, 128>}, {transform_indices = @transform_8, window_bounds = array<i64: 640, 128>}]} {
    %get3A = arith.constant 0 : index
    %get3A_0 = arith.constant 0 : index
    %get3A_1 = vector.load %arg2[%get3A, %get3A_0] : memref<640x128xf32, #tpu.memory_space<vmem>>, vector<640x128xf32>
    %get3A_2 = arith.constant 0 : index
    %get3A_3 = arith.constant 0 : index
    %get3A_4 = vector.load %arg3[%get3A_2, %get3A_3] : memref<640x128xf32, #tpu.memory_space<vmem>>, vector<640x128xf32>
    %get3A_5 = arith.constant 0 : index
    %get3A_6 = arith.constant 0 : index
    %get3A_7 = vector.load %arg4[%get3A_5, %get3A_6] : memref<640x128xf32, #tpu.memory_space<vmem>>, vector<640x128xf32>
    %get3A_8 = arith.constant 0 : index
    %get3A_9 = arith.constant 0 : index
    %get3A_10 = vector.load %arg5[%get3A_8, %get3A_9] : memref<640x128xf32, #tpu.memory_space<vmem>>, vector<640x128xf32>
    %add3A = arith.addf %get3A_7, %get3A_10 : vector<640x128xf32>
    %mul3A = arith.mulf %get3A_4, %add3A : vector<640x128xf32>
    %add3A_11 = arith.addf %get3A_1, %mul3A : vector<640x128xf32>
    %get3A_12 = arith.constant 0 : index
    %get3A_13 = arith.constant 0 : index
    %get3A_14 = vector.load %arg7[%get3A_12, %get3A_13] : memref<1x128xf32, #tpu.memory_space<vmem>>, vector<1x128xf32>
    %add3A_15 = vector.broadcast %get3A_14 : vector<1x128xf32> to vector<640x128xf32>
    %add3A_16 = arith.addf %add3A_11, %add3A_15 : vector<640x128xf32>
    %max3A = arith.constant 0.000000e+00 : f32
    %max3A_17 = vector.broadcast %max3A : f32 to vector<640x128xf32>
    %max3A_18 = arith.maximumf %add3A_16, %max3A_17 : vector<640x128xf32>
    %get3A_19 = arith.constant 0 : index
    %get3A_20 = arith.constant 0 : index
    %get3A_21 = vector.load %arg1[%get3A_19, %get3A_20] : memref<640x128xf32, #tpu.memory_space<vmem>>, vector<640x128xf32>
    %get3A_22 = arith.constant 0 : index
    %get3A_23 = arith.constant 0 : index
    %get3A_24 = vector.load %arg6[%get3A_22, %get3A_23] : memref<128x128xf32, #tpu.memory_space<vmem>>, vector<128x128xf32>
    %dot_general3A = arith.constant dense<0.000000e+00> : vector<640x128xf32>
    %dot_general3A_25 = tpu.matmul %max3A_18, %get3A_24, %dot_general3A {dimension_numbers = #tpu.dot_dimension_numbers<[1], [0], [0], [1], [0, 0, 1, 1], [], []>, transpose_lhs_hint = false} : vector<640x128xf32>, vector<128x128xf32>, vector<640x128xf32> -> vector<640x128xf32>
    %add3A_26 = arith.addf %get3A_21, %dot_general3A_25 : vector<640x128xf32>
    %get3A_27 = arith.constant 0 : index
    %get3A_28 = arith.constant 0 : index
    %get3A_29 = vector.load %arg8[%get3A_27, %get3A_28] : memref<1x128xf32, #tpu.memory_space<vmem>>, vector<1x128xf32>
    %add3A_30 = vector.broadcast %get3A_29 : vector<1x128xf32> to vector<640x128xf32>
    %add3A_31 = arith.addf %add3A_26, %add3A_30 : vector<640x128xf32>
    %swap3A = arith.constant 0 : index
    %swap3A_32 = arith.constant 0 : index
    %swap3A_33 = vector.load %arg9[%swap3A, %swap3A_32] : memref<640x128xf32, #tpu.memory_space<vmem>>, vector<640x128xf32>
    tpu.vector_store %arg9[%swap3A, %swap3A_32], %add3A_31 {strides = array<i32>} : memref<640x128xf32, #tpu.memory_space<vmem>>, vector<640x128xf32>,
    return
  }
  func.func @transform_0(%arg0: i32) -> (i32, i32) {
    %c0_i32 = arith.constant 0 : i32
    %c0_i32_0 = arith.constant 0 : i32
    return %arg0, %c0_i32 : i32, i32
  }
  func.func @transform_1(%arg0: i32) -> (i32, i32) {
    %c0_i32 = arith.constant 0 : i32
    %c0_i32_0 = arith.constant 0 : i32
    return %arg0, %c0_i32 : i32, i32
  }
  func.func @transform_2(%arg0: i32) -> (i32, i32) {
    %c0_i32 = arith.constant 0 : i32
    %c0_i32_0 = arith.constant 0 : i32
    return %arg0, %c0_i32 : i32, i32
  }
  func.func @transform_3(%arg0: i32) -> (i32, i32) {
    %c0_i32 = arith.constant 0 : i32
    %c0_i32_0 = arith.constant 0 : i32
    return %arg0, %c0_i32 : i32, i32
  }
  func.func @transform_4(%arg0: i32) -> (i32, i32) {
    %add3A = arith.constant 25 : i32
    %add3A_0 = arith.addi %add3A, %arg0 : i32
    %c0_i32 = arith.constant 0 : i32
    %c0_i32_1 = arith.constant 0 : i32
    return %add3A_0, %c0_i32 : i32, i32
  }
  func.func @transform_5(%arg0: i32) -> (i32, i32) {
    %c0_i32 = arith.constant 0 : i32
    %c0_i32_0 = arith.constant 0 : i32
    %c0_i32_1 = arith.constant 0 : i32
    return %c0_i32, %c0_i32_0 : i32, i32
  }
  func.func @transform_6(%arg0: i32) -> (i32, i32) {
    %c0_i32 = arith.constant 0 : i32
    %c0_i32_0 = arith.constant 0 : i32
    %c0_i32_1 = arith.constant 0 : i32
    return %c0_i32, %c0_i32_0 : i32, i32
  }
  func.func @transform_7(%arg0: i32) -> (i32, i32) {
    %c0_i32 = arith.constant 0 : i32
    %c0_i32_0 = arith.constant 0 : i32
    %c0_i32_1 = arith.constant 0 : i32
    return %c0_i32, %c0_i32_0 : i32, i32
  }
  func.func @transform_8(%arg0: i32) -> (i32, i32) {
    %c0_i32 = arith.constant 0 : i32
    %c0_i32_0 = arith.constant 0 : i32
    return %arg0, %c0_i32 : i32, i32
  }
}

</mosaic_0001>

<sc_bundles>
// kernel: kernel.13.cloned.1.call-start
scs
__scs_entry_jumppad:
0x0: {  	(pc) =	sbr.rel $0x88, $3  }
0x1: {  	(tag) =	ssettag $0x0;
	lr =	simm.s32 $0x1  }
0x2: {  	[smem:$0x3F96] =	sst lr;
	_ =	strace $0xD0000000  }
0x3: {  	_ = 	snop  }
0x4: {  	_ = 	snop  }
0x5: {  	_ = 	snop  }
0x6: {  	_ = 	snop  }
0x7: {  	_ = 	snop  }
__scs_overlays_trampoline_lowered:
0x8: {  	[smem:$0x3FA5] =	sst s0  }
0x9: {  	[smem:$0x3FA6] =	sst s1  }
0xa: {  	[smem:$0x3FA7] =	sst s2  }
0xb: {  	[smem:$0x3FA8] =	sst s3  }
0xc: {  	[smem:$0x3FA9] =	sst s4  }
0xd: {  	[smem:$0x3FAA] =	sst s5  }
0xe: {  	[smem:$0x3FAB] =	sst s6  }
0xf: {  	[smem:$0x3FAC] =	sst s7  }
0x10: {  	[smem:$0x3FAD] =	sst s8  }
0x11: {  	[smem:$0x3FAE] =	sst s9;
	s0 =	simm.s32 @!p0 $0x0  }
0x12: {  	s1 =	sld [smem:$0x3F94];
	s0 =	simm.s32 @p0 $0x1  }
0x13: {  	[smem:$0x3FAF] =	sst s0;
	s0 =	simm.s32 @!p1 $0x0  }
0x14: {  	s2 =	sld [smem:$0x3F93];
	s0 =	simm.s32 @p1 $0x1  }
0x15: {  	[smem:$0x3FB0] =	sst s0;
	s0 =	simm.s32 @!p2 $0x0  }
0x16: {  	s3 =	sld [smem:$0x3FDB];
	s0 =	simm.s32 @p2 $0x1  }
0x17: {  	s4 =	simm.s32 $0x1BF5;
	[smem:$0x3FB2] =	sst s0  }
0x18: {  	s0 =	sld [smem:$0x3F95];
	_ =	swait.ge [sflag:s4], $0x0  }
0x19: {  	s7 =	sld [smem:$0x3F96]  }
0x1a: {  	s8 =	sadd.s32 $0xFFFFE003, lr  }
0x1b: {  	s9 =	sadd.s32 $0xFFFFFEF7, lr;
	s5 =	simm.s32 $0xFFFFFFFF;
	p2 =	slt.u32 s8, $0xFFFFF086  }
0x1c: {  	p1 =	slt.u32 s9, $0xF7A;
	s5 =	simm.s32 @!p2 $0x0  }
0x1d: {  	s5 =	simm.s32 @p1 $0x1;
	p0 =	seq.s32 s7, s2  }
0x1e: {  	s7 =	smul.u32 @!p0 $0xF7A, s2;
	p2 =	seq.s32 @!p0 s5, $0x0  }
0x1f: {  	s9 =	smul.u32 $0xF7A, s1;
	s8 =	simm.s32 @!p0 $0x1BF5;
	p2 =	por !p2, p0  }
0x20: {  	[sflag:s8] =	ssyncset.s32 @!p0 $0xFFFFF086;
	s6 =	sadd.s32 @!p0 s3, s7;
	s7 =	simm.s32 @!p0 $0x108  }
0x21: {  	s3 =	sadd.s32 s3, s9;
	s6 =	sadd.s32 @!p0 $0x88, s6;
	s7 =	simm.s32 @p2 $0x1082  }
0x22: {  	[simem:s7], [sflag:s8] =	dma.local @!p0 [hbm:s6], $0xF7A  }
0x23: {  	s9 =	sor.u32 $0xD0000000, s2;
	s6 =	simm.s32 $0x108;
	_ =	swait.ge @!p0 [sflag:s8], $0x0  }
0x24: {  	s3 =	sadd.s32 $0x88, s3;
	s6 =	simm.s32 @!p1 $0x1082;
	[sflag:s4] =	ssyncset.s32 $0xFFFFF086  }
0x25: {  	[simem:s6], [sflag:s4] =	dma.local [hbm:s3], $0xF7A  }
0x26: {  	[smem:$0x3F96] =	sst s1;
	(tag) =	ssettag s2;
	_ =	strace s9  }
0x27: {  	s1 =	sld [smem:$0x3FA6]  }
0x28: {  	s2 =	sld [smem:$0x3FA7]  }
0x29: {  	s4 =	sld [smem:$0x3FA9]  }
0x2a: {  	p0 =	seq.s32 s5, $0x0;
	s5 =	sld [smem:$0x3FAA]  }
0x2b: {  	s6 =	sld [smem:$0x3FAB]  }
0x2c: {  	s7 =	sld [smem:$0x3FAC]  }
0x2d: {  	s3 =	simm.s32 $0x108;
	s8 =	sld [smem:$0x3FAD]  }
0x2e: {  	s3 =	simm.s32 @!p0 $0x1082;
	s9 =	sld [smem:$0x3FAE]  }
0x2f: {  	lr =	sadd.s32 s0, s3;
	s0 =	sld [smem:$0x3FA5]  }
0x30: {  	s3 =	sld [smem:$0x3FA8]  }
0x31: {  	[smem:$0x3FB1] =	sst s10  }
0x32: {  	s10 =	sld [smem:$0x3FAF];
	_ =	sdelay $0x3  }
0x33: {  	p0 =	seq.s32 s10, $0x1;
	s10 =	sld [smem:$0x3FB1];
	_ =	sdelay $0x3  }
0x34: {  	[smem:$0x3FB1] =	sst s10  }
0x35: {  	s10 =	sld [smem:$0x3FB0];
	_ =	sdelay $0x3  }
0x36: {  	p1 =	seq.s32 s10, $0x1;
	s10 =	sld [smem:$0x3FB1];
	_ =	sdelay $0x3  }
0x37: {  	[smem:$0x3FB1] =	sst s10  }
0x38: {  	s10 =	sld [smem:$0x3FB2]  }
0x39: {  	_ = 	snop;
	(pc) =	sbr.ind lr, $3  }
0x3a: {  	_ = 	snop  }
0x3b: {  	_ = 	snop  }
0x3c: {  	p2 =	seq.s32 s10, $0x1;
	s10 =	sld [smem:$0x3FB1]  }
0x3d: {  	_ =	shalt  }
0x3e: {  	_ =	shalt  }
0x3f: {  	_ =	shalt  }
0x40: {  	_ =	shalt  }
0x41: {  	_ =	shalt  }
0x42: {  	_ =	shalt  }
0x43: {  	_ =	shalt  }
0x44: {  	_ =	shalt  }
0x45: {  	_ =	shalt  }
0x46: {  	_ =	shalt  }
0x47: {  	_ =	shalt  }
0x48: {  	_ =	shalt  }
0x49: {  	_ =	shalt  }
0x4a: {  	_ =	shalt  }
0x4b: {  	_ =	shalt  }
0x4c: {  	_ =	shalt  }
0x4d: {  	_ =	shalt  }
0x4e: {  	_ =	shalt  }
0x4f: {  	_ =	shalt  }
0x50: {  	_ =	shalt  }
0x51: {  	_ =	shalt  }
0x52: {  	_ =	shalt  }
0x53: {  	_ =	shalt  }
0x54: {  	_ =	shalt  }
0x55: {  	_ =	shalt  }
0x56: {  	_ =	shalt  }
0x57: {  	_ =	shalt  }
0x58: {  	_ =	shalt  }
0x59: {  	_ =	shalt  }
0x5a: {  	_ =	shalt  }
0x5b: {  	_ =	shalt  }
0x5c: {  	_ =	shalt  }
0x5d: {  	_ =	shalt  }
0x5e: {  	_ =	shalt  }
0x5f: {  	_ =	shalt  }
0x60: {  	_ =	shalt  }
0x61: {  	_ =	shalt  }
0x62: {  	_ =	shalt  }
0x63: {  	_ =	shalt  }
0x64: {  	_ =	shalt  }
0x65: {  	_ =	shalt  }
0x66: {  	_ =	shalt  }
0x67: {  	_ =	shalt  }
0x68: {  	_ =	shalt  }
0x69: {  	_ =	shalt  }
0x6a: {  	_ =	shalt  }
0x6b: {  	_ =	shalt  }
0x6c: {  	_ =	shalt  }
0x6d: {  	_ =	shalt  }
0x6e: {  	_ =	shalt  }
0x6f: {  	_ =	shalt  }
0x70: {  	_ =	shalt  }
0x71: {  	_ =	shalt  }
0x72: {  	_ =	shalt  }
0x73: {  	_ =	shalt  }
0x74: {  	_ =	shalt  }
0x75: {  	_ =	shalt  }
0x76: {  	_ =	shalt  }
0x77: {  	_ =	shalt  }
0x78: {  	_ =	shalt  }
0x79: {  	_ =	shalt  }
0x7a: {  	_ =	shalt  }
0x7b: {  	_ =	shalt  }
0x7c: {  	_ =	shalt  }
0x7d: {  	_ =	shalt  }
0x7e: {  	_ =	shalt  }
0x7f: {  	_ =	shalt  }
0x80: {  	_ =	shalt  }
0x81: {  	_ =	shalt  }
0x82: {  	_ =	shalt  }
0x83: {  	_ =	shalt  }
0x84: {  	_ =	shalt  }
0x85: {  	_ =	shalt  }
0x86: {  	_ =	shalt  }
0x87: {  	_ =	shalt  }
.Lfunc_end0:
.L_simem_size_0:
called_computation_lowered:
.L_overlay_start_0:
0x88: {  	s2 =	sld [smem:$0x3FD9]  }
0x89: {  	s3 =	sld [smem:$0x3FFE];
	_ =	sdelay $0x1  }
0x8a: {  	s1 =	srdreg.scid  }
0x8b: {  	s0 =	sand.u32 $0x1, s1  }
0x8c: {  	s14 =	sshll.u32 s0, $0xA;
	s2 =	sadd.s32 s3, s2  }
0x8d: {  	s2 =	sadd.s32 s2, s14  }
0x8e: {  	[smem:$0x3FBD] =	sst s2  }
0x8f: {  	_ = 	snop  }
0x90: {  	s2 =	sld [smem:$0x3FD0];
	_ =	sdelay $0x2  }
0x91: {  	s15 =	simm.s32 $0xB;
	s4 =	simm.s32 $0x10  }
0x92: {  	[smem:s4], [sflag:s15] =	dma.local [hbm:s2], $0x1  }
0x93: {  	_ =	swait.eq [sflag:s15], $0x1  }
0x94: {  	[sflag:s15] =	ssyncset.done $0x0  }
0x95: {  	[sflag:s15] =	ssyncadd.s32 $0xFFFFFFFF  }
0x96: {  	s16 =	sld [smem:$0x11];
	(tm) =	ssettm $0x1  }
0x97: {  	s17 =	sld [smem:$0x3FFB];
	_ =	sdelay $0x3  }
0x98: {  	_ =	strace s17  }
0x99: {  	s3 =	sld [smem:$0x3FFC];
	_ =	sdelay $0x3  }
0x9a: {  	_ =	strace s3  }
0x9b: {  	s3 =	sld [smem:$0x3FFD];
	_ =	sdelay $0x3  }
0x9c: {  	_ =	strace s3  }
0x9d: {  	_ =	strace $0x8FFFFFFF  }
0x9e: {  	s18 =	sld [smem:$0x3FDB];
	_ =	sdelay $0x1  }
0x9f: {  	s19 =	simm.s32 $_scs_section_size  }
0xa0: {  	s5 =	simm.s32 $_size__tile_overlayer_lowered;
	s6 =	simm.s32 $_tile_overlayer_lowered  }
0xa1: {  	s22 =	simm.s32 $0x1BFF;
	s21 =	sshll.u32 s6, $0x1;
	s3 =	sadd.s32 s19, s18  }
0xa2: {  	s7 =	simm.s32 $0x0;
	s20 =	sshll.u32 s5, $0x1;
	s5 =	sadd.s32 s21, s3  }
0xa3: {  	[timem:s7], [sflag:s22] =	dma.local [hbm:s5], s20  }
0xa4: {  	_ =	swait.ge [sflag:s22], s20  }
0xa5: {  	s4 =	ssub.s32 $0x0, s20;
	[sflag:s22] =	ssyncset.done $0x0  }
0xa6: {  	[sflag:s22] =	ssyncadd.s32 s4;
	_ =	sdelay $0x1  }
0xa7: {  	s23 =	simm.s32 $0x1B8B  }
0xa8: {  	_ =	swait.ge [sflag:s23], $0x1  }
0xa9: {  	[sflag:s23] =	ssyncset.done $0x0  }
0xaa: {  	s25 =	simm.s32 $0x1B8E;
	s24 =	sld [smem:$0x3FFE];
	[sflag:s23] =	ssyncadd.s32 $0xFFFFFFFF  }
0xab: {  	s26 =	simm.s32 $execute0_lowered;
	[smem:$0x3FD2] =	sst s25  }
0xac: {  	s5 =	sshll.u32 s26, $0x1;
	_ =	strace $0x80000046;
	[dreg:$0x1] =	wrdreg $0xFFFFFFFF  }
0xad: {  	s28 =	simm.s32 $_size_execute0_lowered;
	s3 =	sadd.s32 s3, s5;
	[dreg:$0x0] =	wrdreg $0x0  }
0xae: {  	s5 =	sshll.u32 s28, $0x1;
	[dreg:$0x2] =	wrdreg s3  }
0xaf: {  	[dreg:$0x3] =	wrdreg s5  }
0xb0: {  	[dreg:$0x4] =	wrdreg $0xC0  }
0xb1: {  	_ =	task [dreg:s7], $0x5FFFF  }
0xb2: {  	[dreg:$0x1] =	wrdreg $0xFFFFFFFF  }
0xb3: {  	[dreg:$0x0] =	wrdreg $0x60  }
0xb4: {  	[dreg:$0x2] =	wrdreg s24  }
0xb5: {  	[dreg:$0x3] =	wrdreg s16  }
0xb6: {  	[dreg:$0x4] =	wrdreg $0x68000  }
0xb7: {  	[dreg:$0x5] =	wrdreg $0x9  }
0xb8: {  	_ =	task.clear_ibuf [dreg:s7], $0x6FFFF;
	_ =	strace $0x90000046  }
0xb9: {  	s29 =	simm.s32 $0x9;
	_ =	strace $0x80000048  }
0xba: {  	_ =	swait.ge [sflag:s29], $0x1  }
0xbb: {  	[sflag:s29] =	ssyncadd.s32 $0xFFFFFFFF  }
0xbc: {  	_ =	strace $0x90000048  }
0xbd: {  	_ =	sfence  }
0xbe: {  	s30 =	sld [smem:$0x0];
	_ =	sdelay $0x2  }
0xbf: {  	s31 =	sshll.u32 s1, $0xD;
	s1 =	sshrl.u32 s1, $0x2  }
0xc0: {  	s3 =	sand.u32 $0x4000, s31;
	s1 =	sadd.s32 s1, s30  }
0xc1: {  	s0 =	sor.u32 s3, s0;
	s1 =	sshll.u32 s1, $0x11  }
0xc2: {  	s0 =	sor.u32 s1, s0  }
0xc3: {  	s0 =	sadd.s32 $0x8F2B, s0  }
0xc4: {  	[sflag:s0] =	ssyncadd.remote.s32 $0x1  }
0xc5: {  	_ =	sfence.sel $0xFFFF  }
0xc6: {  	[dreg:$0x0] =	wrdreg $0xFFFFFFFF;
	(pc) =	sbr.abs _section_cstart, $3  }
0xc7: {  	[dreg:$0x1] =	wrdreg $0xFFFFFFFF  }
0xc8: {  	_ =	task.clear_ibuf [dreg:s7], $0x2FFFF;
	_ =	strace $0x9FFFFFFF  }
0xc9: {  	(tm) =	ssettm $0x7FFFFFFF  }
tec
execute0_lowered:
.L_overlay_start_1:
0x0: {  	(tag) =	ssettag $0x1  }
0x1: {  	s4 =	rddreg [dreg:$0x0]  }
0x2: {  	s13 =	rddreg [dreg:$0x1]  }
0x3: {  	s1 =	rddreg [dreg:$0x2]  }
0x4: {  	s0 =	rddreg [dreg:$0x3];
	s3 =	simm.s32 $0x0;
	s2 =	srdreg.scid  }
0x5: {  	s22 =	simm.s32 $0x1;
	s23 =	simm.s32 $0x4000;
	s24 =	simm.s32 $0x50  }
0x6: {  	s25 =	simm.s32 $0x0;
	s5 =	sand.u32 $0x1, s2;
	s2 =	stileid.u32  }
0x7: {  	[smem:$0x7FF] =	sst s3;
	s6 =	sshll.u32 s5, $0xB;
	s7 =	smul.u32 $0x280, s2  }
0x8: {  	s31 =	ssub.s32 $0x2, s5;
	s8 =	smul.u32 $0x50000, s2;
	s10 =	sshll.u32 s2, $0xC  }
0x9: {  	s5 =	smul.u32 $0x2800, s5;
	s4 =	sadd.s32 s6, s4;
	s9 =	sshrl.u32 s31, $0x1  }
0xa: {  	_ =	strace $0x80000047;
	s6 =	ssub.s32 s31, s9;
	s4 =	sadd.s32 s10, s4  }
0xb: {  	s8 =	sshrl.u32 s8, $0x2;
	s11 =	sadd.s32 s5, s7;
	s4 =	sadd.s32 $0x4200, s4  }
0xc: {  	s5 =	sadd.s32 s8, s1;
	s6 =	smax.u32 s6, $0x1;
	s14 =	sshll.u32 s11, $0x4  }
0xd: {  	s7 =	sadd.s32 $0x2800, s5;
	s8 =	sadd.s32 $0x5000, s5;
	s9 =	sadd.s32 $0x7800, s5  }
0xe: {  	s10 =	sadd.s32 $0xA000, s5;
	s11 =	sadd.s32 $0xC800, s5;
	s13 =	sadd.s32 s13, s14  }
0xf: {  	s12 =	sadd.s32 $0xF000, s5;
	s14 =	sadd.s32 $0x11800, s5;
	s15 =	sadd.s32 $0x500, s13  }
0x10: {  	s16 =	sadd.s32 $0xA00, s13;
	s17 =	sadd.s32 $0xF00, s13;
	s18 =	sadd.s32 $0x1400, s13  }
0x11: {  	v0 =	vimm.f32 $0.0e+00;
	v1 =	vimm.f32 $1.000000000e+00;
	s19 =	sadd.s32 $0x1900, s13;
	s20 =	sadd.s32 $0x1E00, s13;
	s21 =	sadd.s32 $0x2300, s13  }
.LBB2_1:
0x12: {  	[tilespmem:s3], [sflag:$0x1] =	stream.linear.gather [hbm4b:s4+s3], $0x3E80, $0x38;
	[tilespmem:$0x1A800] =	vst v63  }
0x13: {  	_ =	swait.ge [sflag:s22], $0x3E80  }
0x14: {  	[sflag:s22] =	ssyncset.done $0x0  }
0x15: {  	s26 =	simm.s32 $0x0;
	s28 =	simm.s32 $0x200;
	[sflag:s22] =	ssyncadd.s32 $0xFFFFC180  }
.LBB2_2:
0x16: {  	p0 =	sne.s32 s28, $0x9E00;
	[tilespmem:s26+$0x4070] =	vst v0  }
0x17: {  	[tilespmem:s26+$0x4000] =	vst v0  }
0x18: {  	[tilespmem:s26+$0x4010] =	vst v0  }
.Ltmp0:
0x19: {  	[tilespmem:s26+$0x4020] =	vst v0;
	(pc) =	sbr.rel @p0 .LBB2_2-.Ltmp0, $4  }
0x1a: {  	[tilespmem:s26+$0x4030] =	vst v0  }
0x1b: {  	[tilespmem:s26+$0x4040] =	vst v0  }
0x1c: {  	[tilespmem:s26+$0x4050] =	vst v0  }
0x1d: {  	[tilespmem:s26+$0x4060] =	vst v0;
	s26 =	sshra.s32 s28, $0x2;
	s28 =	sadd.s32 $0x200, s28  }
0x1e: {  	[tilespmem:s26+$0x4070] =	vst v0  }
0x1f: {  	[tilespmem:s26+$0x4000] =	vst v0  }
0x20: {  	[tilespmem:s26+$0x4010] =	vst v0  }
0x21: {  	[tilespmem:s26+$0x4020] =	vst v0  }
0x22: {  	[tilespmem:s26+$0x4030] =	vst v0  }
0x23: {  	[tilespmem:s26+$0x4040] =	vst v0  }
0x24: {  	[tilespmem:s26+$0x4050] =	vst v0  }
0x25: {  	[tilespmem:s26+$0x4060] =	vst v0  }
0x26: {  	[spmem:s5] =	stream.linear.scatter [tilespmem:s23], [sflag:$0x1], $0x2800, $0x38;
	[tilespmem:$0x1A800] =	vst v63  }
0x27: {  	_ =	swait.ge [sflag:s22], $0x2800  }
0x28: {  	[sflag:s22] =	ssyncset.done $0x0  }
0x29: {  	[sflag:s22] =	ssyncadd.s32 $0xFFFFD800  }
0x2a: {  	[spmem:s7] =	stream.linear.scatter [tilespmem:s23], [sflag:$0x1], $0x2800, $0x38;
	[tilespmem:$0x1A800] =	vst v63  }
0x2b: {  	_ =	swait.ge [sflag:s22], $0x2800  }
0x2c: {  	[sflag:s22] =	ssyncset.done $0x0  }
0x2d: {  	[sflag:s22] =	ssyncadd.s32 $0xFFFFD800  }
0x2e: {  	[spmem:s8] =	stream.linear.scatter [tilespmem:s23], [sflag:$0x1], $0x2800, $0x38;
	[tilespmem:$0x1A800] =	vst v63  }
0x2f: {  	_ =	swait.ge [sflag:s22], $0x2800  }
0x30: {  	[sflag:s22] =	ssyncset.done $0x0  }
0x31: {  	[sflag:s22] =	ssyncadd.s32 $0xFFFFD800  }
0x32: {  	[spmem:s9] =	stream.linear.scatter [tilespmem:s23], [sflag:$0x1], $0x2800, $0x38;
	[tilespmem:$0x1A800] =	vst v63  }
0x33: {  	_ =	swait.ge [sflag:s22], $0x2800  }
0x34: {  	[sflag:s22] =	ssyncset.done $0x0  }
0x35: {  	[sflag:s22] =	ssyncadd.s32 $0xFFFFD800  }
0x36: {  	[spmem:s10] =	stream.linear.scatter [tilespmem:s23], [sflag:$0x1], $0x2800, $0x38;
	[tilespmem:$0x1A800] =	vst v63  }
0x37: {  	_ =	swait.ge [sflag:s22], $0x2800  }
0x38: {  	[sflag:s22] =	ssyncset.done $0x0  }
0x39: {  	[sflag:s22] =	ssyncadd.s32 $0xFFFFD800  }
0x3a: {  	[spmem:s11] =	stream.linear.scatter [tilespmem:s23], [sflag:$0x1], $0x2800, $0x38;
	[tilespmem:$0x1A800] =	vst v63  }
0x3b: {  	_ =	swait.ge [sflag:s22], $0x2800  }
0x3c: {  	[sflag:s22] =	ssyncset.done $0x0  }
0x3d: {  	[sflag:s22] =	ssyncadd.s32 $0xFFFFD800  }
0x3e: {  	[spmem:s12] =	stream.linear.scatter [tilespmem:s23], [sflag:$0x1], $0x2800, $0x38;
	[tilespmem:$0x1A800] =	vst v63  }
0x3f: {  	_ =	swait.ge [sflag:s22], $0x2800  }
0x40: {  	[sflag:s22] =	ssyncset.done $0x0  }
0x41: {  	[sflag:s22] =	ssyncadd.s32 $0xFFFFD800  }
0x42: {  	[spmem:s14] =	stream.linear.scatter [tilespmem:s23], [sflag:$0x1], $0x2800, $0x38;
	[tilespmem:$0x1A800] =	vst v63  }
0x43: {  	_ =	swait.ge [sflag:s22], $0x2800  }
0x44: {  	[sflag:s22] =	ssyncset.done $0x0  }
0x45: {  	s26 =	simm.s32 $0x0;
	s28 =	simm.s32 $0x200;
	[sflag:s22] =	ssyncadd.s32 $0xFFFFD800  }
.LBB2_4:
0x46: {  	p0 =	sne.s32 s28, $0x9E00;
	[tilespmem:s26+$0x4070] =	vst v1  }
0x47: {  	[tilespmem:s26+$0x4000] =	vst v1  }
0x48: {  	[tilespmem:s26+$0x4010] =	vst v1  }
.Ltmp1:
0x49: {  	[tilespmem:s26+$0x4020] =	vst v1;
	(pc) =	sbr.rel @p0 .LBB2_4-.Ltmp1, $4  }
0x4a: {  	[tilespmem:s26+$0x4030] =	vst v1  }
0x4b: {  	[tilespmem:s26+$0x4040] =	vst v1  }
0x4c: {  	[tilespmem:s26+$0x4050] =	vst v1  }
0x4d: {  	[tilespmem:s26+$0x4060] =	vst v1;
	s26 =	sshra.s32 s28, $0x2;
	s28 =	sadd.s32 $0x200, s28  }
0x4e: {  	[tilespmem:s26+$0x4070] =	vst v1  }
0x4f: {  	[tilespmem:s26+$0x4000] =	vst v1  }
0x50: {  	[tilespmem:s26+$0x4010] =	vst v1  }
0x51: {  	[tilespmem:s26+$0x4020] =	vst v1  }
0x52: {  	[tilespmem:s26+$0x4030] =	vst v1  }
0x53: {  	[tilespmem:s26+$0x4040] =	vst v1  }
0x54: {  	[tilespmem:s26+$0x4050] =	vst v1  }
0x55: {  	[tilespmem:s26+$0x4060] =	vst v1  }
0x56: {  	s31 =	simm.s32 $0x0;
	[bflag:$0x0] =	sbarrier.arrive $0xFFFF  }
0x57: {  	[spmem:s1] =	stream.indirect.scatter.add.f32 [tilespmem:s23], [sflag:$0x1], $0x80, s31, s24, $0xb8;
	[tilespmem:$0x1A800] =	vst v63  }
0x58: {  	_ =	swait.ge [sflag:s22], $0x2800  }
0x59: {  	s26 =	simm.s32 $0x200;
	[sflag:s22] =	ssyncset.done $0x0  }
.LBB2_6:
0x5a: {  	s28 =	sshra.s32 s26, $0x2;
	[sflag:s22] =	ssyncadd.s32 $0xFFFFD800;
	p0 =	sne.s32 s26, $0xF800  }
0x5b: {  	[spmem:s1] =	stream.indirect.scatter.add.f32 [tilespmem:s23], [sflag:$0x1], $0x80, s28, s24, $0xb8;
	[tilespmem:$0x1A800] =	vst v63  }
.Ltmp2:
0x5c: {  	_ = 	snop;
	(pc) =	sbr.rel @p0 .LBB2_6-.Ltmp2, $4  }
0x5d: {  	_ = 	snop  }
0x5e: {  	s26 =	sadd.s32 $0x200, s26  }
0x5f: {  	_ =	swait.ge [sflag:s22], $0x2800  }
0x60: {  	[sflag:s22] =	ssyncset.done $0x0  }
0x61: {  	[sflag:s22] =	ssyncadd.s32 $0xFFFFD800  }
0x62: {  	[bflag:$0x0] =	sbarrier.arrive $0xFFFF  }
0x63: {  	[tilespmem:s23], [sflag:$0x1] =	stream.linear.gather [spmem:s5], $0x2800, $0x38;
	[tilespmem:$0x1A800] =	vst v63  }
0x64: {  	_ =	swait.ge [sflag:s22], $0x2800  }
0x65: {  	[sflag:s22] =	ssyncset.done $0x0  }
0x66: {  	[sflag:s22] =	ssyncadd.s32 $0xFFFFD800  }
0x67: {  	[hbm4b:s13+s3] =	stream.linear.scatter [tilespmem:s23], [sflag:$0x1], $0x2800, $0x38;
	[tilespmem:$0x1A800] =	vst v63  }
0x68: {  	_ =	swait.ge [sflag:s22], $0x2800  }
0x69: {  	[sflag:s22] =	ssyncset.done $0x0  }
0x6a: {  	[sflag:s22] =	ssyncadd.s32 $0xFFFFD800  }
0x6b: {  	[tilespmem:s23], [sflag:$0x1] =	stream.linear.gather [spmem:s7], $0x2800, $0x38;
	[tilespmem:$0x1A800] =	vst v63  }
0x6c: {  	_ =	swait.ge [sflag:s22], $0x2800  }
0x6d: {  	[sflag:s22] =	ssyncset.done $0x0  }
0x6e: {  	[sflag:s22] =	ssyncadd.s32 $0xFFFFD800  }
0x6f: {  	[hbm4b:s15+s3] =	stream.linear.scatter [tilespmem:s23], [sflag:$0x1], $0x2800, $0x38;
	[tilespmem:$0x1A800] =	vst v63  }
0x70: {  	_ =	swait.ge [sflag:s22], $0x2800  }
0x71: {  	[sflag:s22] =	ssyncset.done $0x0  }
0x72: {  	[sflag:s22] =	ssyncadd.s32 $0xFFFFD800  }
0x73: {  	[tilespmem:s23], [sflag:$0x1] =	stream.linear.gather [spmem:s8], $0x2800, $0x38;
	[tilespmem:$0x1A800] =	vst v63  }
0x74: {  	_ =	swait.ge [sflag:s22], $0x2800  }
0x75: {  	[sflag:s22] =	ssyncset.done $0x0  }
0x76: {  	[sflag:s22] =	ssyncadd.s32 $0xFFFFD800  }
0x77: {  	[hbm4b:s16+s3] =	stream.linear.scatter [tilespmem:s23], [sflag:$0x1], $0x2800, $0x38;
	[tilespmem:$0x1A800] =	vst v63  }
0x78: {  	_ =	swait.ge [sflag:s22], $0x2800  }
0x79: {  	[sflag:s22] =	ssyncset.done $0x0  }
0x7a: {  	[sflag:s22] =	ssyncadd.s32 $0xFFFFD800  }
0x7b: {  	[tilespmem:s23], [sflag:$0x1] =	stream.linear.gather [spmem:s9], $0x2800, $0x38;
	[tilespmem:$0x1A800] =	vst v63  }
0x7c: {  	_ =	swait.ge [sflag:s22], $0x2800  }
0x7d: {  	[sflag:s22] =	ssyncset.done $0x0  }
0x7e: {  	[sflag:s22] =	ssyncadd.s32 $0xFFFFD800  }
0x7f: {  	[hbm4b:s17+s3] =	stream.linear.scatter [tilespmem:s23], [sflag:$0x1], $0x2800, $0x38;
	[tilespmem:$0x1A800] =	vst v63  }
0x80: {  	_ =	swait.ge [sflag:s22], $0x2800  }
0x81: {  	[sflag:s22] =	ssyncset.done $0x0  }
0x82: {  	[sflag:s22] =	ssyncadd.s32 $0xFFFFD800  }
0x83: {  	[tilespmem:s23], [sflag:$0x1] =	stream.linear.gather [spmem:s10], $0x2800, $0x38;
	[tilespmem:$0x1A800] =	vst v63  }
0x84: {  	_ =	swait.ge [sflag:s22], $0x2800  }
0x85: {  	[sflag:s22] =	ssyncset.done $0x0  }
0x86: {  	[sflag:s22] =	ssyncadd.s32 $0xFFFFD800  }
0x87: {  	[hbm4b:s18+s3] =	stream.linear.scatter [tilespmem:s23], [sflag:$0x1], $0x2800, $0x38;
	[tilespmem:$0x1A800] =	vst v63  }
0x88: {  	_ =	swait.ge [sflag:s22], $0x2800  }
0x89: {  	[sflag:s22] =	ssyncset.done $0x0  }
0x8a: {  	[sflag:s22] =	ssyncadd.s32 $0xFFFFD800  }
0x8b: {  	[tilespmem:s23], [sflag:$0x1] =	stream.linear.gather [spmem:s11], $0x2800, $0x38;
	[tilespmem:$0x1A800] =	vst v63  }
0x8c: {  	_ =	swait.ge [sflag:s22], $0x2800  }
0x8d: {  	[sflag:s22] =	ssyncset.done $0x0  }
0x8e: {  	[sflag:s22] =	ssyncadd.s32 $0xFFFFD800  }
0x8f: {  	[hbm4b:s19+s3] =	stream.linear.scatter [tilespmem:s23], [sflag:$0x1], $0x2800, $0x38;
	[tilespmem:$0x1A800] =	vst v63  }
0x90: {  	_ =	swait.ge [sflag:s22], $0x2800  }
0x91: {  	[sflag:s22] =	ssyncset.done $0x0  }
0x92: {  	[sflag:s22] =	ssyncadd.s32 $0xFFFFD800  }
0x93: {  	[tilespmem:s23], [sflag:$0x1] =	stream.linear.gather [spmem:s12], $0x2800, $0x38;
	[tilespmem:$0x1A800] =	vst v63  }
0x94: {  	_ =	swait.ge [sflag:s22], $0x2800  }
0x95: {  	[sflag:s22] =	ssyncset.done $0x0  }
0x96: {  	[sflag:s22] =	ssyncadd.s32 $0xFFFFD800  }
0x97: {  	[hbm4b:s20+s3] =	stream.linear.scatter [tilespmem:s23], [sflag:$0x1], $0x2800, $0x38;
	[tilespmem:$0x1A800] =	vst v63  }
0x98: {  	_ =	swait.ge [sflag:s22], $0x2800  }
0x99: {  	[sflag:s22] =	ssyncset.done $0x0  }
0x9a: {  	[sflag:s22] =	ssyncadd.s32 $0xFFFFD800  }
0x9b: {  	[tilespmem:s23], [sflag:$0x1] =	stream.linear.gather [spmem:s14], $0x2800, $0x38;
	[tilespmem:$0x1A800] =	vst v63  }
0x9c: {  	s25 =	sadd.s32 $0x1, s25;
	_ =	swait.ge [sflag:s22], $0x2800  }
0x9d: {  	p0 =	sne.s32 s25, s6;
	[sflag:s22] =	ssyncset.done $0x0  }
.Ltmp3:
0x9e: {  	[sflag:s22] =	ssyncadd.s32 $0xFFFFD800;
	(pc) =	sbr.rel @p0 .LBB2_1-.Ltmp3, $4  }
0x9f: {  	[hbm4b:s21+s3] =	stream.linear.scatter [tilespmem:s23], [sflag:$0x1], $0x2800, $0x38;
	[tilespmem:$0x1A800] =	vst v63  }
0xa0: {  	_ =	swait.ge [sflag:s22], $0x2800  }
0xa1: {  	[sflag:s22] =	ssyncset.done $0x0  }
0xa2: {  	[sflag:s22] =	ssyncadd.s32 $0xFFFFD800  }
0xa3: {  	_ =	sfence.sel $0x180000  }
0xa4: {  	[bflag:$0x0] =	sbarrier.arrive $0xFFFF  }
0xa5: {  	p0 =	sne.s32 s2, $0x0;
	_ =	strace $0x90000047  }
0xa6: {  	s0 =	sadd.s32 @!p0 $0x100000, s0;
	[bflag:$0x2] =	sbarrier.arrive $0xFFFF  }
0xa7: {  	[sflag:s0] =	ssyncadd.tile.s32 @!p0 $0x1;
	_ =	shalt  }
.Lfunc_end2:
_tile_overlayer_lowered:
.L_overlay_start_2:
0xa8: {  	(tag) =	ssettag $0x2  }
0xa9: {  	s0 =	rddreg [dreg:$0x0];
	s2 =	stileid.u32  }
0xaa: {  	s1 =	rddreg [dreg:$0x1];
	p0 =	sne.s32 s2, $0x0  }
0xab: {  	s3 =	rddreg [dreg:$0x2];
	[bflag:$0x3] =	sbarrier.arrive $0xFFFF;
	s2 =	simm.s32 @!p0 $0x1C01  }
0xac: {  	[timem:s3], [sflag:s2] =	dma.local @!p0 [hbm:s0], s1  }
0xad: {  	s0 =	simm.s32 @!p0 $0x1  }
0xae: {  	_ =	swait.ge @!p0 [sflag:s0], s1  }
0xaf: {  	s1 =	ssub.s32 @!p0 $0x0, s1;
	[sflag:s0] =	ssyncset.done @!p0 $0x0  }
0xb0: {  	[sflag:s0] =	ssyncadd.s32 @!p0 s1  }
0xb1: {  	[bflag:$0x3] =	sbarrier.arrive $0xFFFF  }
0xb2: {  	_ =	shalt  }

// kernel: kernel.16.cloned.1.call-start
scs
__scs_entry_jumppad:
0x0: {  	(pc) =	sbr.rel $0x88, $3  }
0x1: {  	(tag) =	ssettag $0x0;
	lr =	simm.s32 $0x1  }
0x2: {  	[smem:$0x3F96] =	sst lr;
	_ =	strace $0xD0000000  }
0x3: {  	_ = 	snop  }
0x4: {  	_ = 	snop  }
0x5: {  	_ = 	snop  }
0x6: {  	_ = 	snop  }
0x7: {  	_ = 	snop  }
__scs_overlays_trampoline_lowered:
0x8: {  	[smem:$0x3FA5] =	sst s0  }
0x9: {  	[smem:$0x3FA6] =	sst s1  }
0xa: {  	[smem:$0x3FA7] =	sst s2  }
0xb: {  	[smem:$0x3FA8] =	sst s3  }
0xc: {  	[smem:$0x3FA9] =	sst s4  }
0xd: {  	[smem:$0x3FAA] =	sst s5  }
0xe: {  	[smem:$0x3FAB] =	sst s6  }
0xf: {  	[smem:$0x3FAC] =	sst s7  }
0x10: {  	[smem:$0x3FAD] =	sst s8  }
0x11: {  	[smem:$0x3FAE] =	sst s9;
	s0 =	simm.s32 @!p0 $0x0  }
0x12: {  	s1 =	sld [smem:$0x3F94];
	s0 =	simm.s32 @p0 $0x1  }
0x13: {  	[smem:$0x3FAF] =	sst s0;
	s0 =	simm.s32 @!p1 $0x0  }
0x14: {  	s2 =	sld [smem:$0x3F93];
	s0 =	simm.s32 @p1 $0x1  }
0x15: {  	[smem:$0x3FB0] =	sst s0;
	s0 =	simm.s32 @!p2 $0x0  }
0x16: {  	s3 =	sld [smem:$0x3FDB];
	s0 =	simm.s32 @p2 $0x1  }
0x17: {  	s4 =	simm.s32 $0x1BF5;
	[smem:$0x3FB2] =	sst s0  }
0x18: {  	s0 =	sld [smem:$0x3F95];
	_ =	swait.ge [sflag:s4], $0x0  }
0x19: {  	s7 =	sld [smem:$0x3F96]  }
0x1a: {  	s8 =	sadd.s32 $0xFFFFE003, lr  }
0x1b: {  	s9 =	sadd.s32 $0xFFFFFEF7, lr;
	s5 =	simm.s32 $0xFFFFFFFF;
	p2 =	slt.u32 s8, $0xFFFFF086  }
0x1c: {  	p1 =	slt.u32 s9, $0xF7A;
	s5 =	simm.s32 @!p2 $0x0  }
0x1d: {  	s5 =	simm.s32 @p1 $0x1;
	p0 =	seq.s32 s7, s2  }
0x1e: {  	s7 =	smul.u32 @!p0 $0xF7A, s2;
	p2 =	seq.s32 @!p0 s5, $0x0  }
0x1f: {  	s9 =	smul.u32 $0xF7A, s1;
	s8 =	simm.s32 @!p0 $0x1BF5;
	p2 =	por !p2, p0  }
0x20: {  	[sflag:s8] =	ssyncset.s32 @!p0 $0xFFFFF086;
	s6 =	sadd.s32 @!p0 s3, s7;
	s7 =	simm.s32 @!p0 $0x108  }
0x21: {  	s3 =	sadd.s32 s3, s9;
	s6 =	sadd.s32 @!p0 $0x88, s6;
	s7 =	simm.s32 @p2 $0x1082  }
0x22: {  	[simem:s7], [sflag:s8] =	dma.local @!p0 [hbm:s6], $0xF7A  }
0x23: {  	s9 =	sor.u32 $0xD0000000, s2;
	s6 =	simm.s32 $0x108;
	_ =	swait.ge @!p0 [sflag:s8], $0x0  }
0x24: {  	s3 =	sadd.s32 $0x88, s3;
	s6 =	simm.s32 @!p1 $0x1082;
	[sflag:s4] =	ssyncset.s32 $0xFFFFF086  }
0x25: {  	[simem:s6], [sflag:s4] =	dma.local [hbm:s3], $0xF7A  }
0x26: {  	[smem:$0x3F96] =	sst s1;
	(tag) =	ssettag s2;
	_ =	strace s9  }
0x27: {  	s1 =	sld [smem:$0x3FA6]  }
0x28: {  	s2 =	sld [smem:$0x3FA7]  }
0x29: {  	s4 =	sld [smem:$0x3FA9]  }
0x2a: {  	p0 =	seq.s32 s5, $0x0;
	s5 =	sld [smem:$0x3FAA]  }
0x2b: {  	s6 =	sld [smem:$0x3FAB]  }
0x2c: {  	s7 =	sld [smem:$0x3FAC]  }
0x2d: {  	s3 =	simm.s32 $0x108;
	s8 =	sld [smem:$0x3FAD]  }
0x2e: {  	s3 =	simm.s32 @!p0 $0x1082;
	s9 =	sld [smem:$0x3FAE]  }
0x2f: {  	lr =	sadd.s32 s0, s3;
	s0 =	sld [smem:$0x3FA5]  }
0x30: {  	s3 =	sld [smem:$0x3FA8]  }
0x31: {  	[smem:$0x3FB1] =	sst s10  }
0x32: {  	s10 =	sld [smem:$0x3FAF];
	_ =	sdelay $0x3  }
0x33: {  	p0 =	seq.s32 s10, $0x1;
	s10 =	sld [smem:$0x3FB1];
	_ =	sdelay $0x3  }
0x34: {  	[smem:$0x3FB1] =	sst s10  }
0x35: {  	s10 =	sld [smem:$0x3FB0];
	_ =	sdelay $0x3  }
0x36: {  	p1 =	seq.s32 s10, $0x1;
	s10 =	sld [smem:$0x3FB1];
	_ =	sdelay $0x3  }
0x37: {  	[smem:$0x3FB1] =	sst s10  }
0x38: {  	s10 =	sld [smem:$0x3FB2]  }
0x39: {  	_ = 	snop;
	(pc) =	sbr.ind lr, $3  }
0x3a: {  	_ = 	snop  }
0x3b: {  	_ = 	snop  }
0x3c: {  	p2 =	seq.s32 s10, $0x1;
	s10 =	sld [smem:$0x3FB1]  }
0x3d: {  	_ =	shalt  }
0x3e: {  	_ =	shalt  }
0x3f: {  	_ =	shalt  }
0x40: {  	_ =	shalt  }
0x41: {  	_ =	shalt  }
0x42: {  	_ =	shalt  }
0x43: {  	_ =	shalt  }
0x44: {  	_ =	shalt  }
0x45: {  	_ =	shalt  }
0x46: {  	_ =	shalt  }
0x47: {  	_ =	shalt  }
0x48: {  	_ =	shalt  }
0x49: {  	_ =	shalt  }
0x4a: {  	_ =	shalt  }
0x4b: {  	_ =	shalt  }
0x4c: {  	_ =	shalt  }
0x4d: {  	_ =	shalt  }
0x4e: {  	_ =	shalt  }
0x4f: {  	_ =	shalt  }
0x50: {  	_ =	shalt  }
0x51: {  	_ =	shalt  }
0x52: {  	_ =	shalt  }
0x53: {  	_ =	shalt  }
0x54: {  	_ =	shalt  }
0x55: {  	_ =	shalt  }
0x56: {  	_ =	shalt  }
0x57: {  	_ =	shalt  }
0x58: {  	_ =	shalt  }
0x59: {  	_ =	shalt  }
0x5a: {  	_ =	shalt  }
0x5b: {  	_ =	shalt  }
0x5c: {  	_ =	shalt  }
0x5d: {  	_ =	shalt  }
0x5e: {  	_ =	shalt  }
0x5f: {  	_ =	shalt  }
0x60: {  	_ =	shalt  }
0x61: {  	_ =	shalt  }
0x62: {  	_ =	shalt  }
0x63: {  	_ =	shalt  }
0x64: {  	_ =	shalt  }
0x65: {  	_ =	shalt  }
0x66: {  	_ =	shalt  }
0x67: {  	_ =	shalt  }
0x68: {  	_ =	shalt  }
0x69: {  	_ =	shalt  }
0x6a: {  	_ =	shalt  }
0x6b: {  	_ =	shalt  }
0x6c: {  	_ =	shalt  }
0x6d: {  	_ =	shalt  }
0x6e: {  	_ =	shalt  }
0x6f: {  	_ =	shalt  }
0x70: {  	_ =	shalt  }
0x71: {  	_ =	shalt  }
0x72: {  	_ =	shalt  }
0x73: {  	_ =	shalt  }
0x74: {  	_ =	shalt  }
0x75: {  	_ =	shalt  }
0x76: {  	_ =	shalt  }
0x77: {  	_ =	shalt  }
0x78: {  	_ =	shalt  }
0x79: {  	_ =	shalt  }
0x7a: {  	_ =	shalt  }
0x7b: {  	_ =	shalt  }
0x7c: {  	_ =	shalt  }
0x7d: {  	_ =	shalt  }
0x7e: {  	_ =	shalt  }
0x7f: {  	_ =	shalt  }
0x80: {  	_ =	shalt  }
0x81: {  	_ =	shalt  }
0x82: {  	_ =	shalt  }
0x83: {  	_ =	shalt  }
0x84: {  	_ =	shalt  }
0x85: {  	_ =	shalt  }
0x86: {  	_ =	shalt  }
0x87: {  	_ =	shalt  }
.Lfunc_end0:
.L_simem_size_0:
called_computation.1_lowered:
.L_overlay_start_0:
0x88: {  	s2 =	sld [smem:$0x3FD9]  }
0x89: {  	s3 =	sld [smem:$0x3FFE];
	_ =	sdelay $0x1  }
0x8a: {  	s1 =	srdreg.scid  }
0x8b: {  	s0 =	sand.u32 $0x1, s1  }
0x8c: {  	s15 =	sshll.u32 s0, $0xA;
	s2 =	sadd.s32 s3, s2  }
0x8d: {  	s2 =	sadd.s32 s2, s15  }
0x8e: {  	[smem:$0x3FBD] =	sst s2  }
0x8f: {  	_ = 	snop  }
0x90: {  	s2 =	sld [smem:$0x3FD0];
	_ =	sdelay $0x2  }
0x91: {  	s16 =	simm.s32 $0xB;
	s4 =	simm.s32 $0x10  }
0x92: {  	[smem:s4], [sflag:s16] =	dma.local [hbm:s2], $0x1  }
0x93: {  	_ =	swait.eq [sflag:s16], $0x1  }
0x94: {  	[sflag:s16] =	ssyncset.done $0x0  }
0x95: {  	[sflag:s16] =	ssyncadd.s32 $0xFFFFFFFF  }
0x96: {  	s17 =	sld [smem:$0x10];
	(tm) =	ssettm $0x1  }
0x97: {  	s18 =	sld [smem:$0x3FFB];
	_ =	sdelay $0x3  }
0x98: {  	_ =	strace s18  }
0x99: {  	s2 =	sld [smem:$0x3FFC];
	_ =	sdelay $0x3  }
0x9a: {  	_ =	strace s2  }
0x9b: {  	s2 =	sld [smem:$0x3FFD];
	_ =	sdelay $0x3  }
0x9c: {  	_ =	strace s2  }
0x9d: {  	_ =	strace $0x8FFFFFFF  }
0x9e: {  	s19 =	sld [smem:$0x3FDB];
	_ =	sdelay $0x1  }
0x9f: {  	s20 =	simm.s32 $_scs_section_size  }
0xa0: {  	s5 =	simm.s32 $_size__tile_overlayer_lowered;
	s6 =	simm.s32 $_tile_overlayer_lowered  }
0xa1: {  	s7 =	simm.s32 $0x1BFF;
	s21 =	sshll.u32 s6, $0x1;
	s4 =	sadd.s32 s20, s19  }
0xa2: {  	s22 =	simm.s32 $0x0;
	s5 =	sshll.u32 s5, $0x1;
	s6 =	sadd.s32 s21, s4  }
0xa3: {  	[timem:s22], [sflag:s7] =	dma.local [hbm:s6], s5  }
0xa4: {  	_ =	swait.ge [sflag:s7], s5  }
0xa5: {  	s5 =	ssub.s32 $0x0, s5;
	[sflag:s7] =	ssyncset.done $0x0  }
0xa6: {  	[sflag:s7] =	ssyncadd.s32 s5;
	_ =	sdelay $0x1  }
0xa7: {  	s23 =	simm.s32 $0x1B8B  }
0xa8: {  	_ =	swait.ge [sflag:s23], $0x1  }
0xa9: {  	[sflag:s23] =	ssyncset.done $0x0  }
0xaa: {  	[sflag:s23] =	ssyncadd.s32 $0xFFFFFFFF  }
0xab: {  	s5 =	sld [smem:$0x0]  }
0xac: {  	s6 =	sand.u32 $0xFFFFFFFE, s1  }
0xad: {  	p0 =	sne.s32 s1, s6  }
0xae: {  	s6 =	sshll.u32 @p0 s6, $0xE  }
0xaf: {  	s6 =	sadd.s32 @p0 $0x11B8D, s6;
	s7 =	sshll.u32 @p0 s5, $0x11  }
0xb0: {  	s6 =	sor.u32 @p0 s7, s6  }
0xb1: {  	[sflag:s6] =	ssyncadd.remote.s32 @p0 $0x1;
	_ =	sdelay $0x1  }
0xb2: {  	s6 =	simm.s32 @p0 $0x1B8D  }
0xb3: {  	_ =	swait.eq @p0 [sflag:s6], $0x1  }
0xb4: {  	[sflag:s6] =	ssyncadd.s32 @p0 $0xFFFFFFFF  }
0xb5: {  	s7 =	sshll.u32 @!p0 s1, $0xE  }
0xb6: {  	s7 =	sor.u32 @!p0 $0x4000, s7;
	s6 =	simm.s32 @!p0 $0x1B8D  }
0xb7: {  	s5 =	sshll.u32 @!p0 s5, $0x11;
	s7 =	sadd.s32 @!p0 $0x11B8D, s7;
	_ =	swait.eq @!p0 [sflag:s6], $0x1  }
0xb8: {  	s5 =	sor.u32 @!p0 s5, s7;
	[sflag:s6] =	ssyncadd.s32 @!p0 $0xFFFFFFFF  }
0xb9: {  	s25 =	simm.s32 $0x1B8E;
	s24 =	sld [smem:$0x3FFE];
	[sflag:s5] =	ssyncadd.remote.s32 @!p0 $0x1  }
0xba: {  	s26 =	simm.s32 $execute0_lowered;
	[smem:$0x3FD2] =	sst s25  }
0xbb: {  	s6 =	sshll.u32 s26, $0x1;
	_ =	strace $0x80000049;
	[dreg:$0x1] =	wrdreg $0xFFFFFFFF  }
0xbc: {  	s28 =	simm.s32 $_size_execute0_lowered;
	s4 =	sadd.s32 s4, s6;
	[dreg:$0x0] =	wrdreg $0x0  }
0xbd: {  	s6 =	sshll.u32 s28, $0x1;
	[dreg:$0x2] =	wrdreg s4  }
0xbe: {  	[dreg:$0x3] =	wrdreg s6  }
0xbf: {  	[dreg:$0x4] =	wrdreg $0xC0  }
0xc0: {  	_ =	task [dreg:s22], $0x5FFFF  }
0xc1: {  	[dreg:$0x1] =	wrdreg $0xFFFFFFFF  }
0xc2: {  	[dreg:$0x0] =	wrdreg $0x60  }
0xc3: {  	[dreg:$0x2] =	wrdreg s17  }
0xc4: {  	[dreg:$0x3] =	wrdreg s24  }
0xc5: {  	[dreg:$0x4] =	wrdreg $0xA  }
0xc6: {  	_ =	task.clear_ibuf [dreg:s22], $0x5FFFF;
	_ =	strace $0x90000049  }
0xc7: {  	s29 =	simm.s32 $0xA;
	_ =	strace $0x8000004B  }
0xc8: {  	_ =	swait.ge [sflag:s29], $0x1  }
0xc9: {  	[sflag:s29] =	ssyncadd.s32 $0xFFFFFFFF  }
0xca: {  	_ =	strace $0x9000004B  }
0xcb: {  	_ =	sfence  }
0xcc: {  	s30 =	sld [smem:$0x0];
	_ =	sdelay $0x2  }
0xcd: {  	s31 =	sshll.u32 s1, $0xD;
	s1 =	sshrl.u32 s1, $0x2  }
0xce: {  	s4 =	sand.u32 $0x4000, s31;
	s1 =	sadd.s32 s1, s30  }
0xcf: {  	s0 =	sor.u32 s4, s0;
	s1 =	sshll.u32 s1, $0x11  }
0xd0: {  	s0 =	sor.u32 s1, s0  }
0xd1: {  	s0 =	sadd.s32 $0x8F2B, s0  }
0xd2: {  	[sflag:s0] =	ssyncadd.remote.s32 $0x1  }
0xd3: {  	_ =	sfence.sel $0xFFFF  }
0xd4: {  	[dreg:$0x0] =	wrdreg $0xFFFFFFFF;
	(pc) =	sbr.abs _section_cstart, $3  }
0xd5: {  	[dreg:$0x1] =	wrdreg $0xFFFFFFFF  }
0xd6: {  	_ =	task.clear_ibuf [dreg:s22], $0x2FFFF;
	_ =	strace $0x9FFFFFFF  }
0xd7: {  	(tm) =	ssettm $0x7FFFFFFF  }
tec
execute0_lowered:
.L_overlay_start_1:
0x0: {  	(tag) =	ssettag $0x1  }
0x1: {  	s2 =	rddreg [dreg:$0x0];
	s1 =	srdreg.scid  }
0x2: {  	s0 =	stileid.u32;
	s5 =	rddreg [dreg:$0x1];
	s11 =	simm.s32 $0x400  }
0x3: {  	s12 =	simm.s32 $0x5;
	s13 =	simm.s32 $0x2780;
	s14 =	simm.s32 $0xC8  }
0x4: {  	s15 =	simm.s32 $0x4F00;
	s16 =	simm.s32 $0xB300;
	s17 =	simm.s32 $0x11700  }
0x5: {  	s18 =	simm.s32 $0x17B00;
	s19 =	simm.s32 $0x1;
	s20 =	simm.s32 $0x2  }
0x6: {  	s21 =	simm.s32 $0x3;
	s22 =	simm.s32 $0x4;
	s23 =	simm.s32 $0x0  }
0x7: {  	s4 =	sand.u32 $0x1, s1;
	s3 =	sshll.u32 s0, $0x1;
	s1 =	rddreg [dreg:$0x2]  }
0x8: {  	s6 =	sshrl.u32 s0, $0x2;
	s8 =	sor.u32 s4, s3;
	s3 =	simm.s32 $0x0  }
0x9: {  	s6 =	smul.u32 $0x13C00, s6;
	s31 =	ssub.s32 $0x2, s4;
	s7 =	sshll.u32 s8, $0x7  }
0xa: {  	s4 =	sadd.s32 $0x27E00, s5;
	[smem:$0x7FF] =	sst s3;
	s7 =	sand.u32 $0x380, s7  }
0xb: {  	s9 =	sshrl.u32 s31, $0x1;
	s8 =	smul.u32 $0x2710, s8;
	s6 =	sor.u32 s6, s7  }
0xc: {  	_ =	strace $0x8000004A;
	s9 =	ssub.s32 s31, s9;
	s6 =	sshrl.u32 s6, $0x3  }
0xd: {  	s9 =	smax.u32 s9, $0x1;
	s10 =	sadd.s32 s6, s5;
	s5 =	sadd.s32 $0x76200, s5  }
0xe: {  	s6 =	sadd.s32 $0x1E000, s10;
	s7 =	sadd.s32 $0x14200, s10;
	s10 =	simm.s32 $0x80  }
.LBB2_1:
0xf: {  	[tilespmem:s3], [sflag:$0x5] =	stream.strided.gather [hbm4b:s6+s10], $0x2780, s11, s10, $0x38;
	[tilespmem:$0x1DF00] =	vst v63  }
0x10: {  	_ =	swait.ge [sflag:s12], $0x2780  }
0x11: {  	[sflag:s12] =	ssyncset.done $0x0  }
0x12: {  	[sflag:s12] =	ssyncadd.s32 $0xFFFFD880  }
0x13: {  	[tilespmem:s13], [sflag:$0x5] =	stream.strided.gather [hbm4b:s7+s10], $0x2780, s11, s10, $0x38;
	[tilespmem:$0x1DF00] =	vst v63  }
0x14: {  	_ =	swait.ge [sflag:s12], $0x2780  }
0x15: {  	[sflag:s12] =	ssyncset.done $0x0  }
0x16: {  	[sflag:s12] =	ssyncadd.s32 $0xFFFFD880  }
0x17: {  	[tilespmem:s15], [sflag:$0x1] =	stream.indirect.gather [hbm4b:s2+s14], $0x80, s3, s14, $0xb8;
	[tilespmem:$0x1DF00] =	vst v63  }
0x18: {  	s24 =	simm.s32 $0x0  }
0x19: {  	[tilespmem:s16], [sflag:$0x2] =	stream.indirect.gather [hbm4b:s4+s14], $0x80, s13, s14, $0xb8;
	[tilespmem:$0x1DF00] =	vst v63  }
.LBB2_2:
0x1a: {  	s26 =	smul.u32 $0x190, s24;
	_ =	sdelay $0x1  }
0x1b: {  	s25 =	sadd.s32 $0xC8, s26  }
0x1c: {  	[tilespmem:s17], [sflag:$0x3] =	stream.indirect.gather [hbm4b:s2+s14], $0x80, s25, s14, $0xb8;
	[tilespmem:$0x1DF00] =	vst v63  }
0x1d: {  	s28 =	sadd.s32 $0x2848, s26  }
0x1e: {  	[tilespmem:s18], [sflag:$0x4] =	stream.indirect.gather [hbm4b:s4+s14], $0x80, s28, s14, $0xb8;
	[tilespmem:$0x1DF00] =	vst v63  }
0x1f: {  	_ =	swait.ge [sflag:s19], $0x6400  }
0x20: {  	[sflag:s19] =	ssyncset.done $0x0  }
0x21: {  	[sflag:s19] =	ssyncadd.s32 $0xFFFF9C00  }
0x22: {  	_ =	swait.ge [sflag:s20], $0x6400  }
0x23: {  	[sflag:s20] =	ssyncset.done $0x0  }
0x24: {  	s28 =	simm.s32 $0x0;
	[sflag:s20] =	ssyncadd.s32 $0xFFFF9C00  }
0x25: {  	v7 =	vld [tilespmem:s28+$0xB300]  }
0x26: {  	v11 =	vld [tilespmem:s28+$0xB310]  }
0x27: {  	v5 =	vld [tilespmem:s28+$0xB320]  }
0x28: {  	v4 =	vld [tilespmem:s28+$0xB330]  }
0x29: {  	v3 =	vld [tilespmem:s28+$0xB340]  }
0x2a: {  	v2 =	vld [tilespmem:s28+$0xB350]  }
0x2b: {  	v1 =	vld [tilespmem:s28+$0xB360]  }
0x2c: {  	v0 =	vld [tilespmem:s28+$0xB370]  }
0x2d: {  	v12 =	vld [tilespmem:s28+$0x4F00]  }
0x2e: {  	v13 =	vld [tilespmem:s28+$0x4F10]  }
0x2f: {  	v10 =	vld [tilespmem:s28+$0x4F20]  }
0x30: {  	v9 =	vld [tilespmem:s28+$0x4F30]  }
0x31: {  	v8 =	vld [tilespmem:s28+$0x4F40]  }
0x32: {  	v6 =	vld [tilespmem:s28+$0x4F50];
	v12 =	vadd.f32 v7, v12  }
0x33: {  	s29 =	simm.s32 $0x200;
	v11 =	vadd.f32 v11, v13;
	v7 =	vld [tilespmem:s28+$0x4F60]  }
.LBB2_3:
0x34: {  	s30 =	sshra.s32 s29, $0x2;
	p0 =	sne.s32 s29, $0x18E00;
	[tilespmem:s28+$0x4F00] =	vst v12;
	v5 =	vadd.f32 v5, v10;
	v10 =	vld [tilespmem:s28+$0x4F70]  }
0x35: {  	v12 =	vld [tilespmem:s30+$0xB300];
	[tilespmem:s28+$0x4F10] =	vst v11;
	v4 =	vadd.f32 v4, v9  }
0x36: {  	v11 =	vld [tilespmem:s30+$0xB310];
	[tilespmem:s28+$0x4F20] =	vst v5;
	v3 =	vadd.f32 v3, v8  }
0x37: {  	v5 =	vld [tilespmem:s30+$0xB320];
	[tilespmem:s28+$0x4F30] =	vst v4;
	v2 =	vadd.f32 v2, v6  }
0x38: {  	v4 =	vld [tilespmem:s30+$0xB330];
	[tilespmem:s28+$0x4F40] =	vst v3;
	v1 =	vadd.f32 v1, v7  }
0x39: {  	v3 =	vld [tilespmem:s30+$0xB340];
	[tilespmem:s28+$0x4F50] =	vst v2;
	v0 =	vadd.f32 v0, v10  }
0x3a: {  	v2 =	vld [tilespmem:s30+$0xB350];
	[tilespmem:s28+$0x4F60] =	vst v1  }
0x3b: {  	v1 =	vld [tilespmem:s30+$0xB360];
	[tilespmem:s28+$0x4F70] =	vst v0;
	s28 =	smov.u32 s30  }
0x3c: {  	v0 =	vld [tilespmem:s28+$0xB370]  }
0x3d: {  	v6 =	vld [tilespmem:s28+$0x4F00]  }
0x3e: {  	v7 =	vld [tilespmem:s28+$0x4F10]  }
.Ltmp0:
0x3f: {  	v10 =	vld [tilespmem:s28+$0x4F20];
	(pc) =	sbr.rel @p0 .LBB2_3-.Ltmp0, $4  }
0x40: {  	v9 =	vld [tilespmem:s28+$0x4F30]  }
0x41: {  	v8 =	vld [tilespmem:s28+$0x4F40]  }
0x42: {  	v12 =	vadd.f32 v12, v6;
	v6 =	vld [tilespmem:s28+$0x4F50]  }
0x43: {  	s29 =	sadd.s32 $0x200, s29;
	v11 =	vadd.f32 v11, v7;
	v7 =	vld [tilespmem:s28+$0x4F60]  }
0x44: {  	[tilespmem:s28+$0x4F00] =	vst v12;
	v5 =	vadd.f32 v5, v10;
	v10 =	vld [tilespmem:s28+$0x4F70]  }
0x45: {  	[tilespmem:s28+$0x4F10] =	vst v11;
	v4 =	vadd.f32 v4, v9  }
0x46: {  	[tilespmem:s28+$0x4F20] =	vst v5;
	v3 =	vadd.f32 v3, v8  }
0x47: {  	[tilespmem:s28+$0x4F30] =	vst v4;
	v2 =	vadd.f32 v2, v6  }
0x48: {  	[tilespmem:s28+$0x4F40] =	vst v3;
	v1 =	vadd.f32 v1, v7  }
0x49: {  	s29 =	sadd.s32 s8, s26;
	[tilespmem:s28+$0x4F50] =	vst v2;
	v0 =	vadd.f32 v0, v10  }
0x4a: {  	s29 =	sshll.u32 s29, $0x4;
	[tilespmem:s28+$0x4F60] =	vst v1  }
0x4b: {  	[tilespmem:s28+$0x4F70] =	vst v0;
	s28 =	sadd.s32 s5, s29  }
0x4c: {  	[hbm4b:s28+s3] =	stream.linear.scatter [tilespmem:s15], [sflag:$0x5], $0x6400, $0x38;
	[tilespmem:$0x1DF00] =	vst v63  }
0x4d: {  	p0 =	seq.s32 s24, $0x18;
	_ =	swait.ge [sflag:s12], $0x6400  }
0x4e: {  	s30 =	simm.s32 @!p0 $0x4F00;
	[sflag:s12] =	ssyncset.done $0x0  }
0x4f: {  	s29 =	simm.s32 @!p0 $0xC8;
	s28 =	sadd.s32 @!p0 $0x190, s26;
	[sflag:s12] =	ssyncadd.s32 $0xFFFF9C00  }
0x50: {  	[tilespmem:s30], [sflag:$0x1] =	stream.indirect.gather @!p0 [hbm4b:s2+s29], $0x80, s28, s29, $0xb8;
	[tilespmem:$0x1DF00] =	vst v63  }
0x51: {  	s26 =	sadd.s32 @!p0 $0x2910, s26;
	s28 =	simm.s32 @!p0 $0xB300  }
0x52: {  	[tilespmem:s28], [sflag:$0x2] =	stream.indirect.gather @!p0 [hbm4b:s4+s29], $0x80, s26, s29, $0xb8;
	[tilespmem:$0x1DF00] =	vst v63  }
0x53: {  	_ =	swait.ge [sflag:s21], $0x6400  }
0x54: {  	[sflag:s21] =	ssyncset.done $0x0  }
0x55: {  	[sflag:s21] =	ssyncadd.s32 $0xFFFF9C00  }
0x56: {  	_ =	swait.ge [sflag:s22], $0x6400  }
0x57: {  	[sflag:s22] =	ssyncset.done $0x0  }
0x58: {  	s26 =	simm.s32 $0x0;
	[sflag:s22] =	ssyncadd.s32 $0xFFFF9C00  }
0x59: {  	v7 =	vld [tilespmem:s26+$0x17B00]  }
0x5a: {  	v11 =	vld [tilespmem:s26+$0x17B10]  }
0x5b: {  	v5 =	vld [tilespmem:s26+$0x17B20]  }
0x5c: {  	v4 =	vld [tilespmem:s26+$0x17B30]  }
0x5d: {  	v3 =	vld [tilespmem:s26+$0x17B40]  }
0x5e: {  	v2 =	vld [tilespmem:s26+$0x17B50]  }
0x5f: {  	v1 =	vld [tilespmem:s26+$0x17B60]  }
0x60: {  	v0 =	vld [tilespmem:s26+$0x17B70]  }
0x61: {  	v12 =	vld [tilespmem:s26+$0x11700]  }
0x62: {  	v13 =	vld [tilespmem:s26+$0x11710]  }
0x63: {  	v10 =	vld [tilespmem:s26+$0x11720]  }
0x64: {  	v9 =	vld [tilespmem:s26+$0x11730]  }
0x65: {  	v8 =	vld [tilespmem:s26+$0x11740]  }
0x66: {  	v6 =	vld [tilespmem:s26+$0x11750];
	v12 =	vadd.f32 v7, v12  }
0x67: {  	s28 =	simm.s32 $0x200;
	v11 =	vadd.f32 v11, v13;
	v7 =	vld [tilespmem:s26+$0x11760]  }
.LBB2_5:
0x68: {  	s29 =	sshra.s32 s28, $0x2;
	p0 =	sne.s32 s28, $0x18E00;
	[tilespmem:s26+$0x11700] =	vst v12;
	v5 =	vadd.f32 v5, v10;
	v10 =	vld [tilespmem:s26+$0x11770]  }
0x69: {  	v12 =	vld [tilespmem:s29+$0x17B00];
	[tilespmem:s26+$0x11710] =	vst v11;
	v4 =	vadd.f32 v4, v9  }
0x6a: {  	v11 =	vld [tilespmem:s29+$0x17B10];
	[tilespmem:s26+$0x11720] =	vst v5;
	v3 =	vadd.f32 v3, v8  }
0x6b: {  	v5 =	vld [tilespmem:s29+$0x17B20];
	[tilespmem:s26+$0x11730] =	vst v4;
	v2 =	vadd.f32 v2, v6  }
0x6c: {  	v4 =	vld [tilespmem:s29+$0x17B30];
	[tilespmem:s26+$0x11740] =	vst v3;
	v1 =	vadd.f32 v1, v7  }
0x6d: {  	v3 =	vld [tilespmem:s29+$0x17B40];
	[tilespmem:s26+$0x11750] =	vst v2;
	v0 =	vadd.f32 v0, v10  }
0x6e: {  	v2 =	vld [tilespmem:s29+$0x17B50];
	[tilespmem:s26+$0x11760] =	vst v1  }
0x6f: {  	v1 =	vld [tilespmem:s29+$0x17B60];
	[tilespmem:s26+$0x11770] =	vst v0;
	s26 =	smov.u32 s29  }
0x70: {  	v0 =	vld [tilespmem:s26+$0x17B70]  }
0x71: {  	v6 =	vld [tilespmem:s26+$0x11700]  }
0x72: {  	v7 =	vld [tilespmem:s26+$0x11710]  }
.Ltmp1:
0x73: {  	v10 =	vld [tilespmem:s26+$0x11720];
	(pc) =	sbr.rel @p0 .LBB2_5-.Ltmp1, $4  }
0x74: {  	v9 =	vld [tilespmem:s26+$0x11730]  }
0x75: {  	v8 =	vld [tilespmem:s26+$0x11740]  }
0x76: {  	v12 =	vadd.f32 v12, v6;
	v6 =	vld [tilespmem:s26+$0x11750]  }
0x77: {  	s28 =	sadd.s32 $0x200, s28;
	v11 =	vadd.f32 v11, v7;
	v7 =	vld [tilespmem:s26+$0x11760]  }
0x78: {  	[tilespmem:s26+$0x11700] =	vst v12;
	v5 =	vadd.f32 v5, v10;
	v63 =	vld [tilespmem:s26+$0x11770]  }
0x79: {  	[tilespmem:s26+$0x11710] =	vst v11;
	v4 =	vadd.f32 v4, v9  }
0x7a: {  	[tilespmem:s26+$0x11720] =	vst v5;
	v3 =	vadd.f32 v3, v8  }
0x7b: {  	[tilespmem:s26+$0x11730] =	vst v4;
	v2 =	vadd.f32 v2, v6  }
0x7c: {  	[tilespmem:s26+$0x11740] =	vst v3;
	v1 =	vadd.f32 v1, v7  }
0x7d: {  	s25 =	sadd.s32 s8, s25;
	s24 =	sadd.s32 $0x1, s24;
	[tilespmem:s26+$0x11750] =	vst v2;
	v0 =	vadd.f32 v0, v63  }
0x7e: {  	s25 =	sshll.u32 s25, $0x4;
	p0 =	sne.s32 s24, $0x19;
	[tilespmem:s26+$0x11760] =	vst v1  }
.Ltmp2:
0x7f: {  	s25 =	sadd.s32 s5, s25;
	[tilespmem:s26+$0x11770] =	vst v0;
	(pc) =	sbr.rel @p0 .LBB2_2-.Ltmp2, $4  }
0x80: {  	[hbm4b:s25+s3] =	stream.linear.scatter [tilespmem:s17], [sflag:$0x5], $0x6400, $0x38;
	[tilespmem:$0x1DF00] =	vst v63  }
0x81: {  	_ =	swait.ge [sflag:s12], $0x6400  }
0x82: {  	[sflag:s12] =	ssyncset.done $0x0  }
0x83: {  	[sflag:s12] =	ssyncadd.s32 $0xFFFF9C00  }
0x84: {  	s23 =	sadd.s32 $0x1, s23  }
0x85: {  	p0 =	sne.s32 s23, s9  }
.Ltmp3:
0x86: {  	_ = 	snop;
	(pc) =	sbr.rel @p0 .LBB2_1-.Ltmp3, $1  }
0x87: {  	_ =	sdelay $0x3  }
0x88: {  	_ =	sfence.sel $0x180000  }
0x89: {  	[bflag:$0x0] =	sbarrier.arrive $0xFFFF  }
0x8a: {  	p0 =	sne.s32 s0, $0x0;
	_ =	strace $0x9000004A  }
0x8b: {  	s0 =	sadd.s32 @!p0 $0x100000, s1;
	[bflag:$0x2] =	sbarrier.arrive $0xFFFF  }
0x8c: {  	[sflag:s0] =	ssyncadd.tile.s32 @!p0 $0x1;
	_ =	shalt  }
.Lfunc_end2:
_tile_overlayer_lowered:
.L_overlay_start_2:
0x8d: {  	(tag) =	ssettag $0x2  }
0x8e: {  	s0 =	rddreg [dreg:$0x0];
	s2 =	stileid.u32  }
0x8f: {  	s1 =	rddreg [dreg:$0x1];
	p0 =	sne.s32 s2, $0x0  }
0x90: {  	s3 =	rddreg [dreg:$0x2];
	[bflag:$0x3] =	sbarrier.arrive $0xFFFF;
	s2 =	simm.s32 @!p0 $0x1C05  }
0x91: {  	[timem:s3], [sflag:s2] =	dma.local @!p0 [hbm:s0], s1  }
0x92: {  	s0 =	simm.s32 @!p0 $0x5  }
0x93: {  	_ =	swait.ge @!p0 [sflag:s0], s1  }
0x94: {  	s1 =	ssub.s32 @!p0 $0x0, s1;
	[sflag:s0] =	ssyncset.done @!p0 $0x0  }
0x95: {  	[sflag:s0] =	ssyncadd.s32 @!p0 s1  }
0x96: {  	[bflag:$0x3] =	sbarrier.arrive $0xFFFF  }
0x97: {  	_ =	shalt  }

// kernel: kernel.19.cloned.1.call-start
scs
__scs_entry_jumppad:
0x0: {  	(pc) =	sbr.rel $0x88, $3  }
0x1: {  	(tag) =	ssettag $0x0;
	lr =	simm.s32 $0x1  }
0x2: {  	[smem:$0x3F96] =	sst lr;
	_ =	strace $0xD0000000  }
0x3: {  	_ = 	snop  }
0x4: {  	_ = 	snop  }
0x5: {  	_ = 	snop  }
0x6: {  	_ = 	snop  }
0x7: {  	_ = 	snop  }
__scs_overlays_trampoline_lowered:
0x8: {  	[smem:$0x3FA5] =	sst s0  }
0x9: {  	[smem:$0x3FA6] =	sst s1  }
0xa: {  	[smem:$0x3FA7] =	sst s2  }
0xb: {  	[smem:$0x3FA8] =	sst s3  }
0xc: {  	[smem:$0x3FA9] =	sst s4  }
0xd: {  	[smem:$0x3FAA] =	sst s5  }
0xe: {  	[smem:$0x3FAB] =	sst s6  }
0xf: {  	[smem:$0x3FAC] =	sst s7  }
0x10: {  	[smem:$0x3FAD] =	sst s8  }
0x11: {  	[smem:$0x3FAE] =	sst s9;
	s0 =	simm.s32 @!p0 $0x0  }
0x12: {  	s1 =	sld [smem:$0x3F94];
	s0 =	simm.s32 @p0 $0x1  }
0x13: {  	[smem:$0x3FAF] =	sst s0;
	s0 =	simm.s32 @!p1 $0x0  }
0x14: {  	s2 =	sld [smem:$0x3F93];
	s0 =	simm.s32 @p1 $0x1  }
0x15: {  	[smem:$0x3FB0] =	sst s0;
	s0 =	simm.s32 @!p2 $0x0  }
0x16: {  	s3 =	sld [smem:$0x3FDB];
	s0 =	simm.s32 @p2 $0x1  }
0x17: {  	s4 =	simm.s32 $0x1BF5;
	[smem:$0x3FB2] =	sst s0  }
0x18: {  	s0 =	sld [smem:$0x3F95];
	_ =	swait.ge [sflag:s4], $0x0  }
0x19: {  	s7 =	sld [smem:$0x3F96]  }
0x1a: {  	s8 =	sadd.s32 $0xFFFFE003, lr  }
0x1b: {  	s9 =	sadd.s32 $0xFFFFFEF7, lr;
	s5 =	simm.s32 $0xFFFFFFFF;
	p2 =	slt.u32 s8, $0xFFFFF086  }
0x1c: {  	p1 =	slt.u32 s9, $0xF7A;
	s5 =	simm.s32 @!p2 $0x0  }
0x1d: {  	s5 =	simm.s32 @p1 $0x1;
	p0 =	seq.s32 s7, s2  }
0x1e: {  	s7 =	smul.u32 @!p0 $0xF7A, s2;
	p2 =	seq.s32 @!p0 s5, $0x0  }
0x1f: {  	s9 =	smul.u32 $0xF7A, s1;
	s8 =	simm.s32 @!p0 $0x1BF5;
	p2 =	por !p2, p0  }
0x20: {  	[sflag:s8] =	ssyncset.s32 @!p0 $0xFFFFF086;
	s6 =	sadd.s32 @!p0 s3, s7;
	s7 =	simm.s32 @!p0 $0x108  }
0x21: {  	s3 =	sadd.s32 s3, s9;
	s6 =	sadd.s32 @!p0 $0x88, s6;
	s7 =	simm.s32 @p2 $0x1082  }
0x22: {  	[simem:s7], [sflag:s8] =	dma.local @!p0 [hbm:s6], $0xF7A  }
0x23: {  	s9 =	sor.u32 $0xD0000000, s2;
	s6 =	simm.s32 $0x108;
	_ =	swait.ge @!p0 [sflag:s8], $0x0  }
0x24: {  	s3 =	sadd.s32 $0x88, s3;
	s6 =	simm.s32 @!p1 $0x1082;
	[sflag:s4] =	ssyncset.s32 $0xFFFFF086  }
0x25: {  	[simem:s6], [sflag:s4] =	dma.local [hbm:s3], $0xF7A  }
0x26: {  	[smem:$0x3F96] =	sst s1;
	(tag) =	ssettag s2;
	_ =	strace s9  }
0x27: {  	s1 =	sld [smem:$0x3FA6]  }
0x28: {  	s2 =	sld [smem:$0x3FA7]  }
0x29: {  	s4 =	sld [smem:$0x3FA9]  }
0x2a: {  	p0 =	seq.s32 s5, $0x0;
	s5 =	sld [smem:$0x3FAA]  }
0x2b: {  	s6 =	sld [smem:$0x3FAB]  }
0x2c: {  	s7 =	sld [smem:$0x3FAC]  }
0x2d: {  	s3 =	simm.s32 $0x108;
	s8 =	sld [smem:$0x3FAD]  }
0x2e: {  	s3 =	simm.s32 @!p0 $0x1082;
	s9 =	sld [smem:$0x3FAE]  }
0x2f: {  	lr =	sadd.s32 s0, s3;
	s0 =	sld [smem:$0x3FA5]  }
0x30: {  	s3 =	sld [smem:$0x3FA8]  }
0x31: {  	[smem:$0x3FB1] =	sst s10  }
0x32: {  	s10 =	sld [smem:$0x3FAF];
	_ =	sdelay $0x3  }
0x33: {  	p0 =	seq.s32 s10, $0x1;
	s10 =	sld [smem:$0x3FB1];
	_ =	sdelay $0x3  }
0x34: {  	[smem:$0x3FB1] =	sst s10  }
0x35: {  	s10 =	sld [smem:$0x3FB0];
	_ =	sdelay $0x3  }
0x36: {  	p1 =	seq.s32 s10, $0x1;
	s10 =	sld [smem:$0x3FB1];
	_ =	sdelay $0x3  }
0x37: {  	[smem:$0x3FB1] =	sst s10  }
0x38: {  	s10 =	sld [smem:$0x3FB2]  }
0x39: {  	_ = 	snop;
	(pc) =	sbr.ind lr, $3  }
0x3a: {  	_ = 	snop  }
0x3b: {  	_ = 	snop  }
0x3c: {  	p2 =	seq.s32 s10, $0x1;
	s10 =	sld [smem:$0x3FB1]  }
0x3d: {  	_ =	shalt  }
0x3e: {  	_ =	shalt  }
0x3f: {  	_ =	shalt  }
0x40: {  	_ =	shalt  }
0x41: {  	_ =	shalt  }
0x42: {  	_ =	shalt  }
0x43: {  	_ =	shalt  }
0x44: {  	_ =	shalt  }
0x45: {  	_ =	shalt  }
0x46: {  	_ =	shalt  }
0x47: {  	_ =	shalt  }
0x48: {  	_ =	shalt  }
0x49: {  	_ =	shalt  }
0x4a: {  	_ =	shalt  }
0x4b: {  	_ =	shalt  }
0x4c: {  	_ =	shalt  }
0x4d: {  	_ =	shalt  }
0x4e: {  	_ =	shalt  }
0x4f: {  	_ =	shalt  }
0x50: {  	_ =	shalt  }
0x51: {  	_ =	shalt  }
0x52: {  	_ =	shalt  }
0x53: {  	_ =	shalt  }
0x54: {  	_ =	shalt  }
0x55: {  	_ =	shalt  }
0x56: {  	_ =	shalt  }
0x57: {  	_ =	shalt  }
0x58: {  	_ =	shalt  }
0x59: {  	_ =	shalt  }
0x5a: {  	_ =	shalt  }
0x5b: {  	_ =	shalt  }
0x5c: {  	_ =	shalt  }
0x5d: {  	_ =	shalt  }
0x5e: {  	_ =	shalt  }
0x5f: {  	_ =	shalt  }
0x60: {  	_ =	shalt  }
0x61: {  	_ =	shalt  }
0x62: {  	_ =	shalt  }
0x63: {  	_ =	shalt  }
0x64: {  	_ =	shalt  }
0x65: {  	_ =	shalt  }
0x66: {  	_ =	shalt  }
0x67: {  	_ =	shalt  }
0x68: {  	_ =	shalt  }
0x69: {  	_ =	shalt  }
0x6a: {  	_ =	shalt  }
0x6b: {  	_ =	shalt  }
0x6c: {  	_ =	shalt  }
0x6d: {  	_ =	shalt  }
0x6e: {  	_ =	shalt  }
0x6f: {  	_ =	shalt  }
0x70: {  	_ =	shalt  }
0x71: {  	_ =	shalt  }
0x72: {  	_ =	shalt  }
0x73: {  	_ =	shalt  }
0x74: {  	_ =	shalt  }
0x75: {  	_ =	shalt  }
0x76: {  	_ =	shalt  }
0x77: {  	_ =	shalt  }
0x78: {  	_ =	shalt  }
0x79: {  	_ =	shalt  }
0x7a: {  	_ =	shalt  }
0x7b: {  	_ =	shalt  }
0x7c: {  	_ =	shalt  }
0x7d: {  	_ =	shalt  }
0x7e: {  	_ =	shalt  }
0x7f: {  	_ =	shalt  }
0x80: {  	_ =	shalt  }
0x81: {  	_ =	shalt  }
0x82: {  	_ =	shalt  }
0x83: {  	_ =	shalt  }
0x84: {  	_ =	shalt  }
0x85: {  	_ =	shalt  }
0x86: {  	_ =	shalt  }
0x87: {  	_ =	shalt  }
.Lfunc_end0:
.L_simem_size_0:
called_computation.2_lowered:
.L_overlay_start_0:
0x88: {  	s2 =	sld [smem:$0x3FD9]  }
0x89: {  	s3 =	sld [smem:$0x3FFE];
	_ =	sdelay $0x1  }
0x8a: {  	s1 =	srdreg.scid  }
0x8b: {  	s0 =	sand.u32 $0x1, s1  }
0x8c: {  	s14 =	sshll.u32 s0, $0xA;
	s2 =	sadd.s32 s3, s2  }
0x8d: {  	s2 =	sadd.s32 s2, s14  }
0x8e: {  	[smem:$0x3FBD] =	sst s2  }
0x8f: {  	_ = 	snop  }
0x90: {  	s2 =	sld [smem:$0x3FD0];
	_ =	sdelay $0x2  }
0x91: {  	s15 =	simm.s32 $0xB;
	s4 =	simm.s32 $0x10  }
0x92: {  	[smem:s4], [sflag:s15] =	dma.local [hbm:s2], $0x1  }
0x93: {  	_ =	swait.eq [sflag:s15], $0x1  }
0x94: {  	[sflag:s15] =	ssyncset.done $0x0  }
0x95: {  	[sflag:s15] =	ssyncadd.s32 $0xFFFFFFFF  }
0x96: {  	s16 =	sld [smem:$0x10];
	(tm) =	ssettm $0x1  }
0x97: {  	s17 =	sld [smem:$0x3FFB];
	_ =	sdelay $0x3  }
0x98: {  	_ =	strace s17  }
0x99: {  	s3 =	sld [smem:$0x3FFC];
	_ =	sdelay $0x3  }
0x9a: {  	_ =	strace s3  }
0x9b: {  	s3 =	sld [smem:$0x3FFD];
	_ =	sdelay $0x3  }
0x9c: {  	_ =	strace s3  }
0x9d: {  	_ =	strace $0x8FFFFFFF  }
0x9e: {  	s18 =	sld [smem:$0x3FDB];
	_ =	sdelay $0x1  }
0x9f: {  	s19 =	simm.s32 $_scs_section_size  }
0xa0: {  	s5 =	simm.s32 $_size__tile_overlayer_lowered;
	s6 =	simm.s32 $_tile_overlayer_lowered  }
0xa1: {  	s22 =	simm.s32 $0x1BFF;
	s21 =	sshll.u32 s6, $0x1;
	s3 =	sadd.s32 s19, s18  }
0xa2: {  	s7 =	simm.s32 $0x0;
	s20 =	sshll.u32 s5, $0x1;
	s5 =	sadd.s32 s21, s3  }
0xa3: {  	[timem:s7], [sflag:s22] =	dma.local [hbm:s5], s20  }
0xa4: {  	_ =	swait.ge [sflag:s22], s20  }
0xa5: {  	s4 =	ssub.s32 $0x0, s20;
	[sflag:s22] =	ssyncset.done $0x0  }
0xa6: {  	[sflag:s22] =	ssyncadd.s32 s4;
	_ =	sdelay $0x1  }
0xa7: {  	s23 =	simm.s32 $0x1B8B  }
0xa8: {  	_ =	swait.ge [sflag:s23], $0x1  }
0xa9: {  	[sflag:s23] =	ssyncset.done $0x0  }
0xaa: {  	s25 =	simm.s32 $0x1B8E;
	s24 =	sld [smem:$0x3FFE];
	[sflag:s23] =	ssyncadd.s32 $0xFFFFFFFF  }
0xab: {  	s26 =	simm.s32 $execute0_lowered;
	[smem:$0x3FD2] =	sst s25  }
0xac: {  	s5 =	sshll.u32 s26, $0x1;
	_ =	strace $0x8000004C;
	[dreg:$0x1] =	wrdreg $0xFFFFFFFF  }
0xad: {  	s28 =	simm.s32 $_size_execute0_lowered;
	s3 =	sadd.s32 s3, s5;
	[dreg:$0x0] =	wrdreg $0x0  }
0xae: {  	s5 =	sshll.u32 s28, $0x1;
	[dreg:$0x2] =	wrdreg s3  }
0xaf: {  	[dreg:$0x3] =	wrdreg s5  }
0xb0: {  	[dreg:$0x4] =	wrdreg $0xC0  }
0xb1: {  	_ =	task [dreg:s7], $0x5FFFF  }
0xb2: {  	[dreg:$0x1] =	wrdreg $0xFFFFFFFF  }
0xb3: {  	[dreg:$0x0] =	wrdreg $0x60  }
0xb4: {  	[dreg:$0x2] =	wrdreg s16  }
0xb5: {  	[dreg:$0x3] =	wrdreg s24  }
0xb6: {  	[dreg:$0x4] =	wrdreg $0xB7800  }
0xb7: {  	[dreg:$0x5] =	wrdreg $0x9  }
0xb8: {  	_ =	task.clear_ibuf [dreg:s7], $0x6FFFF;
	_ =	strace $0x9000004C  }
0xb9: {  	s29 =	simm.s32 $0x9;
	_ =	strace $0x8000004E  }
0xba: {  	_ =	swait.ge [sflag:s29], $0x1  }
0xbb: {  	[sflag:s29] =	ssyncadd.s32 $0xFFFFFFFF  }
0xbc: {  	_ =	strace $0x9000004E  }
0xbd: {  	_ =	sfence  }
0xbe: {  	s30 =	sld [smem:$0x0];
	_ =	sdelay $0x2  }
0xbf: {  	s31 =	sshll.u32 s1, $0xD;
	s1 =	sshrl.u32 s1, $0x2  }
0xc0: {  	s3 =	sand.u32 $0x4000, s31;
	s1 =	sadd.s32 s1, s30  }
0xc1: {  	s0 =	sor.u32 s3, s0;
	s1 =	sshll.u32 s1, $0x11  }
0xc2: {  	s0 =	sor.u32 s1, s0  }
0xc3: {  	s0 =	sadd.s32 $0x8F2B, s0  }
0xc4: {  	[sflag:s0] =	ssyncadd.remote.s32 $0x1  }
0xc5: {  	_ =	sfence.sel $0xFFFF  }
0xc6: {  	[dreg:$0x0] =	wrdreg $0xFFFFFFFF;
	(pc) =	sbr.abs _section_cstart, $3  }
0xc7: {  	[dreg:$0x1] =	wrdreg $0xFFFFFFFF  }
0xc8: {  	_ =	task.clear_ibuf [dreg:s7], $0x2FFFF;
	_ =	strace $0x9FFFFFFF  }
0xc9: {  	(tm) =	ssettm $0x7FFFFFFF  }
tec
execute0_lowered:
.L_overlay_start_1:
0x0: {  	(tag) =	ssettag $0x1  }
0x1: {  	s1 =	rddreg [dreg:$0x0]  }
0x2: {  	s0 =	rddreg [dreg:$0x1];
	s2 =	srdreg.scid  }
0x3: {  	s9 =	stileid.u32;
	s3 =	rddreg [dreg:$0x2]  }
0x4: {  	s29 =	simm.s32 $0x6780;
	s30 =	simm.s32 $0x50;
	s8 =	smul.u32 $0x280, s9  }
0x5: {  	s4 =	sshll.u32 s9, $0x1;
	s6 =	sshrl.u32 s9, $0x2;
	s9 =	smul.u32 $0x50000, s9  }
0x6: {  	s31 =	simm.s32 $0x8F80;
	s2 =	sand.u32 $0x1, s2;
	s6 =	smul.u32 $0x13C00, s6  }
0x7: {  	s5 =	sor.u32 s2, s4;
	s4 =	simm.s32 $0x0;
	s23 =	smul.u32 $0x3E80, s2  }
0x8: {  	s2 =	ssub.s32 $0x2, s2;
	s7 =	sshll.u32 s5, $0x7;
	[smem:$0x7FF] =	sst s4  }
0x9: {  	s5 =	sshll.u32 s5, $0xB;
	s25 =	sshrl.u32 s9, $0x2;
	s15 =	sshrl.u32 s2, $0x1  }
0xa: {  	s7 =	sand.u32 $0x380, s7;
	_ =	strace $0x8000004D;
	s10 =	sadd.s32 s5, s0  }
0xb: {  	s24 =	sadd.s32 s23, s8;
	s2 =	ssub.s32 s2, s15;
	s6 =	sor.u32 s6, s7  }
0xc: {  	s5 =	sshll.u32 s24, $0x4;
	s26 =	sadd.s32 $0x4200, s10;
	s17 =	smax.u32 s2, $0x1  }
0xd: {  	s2 =	simm.s32 $0x1;
	s6 =	sshrl.u32 s6, $0x3;
	[dreg:$0x5] =	wrdreg s26  }
0xe: {  	s6 =	sadd.s32 s6, s0;
	s0 =	sadd.s32 s5, s0;
	s5 =	sadd.s32 s25, s3  }
0xf: {  	s6 =	sadd.s32 $0x1E000, s6;
	s8 =	sadd.s32 $0x2800, s5;
	s9 =	sadd.s32 $0x5000, s5  }
0x10: {  	s10 =	sadd.s32 $0x7800, s5;
	s11 =	sadd.s32 $0xA000, s5;
	s12 =	sadd.s32 $0xC800, s5  }
0x11: {  	s26 =	simm.s32 $0x3;
	s28 =	sadd.s32 $0x558200, s0;
	s15 =	sadd.s32 $0x558700, s0  }
0x12: {  	s25 =	simm.s32 $0x0;
	s16 =	sadd.s32 $0x558C00, s0;
	s18 =	sadd.s32 $0x559100, s0  }
0x13: {  	s13 =	sadd.s32 $0xF000, s5;
	s19 =	sadd.s32 $0x559600, s0;
	s20 =	sadd.s32 $0x11800, s5  }
0x14: {  	s21 =	sadd.s32 $0x559B00, s0;
	s22 =	sadd.s32 $0x55A000, s0;
	[dreg:$0x4] =	wrdreg s6  }
0x15: {  	v0 =	vimm.f32 $0.0e+00;
	s23 =	sadd.s32 $0x55A500, s0;
	s0 =	simm.s32 $0x2;
	[dreg:$0x6] =	wrdreg s28  }
.LBB2_1:
0x16: {  	s6 =	rddreg [dreg:$0x4];
	s7 =	simm.s32 $0x80;
	s14 =	simm.s32 $0x400  }
0x17: {  	[tilespmem:s4], [sflag:$0x3] =	stream.strided.gather [hbm4b:s6+s7], $0x2780, s14, s7, $0x38;
	[tilespmem:$0x1F780] =	vst v63  }
0x18: {  	_ =	swait.ge [sflag:s26], $0x2780  }
0x19: {  	[sflag:s26] =	ssyncset.done $0x0  }
0x1a: {  	s28 =	simm.s32 $0x2780;
	s24 =	rddreg [dreg:$0x5];
	[sflag:s26] =	ssyncadd.s32 $0xFFFFD880  }
0x1b: {  	[tilespmem:s28], [sflag:$0x3] =	stream.linear.gather [hbm4b:s24+s4], $0x3E80, $0x38;
	[tilespmem:$0x1F780] =	vst v63  }
0x1c: {  	_ =	swait.ge [sflag:s26], $0x3E80  }
0x1d: {  	[sflag:s26] =	ssyncset.done $0x0  }
0x1e: {  	s6 =	simm.s32 $0x0;
	s24 =	simm.s32 $0x200;
	[sflag:s26] =	ssyncadd.s32 $0xFFFFC180  }
.LBB2_2:
0x1f: {  	p0 =	sne.s32 s24, $0x9E00;
	[tilespmem:s6+$0x67F0] =	vst v0  }
0x20: {  	[tilespmem:s6+$0x6780] =	vst v0  }
0x21: {  	[tilespmem:s6+$0x6790] =	vst v0  }
.Ltmp0:
0x22: {  	[tilespmem:s6+$0x67A0] =	vst v0;
	(pc) =	sbr.rel @p0 .LBB2_2-.Ltmp0, $4  }
0x23: {  	[tilespmem:s6+$0x67B0] =	vst v0  }
0x24: {  	[tilespmem:s6+$0x67C0] =	vst v0  }
0x25: {  	[tilespmem:s6+$0x67D0] =	vst v0  }
0x26: {  	[tilespmem:s6+$0x67E0] =	vst v0;
	s6 =	sshra.s32 s24, $0x2;
	s24 =	sadd.s32 $0x200, s24  }
0x27: {  	[tilespmem:s6+$0x67F0] =	vst v0  }
0x28: {  	[tilespmem:s6+$0x6780] =	vst v0  }
0x29: {  	[tilespmem:s6+$0x6790] =	vst v0  }
0x2a: {  	[tilespmem:s6+$0x67A0] =	vst v0  }
0x2b: {  	[tilespmem:s6+$0x67B0] =	vst v0  }
0x2c: {  	[tilespmem:s6+$0x67C0] =	vst v0  }
0x2d: {  	[tilespmem:s6+$0x67D0] =	vst v0  }
0x2e: {  	[tilespmem:s6+$0x67E0] =	vst v0  }
0x2f: {  	[spmem:s5] =	stream.linear.scatter [tilespmem:s29], [sflag:$0x3], $0x2800, $0x38;
	[tilespmem:$0x1F780] =	vst v63  }
0x30: {  	_ =	swait.ge [sflag:s26], $0x2800  }
0x31: {  	[sflag:s26] =	ssyncset.done $0x0  }
0x32: {  	[sflag:s26] =	ssyncadd.s32 $0xFFFFD800  }
0x33: {  	[spmem:s8] =	stream.linear.scatter [tilespmem:s29], [sflag:$0x3], $0x2800, $0x38;
	[tilespmem:$0x1F780] =	vst v63  }
0x34: {  	_ =	swait.ge [sflag:s26], $0x2800  }
0x35: {  	[sflag:s26] =	ssyncset.done $0x0  }
0x36: {  	[sflag:s26] =	ssyncadd.s32 $0xFFFFD800  }
0x37: {  	[spmem:s9] =	stream.linear.scatter [tilespmem:s29], [sflag:$0x3], $0x2800, $0x38;
	[tilespmem:$0x1F780] =	vst v63  }
0x38: {  	_ =	swait.ge [sflag:s26], $0x2800  }
0x39: {  	[sflag:s26] =	ssyncset.done $0x0  }
0x3a: {  	[sflag:s26] =	ssyncadd.s32 $0xFFFFD800  }
0x3b: {  	[spmem:s10] =	stream.linear.scatter [tilespmem:s29], [sflag:$0x3], $0x2800, $0x38;
	[tilespmem:$0x1F780] =	vst v63  }
0x3c: {  	_ =	swait.ge [sflag:s26], $0x2800  }
0x3d: {  	[sflag:s26] =	ssyncset.done $0x0  }
0x3e: {  	[sflag:s26] =	ssyncadd.s32 $0xFFFFD800  }
0x3f: {  	[spmem:s11] =	stream.linear.scatter [tilespmem:s29], [sflag:$0x3], $0x2800, $0x38;
	[tilespmem:$0x1F780] =	vst v63  }
0x40: {  	_ =	swait.ge [sflag:s26], $0x2800  }
0x41: {  	[sflag:s26] =	ssyncset.done $0x0  }
0x42: {  	[sflag:s26] =	ssyncadd.s32 $0xFFFFD800  }
0x43: {  	[spmem:s12] =	stream.linear.scatter [tilespmem:s29], [sflag:$0x3], $0x2800, $0x38;
	[tilespmem:$0x1F780] =	vst v63  }
0x44: {  	_ =	swait.ge [sflag:s26], $0x2800  }
0x45: {  	[sflag:s26] =	ssyncset.done $0x0  }
0x46: {  	[sflag:s26] =	ssyncadd.s32 $0xFFFFD800  }
0x47: {  	[spmem:s13] =	stream.linear.scatter [tilespmem:s29], [sflag:$0x3], $0x2800, $0x38;
	[tilespmem:$0x1F780] =	vst v63  }
0x48: {  	_ =	swait.ge [sflag:s26], $0x2800  }
0x49: {  	[sflag:s26] =	ssyncset.done $0x0  }
0x4a: {  	[sflag:s26] =	ssyncadd.s32 $0xFFFFD800  }
0x4b: {  	[spmem:s20] =	stream.linear.scatter [tilespmem:s29], [sflag:$0x3], $0x2800, $0x38;
	[tilespmem:$0x1F780] =	vst v63  }
0x4c: {  	_ =	swait.ge [sflag:s26], $0x2800  }
0x4d: {  	[sflag:s26] =	ssyncset.done $0x0  }
0x4e: {  	[sflag:s26] =	ssyncadd.s32 $0xFFFFD800  }
0x4f: {  	s14 =	simm.s32 $0x0;
	[bflag:$0x0] =	sbarrier.arrive $0xFFFF  }
0x50: {  	[tilespmem:s29], [sflag:$0x1] =	stream.indirect.gather [hbm4b:s1+s30], $0x80, s14, s30, $0xb8;
	[tilespmem:$0x1F780] =	vst v63  }
0x51: {  	s24 =	simm.s32 $0x50  }
0x52: {  	[tilespmem:s31], [sflag:$0x2] =	stream.indirect.gather [hbm4b:s1+s30], $0x80, s24, s30, $0xb8;
	[tilespmem:$0x1F780] =	vst v63  }
0x53: {  	_ =	swait.ge [sflag:s2], $0x2800  }
0x54: {  	[sflag:s2] =	ssyncset.done $0x0  }
0x55: {  	s7 =	simm.s32 $0x2780;
	[sflag:s2] =	ssyncadd.s32 $0xFFFFD800  }
0x56: {  	[spmem:s3] =	stream.indirect.scatter.add.f32 [tilespmem:s29], [sflag:$0x3], $0x80, s7, s30, $0xb8;
	[tilespmem:$0x1F780] =	vst v63  }
0x57: {  	_ =	swait.ge [sflag:s26], $0x2800  }
0x58: {  	[sflag:s26] =	ssyncset.done $0x0  }
0x59: {  	s14 =	simm.s32 $0xA0;
	[sflag:s26] =	ssyncadd.s32 $0xFFFFD800  }
0x5a: {  	[tilespmem:s29], [sflag:$0x1] =	stream.indirect.gather [hbm4b:s1+s30], $0x80, s14, s30, $0xb8;
	[tilespmem:$0x1F780] =	vst v63  }
0x5b: {  	_ =	swait.ge [sflag:s0], $0x2800  }
0x5c: {  	[sflag:s0] =	ssyncset.done $0x0  }
0x5d: {  	s24 =	simm.s32 $0x2800;
	[sflag:s0] =	ssyncadd.s32 $0xFFFFD800  }
0x5e: {  	[spmem:s3] =	stream.indirect.scatter.add.f32 [tilespmem:s31], [sflag:$0x3], $0x80, s24, s30, $0xb8;
	[tilespmem:$0x1F780] =	vst v63  }
0x5f: {  	s6 =	simm.s32 $0x800;
	_ =	swait.ge [sflag:s26], $0x2800  }
0x60: {  	s28 =	simm.s32 $0x140;
	s24 =	simm.s32 $0x400;
	[sflag:s26] =	ssyncset.done $0x0  }
.LBB2_4:
0x61: {  	p0 =	sne.s32 s6, $0xF400;
	s7 =	sadd.s32 $0xFFFFFFB0, s28;
	[sflag:s26] =	ssyncadd.s32 $0xFFFFD800  }
0x62: {  	[tilespmem:s31], [sflag:$0x2] =	stream.indirect.gather [hbm4b:s1+s30], $0x80, s7, s30, $0xb8;
	[tilespmem:$0x1F780] =	vst v63  }
0x63: {  	s7 =	smov.u32 s6;
	s6 =	sadd.s32 $0x400, s6;
	_ =	swait.ge [sflag:s2], $0x2800  }
0x64: {  	s14 =	sshra.s32 s24, $0x2;
	s24 =	smov.u32 s7;
	[sflag:s2] =	ssyncset.done $0x0  }
0x65: {  	s7 =	sadd.s32 $0x2780, s14;
	[sflag:s2] =	ssyncadd.s32 $0xFFFFD800  }
0x66: {  	[spmem:s3] =	stream.indirect.scatter.add.f32 [tilespmem:s29], [sflag:$0x3], $0x80, s7, s30, $0xb8;
	[tilespmem:$0x1F780] =	vst v63  }
0x67: {  	_ =	swait.ge [sflag:s26], $0x2800  }
0x68: {  	[sflag:s26] =	ssyncset.done $0x0  }
0x69: {  	[sflag:s26] =	ssyncadd.s32 $0xFFFFD800  }
0x6a: {  	[tilespmem:s29], [sflag:$0x1] =	stream.indirect.gather [hbm4b:s1+s30], $0x80, s28, s30, $0xb8;
	[tilespmem:$0x1F780] =	vst v63  }
0x6b: {  	_ =	swait.ge [sflag:s0], $0x2800  }
.Ltmp1:
0x6c: {  	[sflag:s0] =	ssyncset.done $0x0;
	(pc) =	sbr.rel @p0 .LBB2_4-.Ltmp1, $4  }
0x6d: {  	s7 =	sadd.s32 $0x2800, s14;
	[sflag:s0] =	ssyncadd.s32 $0xFFFFD800  }
0x6e: {  	[spmem:s3] =	stream.indirect.scatter.add.f32 [tilespmem:s31], [sflag:$0x3], $0x80, s7, s30, $0xb8;
	[tilespmem:$0x1F780] =	vst v63  }
0x6f: {  	_ =	swait.ge [sflag:s26], $0x2800  }
0x70: {  	s28 =	sadd.s32 $0xA0, s28;
	[sflag:s26] =	ssyncset.done $0x0  }
0x71: {  	s6 =	sadd.s32 $0xFFFFFFB0, s28;
	[sflag:s26] =	ssyncadd.s32 $0xFFFFD800  }
0x72: {  	[tilespmem:s31], [sflag:$0x2] =	stream.indirect.gather [hbm4b:s1+s30], $0x80, s6, s30, $0xb8;
	[tilespmem:$0x1F780] =	vst v63  }
0x73: {  	_ =	swait.ge [sflag:s2], $0x2800  }
0x74: {  	s14 =	sshra.s32 s24, $0x2;
	[sflag:s2] =	ssyncset.done $0x0  }
0x75: {  	s7 =	sadd.s32 $0x2780, s14;
	[sflag:s2] =	ssyncadd.s32 $0xFFFFD800  }
0x76: {  	[spmem:s3] =	stream.indirect.scatter.add.f32 [tilespmem:s29], [sflag:$0x3], $0x80, s7, s30, $0xb8;
	[tilespmem:$0x1F780] =	vst v63  }
0x77: {  	_ =	swait.ge [sflag:s26], $0x2800  }
0x78: {  	[sflag:s26] =	ssyncset.done $0x0  }
0x79: {  	[sflag:s26] =	ssyncadd.s32 $0xFFFFD800  }
0x7a: {  	[tilespmem:s29], [sflag:$0x1] =	stream.indirect.gather [hbm4b:s1+s30], $0x80, s28, s30, $0xb8;
	[tilespmem:$0x1F780] =	vst v63  }
0x7b: {  	_ =	swait.ge [sflag:s0], $0x2800  }
0x7c: {  	[sflag:s0] =	ssyncset.done $0x0  }
0x7d: {  	s6 =	sadd.s32 $0x2800, s14;
	[sflag:s0] =	ssyncadd.s32 $0xFFFFD800  }
0x7e: {  	[spmem:s3] =	stream.indirect.scatter.add.f32 [tilespmem:s31], [sflag:$0x3], $0x80, s6, s30, $0xb8;
	[tilespmem:$0x1F780] =	vst v63  }
0x7f: {  	_ =	swait.ge [sflag:s26], $0x2800  }
0x80: {  	[sflag:s26] =	ssyncset.done $0x0  }
0x81: {  	[sflag:s26] =	ssyncadd.s32 $0xFFFFD800  }
0x82: {  	_ =	swait.ge [sflag:s2], $0x2800  }
0x83: {  	[sflag:s2] =	ssyncset.done $0x0  }
0x84: {  	s24 =	simm.s32 $0x6580;
	[sflag:s2] =	ssyncadd.s32 $0xFFFFD800  }
0x85: {  	[spmem:s3] =	stream.indirect.scatter.add.f32 [tilespmem:s29], [sflag:$0x3], $0x80, s24, s30, $0xb8;
	[tilespmem:$0x1F780] =	vst v63  }
0x86: {  	_ =	swait.ge [sflag:s26], $0x2800  }
0x87: {  	[sflag:s26] =	ssyncset.done $0x0  }
0x88: {  	[sflag:s26] =	ssyncadd.s32 $0xFFFFD800  }
0x89: {  	[bflag:$0x0] =	sbarrier.arrive $0xFFFF  }
0x8a: {  	[tilespmem:s29], [sflag:$0x3] =	stream.linear.gather [spmem:s5], $0x2800, $0x38;
	[tilespmem:$0x1F780] =	vst v63  }
0x8b: {  	_ =	swait.ge [sflag:s26], $0x2800  }
0x8c: {  	[sflag:s26] =	ssyncset.done $0x0  }
0x8d: {  	s28 =	rddreg [dreg:$0x6];
	[sflag:s26] =	ssyncadd.s32 $0xFFFFD800  }
0x8e: {  	[hbm4b:s28+s4] =	stream.linear.scatter [tilespmem:s29], [sflag:$0x3], $0x2800, $0x38;
	[tilespmem:$0x1F780] =	vst v63  }
0x8f: {  	_ =	swait.ge [sflag:s26], $0x2800  }
0x90: {  	[sflag:s26] =	ssyncset.done $0x0  }
0x91: {  	[sflag:s26] =	ssyncadd.s32 $0xFFFFD800  }
0x92: {  	[tilespmem:s29], [sflag:$0x3] =	stream.linear.gather [spmem:s8], $0x2800, $0x38;
	[tilespmem:$0x1F780] =	vst v63  }
0x93: {  	_ =	swait.ge [sflag:s26], $0x2800  }
0x94: {  	[sflag:s26] =	ssyncset.done $0x0  }
0x95: {  	[sflag:s26] =	ssyncadd.s32 $0xFFFFD800  }
0x96: {  	[hbm4b:s15+s4] =	stream.linear.scatter [tilespmem:s29], [sflag:$0x3], $0x2800, $0x38;
	[tilespmem:$0x1F780] =	vst v63  }
0x97: {  	_ =	swait.ge [sflag:s26], $0x2800  }
0x98: {  	[sflag:s26] =	ssyncset.done $0x0  }
0x99: {  	[sflag:s26] =	ssyncadd.s32 $0xFFFFD800  }
0x9a: {  	[tilespmem:s29], [sflag:$0x3] =	stream.linear.gather [spmem:s9], $0x2800, $0x38;
	[tilespmem:$0x1F780] =	vst v63  }
0x9b: {  	_ =	swait.ge [sflag:s26], $0x2800  }
0x9c: {  	[sflag:s26] =	ssyncset.done $0x0  }
0x9d: {  	[sflag:s26] =	ssyncadd.s32 $0xFFFFD800  }
0x9e: {  	[hbm4b:s16+s4] =	stream.linear.scatter [tilespmem:s29], [sflag:$0x3], $0x2800, $0x38;
	[tilespmem:$0x1F780] =	vst v63  }
0x9f: {  	_ =	swait.ge [sflag:s26], $0x2800  }
0xa0: {  	[sflag:s26] =	ssyncset.done $0x0  }
0xa1: {  	[sflag:s26] =	ssyncadd.s32 $0xFFFFD800  }
0xa2: {  	[tilespmem:s29], [sflag:$0x3] =	stream.linear.gather [spmem:s10], $0x2800, $0x38;
	[tilespmem:$0x1F780] =	vst v63  }
0xa3: {  	_ =	swait.ge [sflag:s26], $0x2800  }
0xa4: {  	[sflag:s26] =	ssyncset.done $0x0  }
0xa5: {  	[sflag:s26] =	ssyncadd.s32 $0xFFFFD800  }
0xa6: {  	[hbm4b:s18+s4] =	stream.linear.scatter [tilespmem:s29], [sflag:$0x3], $0x2800, $0x38;
	[tilespmem:$0x1F780] =	vst v63  }
0xa7: {  	_ =	swait.ge [sflag:s26], $0x2800  }
0xa8: {  	[sflag:s26] =	ssyncset.done $0x0  }
0xa9: {  	[sflag:s26] =	ssyncadd.s32 $0xFFFFD800  }
0xaa: {  	[tilespmem:s29], [sflag:$0x3] =	stream.linear.gather [spmem:s11], $0x2800, $0x38;
	[tilespmem:$0x1F780] =	vst v63  }
0xab: {  	_ =	swait.ge [sflag:s26], $0x2800  }
0xac: {  	[sflag:s26] =	ssyncset.done $0x0  }
0xad: {  	[sflag:s26] =	ssyncadd.s32 $0xFFFFD800  }
0xae: {  	[hbm4b:s19+s4] =	stream.linear.scatter [tilespmem:s29], [sflag:$0x3], $0x2800, $0x38;
	[tilespmem:$0x1F780] =	vst v63  }
0xaf: {  	_ =	swait.ge [sflag:s26], $0x2800  }
0xb0: {  	[sflag:s26] =	ssyncset.done $0x0  }
0xb1: {  	[sflag:s26] =	ssyncadd.s32 $0xFFFFD800  }
0xb2: {  	[tilespmem:s29], [sflag:$0x3] =	stream.linear.gather [spmem:s12], $0x2800, $0x38;
	[tilespmem:$0x1F780] =	vst v63  }
0xb3: {  	_ =	swait.ge [sflag:s26], $0x2800  }
0xb4: {  	[sflag:s26] =	ssyncset.done $0x0  }
0xb5: {  	[sflag:s26] =	ssyncadd.s32 $0xFFFFD800  }
0xb6: {  	[hbm4b:s21+s4] =	stream.linear.scatter [tilespmem:s29], [sflag:$0x3], $0x2800, $0x38;
	[tilespmem:$0x1F780] =	vst v63  }
0xb7: {  	_ =	swait.ge [sflag:s26], $0x2800  }
0xb8: {  	[sflag:s26] =	ssyncset.done $0x0  }
0xb9: {  	[sflag:s26] =	ssyncadd.s32 $0xFFFFD800  }
0xba: {  	[tilespmem:s29], [sflag:$0x3] =	stream.linear.gather [spmem:s13], $0x2800, $0x38;
	[tilespmem:$0x1F780] =	vst v63  }
0xbb: {  	_ =	swait.ge [sflag:s26], $0x2800  }
0xbc: {  	[sflag:s26] =	ssyncset.done $0x0  }
0xbd: {  	[sflag:s26] =	ssyncadd.s32 $0xFFFFD800  }
0xbe: {  	[hbm4b:s22+s4] =	stream.linear.scatter [tilespmem:s29], [sflag:$0x3], $0x2800, $0x38;
	[tilespmem:$0x1F780] =	vst v63  }
0xbf: {  	_ =	swait.ge [sflag:s26], $0x2800  }
0xc0: {  	[sflag:s26] =	ssyncset.done $0x0  }
0xc1: {  	[sflag:s26] =	ssyncadd.s32 $0xFFFFD800  }
0xc2: {  	[tilespmem:s29], [sflag:$0x3] =	stream.linear.gather [spmem:s20], $0x2800, $0x38;
	[tilespmem:$0x1F780] =	vst v63  }
0xc3: {  	s25 =	sadd.s32 $0x1, s25;
	_ =	swait.ge [sflag:s26], $0x2800  }
0xc4: {  	p0 =	sne.s32 s25, s17;
	[sflag:s26] =	ssyncset.done $0x0  }
.Ltmp2:
0xc5: {  	[sflag:s26] =	ssyncadd.s32 $0xFFFFD800;
	(pc) =	sbr.rel @p0 .LBB2_1-.Ltmp2, $4  }
0xc6: {  	[hbm4b:s23+s4] =	stream.linear.scatter [tilespmem:s29], [sflag:$0x3], $0x2800, $0x38;
	[tilespmem:$0x1F780] =	vst v63  }
0xc7: {  	_ =	swait.ge [sflag:s26], $0x2800  }
0xc8: {  	[sflag:s26] =	ssyncset.done $0x0  }
0xc9: {  	[sflag:s26] =	ssyncadd.s32 $0xFFFFD800  }
0xca: {  	_ =	sfence.sel $0x180000  }
0xcb: {  	[bflag:$0x0] =	sbarrier.arrive $0xFFFF  }
0xcc: {  	_ =	strace $0x9000004D  }
0xcd: {  	s0 =	stileid.u32;
	[bflag:$0x2] =	sbarrier.arrive $0xFFFF  }
0xce: {  	p0 =	sne.s32 s0, $0x0;
	s0 =	rddreg [dreg:$0x3]  }
0xcf: {  	s0 =	sadd.s32 @!p0 $0x100000, s0  }
0xd0: {  	[sflag:s0] =	ssyncadd.tile.s32 @!p0 $0x1;
	_ =	shalt  }
.Lfunc_end2:
_tile_overlayer_lowered:
.L_overlay_start_2:
0xd1: {  	(tag) =	ssettag $0x2  }
0xd2: {  	s0 =	rddreg [dreg:$0x0];
	s2 =	stileid.u32  }
0xd3: {  	s1 =	rddreg [dreg:$0x1];
	p0 =	sne.s32 s2, $0x0  }
0xd4: {  	s3 =	rddreg [dreg:$0x2];
	[bflag:$0x3] =	sbarrier.arrive $0xFFFF;
	s2 =	simm.s32 @!p0 $0x1C03  }
0xd5: {  	[timem:s3], [sflag:s2] =	dma.local @!p0 [hbm:s0], s1  }
0xd6: {  	s0 =	simm.s32 @!p0 $0x3  }
0xd7: {  	_ =	swait.ge @!p0 [sflag:s0], s1  }
0xd8: {  	s1 =	ssub.s32 @!p0 $0x0, s1;
	[sflag:s0] =	ssyncset.done @!p0 $0x0  }
0xd9: {  	[sflag:s0] =	ssyncadd.s32 @!p0 s1  }
0xda: {  	[bflag:$0x3] =	sbarrier.arrive $0xFFFF  }
0xdb: {  	_ =	shalt  }

// kernel: kernel.22.cloned.1.call-start
scs
__scs_entry_jumppad:
0x0: {  	(pc) =	sbr.rel $0x88, $3  }
0x1: {  	(tag) =	ssettag $0x0;
	lr =	simm.s32 $0x1  }
0x2: {  	[smem:$0x3F96] =	sst lr;
	_ =	strace $0xD0000000  }
0x3: {  	_ = 	snop  }
0x4: {  	_ = 	snop  }
0x5: {  	_ = 	snop  }
0x6: {  	_ = 	snop  }
0x7: {  	_ = 	snop  }
__scs_overlays_trampoline_lowered:
0x8: {  	[smem:$0x3FA5] =	sst s0  }
0x9: {  	[smem:$0x3FA6] =	sst s1  }
0xa: {  	[smem:$0x3FA7] =	sst s2  }
0xb: {  	[smem:$0x3FA8] =	sst s3  }
0xc: {  	[smem:$0x3FA9] =	sst s4  }
0xd: {  	[smem:$0x3FAA] =	sst s5  }
0xe: {  	[smem:$0x3FAB] =	sst s6  }
0xf: {  	[smem:$0x3FAC] =	sst s7  }
0x10: {  	[smem:$0x3FAD] =	sst s8  }
0x11: {  	[smem:$0x3FAE] =	sst s9;
	s0 =	simm.s32 @!p0 $0x0  }
0x12: {  	s1 =	sld [smem:$0x3F94];
	s0 =	simm.s32 @p0 $0x1  }
0x13: {  	[smem:$0x3FAF] =	sst s0;
	s0 =	simm.s32 @!p1 $0x0  }
0x14: {  	s2 =	sld [smem:$0x3F93];
	s0 =	simm.s32 @p1 $0x1  }
0x15: {  	[smem:$0x3FB0] =	sst s0;
	s0 =	simm.s32 @!p2 $0x0  }
0x16: {  	s3 =	sld [smem:$0x3FDB];
	s0 =	simm.s32 @p2 $0x1  }
0x17: {  	s4 =	simm.s32 $0x1BF5;
	[smem:$0x3FB2] =	sst s0  }
0x18: {  	s0 =	sld [smem:$0x3F95];
	_ =	swait.ge [sflag:s4], $0x0  }
0x19: {  	s7 =	sld [smem:$0x3F96]  }
0x1a: {  	s8 =	sadd.s32 $0xFFFFE003, lr  }
0x1b: {  	s9 =	sadd.s32 $0xFFFFFEF7, lr;
	s5 =	simm.s32 $0xFFFFFFFF;
	p2 =	slt.u32 s8, $0xFFFFF086  }
0x1c: {  	p1 =	slt.u32 s9, $0xF7A;
	s5 =	simm.s32 @!p2 $0x0  }
0x1d: {  	s5 =	simm.s32 @p1 $0x1;
	p0 =	seq.s32 s7, s2  }
0x1e: {  	s7 =	smul.u32 @!p0 $0xF7A, s2;
	p2 =	seq.s32 @!p0 s5, $0x0  }
0x1f: {  	s9 =	smul.u32 $0xF7A, s1;
	s8 =	simm.s32 @!p0 $0x1BF5;
	p2 =	por !p2, p0  }
0x20: {  	[sflag:s8] =	ssyncset.s32 @!p0 $0xFFFFF086;
	s6 =	sadd.s32 @!p0 s3, s7;
	s7 =	simm.s32 @!p0 $0x108  }
0x21: {  	s3 =	sadd.s32 s3, s9;
	s6 =	sadd.s32 @!p0 $0x88, s6;
	s7 =	simm.s32 @p2 $0x1082  }
0x22: {  	[simem:s7], [sflag:s8] =	dma.local @!p0 [hbm:s6], $0xF7A  }
0x23: {  	s9 =	sor.u32 $0xD0000000, s2;
	s6 =	simm.s32 $0x108;
	_ =	swait.ge @!p0 [sflag:s8], $0x0  }
0x24: {  	s3 =	sadd.s32 $0x88, s3;
	s6 =	simm.s32 @!p1 $0x1082;
	[sflag:s4] =	ssyncset.s32 $0xFFFFF086  }
0x25: {  	[simem:s6], [sflag:s4] =	dma.local [hbm:s3], $0xF7A  }
0x26: {  	[smem:$0x3F96] =	sst s1;
	(tag) =	ssettag s2;
	_ =	strace s9  }
0x27: {  	s1 =	sld [smem:$0x3FA6]  }
0x28: {  	s2 =	sld [smem:$0x3FA7]  }
0x29: {  	s4 =	sld [smem:$0x3FA9]  }
0x2a: {  	p0 =	seq.s32 s5, $0x0;
	s5 =	sld [smem:$0x3FAA]  }
0x2b: {  	s6 =	sld [smem:$0x3FAB]  }
0x2c: {  	s7 =	sld [smem:$0x3FAC]  }
0x2d: {  	s3 =	simm.s32 $0x108;
	s8 =	sld [smem:$0x3FAD]  }
0x2e: {  	s3 =	simm.s32 @!p0 $0x1082;
	s9 =	sld [smem:$0x3FAE]  }
0x2f: {  	lr =	sadd.s32 s0, s3;
	s0 =	sld [smem:$0x3FA5]  }
0x30: {  	s3 =	sld [smem:$0x3FA8]  }
0x31: {  	[smem:$0x3FB1] =	sst s10  }
0x32: {  	s10 =	sld [smem:$0x3FAF];
	_ =	sdelay $0x3  }
0x33: {  	p0 =	seq.s32 s10, $0x1;
	s10 =	sld [smem:$0x3FB1];
	_ =	sdelay $0x3  }
0x34: {  	[smem:$0x3FB1] =	sst s10  }
0x35: {  	s10 =	sld [smem:$0x3FB0];
	_ =	sdelay $0x3  }
0x36: {  	p1 =	seq.s32 s10, $0x1;
	s10 =	sld [smem:$0x3FB1];
	_ =	sdelay $0x3  }
0x37: {  	[smem:$0x3FB1] =	sst s10  }
0x38: {  	s10 =	sld [smem:$0x3FB2]  }
0x39: {  	_ = 	snop;
	(pc) =	sbr.ind lr, $3  }
0x3a: {  	_ = 	snop  }
0x3b: {  	_ = 	snop  }
0x3c: {  	p2 =	seq.s32 s10, $0x1;
	s10 =	sld [smem:$0x3FB1]  }
0x3d: {  	_ =	shalt  }
0x3e: {  	_ =	shalt  }
0x3f: {  	_ =	shalt  }
0x40: {  	_ =	shalt  }
0x41: {  	_ =	shalt  }
0x42: {  	_ =	shalt  }
0x43: {  	_ =	shalt  }
0x44: {  	_ =	shalt  }
0x45: {  	_ =	shalt  }
0x46: {  	_ =	shalt  }
0x47: {  	_ =	shalt  }
0x48: {  	_ =	shalt  }
0x49: {  	_ =	shalt  }
0x4a: {  	_ =	shalt  }
0x4b: {  	_ =	shalt  }
0x4c: {  	_ =	shalt  }
0x4d: {  	_ =	shalt  }
0x4e: {  	_ =	shalt  }
0x4f: {  	_ =	shalt  }
0x50: {  	_ =	shalt  }
0x51: {  	_ =	shalt  }
0x52: {  	_ =	shalt  }
0x53: {  	_ =	shalt  }
0x54: {  	_ =	shalt  }
0x55: {  	_ =	shalt  }
0x56: {  	_ =	shalt  }
0x57: {  	_ =	shalt  }
0x58: {  	_ =	shalt  }
0x59: {  	_ =	shalt  }
0x5a: {  	_ =	shalt  }
0x5b: {  	_ =	shalt  }
0x5c: {  	_ =	shalt  }
0x5d: {  	_ =	shalt  }
0x5e: {  	_ =	shalt  }
0x5f: {  	_ =	shalt  }
0x60: {  	_ =	shalt  }
0x61: {  	_ =	shalt  }
0x62: {  	_ =	shalt  }
0x63: {  	_ =	shalt  }
0x64: {  	_ =	shalt  }
0x65: {  	_ =	shalt  }
0x66: {  	_ =	shalt  }
0x67: {  	_ =	shalt  }
0x68: {  	_ =	shalt  }
0x69: {  	_ =	shalt  }
0x6a: {  	_ =	shalt  }
0x6b: {  	_ =	shalt  }
0x6c: {  	_ =	shalt  }
0x6d: {  	_ =	shalt  }
0x6e: {  	_ =	shalt  }
0x6f: {  	_ =	shalt  }
0x70: {  	_ =	shalt  }
0x71: {  	_ =	shalt  }
0x72: {  	_ =	shalt  }
0x73: {  	_ =	shalt  }
0x74: {  	_ =	shalt  }
0x75: {  	_ =	shalt  }
0x76: {  	_ =	shalt  }
0x77: {  	_ =	shalt  }
0x78: {  	_ =	shalt  }
0x79: {  	_ =	shalt  }
0x7a: {  	_ =	shalt  }
0x7b: {  	_ =	shalt  }
0x7c: {  	_ =	shalt  }
0x7d: {  	_ =	shalt  }
0x7e: {  	_ =	shalt  }
0x7f: {  	_ =	shalt  }
0x80: {  	_ =	shalt  }
0x81: {  	_ =	shalt  }
0x82: {  	_ =	shalt  }
0x83: {  	_ =	shalt  }
0x84: {  	_ =	shalt  }
0x85: {  	_ =	shalt  }
0x86: {  	_ =	shalt  }
0x87: {  	_ =	shalt  }
.Lfunc_end0:
.L_simem_size_0:
called_computation.3_lowered:
.L_overlay_start_0:
0x88: {  	s2 =	sld [smem:$0x3FD9]  }
0x89: {  	s3 =	sld [smem:$0x3FFE];
	_ =	sdelay $0x1  }
0x8a: {  	s1 =	srdreg.scid  }
0x8b: {  	s0 =	sand.u32 $0x1, s1  }
0x8c: {  	s16 =	sshll.u32 s0, $0xA;
	s2 =	sadd.s32 s3, s2  }
0x8d: {  	s2 =	sadd.s32 s2, s16  }
0x8e: {  	[smem:$0x3FBD] =	sst s2  }
0x8f: {  	_ = 	snop  }
0x90: {  	(tm) =	ssettm $0x1  }
0x91: {  	s17 =	sld [smem:$0x3FFB];
	_ =	sdelay $0x3  }
0x92: {  	_ =	strace s17  }
0x93: {  	s2 =	sld [smem:$0x3FFC];
	_ =	sdelay $0x3  }
0x94: {  	_ =	strace s2  }
0x95: {  	s2 =	sld [smem:$0x3FFD];
	_ =	sdelay $0x3  }
0x96: {  	_ =	strace s2  }
0x97: {  	_ =	strace $0x8FFFFFFF  }
0x98: {  	s18 =	sld [smem:$0x3FDB];
	_ =	sdelay $0x1  }
0x99: {  	s19 =	simm.s32 $_scs_section_size  }
0x9a: {  	s4 =	simm.s32 $_size__tile_overlayer_lowered;
	s5 =	simm.s32 $_tile_overlayer_lowered  }
0x9b: {  	s22 =	simm.s32 $0x1BFF;
	s21 =	sshll.u32 s5, $0x1;
	s2 =	sadd.s32 s19, s18  }
0x9c: {  	s6 =	simm.s32 $0x0;
	s20 =	sshll.u32 s4, $0x1;
	s4 =	sadd.s32 s21, s2  }
0x9d: {  	[timem:s6], [sflag:s22] =	dma.local [hbm:s4], s20  }
0x9e: {  	_ =	swait.ge [sflag:s22], s20  }
0x9f: {  	s3 =	ssub.s32 $0x0, s20;
	[sflag:s22] =	ssyncset.done $0x0  }
0xa0: {  	[sflag:s22] =	ssyncadd.s32 s3;
	_ =	sdelay $0x1  }
0xa1: {  	s23 =	simm.s32 $0x1B8B  }
0xa2: {  	_ =	swait.ge [sflag:s23], $0x1  }
0xa3: {  	[sflag:s23] =	ssyncset.done $0x0  }
0xa4: {  	s25 =	simm.s32 $0x1B8E;
	s24 =	sld [smem:$0x3FFE];
	[sflag:s23] =	ssyncadd.s32 $0xFFFFFFFF  }
0xa5: {  	s26 =	simm.s32 $execute0_lowered;
	[smem:$0x3FD2] =	sst s25  }
0xa6: {  	s4 =	sshll.u32 s26, $0x1;
	_ =	strace $0x8000004F;
	[dreg:$0x1] =	wrdreg $0xFFFFFFFF  }
0xa7: {  	s28 =	simm.s32 $_size_execute0_lowered;
	s2 =	sadd.s32 s2, s4;
	[dreg:$0x0] =	wrdreg $0x0  }
0xa8: {  	s4 =	sshll.u32 s28, $0x1;
	[dreg:$0x2] =	wrdreg s2  }
0xa9: {  	[dreg:$0x3] =	wrdreg s4  }
0xaa: {  	[dreg:$0x4] =	wrdreg $0xC0  }
0xab: {  	_ =	task [dreg:s6], $0x5FFFF  }
0xac: {  	[dreg:$0x1] =	wrdreg $0xFFFFFFFF  }
0xad: {  	[dreg:$0x0] =	wrdreg $0x60  }
0xae: {  	[dreg:$0x2] =	wrdreg s24  }
0xaf: {  	[dreg:$0x3] =	wrdreg $0x90000  }
0xb0: {  	[dreg:$0x4] =	wrdreg $0x9  }
0xb1: {  	_ =	task.clear_ibuf [dreg:s6], $0x5FFFF;
	_ =	strace $0x9000004F  }
0xb2: {  	s29 =	simm.s32 $0x9;
	_ =	strace $0x80000051  }
0xb3: {  	_ =	swait.ge [sflag:s29], $0x1  }
0xb4: {  	[sflag:s29] =	ssyncadd.s32 $0xFFFFFFFF  }
0xb5: {  	_ =	strace $0x90000051  }
0xb6: {  	_ =	sfence  }
0xb7: {  	s30 =	sld [smem:$0x0];
	_ =	sdelay $0x2  }
0xb8: {  	s31 =	sshll.u32 s1, $0xD;
	s1 =	sshrl.u32 s1, $0x2  }
0xb9: {  	s3 =	sand.u32 $0x4000, s31;
	s1 =	sadd.s32 s1, s30  }
0xba: {  	s0 =	sor.u32 s3, s0;
	s1 =	sshll.u32 s1, $0x11  }
0xbb: {  	s0 =	sor.u32 s1, s0  }
0xbc: {  	s0 =	sadd.s32 $0x8F2B, s0  }
0xbd: {  	[sflag:s0] =	ssyncadd.remote.s32 $0x1  }
0xbe: {  	_ =	sfence.sel $0xFFFF  }
0xbf: {  	[dreg:$0x0] =	wrdreg $0xFFFFFFFF;
	(pc) =	sbr.abs _section_cstart, $3  }
0xc0: {  	[dreg:$0x1] =	wrdreg $0xFFFFFFFF  }
0xc1: {  	_ =	task.clear_ibuf [dreg:s6], $0x2FFFF;
	_ =	strace $0x9FFFFFFF  }
0xc2: {  	(tm) =	ssettm $0x7FFFFFFF  }
0xc3: {  	_ =	shalt  }
tec
execute0_lowered:
.L_overlay_start_1:
0x0: {  	(tag) =	ssettag $0x1  }
0x1: {  	s0 =	rddreg [dreg:$0x0]  }
0x2: {  	s2 =	rddreg [dreg:$0x1]  }
0x3: {  	s1 =	srdreg.scid;
	s17 =	stileid.u32  }
0x4: {  	s3 =	simm.s32 $0x0;
	s28 =	simm.s32 $0x1;
	s4 =	smul.u32 $0x280, s17  }
0x5: {  	s29 =	simm.s32 $0x50;
	s30 =	simm.s32 $0x2;
	s7 =	smul.u32 $0x50000, s17  }
0x6: {  	s1 =	sand.u32 $0x1, s1;
	[smem:$0x7FF] =	sst s3;
	s26 =	smul.u32 $0x4E200, s17  }
0x7: {  	s6 =	sshll.u32 s17, $0x1;
	s21 =	sadd.s32 $0x5BEA00, s0;
	s5 =	smul.u32 $0x2800, s1  }
0x8: {  	_ =	strace $0x80000050;
	s6 =	sor.u32 s1, s6;
	s25 =	ssub.s32 $0x2, s1  }
0x9: {  	s1 =	smul.u32 $0x27100, s1;
	s24 =	sshll.u32 s6, $0xB;
	s8 =	sshrl.u32 s25, $0x1  }
0xa: {  	s6 =	smul.u32 $0x27100, s6;
	s7 =	sshrl.u32 s7, $0x2;
	s4 =	sadd.s32 s5, s4  }
0xb: {  	s5 =	sadd.s32 s24, s0;
	s24 =	simm.s32 $0x3;
	s4 =	sshll.u32 s4, $0x4  }
0xc: {  	s5 =	sadd.s32 $0x4200, s5;
	s6 =	sadd.s32 s21, s6;
	s0 =	sadd.s32 s4, s0  }
0xd: {  	s4 =	ssub.s32 s25, s8;
	[dreg:$0x3] =	wrdreg s5;
	s5 =	sadd.s32 s7, s2  }
0xe: {  	[dreg:$0x4] =	wrdreg s6;
	s25 =	simm.s32 $0x4000;
	s4 =	smax.u32 s4, $0x1  }
0xf: {  	s8 =	sadd.s32 $0x2800, s5;
	s9 =	sadd.s32 $0x5000, s5;
	s10 =	sadd.s32 $0x7800, s5  }
0x10: {  	s11 =	sadd.s32 $0xA000, s5;
	s12 =	sadd.s32 $0xC800, s5;
	s13 =	sadd.s32 $0xF000, s5  }
0x11: {  	s14 =	sadd.s32 $0x11800, s5;
	s15 =	sadd.s32 $0x4F000, s0;
	s16 =	sadd.s32 $0x4F500, s0  }
0x12: {  	s17 =	sadd.s32 $0x4FA00, s0;
	s18 =	sadd.s32 $0x4FF00, s0;
	s19 =	sadd.s32 $0x50400, s0  }
0x13: {  	s20 =	sadd.s32 $0x50900, s0;
	[dreg:$0x5] =	wrdreg s4;
	s4 =	sadd.s32 s26, s21  }
0x14: {  	s22 =	sadd.s32 $0x51300, s0;
	s21 =	sadd.s32 $0x50E00, s0;
	s31 =	sadd.s32 s1, s4  }
0x15: {  	v0 =	vimm.f32 $0.0e+00;
	s26 =	simm.s32 $0x6800;
	s0 =	simm.s32 $0x0;
	s23 =	sadd.s32 $0xA00, s31  }
.LBB2_1:
0x16: {  	s1 =	rddreg [dreg:$0x3]  }
0x17: {  	[tilespmem:s3], [sflag:$0x3] =	stream.linear.gather [hbm4b:s1+s3], $0x3E80, $0x38;
	[tilespmem:$0x1D000] =	vst v63  }
0x18: {  	_ =	swait.ge [sflag:s24], $0x3E80  }
0x19: {  	[sflag:s24] =	ssyncset.done $0x0  }
0x1a: {  	s4 =	simm.s32 $0x200;
	s1 =	simm.s32 $0x0;
	[sflag:s24] =	ssyncadd.s32 $0xFFFFC180  }
.LBB2_2:
0x1b: {  	p0 =	sne.s32 s4, $0x9E00;
	[tilespmem:s1+$0x4070] =	vst v0  }
0x1c: {  	[tilespmem:s1+$0x4000] =	vst v0  }
0x1d: {  	[tilespmem:s1+$0x4010] =	vst v0  }
.Ltmp0:
0x1e: {  	[tilespmem:s1+$0x4020] =	vst v0;
	(pc) =	sbr.rel @p0 .LBB2_2-.Ltmp0, $4  }
0x1f: {  	[tilespmem:s1+$0x4030] =	vst v0  }
0x20: {  	[tilespmem:s1+$0x4040] =	vst v0  }
0x21: {  	[tilespmem:s1+$0x4050] =	vst v0  }
0x22: {  	[tilespmem:s1+$0x4060] =	vst v0;
	s1 =	sshra.s32 s4, $0x2;
	s4 =	sadd.s32 $0x200, s4  }
0x23: {  	[tilespmem:s1+$0x4070] =	vst v0  }
0x24: {  	[tilespmem:s1+$0x4000] =	vst v0  }
0x25: {  	[tilespmem:s1+$0x4010] =	vst v0  }
0x26: {  	[tilespmem:s1+$0x4020] =	vst v0  }
0x27: {  	[tilespmem:s1+$0x4030] =	vst v0  }
0x28: {  	[tilespmem:s1+$0x4040] =	vst v0  }
0x29: {  	[tilespmem:s1+$0x4050] =	vst v0  }
0x2a: {  	[tilespmem:s1+$0x4060] =	vst v0  }
0x2b: {  	[spmem:s5] =	stream.linear.scatter [tilespmem:s25], [sflag:$0x3], $0x2800, $0x38;
	[tilespmem:$0x1D000] =	vst v63  }
0x2c: {  	_ =	swait.ge [sflag:s24], $0x2800  }
0x2d: {  	[sflag:s24] =	ssyncset.done $0x0  }
0x2e: {  	[sflag:s24] =	ssyncadd.s32 $0xFFFFD800  }
0x2f: {  	[spmem:s8] =	stream.linear.scatter [tilespmem:s25], [sflag:$0x3], $0x2800, $0x38;
	[tilespmem:$0x1D000] =	vst v63  }
0x30: {  	_ =	swait.ge [sflag:s24], $0x2800  }
0x31: {  	[sflag:s24] =	ssyncset.done $0x0  }
0x32: {  	[sflag:s24] =	ssyncadd.s32 $0xFFFFD800  }
0x33: {  	[spmem:s9] =	stream.linear.scatter [tilespmem:s25], [sflag:$0x3], $0x2800, $0x38;
	[tilespmem:$0x1D000] =	vst v63  }
0x34: {  	_ =	swait.ge [sflag:s24], $0x2800  }
0x35: {  	[sflag:s24] =	ssyncset.done $0x0  }
0x36: {  	[sflag:s24] =	ssyncadd.s32 $0xFFFFD800  }
0x37: {  	[spmem:s10] =	stream.linear.scatter [tilespmem:s25], [sflag:$0x3], $0x2800, $0x38;
	[tilespmem:$0x1D000] =	vst v63  }
0x38: {  	_ =	swait.ge [sflag:s24], $0x2800  }
0x39: {  	[sflag:s24] =	ssyncset.done $0x0  }
0x3a: {  	[sflag:s24] =	ssyncadd.s32 $0xFFFFD800  }
0x3b: {  	[spmem:s11] =	stream.linear.scatter [tilespmem:s25], [sflag:$0x3], $0x2800, $0x38;
	[tilespmem:$0x1D000] =	vst v63  }
0x3c: {  	_ =	swait.ge [sflag:s24], $0x2800  }
0x3d: {  	[sflag:s24] =	ssyncset.done $0x0  }
0x3e: {  	[sflag:s24] =	ssyncadd.s32 $0xFFFFD800  }
0x3f: {  	[spmem:s12] =	stream.linear.scatter [tilespmem:s25], [sflag:$0x3], $0x2800, $0x38;
	[tilespmem:$0x1D000] =	vst v63  }
0x40: {  	_ =	swait.ge [sflag:s24], $0x2800  }
0x41: {  	[sflag:s24] =	ssyncset.done $0x0  }
0x42: {  	[sflag:s24] =	ssyncadd.s32 $0xFFFFD800  }
0x43: {  	[spmem:s13] =	stream.linear.scatter [tilespmem:s25], [sflag:$0x3], $0x2800, $0x38;
	[tilespmem:$0x1D000] =	vst v63  }
0x44: {  	_ =	swait.ge [sflag:s24], $0x2800  }
0x45: {  	[sflag:s24] =	ssyncset.done $0x0  }
0x46: {  	[sflag:s24] =	ssyncadd.s32 $0xFFFFD800  }
0x47: {  	[spmem:s14] =	stream.linear.scatter [tilespmem:s25], [sflag:$0x3], $0x2800, $0x38;
	[tilespmem:$0x1D000] =	vst v63  }
0x48: {  	_ =	swait.ge [sflag:s24], $0x2800  }
0x49: {  	[sflag:s24] =	ssyncset.done $0x0  }
0x4a: {  	[sflag:s24] =	ssyncadd.s32 $0xFFFFD800  }
0x4b: {  	[bflag:$0x0] =	sbarrier.arrive $0xFFFF  }
0x4c: {  	s7 =	simm.s32 $0x0;
	s4 =	rddreg [dreg:$0x4]  }
0x4d: {  	[tilespmem:s25], [sflag:$0x1] =	stream.linear.gather [hbm4b:s4+s7], $0x2800, $0x38;
	[tilespmem:$0x1D000] =	vst v63  }
0x4e: {  	s4 =	sadd.s32 $0xFFFFFB00, s23  }
0x4f: {  	[tilespmem:s26], [sflag:$0x2] =	stream.linear.gather [hbm4b:s4+s3], $0x2800, $0x38;
	[tilespmem:$0x1D000] =	vst v63  }
0x50: {  	_ =	swait.ge [sflag:s28], $0x2800  }
0x51: {  	[sflag:s28] =	ssyncset.done $0x0  }
0x52: {  	s6 =	simm.s32 $0x0;
	[sflag:s28] =	ssyncadd.s32 $0xFFFFD800  }
0x53: {  	[spmem:s2] =	stream.indirect.scatter.add.f32 [tilespmem:s25], [sflag:$0x3], $0x80, s6, s29, $0xb8;
	[tilespmem:$0x1D000] =	vst v63  }
0x54: {  	_ =	swait.ge [sflag:s24], $0x2800  }
0x55: {  	[sflag:s24] =	ssyncset.done $0x0  }
0x56: {  	[sflag:s24] =	ssyncadd.s32 $0xFFFFD800  }
0x57: {  	[tilespmem:s25], [sflag:$0x1] =	stream.linear.gather [hbm4b:s23+s3], $0x2800, $0x38;
	[tilespmem:$0x1D000] =	vst v63  }
0x58: {  	_ =	swait.ge [sflag:s30], $0x2800  }
0x59: {  	[sflag:s30] =	ssyncset.done $0x0  }
0x5a: {  	s7 =	simm.s32 $0x80;
	[sflag:s30] =	ssyncadd.s32 $0xFFFFD800  }
0x5b: {  	[spmem:s2] =	stream.indirect.scatter.add.f32 [tilespmem:s26], [sflag:$0x3], $0x80, s7, s29, $0xb8;
	[tilespmem:$0x1D000] =	vst v63  }
0x5c: {  	s31 =	simm.s32 $0x400;
	_ =	swait.ge [sflag:s24], $0x2800  }
0x5d: {  	s1 =	sadd.s32 $0xA00, s23;
	s4 =	simm.s32 $0x800;
	[sflag:s24] =	ssyncset.done $0x0  }
.LBB2_4:
0x5e: {  	p0 =	sne.s32 s4, $0xF400;
	s6 =	sadd.s32 $0xFFFFFB00, s1;
	[sflag:s24] =	ssyncadd.s32 $0xFFFFD800  }
0x5f: {  	[tilespmem:s26], [sflag:$0x2] =	stream.linear.gather [hbm4b:s6+s3], $0x2800, $0x38;
	[tilespmem:$0x1D000] =	vst v63  }
0x60: {  	s6 =	smov.u32 s4;
	s4 =	sadd.s32 $0x400, s4;
	_ =	swait.ge [sflag:s28], $0x2800  }
0x61: {  	[sflag:s28] =	ssyncset.done $0x0  }
0x62: {  	s7 =	sshra.s32 s31, $0x2;
	s31 =	smov.u32 s6;
	[sflag:s28] =	ssyncadd.s32 $0xFFFFD800  }
0x63: {  	[spmem:s2] =	stream.indirect.scatter.add.f32 [tilespmem:s25], [sflag:$0x3], $0x80, s7, s29, $0xb8;
	[tilespmem:$0x1D000] =	vst v63  }
0x64: {  	_ =	swait.ge [sflag:s24], $0x2800  }
0x65: {  	[sflag:s24] =	ssyncset.done $0x0  }
0x66: {  	[sflag:s24] =	ssyncadd.s32 $0xFFFFD800  }
0x67: {  	[tilespmem:s25], [sflag:$0x1] =	stream.linear.gather [hbm4b:s1+s3], $0x2800, $0x38;
	[tilespmem:$0x1D000] =	vst v63  }
0x68: {  	_ =	swait.ge [sflag:s30], $0x2800  }
.Ltmp1:
0x69: {  	[sflag:s30] =	ssyncset.done $0x0;
	(pc) =	sbr.rel @p0 .LBB2_4-.Ltmp1, $4  }
0x6a: {  	s6 =	sadd.s32 $0x80, s7;
	[sflag:s30] =	ssyncadd.s32 $0xFFFFD800  }
0x6b: {  	[spmem:s2] =	stream.indirect.scatter.add.f32 [tilespmem:s26], [sflag:$0x3], $0x80, s6, s29, $0xb8;
	[tilespmem:$0x1D000] =	vst v63  }
0x6c: {  	_ =	swait.ge [sflag:s24], $0x2800  }
0x6d: {  	s1 =	sadd.s32 $0xA00, s1;
	[sflag:s24] =	ssyncset.done $0x0  }
0x6e: {  	s4 =	sadd.s32 $0xFFFFFB00, s1;
	[sflag:s24] =	ssyncadd.s32 $0xFFFFD800  }
0x6f: {  	[tilespmem:s26], [sflag:$0x2] =	stream.linear.gather [hbm4b:s4+s3], $0x2800, $0x38;
	[tilespmem:$0x1D000] =	vst v63  }
0x70: {  	_ =	swait.ge [sflag:s28], $0x2800  }
0x71: {  	[sflag:s28] =	ssyncset.done $0x0  }
0x72: {  	s31 =	sshra.s32 s31, $0x2;
	[sflag:s28] =	ssyncadd.s32 $0xFFFFD800  }
0x73: {  	[spmem:s2] =	stream.indirect.scatter.add.f32 [tilespmem:s25], [sflag:$0x3], $0x80, s31, s29, $0xb8;
	[tilespmem:$0x1D000] =	vst v63  }
0x74: {  	_ =	swait.ge [sflag:s24], $0x2800  }
0x75: {  	[sflag:s24] =	ssyncset.done $0x0  }
0x76: {  	[sflag:s24] =	ssyncadd.s32 $0xFFFFD800  }
0x77: {  	[tilespmem:s25], [sflag:$0x1] =	stream.linear.gather [hbm4b:s1+s3], $0x2800, $0x38;
	[tilespmem:$0x1D000] =	vst v63  }
0x78: {  	_ =	swait.ge [sflag:s30], $0x2800  }
0x79: {  	[sflag:s30] =	ssyncset.done $0x0  }
0x7a: {  	s6 =	sadd.s32 $0x80, s31;
	[sflag:s30] =	ssyncadd.s32 $0xFFFFD800  }
0x7b: {  	[spmem:s2] =	stream.indirect.scatter.add.f32 [tilespmem:s26], [sflag:$0x3], $0x80, s6, s29, $0xb8;
	[tilespmem:$0x1D000] =	vst v63  }
0x7c: {  	_ =	swait.ge [sflag:s24], $0x2800  }
0x7d: {  	[sflag:s24] =	ssyncset.done $0x0  }
0x7e: {  	[sflag:s24] =	ssyncadd.s32 $0xFFFFD800  }
0x7f: {  	_ =	swait.ge [sflag:s28], $0x2800  }
0x80: {  	[sflag:s28] =	ssyncset.done $0x0  }
0x81: {  	s7 =	simm.s32 $0x3E00;
	[sflag:s28] =	ssyncadd.s32 $0xFFFFD800  }
0x82: {  	[spmem:s2] =	stream.indirect.scatter.add.f32 [tilespmem:s25], [sflag:$0x3], $0x80, s7, s29, $0xb8;
	[tilespmem:$0x1D000] =	vst v63  }
0x83: {  	_ =	swait.ge [sflag:s24], $0x2800  }
0x84: {  	[sflag:s24] =	ssyncset.done $0x0  }
0x85: {  	[sflag:s24] =	ssyncadd.s32 $0xFFFFD800  }
0x86: {  	[bflag:$0x0] =	sbarrier.arrive $0xFFFF  }
0x87: {  	[tilespmem:s25], [sflag:$0x3] =	stream.linear.gather [spmem:s5], $0x2800, $0x38;
	[tilespmem:$0x1D000] =	vst v63  }
0x88: {  	_ =	swait.ge [sflag:s24], $0x2800  }
0x89: {  	[sflag:s24] =	ssyncset.done $0x0  }
0x8a: {  	[sflag:s24] =	ssyncadd.s32 $0xFFFFD800  }
0x8b: {  	[hbm4b:s15+s3] =	stream.linear.scatter [tilespmem:s25], [sflag:$0x3], $0x2800, $0x38;
	[tilespmem:$0x1D000] =	vst v63  }
0x8c: {  	_ =	swait.ge [sflag:s24], $0x2800  }
0x8d: {  	[sflag:s24] =	ssyncset.done $0x0  }
0x8e: {  	[sflag:s24] =	ssyncadd.s32 $0xFFFFD800  }
0x8f: {  	[tilespmem:s25], [sflag:$0x3] =	stream.linear.gather [spmem:s8], $0x2800, $0x38;
	[tilespmem:$0x1D000] =	vst v63  }
0x90: {  	_ =	swait.ge [sflag:s24], $0x2800  }
0x91: {  	[sflag:s24] =	ssyncset.done $0x0  }
0x92: {  	[sflag:s24] =	ssyncadd.s32 $0xFFFFD800  }
0x93: {  	[hbm4b:s16+s3] =	stream.linear.scatter [tilespmem:s25], [sflag:$0x3], $0x2800, $0x38;
	[tilespmem:$0x1D000] =	vst v63  }
0x94: {  	_ =	swait.ge [sflag:s24], $0x2800  }
0x95: {  	[sflag:s24] =	ssyncset.done $0x0  }
0x96: {  	[sflag:s24] =	ssyncadd.s32 $0xFFFFD800  }
0x97: {  	[tilespmem:s25], [sflag:$0x3] =	stream.linear.gather [spmem:s9], $0x2800, $0x38;
	[tilespmem:$0x1D000] =	vst v63  }
0x98: {  	_ =	swait.ge [sflag:s24], $0x2800  }
0x99: {  	[sflag:s24] =	ssyncset.done $0x0  }
0x9a: {  	[sflag:s24] =	ssyncadd.s32 $0xFFFFD800  }
0x9b: {  	[hbm4b:s17+s3] =	stream.linear.scatter [tilespmem:s25], [sflag:$0x3], $0x2800, $0x38;
	[tilespmem:$0x1D000] =	vst v63  }
0x9c: {  	_ =	swait.ge [sflag:s24], $0x2800  }
0x9d: {  	[sflag:s24] =	ssyncset.done $0x0  }
0x9e: {  	[sflag:s24] =	ssyncadd.s32 $0xFFFFD800  }
0x9f: {  	[tilespmem:s25], [sflag:$0x3] =	stream.linear.gather [spmem:s10], $0x2800, $0x38;
	[tilespmem:$0x1D000] =	vst v63  }
0xa0: {  	_ =	swait.ge [sflag:s24], $0x2800  }
0xa1: {  	[sflag:s24] =	ssyncset.done $0x0  }
0xa2: {  	[sflag:s24] =	ssyncadd.s32 $0xFFFFD800  }
0xa3: {  	[hbm4b:s18+s3] =	stream.linear.scatter [tilespmem:s25], [sflag:$0x3], $0x2800, $0x38;
	[tilespmem:$0x1D000] =	vst v63  }
0xa4: {  	_ =	swait.ge [sflag:s24], $0x2800  }
0xa5: {  	[sflag:s24] =	ssyncset.done $0x0  }
0xa6: {  	[sflag:s24] =	ssyncadd.s32 $0xFFFFD800  }
0xa7: {  	[tilespmem:s25], [sflag:$0x3] =	stream.linear.gather [spmem:s11], $0x2800, $0x38;
	[tilespmem:$0x1D000] =	vst v63  }
0xa8: {  	_ =	swait.ge [sflag:s24], $0x2800  }
0xa9: {  	[sflag:s24] =	ssyncset.done $0x0  }
0xaa: {  	[sflag:s24] =	ssyncadd.s32 $0xFFFFD800  }
0xab: {  	[hbm4b:s19+s3] =	stream.linear.scatter [tilespmem:s25], [sflag:$0x3], $0x2800, $0x38;
	[tilespmem:$0x1D000] =	vst v63  }
0xac: {  	_ =	swait.ge [sflag:s24], $0x2800  }
0xad: {  	[sflag:s24] =	ssyncset.done $0x0  }
0xae: {  	[sflag:s24] =	ssyncadd.s32 $0xFFFFD800  }
0xaf: {  	[tilespmem:s25], [sflag:$0x3] =	stream.linear.gather [spmem:s12], $0x2800, $0x38;
	[tilespmem:$0x1D000] =	vst v63  }
0xb0: {  	_ =	swait.ge [sflag:s24], $0x2800  }
0xb1: {  	[sflag:s24] =	ssyncset.done $0x0  }
0xb2: {  	[sflag:s24] =	ssyncadd.s32 $0xFFFFD800  }
0xb3: {  	[hbm4b:s20+s3] =	stream.linear.scatter [tilespmem:s25], [sflag:$0x3], $0x2800, $0x38;
	[tilespmem:$0x1D000] =	vst v63  }
0xb4: {  	_ =	swait.ge [sflag:s24], $0x2800  }
0xb5: {  	[sflag:s24] =	ssyncset.done $0x0  }
0xb6: {  	[sflag:s24] =	ssyncadd.s32 $0xFFFFD800  }
0xb7: {  	[tilespmem:s25], [sflag:$0x3] =	stream.linear.gather [spmem:s13], $0x2800, $0x38;
	[tilespmem:$0x1D000] =	vst v63  }
0xb8: {  	_ =	swait.ge [sflag:s24], $0x2800  }
0xb9: {  	[sflag:s24] =	ssyncset.done $0x0  }
0xba: {  	[sflag:s24] =	ssyncadd.s32 $0xFFFFD800  }
0xbb: {  	[hbm4b:s21+s3] =	stream.linear.scatter [tilespmem:s25], [sflag:$0x3], $0x2800, $0x38;
	[tilespmem:$0x1D000] =	vst v63  }
0xbc: {  	_ =	swait.ge [sflag:s24], $0x2800  }
0xbd: {  	[sflag:s24] =	ssyncset.done $0x0  }
0xbe: {  	[sflag:s24] =	ssyncadd.s32 $0xFFFFD800  }
0xbf: {  	[tilespmem:s25], [sflag:$0x3] =	stream.linear.gather [spmem:s14], $0x2800, $0x38;
	[tilespmem:$0x1D000] =	vst v63  }
0xc0: {  	_ =	swait.ge [sflag:s24], $0x2800  }
0xc1: {  	[sflag:s24] =	ssyncset.done $0x0  }
0xc2: {  	[sflag:s24] =	ssyncadd.s32 $0xFFFFD800  }
0xc3: {  	[hbm4b:s22+s3] =	stream.linear.scatter [tilespmem:s25], [sflag:$0x3], $0x2800, $0x38;
	[tilespmem:$0x1D000] =	vst v63  }
0xc4: {  	_ =	swait.ge [sflag:s24], $0x2800  }
0xc5: {  	s0 =	sadd.s32 $0x1, s0;
	s31 =	rddreg [dreg:$0x5]  }
0xc6: {  	p0 =	sne.s32 s0, s31  }
.Ltmp2:
0xc7: {  	_ = 	snop;
	(pc) =	sbr.rel @p0 .LBB2_1-.Ltmp2, $3  }
0xc8: {  	_ =	sdelay $0x1  }
0xc9: {  	[sflag:s24] =	ssyncset.done $0x0  }
0xca: {  	[sflag:s24] =	ssyncadd.s32 $0xFFFFD800  }
0xcb: {  	_ =	sfence.sel $0x180000  }
0xcc: {  	[bflag:$0x0] =	sbarrier.arrive $0xFFFF  }
0xcd: {  	_ =	strace $0x90000050  }
0xce: {  	s0 =	stileid.u32;
	[bflag:$0x2] =	sbarrier.arrive $0xFFFF  }
0xcf: {  	p0 =	sne.s32 s0, $0x0;
	s0 =	rddreg [dreg:$0x2]  }
0xd0: {  	s0 =	sadd.s32 @!p0 $0x100000, s0  }
0xd1: {  	[sflag:s0] =	ssyncadd.tile.s32 @!p0 $0x1;
	_ =	shalt  }
.Lfunc_end2:
_tile_overlayer_lowered:
.L_overlay_start_2:
0xd2: {  	(tag) =	ssettag $0x2  }
0xd3: {  	s0 =	rddreg [dreg:$0x0];
	s2 =	stileid.u32  }
0xd4: {  	s1 =	rddreg [dreg:$0x1];
	p0 =	sne.s32 s2, $0x0  }
0xd5: {  	s3 =	rddreg [dreg:$0x2];
	[bflag:$0x3] =	sbarrier.arrive $0xFFFF;
	s2 =	simm.s32 @!p0 $0x1C03  }
0xd6: {  	[timem:s3], [sflag:s2] =	dma.local @!p0 [hbm:s0], s1  }
0xd7: {  	s0 =	simm.s32 @!p0 $0x3  }
0xd8: {  	_ =	swait.ge @!p0 [sflag:s0], s1  }
0xd9: {  	s1 =	ssub.s32 @!p0 $0x0, s1;
	[sflag:s0] =	ssyncset.done @!p0 $0x0  }
0xda: {  	[sflag:s0] =	ssyncadd.s32 @!p0 s1  }
0xdb: {  	[bflag:$0x3] =	sbarrier.arrive $0xFFFF  }
0xdc: {  	_ =	shalt  }

// kernel: kernel.25.cloned.1.call-start
scs
__scs_entry_jumppad:
0x0: {  	(pc) =	sbr.rel $0x88, $3  }
0x1: {  	(tag) =	ssettag $0x0;
	lr =	simm.s32 $0x1  }
0x2: {  	[smem:$0x3F96] =	sst lr;
	_ =	strace $0xD0000000  }
0x3: {  	_ = 	snop  }
0x4: {  	_ = 	snop  }
0x5: {  	_ = 	snop  }
0x6: {  	_ = 	snop  }
0x7: {  	_ = 	snop  }
__scs_overlays_trampoline_lowered:
0x8: {  	[smem:$0x3FA5] =	sst s0  }
0x9: {  	[smem:$0x3FA6] =	sst s1  }
0xa: {  	[smem:$0x3FA7] =	sst s2  }
0xb: {  	[smem:$0x3FA8] =	sst s3  }
0xc: {  	[smem:$0x3FA9] =	sst s4  }
0xd: {  	[smem:$0x3FAA] =	sst s5  }
0xe: {  	[smem:$0x3FAB] =	sst s6  }
0xf: {  	[smem:$0x3FAC] =	sst s7  }
0x10: {  	[smem:$0x3FAD] =	sst s8  }
0x11: {  	[smem:$0x3FAE] =	sst s9;
	s0 =	simm.s32 @!p0 $0x0  }
0x12: {  	s1 =	sld [smem:$0x3F94];
	s0 =	simm.s32 @p0 $0x1  }
0x13: {  	[smem:$0x3FAF] =	sst s0;
	s0 =	simm.s32 @!p1 $0x0  }
0x14: {  	s2 =	sld [smem:$0x3F93];
	s0 =	simm.s32 @p1 $0x1  }
0x15: {  	[smem:$0x3FB0] =	sst s0;
	s0 =	simm.s32 @!p2 $0x0  }
0x16: {  	s3 =	sld [smem:$0x3FDB];
	s0 =	simm.s32 @p2 $0x1  }
0x17: {  	s4 =	simm.s32 $0x1BF5;
	[smem:$0x3FB2] =	sst s0  }
0x18: {  	s0 =	sld [smem:$0x3F95];
	_ =	swait.ge [sflag:s4], $0x0  }
0x19: {  	s7 =	sld [smem:$0x3F96]  }
0x1a: {  	s8 =	sadd.s32 $0xFFFFE003, lr  }
0x1b: {  	s9 =	sadd.s32 $0xFFFFFEF7, lr;
	s5 =	simm.s32 $0xFFFFFFFF;
	p2 =	slt.u32 s8, $0xFFFFF086  }
0x1c: {  	p1 =	slt.u32 s9, $0xF7A;
	s5 =	simm.s32 @!p2 $0x0  }
0x1d: {  	s5 =	simm.s32 @p1 $0x1;
	p0 =	seq.s32 s7, s2  }
0x1e: {  	s7 =	smul.u32 @!p0 $0xF7A, s2;
	p2 =	seq.s32 @!p0 s5, $0x0  }
0x1f: {  	s9 =	smul.u32 $0xF7A, s1;
	s8 =	simm.s32 @!p0 $0x1BF5;
	p2 =	por !p2, p0  }
0x20: {  	[sflag:s8] =	ssyncset.s32 @!p0 $0xFFFFF086;
	s6 =	sadd.s32 @!p0 s3, s7;
	s7 =	simm.s32 @!p0 $0x108  }
0x21: {  	s3 =	sadd.s32 s3, s9;
	s6 =	sadd.s32 @!p0 $0x88, s6;
	s7 =	simm.s32 @p2 $0x1082  }
0x22: {  	[simem:s7], [sflag:s8] =	dma.local @!p0 [hbm:s6], $0xF7A  }
0x23: {  	s9 =	sor.u32 $0xD0000000, s2;
	s6 =	simm.s32 $0x108;
	_ =	swait.ge @!p0 [sflag:s8], $0x0  }
0x24: {  	s3 =	sadd.s32 $0x88, s3;
	s6 =	simm.s32 @!p1 $0x1082;
	[sflag:s4] =	ssyncset.s32 $0xFFFFF086  }
0x25: {  	[simem:s6], [sflag:s4] =	dma.local [hbm:s3], $0xF7A  }
0x26: {  	[smem:$0x3F96] =	sst s1;
	(tag) =	ssettag s2;
	_ =	strace s9  }
0x27: {  	s1 =	sld [smem:$0x3FA6]  }
0x28: {  	s2 =	sld [smem:$0x3FA7]  }
0x29: {  	s4 =	sld [smem:$0x3FA9]  }
0x2a: {  	p0 =	seq.s32 s5, $0x0;
	s5 =	sld [smem:$0x3FAA]  }
0x2b: {  	s6 =	sld [smem:$0x3FAB]  }
0x2c: {  	s7 =	sld [smem:$0x3FAC]  }
0x2d: {  	s3 =	simm.s32 $0x108;
	s8 =	sld [smem:$0x3FAD]  }
0x2e: {  	s3 =	simm.s32 @!p0 $0x1082;
	s9 =	sld [smem:$0x3FAE]  }
0x2f: {  	lr =	sadd.s32 s0, s3;
	s0 =	sld [smem:$0x3FA5]  }
0x30: {  	s3 =	sld [smem:$0x3FA8]  }
0x31: {  	[smem:$0x3FB1] =	sst s10  }
0x32: {  	s10 =	sld [smem:$0x3FAF];
	_ =	sdelay $0x3  }
0x33: {  	p0 =	seq.s32 s10, $0x1;
	s10 =	sld [smem:$0x3FB1];
	_ =	sdelay $0x3  }
0x34: {  	[smem:$0x3FB1] =	sst s10  }
0x35: {  	s10 =	sld [smem:$0x3FB0];
	_ =	sdelay $0x3  }
0x36: {  	p1 =	seq.s32 s10, $0x1;
	s10 =	sld [smem:$0x3FB1];
	_ =	sdelay $0x3  }
0x37: {  	[smem:$0x3FB1] =	sst s10  }
0x38: {  	s10 =	sld [smem:$0x3FB2]  }
0x39: {  	_ = 	snop;
	(pc) =	sbr.ind lr, $3  }
0x3a: {  	_ = 	snop  }
0x3b: {  	_ = 	snop  }
0x3c: {  	p2 =	seq.s32 s10, $0x1;
	s10 =	sld [smem:$0x3FB1]  }
0x3d: {  	_ =	shalt  }
0x3e: {  	_ =	shalt  }
0x3f: {  	_ =	shalt  }
0x40: {  	_ =	shalt  }
0x41: {  	_ =	shalt  }
0x42: {  	_ =	shalt  }
0x43: {  	_ =	shalt  }
0x44: {  	_ =	shalt  }
0x45: {  	_ =	shalt  }
0x46: {  	_ =	shalt  }
0x47: {  	_ =	shalt  }
0x48: {  	_ =	shalt  }
0x49: {  	_ =	shalt  }
0x4a: {  	_ =	shalt  }
0x4b: {  	_ =	shalt  }
0x4c: {  	_ =	shalt  }
0x4d: {  	_ =	shalt  }
0x4e: {  	_ =	shalt  }
0x4f: {  	_ =	shalt  }
0x50: {  	_ =	shalt  }
0x51: {  	_ =	shalt  }
0x52: {  	_ =	shalt  }
0x53: {  	_ =	shalt  }
0x54: {  	_ =	shalt  }
0x55: {  	_ =	shalt  }
0x56: {  	_ =	shalt  }
0x57: {  	_ =	shalt  }
0x58: {  	_ =	shalt  }
0x59: {  	_ =	shalt  }
0x5a: {  	_ =	shalt  }
0x5b: {  	_ =	shalt  }
0x5c: {  	_ =	shalt  }
0x5d: {  	_ =	shalt  }
0x5e: {  	_ =	shalt  }
0x5f: {  	_ =	shalt  }
0x60: {  	_ =	shalt  }
0x61: {  	_ =	shalt  }
0x62: {  	_ =	shalt  }
0x63: {  	_ =	shalt  }
0x64: {  	_ =	shalt  }
0x65: {  	_ =	shalt  }
0x66: {  	_ =	shalt  }
0x67: {  	_ =	shalt  }
0x68: {  	_ =	shalt  }
0x69: {  	_ =	shalt  }
0x6a: {  	_ =	shalt  }
0x6b: {  	_ =	shalt  }
0x6c: {  	_ =	shalt  }
0x6d: {  	_ =	shalt  }
0x6e: {  	_ =	shalt  }
0x6f: {  	_ =	shalt  }
0x70: {  	_ =	shalt  }
0x71: {  	_ =	shalt  }
0x72: {  	_ =	shalt  }
0x73: {  	_ =	shalt  }
0x74: {  	_ =	shalt  }
0x75: {  	_ =	shalt  }
0x76: {  	_ =	shalt  }
0x77: {  	_ =	shalt  }
0x78: {  	_ =	shalt  }
0x79: {  	_ =	shalt  }
0x7a: {  	_ =	shalt  }
0x7b: {  	_ =	shalt  }
0x7c: {  	_ =	shalt  }
0x7d: {  	_ =	shalt  }
0x7e: {  	_ =	shalt  }
0x7f: {  	_ =	shalt  }
0x80: {  	_ =	shalt  }
0x81: {  	_ =	shalt  }
0x82: {  	_ =	shalt  }
0x83: {  	_ =	shalt  }
0x84: {  	_ =	shalt  }
0x85: {  	_ =	shalt  }
0x86: {  	_ =	shalt  }
0x87: {  	_ =	shalt  }
.Lfunc_end0:
.L_simem_size_0:
called_computation.4_lowered:
.L_overlay_start_0:
0x88: {  	s2 =	sld [smem:$0x3FD9]  }
0x89: {  	s3 =	sld [smem:$0x3FFE];
	_ =	sdelay $0x1  }
0x8a: {  	s1 =	srdreg.scid  }
0x8b: {  	s0 =	sand.u32 $0x1, s1  }
0x8c: {  	s14 =	sshll.u32 s0, $0xA;
	s2 =	sadd.s32 s3, s2  }
0x8d: {  	s2 =	sadd.s32 s2, s14  }
0x8e: {  	[smem:$0x3FBD] =	sst s2  }
0x8f: {  	_ = 	snop  }
0x90: {  	s2 =	sld [smem:$0x3FD0];
	_ =	sdelay $0x2  }
0x91: {  	s15 =	simm.s32 $0xB;
	s4 =	simm.s32 $0x10  }
0x92: {  	[smem:s4], [sflag:s15] =	dma.local [hbm:s2], $0x1  }
0x93: {  	_ =	swait.eq [sflag:s15], $0x1  }
0x94: {  	[sflag:s15] =	ssyncset.done $0x0  }
0x95: {  	[sflag:s15] =	ssyncadd.s32 $0xFFFFFFFF  }
0x96: {  	s16 =	sld [smem:$0x10];
	(tm) =	ssettm $0x1  }
0x97: {  	s17 =	sld [smem:$0x3FFB];
	_ =	sdelay $0x3  }
0x98: {  	_ =	strace s17  }
0x99: {  	s3 =	sld [smem:$0x3FFC];
	_ =	sdelay $0x3  }
0x9a: {  	_ =	strace s3  }
0x9b: {  	s3 =	sld [smem:$0x3FFD];
	_ =	sdelay $0x3  }
0x9c: {  	_ =	strace s3  }
0x9d: {  	_ =	strace $0x8FFFFFFF  }
0x9e: {  	s18 =	sld [smem:$0x3FDB];
	_ =	sdelay $0x1  }
0x9f: {  	s19 =	simm.s32 $_scs_section_size  }
0xa0: {  	s5 =	simm.s32 $_size__tile_overlayer_lowered;
	s6 =	simm.s32 $_tile_overlayer_lowered  }
0xa1: {  	s22 =	simm.s32 $0x1BFF;
	s21 =	sshll.u32 s6, $0x1;
	s3 =	sadd.s32 s19, s18  }
0xa2: {  	s7 =	simm.s32 $0x0;
	s20 =	sshll.u32 s5, $0x1;
	s5 =	sadd.s32 s21, s3  }
0xa3: {  	[timem:s7], [sflag:s22] =	dma.local [hbm:s5], s20  }
0xa4: {  	_ =	swait.ge [sflag:s22], s20  }
0xa5: {  	s4 =	ssub.s32 $0x0, s20;
	[sflag:s22] =	ssyncset.done $0x0  }
0xa6: {  	[sflag:s22] =	ssyncadd.s32 s4;
	_ =	sdelay $0x1  }
0xa7: {  	s23 =	simm.s32 $0x1B8B  }
0xa8: {  	_ =	swait.ge [sflag:s23], $0x1  }
0xa9: {  	[sflag:s23] =	ssyncset.done $0x0  }
0xaa: {  	s25 =	simm.s32 $0x1B8E;
	s24 =	sld [smem:$0x3FFE];
	[sflag:s23] =	ssyncadd.s32 $0xFFFFFFFF  }
0xab: {  	s26 =	simm.s32 $execute0_lowered;
	[smem:$0x3FD2] =	sst s25  }
0xac: {  	s5 =	sshll.u32 s26, $0x1;
	_ =	strace $0x80000052;
	[dreg:$0x1] =	wrdreg $0xFFFFFFFF  }
0xad: {  	s28 =	simm.s32 $_size_execute0_lowered;
	s3 =	sadd.s32 s3, s5;
	[dreg:$0x0] =	wrdreg $0x0  }
0xae: {  	s5 =	sshll.u32 s28, $0x1;
	[dreg:$0x2] =	wrdreg s3  }
0xaf: {  	[dreg:$0x3] =	wrdreg s5  }
0xb0: {  	[dreg:$0x4] =	wrdreg $0xC0  }
0xb1: {  	_ =	task [dreg:s7], $0x5FFFF  }
0xb2: {  	[dreg:$0x1] =	wrdreg $0xFFFFFFFF  }
0xb3: {  	[dreg:$0x0] =	wrdreg $0x60  }
0xb4: {  	[dreg:$0x2] =	wrdreg s16  }
0xb5: {  	[dreg:$0x3] =	wrdreg s24  }
0xb6: {  	[dreg:$0x4] =	wrdreg $0xB7800  }
0xb7: {  	[dreg:$0x5] =	wrdreg $0x9  }
0xb8: {  	_ =	task.clear_ibuf [dreg:s7], $0x6FFFF;
	_ =	strace $0x90000052  }
0xb9: {  	s29 =	simm.s32 $0x9;
	_ =	strace $0x80000054  }
0xba: {  	_ =	swait.ge [sflag:s29], $0x1  }
0xbb: {  	[sflag:s29] =	ssyncadd.s32 $0xFFFFFFFF  }
0xbc: {  	_ =	strace $0x90000054  }
0xbd: {  	_ =	sfence  }
0xbe: {  	s30 =	sld [smem:$0x0];
	_ =	sdelay $0x2  }
0xbf: {  	s31 =	sshll.u32 s1, $0xD;
	s1 =	sshrl.u32 s1, $0x2  }
0xc0: {  	s3 =	sand.u32 $0x4000, s31;
	s1 =	sadd.s32 s1, s30  }
0xc1: {  	s0 =	sor.u32 s3, s0;
	s1 =	sshll.u32 s1, $0x11  }
0xc2: {  	s0 =	sor.u32 s1, s0  }
0xc3: {  	s0 =	sadd.s32 $0x8F2B, s0  }
0xc4: {  	[sflag:s0] =	ssyncadd.remote.s32 $0x1  }
0xc5: {  	_ =	sfence.sel $0xFFFF  }
0xc6: {  	[dreg:$0x0] =	wrdreg $0xFFFFFFFF;
	(pc) =	sbr.abs _section_cstart, $3  }
0xc7: {  	[dreg:$0x1] =	wrdreg $0xFFFFFFFF  }
0xc8: {  	_ =	task.clear_ibuf [dreg:s7], $0x2FFFF;
	_ =	strace $0x9FFFFFFF  }
0xc9: {  	(tm) =	ssettm $0x7FFFFFFF  }
tec
execute0_lowered:
.L_overlay_start_1:
0x0: {  	(tag) =	ssettag $0x1  }
0x1: {  	s1 =	rddreg [dreg:$0x0]  }
0x2: {  	s0 =	srdreg.scid;
	s5 =	rddreg [dreg:$0x1]  }
0x3: {  	s9 =	stileid.u32;
	s3 =	rddreg [dreg:$0x2]  }
0x4: {  	s29 =	simm.s32 $0x6780;
	s30 =	simm.s32 $0x50;
	s24 =	smul.u32 $0x280, s9  }
0x5: {  	s31 =	simm.s32 $0x8F80;
	s4 =	sshrl.u32 s9, $0x2;
	s25 =	smul.u32 $0x50000, s9  }
0x6: {  	s0 =	sand.u32 $0x1, s0;
	s2 =	sshll.u32 s9, $0x1;
	s6 =	smul.u32 $0x13C00, s4  }
0x7: {  	s2 =	sor.u32 s0, s2;
	s4 =	simm.s32 $0x0;
	s8 =	smul.u32 $0x3E80, s0  }
0x8: {  	s0 =	ssub.s32 $0x2, s0;
	s23 =	sshll.u32 s2, $0x7;
	[smem:$0x7FF] =	sst s4  }
0x9: {  	s2 =	sshll.u32 s2, $0xB;
	s26 =	sshrl.u32 s0, $0x1;
	s28 =	sshrl.u32 s25, $0x2  }
0xa: {  	s25 =	simm.s32 $0x0;
	s7 =	sand.u32 $0x380, s23;
	_ =	strace $0x80000053  }
0xb: {  	s2 =	sadd.s32 s2, s5;
	s0 =	ssub.s32 s0, s26;
	s26 =	simm.s32 $0x3  }
0xc: {  	s6 =	sor.u32 s6, s7;
	s7 =	sadd.s32 s8, s24;
	s2 =	sadd.s32 $0x4200, s2  }
0xd: {  	s0 =	smax.u32 s0, $0x1;
	s6 =	sshrl.u32 s6, $0x3;
	[dreg:$0x5] =	wrdreg s2  }
0xe: {  	s7 =	sshll.u32 s7, $0x4;
	[dreg:$0x6] =	wrdreg s0;
	s2 =	simm.s32 $0x1  }
0xf: {  	s6 =	sadd.s32 s6, s5;
	s5 =	sadd.s32 s7, s5;
	s7 =	sadd.s32 s28, s3  }
0x10: {  	s0 =	simm.s32 $0x2;
	s6 =	sadd.s32 $0x1E000, s6;
	s9 =	sadd.s32 $0x2800, s7  }
0x11: {  	s10 =	sadd.s32 $0x5000, s7;
	s11 =	sadd.s32 $0x7800, s7;
	s12 =	sadd.s32 $0xA000, s7  }
0x12: {  	s13 =	sadd.s32 $0xC800, s7;
	s14 =	sadd.s32 $0xF000, s7;
	s15 =	sadd.s32 $0x11800, s7  }
0x13: {  	s16 =	sadd.s32 $0x27E00, s5;
	s17 =	sadd.s32 $0x28300, s5;
	s18 =	sadd.s32 $0x28800, s5  }
0x14: {  	s19 =	sadd.s32 $0x28D00, s5;
	s20 =	sadd.s32 $0x29200, s5;
	s21 =	sadd.s32 $0x29700, s5  }
0x15: {  	v0 =	vimm.f32 $0.0e+00;
	s22 =	sadd.s32 $0x29C00, s5;
	s23 =	sadd.s32 $0x2A100, s5;
	[dreg:$0x4] =	wrdreg s6  }
.LBB2_1:
0x16: {  	s5 =	rddreg [dreg:$0x4];
	s6 =	simm.s32 $0x80;
	s8 =	simm.s32 $0x400  }
0x17: {  	[tilespmem:s4], [sflag:$0x3] =	stream.strided.gather [hbm4b:s5+s6], $0x2780, s8, s6, $0x38;
	[tilespmem:$0x1F780] =	vst v63  }
0x18: {  	_ =	swait.ge [sflag:s26], $0x2780  }
0x19: {  	[sflag:s26] =	ssyncset.done $0x0  }
0x1a: {  	s28 =	simm.s32 $0x2780;
	s24 =	rddreg [dreg:$0x5];
	[sflag:s26] =	ssyncadd.s32 $0xFFFFD880  }
0x1b: {  	[tilespmem:s28], [sflag:$0x3] =	stream.linear.gather [hbm4b:s24+s4], $0x3E80, $0x38;
	[tilespmem:$0x1F780] =	vst v63  }
0x1c: {  	_ =	swait.ge [sflag:s26], $0x3E80  }
0x1d: {  	[sflag:s26] =	ssyncset.done $0x0  }
0x1e: {  	s5 =	simm.s32 $0x0;
	s24 =	simm.s32 $0x200;
	[sflag:s26] =	ssyncadd.s32 $0xFFFFC180  }
.LBB2_2:
0x1f: {  	p0 =	sne.s32 s24, $0x9E00;
	[tilespmem:s5+$0x67F0] =	vst v0  }
0x20: {  	[tilespmem:s5+$0x6780] =	vst v0  }
0x21: {  	[tilespmem:s5+$0x6790] =	vst v0  }
.Ltmp0:
0x22: {  	[tilespmem:s5+$0x67A0] =	vst v0;
	(pc) =	sbr.rel @p0 .LBB2_2-.Ltmp0, $4  }
0x23: {  	[tilespmem:s5+$0x67B0] =	vst v0  }
0x24: {  	[tilespmem:s5+$0x67C0] =	vst v0  }
0x25: {  	[tilespmem:s5+$0x67D0] =	vst v0  }
0x26: {  	[tilespmem:s5+$0x67E0] =	vst v0;
	s5 =	sshra.s32 s24, $0x2;
	s24 =	sadd.s32 $0x200, s24  }
0x27: {  	[tilespmem:s5+$0x67F0] =	vst v0  }
0x28: {  	[tilespmem:s5+$0x6780] =	vst v0  }
0x29: {  	[tilespmem:s5+$0x6790] =	vst v0  }
0x2a: {  	[tilespmem:s5+$0x67A0] =	vst v0  }
0x2b: {  	[tilespmem:s5+$0x67B0] =	vst v0  }
0x2c: {  	[tilespmem:s5+$0x67C0] =	vst v0  }
0x2d: {  	[tilespmem:s5+$0x67D0] =	vst v0  }
0x2e: {  	[tilespmem:s5+$0x67E0] =	vst v0  }
0x2f: {  	[spmem:s7] =	stream.linear.scatter [tilespmem:s29], [sflag:$0x3], $0x2800, $0x38;
	[tilespmem:$0x1F780] =	vst v63  }
0x30: {  	_ =	swait.ge [sflag:s26], $0x2800  }
0x31: {  	[sflag:s26] =	ssyncset.done $0x0  }
0x32: {  	[sflag:s26] =	ssyncadd.s32 $0xFFFFD800  }
0x33: {  	[spmem:s9] =	stream.linear.scatter [tilespmem:s29], [sflag:$0x3], $0x2800, $0x38;
	[tilespmem:$0x1F780] =	vst v63  }
0x34: {  	_ =	swait.ge [sflag:s26], $0x2800  }
0x35: {  	[sflag:s26] =	ssyncset.done $0x0  }
0x36: {  	[sflag:s26] =	ssyncadd.s32 $0xFFFFD800  }
0x37: {  	[spmem:s10] =	stream.linear.scatter [tilespmem:s29], [sflag:$0x3], $0x2800, $0x38;
	[tilespmem:$0x1F780] =	vst v63  }
0x38: {  	_ =	swait.ge [sflag:s26], $0x2800  }
0x39: {  	[sflag:s26] =	ssyncset.done $0x0  }
0x3a: {  	[sflag:s26] =	ssyncadd.s32 $0xFFFFD800  }
0x3b: {  	[spmem:s11] =	stream.linear.scatter [tilespmem:s29], [sflag:$0x3], $0x2800, $0x38;
	[tilespmem:$0x1F780] =	vst v63  }
0x3c: {  	_ =	swait.ge [sflag:s26], $0x2800  }
0x3d: {  	[sflag:s26] =	ssyncset.done $0x0  }
0x3e: {  	[sflag:s26] =	ssyncadd.s32 $0xFFFFD800  }
0x3f: {  	[spmem:s12] =	stream.linear.scatter [tilespmem:s29], [sflag:$0x3], $0x2800, $0x38;
	[tilespmem:$0x1F780] =	vst v63  }
0x40: {  	_ =	swait.ge [sflag:s26], $0x2800  }
0x41: {  	[sflag:s26] =	ssyncset.done $0x0  }
0x42: {  	[sflag:s26] =	ssyncadd.s32 $0xFFFFD800  }
0x43: {  	[spmem:s13] =	stream.linear.scatter [tilespmem:s29], [sflag:$0x3], $0x2800, $0x38;
	[tilespmem:$0x1F780] =	vst v63  }
0x44: {  	_ =	swait.ge [sflag:s26], $0x2800  }
0x45: {  	[sflag:s26] =	ssyncset.done $0x0  }
0x46: {  	[sflag:s26] =	ssyncadd.s32 $0xFFFFD800  }
0x47: {  	[spmem:s14] =	stream.linear.scatter [tilespmem:s29], [sflag:$0x3], $0x2800, $0x38;
	[tilespmem:$0x1F780] =	vst v63  }
0x48: {  	_ =	swait.ge [sflag:s26], $0x2800  }
0x49: {  	[sflag:s26] =	ssyncset.done $0x0  }
0x4a: {  	[sflag:s26] =	ssyncadd.s32 $0xFFFFD800  }
0x4b: {  	[spmem:s15] =	stream.linear.scatter [tilespmem:s29], [sflag:$0x3], $0x2800, $0x38;
	[tilespmem:$0x1F780] =	vst v63  }
0x4c: {  	_ =	swait.ge [sflag:s26], $0x2800  }
0x4d: {  	[sflag:s26] =	ssyncset.done $0x0  }
0x4e: {  	[sflag:s26] =	ssyncadd.s32 $0xFFFFD800  }
0x4f: {  	s8 =	simm.s32 $0x0;
	[bflag:$0x0] =	sbarrier.arrive $0xFFFF  }
0x50: {  	[tilespmem:s29], [sflag:$0x1] =	stream.indirect.gather [hbm4b:s1+s30], $0x80, s8, s30, $0xb8;
	[tilespmem:$0x1F780] =	vst v63  }
0x51: {  	s24 =	simm.s32 $0x50  }
0x52: {  	[tilespmem:s31], [sflag:$0x2] =	stream.indirect.gather [hbm4b:s1+s30], $0x80, s24, s30, $0xb8;
	[tilespmem:$0x1F780] =	vst v63  }
0x53: {  	_ =	swait.ge [sflag:s2], $0x2800  }
0x54: {  	[sflag:s2] =	ssyncset.done $0x0  }
0x55: {  	s6 =	simm.s32 $0x2780;
	[sflag:s2] =	ssyncadd.s32 $0xFFFFD800  }
0x56: {  	[spmem:s3] =	stream.indirect.scatter.add.f32 [tilespmem:s29], [sflag:$0x3], $0x80, s6, s30, $0xb8;
	[tilespmem:$0x1F780] =	vst v63  }
0x57: {  	_ =	swait.ge [sflag:s26], $0x2800  }
0x58: {  	[sflag:s26] =	ssyncset.done $0x0  }
0x59: {  	s8 =	simm.s32 $0xA0;
	[sflag:s26] =	ssyncadd.s32 $0xFFFFD800  }
0x5a: {  	[tilespmem:s29], [sflag:$0x1] =	stream.indirect.gather [hbm4b:s1+s30], $0x80, s8, s30, $0xb8;
	[tilespmem:$0x1F780] =	vst v63  }
0x5b: {  	_ =	swait.ge [sflag:s0], $0x2800  }
0x5c: {  	[sflag:s0] =	ssyncset.done $0x0  }
0x5d: {  	s24 =	simm.s32 $0x2800;
	[sflag:s0] =	ssyncadd.s32 $0xFFFFD800  }
0x5e: {  	[spmem:s3] =	stream.indirect.scatter.add.f32 [tilespmem:s31], [sflag:$0x3], $0x80, s24, s30, $0xb8;
	[tilespmem:$0x1F780] =	vst v63  }
0x5f: {  	s5 =	simm.s32 $0x800;
	_ =	swait.ge [sflag:s26], $0x2800  }
0x60: {  	s28 =	simm.s32 $0x140;
	s24 =	simm.s32 $0x400;
	[sflag:s26] =	ssyncset.done $0x0  }
.LBB2_4:
0x61: {  	p0 =	sne.s32 s5, $0xF400;
	s6 =	sadd.s32 $0xFFFFFFB0, s28;
	[sflag:s26] =	ssyncadd.s32 $0xFFFFD800  }
0x62: {  	[tilespmem:s31], [sflag:$0x2] =	stream.indirect.gather [hbm4b:s1+s30], $0x80, s6, s30, $0xb8;
	[tilespmem:$0x1F780] =	vst v63  }
0x63: {  	s6 =	smov.u32 s5;
	s5 =	sadd.s32 $0x400, s5;
	_ =	swait.ge [sflag:s2], $0x2800  }
0x64: {  	s8 =	sshra.s32 s24, $0x2;
	s24 =	smov.u32 s6;
	[sflag:s2] =	ssyncset.done $0x0  }
0x65: {  	s6 =	sadd.s32 $0x2780, s8;
	[sflag:s2] =	ssyncadd.s32 $0xFFFFD800  }
0x66: {  	[spmem:s3] =	stream.indirect.scatter.add.f32 [tilespmem:s29], [sflag:$0x3], $0x80, s6, s30, $0xb8;
	[tilespmem:$0x1F780] =	vst v63  }
0x67: {  	_ =	swait.ge [sflag:s26], $0x2800  }
0x68: {  	[sflag:s26] =	ssyncset.done $0x0  }
0x69: {  	[sflag:s26] =	ssyncadd.s32 $0xFFFFD800  }
0x6a: {  	[tilespmem:s29], [sflag:$0x1] =	stream.indirect.gather [hbm4b:s1+s30], $0x80, s28, s30, $0xb8;
	[tilespmem:$0x1F780] =	vst v63  }
0x6b: {  	_ =	swait.ge [sflag:s0], $0x2800  }
.Ltmp1:
0x6c: {  	[sflag:s0] =	ssyncset.done $0x0;
	(pc) =	sbr.rel @p0 .LBB2_4-.Ltmp1, $4  }
0x6d: {  	s6 =	sadd.s32 $0x2800, s8;
	[sflag:s0] =	ssyncadd.s32 $0xFFFFD800  }
0x6e: {  	[spmem:s3] =	stream.indirect.scatter.add.f32 [tilespmem:s31], [sflag:$0x3], $0x80, s6, s30, $0xb8;
	[tilespmem:$0x1F780] =	vst v63  }
0x6f: {  	_ =	swait.ge [sflag:s26], $0x2800  }
0x70: {  	s28 =	sadd.s32 $0xA0, s28;
	[sflag:s26] =	ssyncset.done $0x0  }
0x71: {  	s5 =	sadd.s32 $0xFFFFFFB0, s28;
	[sflag:s26] =	ssyncadd.s32 $0xFFFFD800  }
0x72: {  	[tilespmem:s31], [sflag:$0x2] =	stream.indirect.gather [hbm4b:s1+s30], $0x80, s5, s30, $0xb8;
	[tilespmem:$0x1F780] =	vst v63  }
0x73: {  	_ =	swait.ge [sflag:s2], $0x2800  }
0x74: {  	s8 =	sshra.s32 s24, $0x2;
	[sflag:s2] =	ssyncset.done $0x0  }
0x75: {  	s6 =	sadd.s32 $0x2780, s8;
	[sflag:s2] =	ssyncadd.s32 $0xFFFFD800  }
0x76: {  	[spmem:s3] =	stream.indirect.scatter.add.f32 [tilespmem:s29], [sflag:$0x3], $0x80, s6, s30, $0xb8;
	[tilespmem:$0x1F780] =	vst v63  }
0x77: {  	_ =	swait.ge [sflag:s26], $0x2800  }
0x78: {  	[sflag:s26] =	ssyncset.done $0x0  }
0x79: {  	[sflag:s26] =	ssyncadd.s32 $0xFFFFD800  }
0x7a: {  	[tilespmem:s29], [sflag:$0x1] =	stream.indirect.gather [hbm4b:s1+s30], $0x80, s28, s30, $0xb8;
	[tilespmem:$0x1F780] =	vst v63  }
0x7b: {  	_ =	swait.ge [sflag:s0], $0x2800  }
0x7c: {  	[sflag:s0] =	ssyncset.done $0x0  }
0x7d: {  	s5 =	sadd.s32 $0x2800, s8;
	[sflag:s0] =	ssyncadd.s32 $0xFFFFD800  }
0x7e: {  	[spmem:s3] =	stream.indirect.scatter.add.f32 [tilespmem:s31], [sflag:$0x3], $0x80, s5, s30, $0xb8;
	[tilespmem:$0x1F780] =	vst v63  }
0x7f: {  	_ =	swait.ge [sflag:s26], $0x2800  }
0x80: {  	[sflag:s26] =	ssyncset.done $0x0  }
0x81: {  	[sflag:s26] =	ssyncadd.s32 $0xFFFFD800  }
0x82: {  	_ =	swait.ge [sflag:s2], $0x2800  }
0x83: {  	[sflag:s2] =	ssyncset.done $0x0  }
0x84: {  	s24 =	simm.s32 $0x6580;
	[sflag:s2] =	ssyncadd.s32 $0xFFFFD800  }
0x85: {  	[spmem:s3] =	stream.indirect.scatter.add.f32 [tilespmem:s29], [sflag:$0x3], $0x80, s24, s30, $0xb8;
	[tilespmem:$0x1F780] =	vst v63  }
0x86: {  	_ =	swait.ge [sflag:s26], $0x2800  }
0x87: {  	[sflag:s26] =	ssyncset.done $0x0  }
0x88: {  	[sflag:s26] =	ssyncadd.s32 $0xFFFFD800  }
0x89: {  	[bflag:$0x0] =	sbarrier.arrive $0xFFFF  }
0x8a: {  	[tilespmem:s29], [sflag:$0x3] =	stream.linear.gather [spmem:s7], $0x2800, $0x38;
	[tilespmem:$0x1F780] =	vst v63  }
0x8b: {  	_ =	swait.ge [sflag:s26], $0x2800  }
0x8c: {  	[sflag:s26] =	ssyncset.done $0x0  }
0x8d: {  	[sflag:s26] =	ssyncadd.s32 $0xFFFFD800  }
0x8e: {  	[hbm4b:s16+s4] =	stream.linear.scatter [tilespmem:s29], [sflag:$0x3], $0x2800, $0x38;
	[tilespmem:$0x1F780] =	vst v63  }
0x8f: {  	_ =	swait.ge [sflag:s26], $0x2800  }
0x90: {  	[sflag:s26] =	ssyncset.done $0x0  }
0x91: {  	[sflag:s26] =	ssyncadd.s32 $0xFFFFD800  }
0x92: {  	[tilespmem:s29], [sflag:$0x3] =	stream.linear.gather [spmem:s9], $0x2800, $0x38;
	[tilespmem:$0x1F780] =	vst v63  }
0x93: {  	_ =	swait.ge [sflag:s26], $0x2800  }
0x94: {  	[sflag:s26] =	ssyncset.done $0x0  }
0x95: {  	[sflag:s26] =	ssyncadd.s32 $0xFFFFD800  }
0x96: {  	[hbm4b:s17+s4] =	stream.linear.scatter [tilespmem:s29], [sflag:$0x3], $0x2800, $0x38;
	[tilespmem:$0x1F780] =	vst v63  }
0x97: {  	_ =	swait.ge [sflag:s26], $0x2800  }
0x98: {  	[sflag:s26] =	ssyncset.done $0x0  }
0x99: {  	[sflag:s26] =	ssyncadd.s32 $0xFFFFD800  }
0x9a: {  	[tilespmem:s29], [sflag:$0x3] =	stream.linear.gather [spmem:s10], $0x2800, $0x38;
	[tilespmem:$0x1F780] =	vst v63  }
0x9b: {  	_ =	swait.ge [sflag:s26], $0x2800  }
0x9c: {  	[sflag:s26] =	ssyncset.done $0x0  }
0x9d: {  	[sflag:s26] =	ssyncadd.s32 $0xFFFFD800  }
0x9e: {  	[hbm4b:s18+s4] =	stream.linear.scatter [tilespmem:s29], [sflag:$0x3], $0x2800, $0x38;
	[tilespmem:$0x1F780] =	vst v63  }
0x9f: {  	_ =	swait.ge [sflag:s26], $0x2800  }
0xa0: {  	[sflag:s26] =	ssyncset.done $0x0  }
0xa1: {  	[sflag:s26] =	ssyncadd.s32 $0xFFFFD800  }
0xa2: {  	[tilespmem:s29], [sflag:$0x3] =	stream.linear.gather [spmem:s11], $0x2800, $0x38;
	[tilespmem:$0x1F780] =	vst v63  }
0xa3: {  	_ =	swait.ge [sflag:s26], $0x2800  }
0xa4: {  	[sflag:s26] =	ssyncset.done $0x0  }
0xa5: {  	[sflag:s26] =	ssyncadd.s32 $0xFFFFD800  }
0xa6: {  	[hbm4b:s19+s4] =	stream.linear.scatter [tilespmem:s29], [sflag:$0x3], $0x2800, $0x38;
	[tilespmem:$0x1F780] =	vst v63  }
0xa7: {  	_ =	swait.ge [sflag:s26], $0x2800  }
0xa8: {  	[sflag:s26] =	ssyncset.done $0x0  }
0xa9: {  	[sflag:s26] =	ssyncadd.s32 $0xFFFFD800  }
0xaa: {  	[tilespmem:s29], [sflag:$0x3] =	stream.linear.gather [spmem:s12], $0x2800, $0x38;
	[tilespmem:$0x1F780] =	vst v63  }
0xab: {  	_ =	swait.ge [sflag:s26], $0x2800  }
0xac: {  	[sflag:s26] =	ssyncset.done $0x0  }
0xad: {  	[sflag:s26] =	ssyncadd.s32 $0xFFFFD800  }
0xae: {  	[hbm4b:s20+s4] =	stream.linear.scatter [tilespmem:s29], [sflag:$0x3], $0x2800, $0x38;
	[tilespmem:$0x1F780] =	vst v63  }
0xaf: {  	_ =	swait.ge [sflag:s26], $0x2800  }
0xb0: {  	[sflag:s26] =	ssyncset.done $0x0  }
0xb1: {  	[sflag:s26] =	ssyncadd.s32 $0xFFFFD800  }
0xb2: {  	[tilespmem:s29], [sflag:$0x3] =	stream.linear.gather [spmem:s13], $0x2800, $0x38;
	[tilespmem:$0x1F780] =	vst v63  }
0xb3: {  	_ =	swait.ge [sflag:s26], $0x2800  }
0xb4: {  	[sflag:s26] =	ssyncset.done $0x0  }
0xb5: {  	[sflag:s26] =	ssyncadd.s32 $0xFFFFD800  }
0xb6: {  	[hbm4b:s21+s4] =	stream.linear.scatter [tilespmem:s29], [sflag:$0x3], $0x2800, $0x38;
	[tilespmem:$0x1F780] =	vst v63  }
0xb7: {  	_ =	swait.ge [sflag:s26], $0x2800  }
0xb8: {  	[sflag:s26] =	ssyncset.done $0x0  }
0xb9: {  	[sflag:s26] =	ssyncadd.s32 $0xFFFFD800  }
0xba: {  	[tilespmem:s29], [sflag:$0x3] =	stream.linear.gather [spmem:s14], $0x2800, $0x38;
	[tilespmem:$0x1F780] =	vst v63  }
0xbb: {  	_ =	swait.ge [sflag:s26], $0x2800  }
0xbc: {  	[sflag:s26] =	ssyncset.done $0x0  }
0xbd: {  	[sflag:s26] =	ssyncadd.s32 $0xFFFFD800  }
0xbe: {  	[hbm4b:s22+s4] =	stream.linear.scatter [tilespmem:s29], [sflag:$0x3], $0x2800, $0x38;
	[tilespmem:$0x1F780] =	vst v63  }
0xbf: {  	_ =	swait.ge [sflag:s26], $0x2800  }
0xc0: {  	[sflag:s26] =	ssyncset.done $0x0  }
0xc1: {  	[sflag:s26] =	ssyncadd.s32 $0xFFFFD800  }
0xc2: {  	[tilespmem:s29], [sflag:$0x3] =	stream.linear.gather [spmem:s15], $0x2800, $0x38;
	[tilespmem:$0x1F780] =	vst v63  }
0xc3: {  	_ =	swait.ge [sflag:s26], $0x2800  }
0xc4: {  	[sflag:s26] =	ssyncset.done $0x0  }
0xc5: {  	[sflag:s26] =	ssyncadd.s32 $0xFFFFD800  }
0xc6: {  	[hbm4b:s23+s4] =	stream.linear.scatter [tilespmem:s29], [sflag:$0x3], $0x2800, $0x38;
	[tilespmem:$0x1F780] =	vst v63  }
0xc7: {  	_ =	swait.ge [sflag:s26], $0x2800  }
0xc8: {  	s25 =	sadd.s32 $0x1, s25;
	s28 =	rddreg [dreg:$0x6]  }
0xc9: {  	p0 =	sne.s32 s25, s28  }
.Ltmp2:
0xca: {  	_ = 	snop;
	(pc) =	sbr.rel @p0 .LBB2_1-.Ltmp2, $3  }
0xcb: {  	_ =	sdelay $0x1  }
0xcc: {  	[sflag:s26] =	ssyncset.done $0x0  }
0xcd: {  	[sflag:s26] =	ssyncadd.s32 $0xFFFFD800  }
0xce: {  	_ =	sfence.sel $0x180000  }
0xcf: {  	[bflag:$0x0] =	sbarrier.arrive $0xFFFF  }
0xd0: {  	_ =	strace $0x90000053  }
0xd1: {  	s0 =	stileid.u32;
	[bflag:$0x2] =	sbarrier.arrive $0xFFFF  }
0xd2: {  	p0 =	sne.s32 s0, $0x0;
	s0 =	rddreg [dreg:$0x3]  }
0xd3: {  	s0 =	sadd.s32 @!p0 $0x100000, s0  }
0xd4: {  	[sflag:s0] =	ssyncadd.tile.s32 @!p0 $0x1;
	_ =	shalt  }
.Lfunc_end2:
_tile_overlayer_lowered:
.L_overlay_start_2:
0xd5: {  	(tag) =	ssettag $0x2  }
0xd6: {  	s0 =	rddreg [dreg:$0x0];
	s2 =	stileid.u32  }
0xd7: {  	s1 =	rddreg [dreg:$0x1];
	p0 =	sne.s32 s2, $0x0  }
0xd8: {  	s3 =	rddreg [dreg:$0x2];
	[bflag:$0x3] =	sbarrier.arrive $0xFFFF;
	s2 =	simm.s32 @!p0 $0x1C03  }
0xd9: {  	[timem:s3], [sflag:s2] =	dma.local @!p0 [hbm:s0], s1  }
0xda: {  	s0 =	simm.s32 @!p0 $0x3  }
0xdb: {  	_ =	swait.ge @!p0 [sflag:s0], s1  }
0xdc: {  	s1 =	ssub.s32 @!p0 $0x0, s1;
	[sflag:s0] =	ssyncset.done @!p0 $0x0  }
0xdd: {  	[sflag:s0] =	ssyncadd.s32 @!p0 s1  }
0xde: {  	[bflag:$0x3] =	sbarrier.arrive $0xFFFF  }
0xdf: {  	_ =	shalt  }

</sc_bundles>
